<compile_context>
chip_gen: v7x
topology: tpu7x:2x2x1
jax: 0.10.2.dev20260603
libtpu: 0.0.44.dev20260713+nightly
codegen_flags: <defaults>
</compile_context>

<pallas_src>
import jax
import jax.numpy as jnp
from jax import lax
from jax.experimental import pallas as pl
from jax.experimental.pallas import tpu as pltpu
from jax.experimental.pallas import tpu_sc as plsc

N_SPIKES_ = 131072
N_UNITS_ = 512
N_NEIGHB_ = 64
D_ = 32
L = 16
NC, NS = 2, 16
NW = NC * NS
SPW = N_SPIKES_ // NW
CH = 512
NCH = SPW // CH
NG = CH // L
DP = D_ + 1


def _sc_body(fT, lab_h, nb_h, cl_h, usn_h, expl_h, mu_h,
             ntop_h, q_h, nstat_h, m_h, cnt_h, elbo_h,
             mu_v, cl_v, usn_v, expl_v, nexp_v, nstat_v, m_v, cnt_v,
             fT_v, lab_v, nb_v, ntop_v, q_v, elbo_v, sem):
    del sem
    wid = lax.axis_index("s") * NC + lax.axis_index("c")

    pltpu.sync_copy(mu_h, mu_v)
    pltpu.sync_copy(cl_h, cl_v)
    pltpu.sync_copy(usn_h, usn_v)
    pltpu.sync_copy(expl_h, expl_v)

    iota16 = lax.iota(jnp.int32, L)
    one_i = jnp.ones((L,), jnp.int32)
    zero_i = jnp.zeros((L,), jnp.int32)

    def nexp_body(c, accs):
        col = jnp.full((L,), 0, jnp.int32) + c
        new = []
        for rr in range(N_NEIGHB_ // L):
            rows = iota16 + rr * L
            v = plsc.load_gather(expl_v, [rows, col])
            new.append(accs[rr] + jnp.where(v < N_UNITS_, one_i, zero_i))
        return tuple(new)
    accs = lax.fori_loop(0, N_UNITS_, nexp_body,
                         tuple(zero_i for _ in range(N_NEIGHB_ // L)))
    for rr in range(N_NEIGHB_ // L):
        nexp_v[pl.ds(rr * L, L)] = accs[rr]

    zf = jnp.zeros((L,), jnp.float32)

    def zero_m(i, carry):
        for k in range(8):
            m_v[pl.ds(i * 8 * L + k * L, L)] = zf
        return carry
    lax.fori_loop(0, (N_UNITS_ * DP) // (8 * L), zero_m, None)

    def zero_cnt(i, carry):
        for k in range(8):
            cnt_v[pl.ds(i * 8 * L + k * L, L)] = zf
        return carry
    lax.fori_loop(0, (N_UNITS_ * N_NEIGHB_) // (8 * L), zero_cnt, None)

    for i in range(N_UNITS_ // L):
        nstat_v[pl.ds(i * L, L)] = zf
    elbo_v[...] = zf

    def chunk_body(ci, elbo_c):
        base = wid * SPW + ci * CH
        pltpu.sync_copy(fT.at[:, pl.ds(base, CH)], fT_v)
        pltpu.sync_copy(lab_h.at[pl.ds(base, CH)], lab_v)
        pltpu.sync_copy(nb_h.at[pl.ds(base, CH)], nb_v)

        def group_body(g, elbo_acc):
            gb = g * L
            lab = lab_v[pl.ds(gb, L)]
            nbv = nb_v[pl.ds(gb, L)]
            iota = lax.iota(jnp.int32, L)
            sidx = base + gb + iota
            fds = [fT_v[d, pl.ds(gb, L)] for d in range(D_)]

            cands = []
            for j in range(3):
                cands.append(plsc.load_gather(
                    cl_v, [lab, jnp.full((L,), j, jnp.int32)]))
            for j in range(3):
                for k in range(2):
                    cands.append(plsc.load_gather(
                        usn_v, [cands[j], jnp.full((L,), k, jnp.int32)]))
            ne = plsc.load_gather(nexp_v, [nbv])
            ne = jnp.maximum(ne, 1)
            q0 = (sidx.astype(jnp.float32) / ne.astype(jnp.float32)
                  ).astype(jnp.int32)
            targ = sidx - q0 * ne
            targ = jnp.where(targ < 0, targ + ne, targ)
            targ = jnp.where(targ >= ne, targ - ne, targ)
            cands.append(plsc.load_gather(expl_v, [nbv, targ]))

            lls = []
            for j in range(10):
                cj = cands[j] * DP
                prods = []
                for d in range(D_):
                    md = plsc.load_gather(mu_v, [cj + d])
                    t = fds[d] - md
                    prods.append(t * t)
                while len(prods) > 1:
                    prods = [prods[i] + prods[i + 1]
                             for i in range(0, len(prods), 2)]
                lls.append(-0.5 * prods[0])

            neg_inf = jnp.full((L,), -jnp.inf, jnp.float32)
            chosen_pos, vals_sel, cand_sel = [], [], []
            for r in range(3):
                best, bp = neg_inf, jnp.zeros((L,), jnp.int32)
                bc = jnp.zeros((L,), jnp.int32)
                for j in range(10):
                    ok = lls[j] > best
                    for p in chosen_pos:
                        ok = ok & (p != j)
                    best = jnp.where(ok, lls[j], best)
                    bp = jnp.where(ok, jnp.full((L,), j, jnp.int32), bp)
                    bc = jnp.where(ok, cands[j], bc)
                chosen_pos.append(bp)
                vals_sel.append(best)
                cand_sel.append(bc)

            mx = jnp.maximum(vals_sel[0], jnp.maximum(vals_sel[1],
                                                      vals_sel[2]))
            es = [jnp.exp(v - mx) for v in vals_sel]
            ssum = (es[0] + es[1]) + es[2]
            qs = [e / ssum for e in es]

            for r in range(3):
                ntop_v[r, pl.ds(gb, L)] = cand_sel[r]
                q_v[r, pl.ds(gb, L)] = qs[r]

            contrib = (qs[0] * vals_sel[0] + qs[1] * vals_sel[1]
                       + qs[2] * vals_sel[2])

            for r in range(3):
                plsc.addupdate_scatter(nstat_v, [cand_sel[r]], qs[r])
            for r in range(3):
                c32 = cand_sel[r] * DP
                for d in range(D_):
                    plsc.addupdate_scatter(m_v, [c32 + d], qs[r] * fds[d])
            onesf = jnp.ones((L,), jnp.float32)
            for j in range(10):
                plsc.addupdate_scatter(
                    cnt_v, [cands[j] * N_NEIGHB_ + nbv], onesf)
            return elbo_acc + contrib
        elbo_c = plsc.parallel_loop(0, NG, carry=elbo_c)(group_body)

        pltpu.sync_copy(ntop_v, ntop_h.at[:, pl.ds(base, CH)])
        pltpu.sync_copy(q_v, q_h.at[:, pl.ds(base, CH)])
        return elbo_c
    elbo_fin = lax.fori_loop(0, NCH, chunk_body, jnp.zeros((L,), jnp.float32))
    elbo_v[...] = elbo_fin

    pltpu.sync_copy(nstat_v, nstat_h.at[wid])
    pltpu.sync_copy(m_v, m_h.at[wid])
    pltpu.sync_copy(cnt_v, cnt_h.at[wid])
    pltpu.sync_copy(elbo_v, elbo_h.at[wid])


def kernel(features, labels, neighborhood_ids, closest_neighbors,
           unit_search_neighbors, neighborhood_explore_units, unit_means):
    n_spikes, d = features.shape
    n_units = unit_means.shape[0]
    assert (n_spikes, d, n_units) == (N_SPIKES_, D_, N_UNITS_)

    fT = features.T
    mu_flat = jnp.pad(unit_means, ((0, 0), (0, DP - D_))).reshape(-1)

    mesh = plsc.VectorSubcoreMesh(core_axis_name="c", subcore_axis_name="s")
    f32, i32 = jnp.float32, jnp.int32
    out_type = (
        jax.ShapeDtypeStruct((3, N_SPIKES_), i32),
        jax.ShapeDtypeStruct((3, N_SPIKES_), f32),
        jax.ShapeDtypeStruct((NW, N_UNITS_), f32),
        jax.ShapeDtypeStruct((NW, N_UNITS_ * DP), f32),
        jax.ShapeDtypeStruct((NW, N_UNITS_ * N_NEIGHB_), f32),
        jax.ShapeDtypeStruct((NW, L), f32),
    )
    scratch_types = [
        pltpu.VMEM((N_UNITS_ * DP,), f32),
        pltpu.VMEM((N_UNITS_, 3), i32),
        pltpu.VMEM((N_UNITS_, 2), i32),
        pltpu.VMEM((N_NEIGHB_, N_UNITS_), i32),
        pltpu.VMEM((N_NEIGHB_,), i32),
        pltpu.VMEM((N_UNITS_,), f32),
        pltpu.VMEM((N_UNITS_ * DP,), f32),
        pltpu.VMEM((N_UNITS_ * N_NEIGHB_,), f32),
        pltpu.VMEM((D_, CH), f32),
        pltpu.VMEM((CH,), i32),
        pltpu.VMEM((CH,), i32),
        pltpu.VMEM((3, CH), i32),
        pltpu.VMEM((3, CH), f32),
        pltpu.VMEM((L,), f32),
        pltpu.SemaphoreType.DMA,
    ]
    run = pl.kernel(_sc_body, out_type=out_type, mesh=mesh,
                    scratch_types=scratch_types,
                    compiler_params=pltpu.CompilerParams(
                        use_tc_tiling_on_sc=False,
                        needs_layout_passes=False))
    ntop_t, q_t, nstat_p, m_p, cnt_p, elbo_p = run(
        fT, labels, neighborhood_ids, closest_neighbors,
        unit_search_neighbors, neighborhood_explore_units, mu_flat)

    new_top = ntop_t.T
    Q = q_t.T
    Nstat = nstat_p.sum(axis=0)
    m = m_p.sum(axis=0).reshape(N_UNITS_, DP)[:, :D_]
    counts = cnt_p.sum(axis=0).reshape(N_UNITS_, N_NEIGHB_)
    obs_elbo = elbo_p.sum()
    return new_top, Q, Nstat, m, counts, obs_elbo

# --- scband reference (transcript-rebuilt; emitter-appended) ---
"""Pipeline reference for scband-spike-truncated-mixture-model-16767552324224 (READ-ONLY COPY).

The authoritative reference and input builder live on the scoring server;
editing this copy changes nothing except your own understanding.
"""

import jax, jax.numpy as jnp
import numpy as np

N_SPIKES = 131072
N_UNITS = 512
N_NEIGHBS = 64
D = 32
C = 3          # n_candidates
NSEARCH = 2    # per-candidate search neighbors
NEXPLORE = 1   # explore slots


def setup_inputs(seed: int = 0) -> dict:
    key = jax.random.key(seed)
    ks = jax.random.split(key, 7)
    features = jax.random.normal(ks[0], (N_SPIKES, D), dtype=jnp.float32)
    labels = jax.random.randint(ks[1], (N_SPIKES,), 0, N_UNITS)
    neighborhood_ids = jax.random.randint(ks[2], (N_SPIKES,), 0, N_NEIGHBS)
    closest_neighbors = jax.random.randint(ks[3], (N_UNITS, C), 0, N_UNITS)
    unit_search_neighbors = jax.random.randint(ks[4], (N_UNITS, NSEARCH), 0, N_UNITS)
    neighborhood_explore_units = jnp.sort(
        jax.random.randint(ks[5], (N_NEIGHBS, N_UNITS), 0, N_UNITS), axis=1
    )
    unit_means = jax.random.normal(ks[6], (N_UNITS, D), dtype=jnp.float32)
    return {
        "features": features,
        "labels": labels,
        "neighborhood_ids": neighborhood_ids,
        "closest_neighbors": closest_neighbors,
        "unit_search_neighbors": unit_search_neighbors,
        "neighborhood_explore_units": neighborhood_explore_units,
        "unit_means": unit_means,
    }


def reference(features, labels, neighborhood_ids, closest_neighbors,
              unit_search_neighbors, neighborhood_explore_units, unit_means):
    n_spikes, d = features.shape
    n_units = unit_means.shape[0]

    # CandidateSet.initialize_candidates: index_select(closest_neighbors, 0, labels)
    top = jnp.take(closest_neighbors, labels, axis=0)  # (N, C)

    # propose_candidates: gather search neighbors of each top candidate
    search = jnp.take(unit_search_neighbors, top.reshape(-1), axis=0)
    search = search.reshape(n_spikes, C * NSEARCH)  # (N, C*NSEARCH)

    # searchsorted to find per-neighborhood count of valid explore units
    n_exp = jax.vmap(lambda row: jnp.searchsorted(row, n_units))(
        neighborhood_explore_units
    )  # (n_neighbs,)
    n_exp_spk = n_exp[neighborhood_ids]  # (N,)
    # deterministic stand-in for rg.integers(n_explore_counts)
    targ = jnp.arange(n_spikes) % jnp.maximum(n_exp_spk, 1)
    explore = neighborhood_explore_units[neighborhood_ids, targ][:, None]  # (N, 1)

    candidates = jnp.concatenate([top, search, explore], axis=1)  # (N, 10)

    # truncated E-step: per-candidate log-likelihoods (gather of unit means)
    cand_means = jnp.take(unit_means, candidates.reshape(-1), axis=0)
    cand_means = cand_means.reshape(n_spikes, -1, d)  # (N, 10, d)
    diff = features[:, None, :] - cand_means
    logliks = -0.5 * jnp.sum(diff * diff, axis=-1)  # (N, 10)

    # keep top-C candidates (invariant 1) and soft responsibilities
    topk_vals, topk_idx = jax.lax.top_k(logliks, C)
    new_top = jnp.take_along_axis(candidates, topk_idx, axis=1)  # (N, C)
    Q = jax.nn.softmax(topk_vals, axis=-1)  # (N, C)

    # sufficient statistics via scatter-add
    Nstat = jnp.zeros((n_units,), jnp.float32).at[new_top.reshape(-1)].add(
        Q.reshape(-1)
    )
    m = jnp.zeros((n_units, d), jnp.float32).at[new_top.reshape(-1)].add(
        (Q[..., None] * features[:, None, :]).reshape(-1, d)
    )

    # unit_neighborhood_counts: np.add.at(counts, (candidates, nb_ids[:, None]), 1)
    nb = jnp.broadcast_to(neighborhood_ids[:, None], candidates.shape)
    counts = jnp.zeros((n_units, N_NEIGHBS), jnp.float32).at[
        candidates.reshape(-1), nb.reshape(-1)
    ].add(1.0)

    obs_elbo = jnp.sum(Q * topk_vals)
    return new_top, Q, Nstat, m, counts, obs_elbo

if __name__ == "__main__":
    import jax
    _d = setup_inputs()
    print(jax.jit(kernel)(*tuple(_d.values())))

</pallas_src>

<mosaic_0001>
#map = affine_map<(d0, d1) -> (0, 0)>
#map1 = affine_map<(d0, d1) -> (0)>
module attributes {stable_mosaic.version = 14 : i64} {
  func.func @_sc_body(%arg0: i32, %arg1: i32, %arg2: memref<32x131072xf32, #tpu.memory_space<hbm>>, %arg3: memref<131072xi32, #tpu.memory_space<hbm>>, %arg4: memref<131072xi32, #tpu.memory_space<hbm>>, %arg5: memref<512x3xi32, #tpu.memory_space<hbm>>, %arg6: memref<512x2xi32, #tpu.memory_space<hbm>>, %arg7: memref<64x512xi32, #tpu.memory_space<hbm>>, %arg8: memref<16896xf32, #tpu.memory_space<hbm>>, %arg9: memref<3x131072xi32, #tpu.memory_space<hbm>>, %arg10: memref<3x131072xf32, #tpu.memory_space<hbm>>, %arg11: memref<32x512xf32, #tpu.memory_space<hbm>>, %arg12: memref<32x16896xf32, #tpu.memory_space<hbm>>, %arg13: memref<32x32768xf32, #tpu.memory_space<hbm>>, %arg14: memref<32x16xf32, #tpu.memory_space<hbm>>, %arg15: memref<16896xf32, #tpu.memory_space<vmem>>, %arg16: memref<512x3xi32, #tpu.memory_space<vmem>>, %arg17: memref<512x2xi32, #tpu.memory_space<vmem>>, %arg18: memref<64x512xi32, #tpu.memory_space<vmem>>, %arg19: memref<64xi32, #tpu.memory_space<vmem>>, %arg20: memref<512xf32, #tpu.memory_space<vmem>>, %arg21: memref<16896xf32, #tpu.memory_space<vmem>>, %arg22: memref<32768xf32, #tpu.memory_space<vmem>>, %arg23: memref<32x512xf32, #tpu.memory_space<vmem>>, %arg24: memref<512xi32, #tpu.memory_space<vmem>>, %arg25: memref<512xi32, #tpu.memory_space<vmem>>, %arg26: memref<3x512xi32, #tpu.memory_space<vmem>>, %arg27: memref<3x512xf32, #tpu.memory_space<vmem>>, %arg28: memref<16xf32, #tpu.memory_space<vmem>>, %arg29: memref<!tpu.dma_semaphore, #tpu.memory_space<semaphore_mem>>) attributes {dimension_semantics = [#tpu.dimension_semantics<core_parallel>, #tpu.dimension_semantics<subcore_parallel>], iteration_bounds = array<i64: 2, 16>, scalar_prefetch = 0 : i64, scratch_operands = 15 : i64, tpu.core_type = #tpu.core_type<sc_vector_subcore>, window_params = [{transform_indices = #map}, {transform_indices = #map1}, {transform_indices = #map1}, {transform_indices = #map}, {transform_indices = #map}, {transform_indices = #map}, {transform_indices = #map1}, {transform_indices = #map}, {transform_indices = #map}, {transform_indices = #map}, {transform_indices = #map}, {transform_indices = #map}, {transform_indices = #map}]} {
    %mul3A = arith.constant 2 : i32
    %mul3A_0 = arith.muli %arg1, %mul3A : i32
    %add3A = arith.addi %mul3A_0, %arg0 : i32
    "tpu.region"() ({
      %run_scoped3A = tpu.sem_alloc : memref<!tpu.dma_semaphore, #tpu.memory_space<semaphore_mem>>
      tpu.enqueue_dma source(%arg8 : memref<16896xf32, #tpu.memory_space<hbm>>) target(%arg15 : memref<16896xf32, #tpu.memory_space<vmem>>) target_semaphore(%run_scoped3A : memref<!tpu.dma_semaphore, #tpu.memory_space<semaphore_mem>>)
      tpu.wait_dma2 semaphore(%run_scoped3A : memref<!tpu.dma_semaphore, #tpu.memory_space<semaphore_mem>>) src(%arg8 : memref<16896xf32, #tpu.memory_space<hbm>>) dst(%arg15 : memref<16896xf32, #tpu.memory_space<vmem>>)
      tpu.yield
    }) : () -> ()
    "tpu.region"() ({
      %run_scoped3A = tpu.sem_alloc : memref<!tpu.dma_semaphore, #tpu.memory_space<semaphore_mem>>
      tpu.enqueue_dma source(%arg5 : memref<512x3xi32, #tpu.memory_space<hbm>>) target(%arg16 : memref<512x3xi32, #tpu.memory_space<vmem>>) target_semaphore(%run_scoped3A : memref<!tpu.dma_semaphore, #tpu.memory_space<semaphore_mem>>)
      tpu.wait_dma2 semaphore(%run_scoped3A : memref<!tpu.dma_semaphore, #tpu.memory_space<semaphore_mem>>) src(%arg5 : memref<512x3xi32, #tpu.memory_space<hbm>>) dst(%arg16 : memref<512x3xi32, #tpu.memory_space<vmem>>)
      tpu.yield
    }) : () -> ()
    "tpu.region"() ({
      %run_scoped3A = tpu.sem_alloc : memref<!tpu.dma_semaphore, #tpu.memory_space<semaphore_mem>>
      tpu.enqueue_dma source(%arg6 : memref<512x2xi32, #tpu.memory_space<hbm>>) target(%arg17 : memref<512x2xi32, #tpu.memory_space<vmem>>) target_semaphore(%run_scoped3A : memref<!tpu.dma_semaphore, #tpu.memory_space<semaphore_mem>>)
      tpu.wait_dma2 semaphore(%run_scoped3A : memref<!tpu.dma_semaphore, #tpu.memory_space<semaphore_mem>>) src(%arg6 : memref<512x2xi32, #tpu.memory_space<hbm>>) dst(%arg17 : memref<512x2xi32, #tpu.memory_space<vmem>>)
      tpu.yield
    }) : () -> ()
    "tpu.region"() ({
      %run_scoped3A = tpu.sem_alloc : memref<!tpu.dma_semaphore, #tpu.memory_space<semaphore_mem>>
      tpu.enqueue_dma source(%arg7 : memref<64x512xi32, #tpu.memory_space<hbm>>) target(%arg18 : memref<64x512xi32, #tpu.memory_space<vmem>>) target_semaphore(%run_scoped3A : memref<!tpu.dma_semaphore, #tpu.memory_space<semaphore_mem>>)
      tpu.wait_dma2 semaphore(%run_scoped3A : memref<!tpu.dma_semaphore, #tpu.memory_space<semaphore_mem>>) src(%arg7 : memref<64x512xi32, #tpu.memory_space<hbm>>) dst(%arg18 : memref<64x512xi32, #tpu.memory_space<vmem>>)
      tpu.yield
    }) : () -> ()
    %iota3A = tpu.iota {dimensions = array<i32: 0>} : vector<16xi32>
    %broadcast_in_dim3A = arith.constant 1 : i32
    %broadcast_in_dim3A_1 = vector.broadcast %broadcast_in_dim3A : i32 to vector<16xi32>
    %broadcast_in_dim3A_2 = arith.constant 0 : i32
    %broadcast_in_dim3A_3 = vector.broadcast %broadcast_in_dim3A_2 : i32 to vector<16xi32>
    %scan3A = arith.constant 0 : i32
    %scan3A_4 = arith.constant 512 : i32
    %scan3A_5 = arith.addi %scan3A, %scan3A_4 : i32
    %scan3A_6 = arith.constant 1 : i32
    %scan3A_7:4 = scf.for %scan3A_104 = %scan3A to %scan3A_5 step %scan3A_6 iter_args(%scan3A_105 = %broadcast_in_dim3A_3, %scan3A_106 = %broadcast_in_dim3A_3, %scan3A_107 = %broadcast_in_dim3A_3, %scan3A_108 = %broadcast_in_dim3A_3) -> (vector<16xi32>, vector<16xi32>, vector<16xi32>, vector<16xi32>)  : i32 {
      %broadcast_in_dim3A_109 = arith.constant 0 : i32
      %broadcast_in_dim3A_110 = vector.broadcast %broadcast_in_dim3A_109 : i32 to vector<16xi32>
      %add3A_111 = vector.broadcast %scan3A_104 : i32 to vector<16xi32>
      %add3A_112 = arith.addi %broadcast_in_dim3A_110, %add3A_111 : vector<16xi32>
      %add3A_113 = arith.constant 0 : i32
      %add3A_114 = vector.broadcast %add3A_113 : i32 to vector<16xi32>
      %add3A_115 = arith.addi %iota3A, %add3A_114 : vector<16xi32>
      %gather3A = tpu.vector_load_idx %arg18[%add3A_115, %add3A_112] : memref<64x512xi32, #tpu.memory_space<vmem>>[vector<16xi32>, vector<16xi32>], vector<16xi32>,
      %lt3A = arith.constant 512 : i32
      %lt3A_116 = vector.broadcast %lt3A : i32 to vector<16xi32>
      %lt3A_117 = arith.cmpi slt, %gather3A, %lt3A_116 : vector<16xi32>
      %select_n3A = arith.select %lt3A_117, %broadcast_in_dim3A_1, %broadcast_in_dim3A_3 : vector<16xi1>, vector<16xi32>
      %add3A_118 = arith.addi %scan3A_105, %select_n3A : vector<16xi32>
      %add3A_119 = arith.constant 16 : i32
      %add3A_120 = vector.broadcast %add3A_119 : i32 to vector<16xi32>
      %add3A_121 = arith.addi %iota3A, %add3A_120 : vector<16xi32>
      %gather3A_122 = tpu.vector_load_idx %arg18[%add3A_121, %add3A_112] : memref<64x512xi32, #tpu.memory_space<vmem>>[vector<16xi32>, vector<16xi32>], vector<16xi32>,
      %lt3A_123 = arith.constant 512 : i32
      %lt3A_124 = vector.broadcast %lt3A_123 : i32 to vector<16xi32>
      %lt3A_125 = arith.cmpi slt, %gather3A_122, %lt3A_124 : vector<16xi32>
      %select_n3A_126 = arith.select %lt3A_125, %broadcast_in_dim3A_1, %broadcast_in_dim3A_3 : vector<16xi1>, vector<16xi32>
      %add3A_127 = arith.addi %scan3A_106, %select_n3A_126 : vector<16xi32>
      %add3A_128 = arith.constant 32 : i32
      %add3A_129 = vector.broadcast %add3A_128 : i32 to vector<16xi32>
      %add3A_130 = arith.addi %iota3A, %add3A_129 : vector<16xi32>
      %gather3A_131 = tpu.vector_load_idx %arg18[%add3A_130, %add3A_112] : memref<64x512xi32, #tpu.memory_space<vmem>>[vector<16xi32>, vector<16xi32>], vector<16xi32>,
      %lt3A_132 = arith.constant 512 : i32
      %lt3A_133 = vector.broadcast %lt3A_132 : i32 to vector<16xi32>
      %lt3A_134 = arith.cmpi slt, %gather3A_131, %lt3A_133 : vector<16xi32>
      %select_n3A_135 = arith.select %lt3A_134, %broadcast_in_dim3A_1, %broadcast_in_dim3A_3 : vector<16xi1>, vector<16xi32>
      %add3A_136 = arith.addi %scan3A_107, %select_n3A_135 : vector<16xi32>
      %add3A_137 = arith.constant 48 : i32
      %add3A_138 = vector.broadcast %add3A_137 : i32 to vector<16xi32>
      %add3A_139 = arith.addi %iota3A, %add3A_138 : vector<16xi32>
      %gather3A_140 = tpu.vector_load_idx %arg18[%add3A_139, %add3A_112] : memref<64x512xi32, #tpu.memory_space<vmem>>[vector<16xi32>, vector<16xi32>], vector<16xi32>,
      %lt3A_141 = arith.constant 512 : i32
      %lt3A_142 = vector.broadcast %lt3A_141 : i32 to vector<16xi32>
      %lt3A_143 = arith.cmpi slt, %gather3A_140, %lt3A_142 : vector<16xi32>
      %select_n3A_144 = arith.select %lt3A_143, %broadcast_in_dim3A_1, %broadcast_in_dim3A_3 : vector<16xi1>, vector<16xi32>
      %add3A_145 = arith.addi %scan3A_108, %select_n3A_144 : vector<16xi32>
      scf.yield %add3A_118, %add3A_127, %add3A_136, %add3A_145 : vector<16xi32>, vector<16xi32>, vector<16xi32>, vector<16xi32>
    }
    %scan3A_8 = arith.constant 512 : i32
    %swap3A = arith.constant 0 : index
    %swap3A_9 = tpu.vector_load %arg19[%swap3A] {strides = array<i32>} : memref<64xi32, #tpu.memory_space<vmem>>, vector<16xi32>,
    tpu.vector_store %arg19[%swap3A], %scan3A_7#0 {strides = array<i32>} : memref<64xi32, #tpu.memory_space<vmem>>, vector<16xi32>,
    %swap3A_10 = arith.constant 16 : index
    %swap3A_11 = tpu.vector_load %arg19[%swap3A_10] {strides = array<i32>} : memref<64xi32, #tpu.memory_space<vmem>>, vector<16xi32>,
    tpu.vector_store %arg19[%swap3A_10], %scan3A_7#1 {strides = array<i32>} : memref<64xi32, #tpu.memory_space<vmem>>, vector<16xi32>,
    %swap3A_12 = arith.constant 32 : index
    %swap3A_13 = tpu.vector_load %arg19[%swap3A_12] {strides = array<i32>} : memref<64xi32, #tpu.memory_space<vmem>>, vector<16xi32>,
    tpu.vector_store %arg19[%swap3A_12], %scan3A_7#2 {strides = array<i32>} : memref<64xi32, #tpu.memory_space<vmem>>, vector<16xi32>,
    %swap3A_14 = arith.constant 48 : index
    %swap3A_15 = tpu.vector_load %arg19[%swap3A_14] {strides = array<i32>} : memref<64xi32, #tpu.memory_space<vmem>>, vector<16xi32>,
    tpu.vector_store %arg19[%swap3A_14], %scan3A_7#3 {strides = array<i32>} : memref<64xi32, #tpu.memory_space<vmem>>, vector<16xi32>,
    %broadcast_in_dim3A_16 = arith.constant 0.000000e+00 : f32
    %broadcast_in_dim3A_17 = vector.broadcast %broadcast_in_dim3A_16 : f32 to vector<16xf32>
    %scan3A_18 = arith.constant 0 : i32
    %scan3A_19 = arith.constant 132 : i32
    %scan3A_20 = arith.addi %scan3A_18, %scan3A_19 : i32
    %scan3A_21 = arith.constant 1 : i32
    scf.for %scan3A_104 = %scan3A_18 to %scan3A_20 step %scan3A_21  : i32 {
      %mul3A_105 = arith.constant 8 : i32
      %mul3A_106 = arith.muli %scan3A_104, %mul3A_105 : i32
      %mul3A_107 = arith.constant 16 : i32
      %mul3A_108 = arith.muli %mul3A_106, %mul3A_107 : i32
      %add3A_109 = arith.constant 0 : i32
      %add3A_110 = arith.addi %mul3A_108, %add3A_109 : i32
      %swap3A_111 = arith.index_cast %add3A_110 : i32 to index
      %swap3A_112 = tpu.vector_load %arg21[%swap3A_111] {strides = array<i32>} : memref<16896xf32, #tpu.memory_space<vmem>>, vector<16xf32>,
      tpu.vector_store %arg21[%swap3A_111], %broadcast_in_dim3A_17 {strides = array<i32>} : memref<16896xf32, #tpu.memory_space<vmem>>, vector<16xf32>,
      %mul3A_113 = arith.constant 8 : i32
      %mul3A_114 = arith.muli %scan3A_104, %mul3A_113 : i32
      %mul3A_115 = arith.constant 16 : i32
      %mul3A_116 = arith.muli %mul3A_114, %mul3A_115 : i32
      %add3A_117 = arith.constant 16 : i32
      %add3A_118 = arith.addi %mul3A_116, %add3A_117 : i32
      %swap3A_119 = arith.index_cast %add3A_118 : i32 to index
      %swap3A_120 = tpu.vector_load %arg21[%swap3A_119] {strides = array<i32>} : memref<16896xf32, #tpu.memory_space<vmem>>, vector<16xf32>,
      tpu.vector_store %arg21[%swap3A_119], %broadcast_in_dim3A_17 {strides = array<i32>} : memref<16896xf32, #tpu.memory_space<vmem>>, vector<16xf32>,
      %mul3A_121 = arith.constant 8 : i32
      %mul3A_122 = arith.muli %scan3A_104, %mul3A_121 : i32
      %mul3A_123 = arith.constant 16 : i32
      %mul3A_124 = arith.muli %mul3A_122, %mul3A_123 : i32
      %add3A_125 = arith.constant 32 : i32
      %add3A_126 = arith.addi %mul3A_124, %add3A_125 : i32
      %swap3A_127 = arith.index_cast %add3A_126 : i32 to index
      %swap3A_128 = tpu.vector_load %arg21[%swap3A_127] {strides = array<i32>} : memref<16896xf32, #tpu.memory_space<vmem>>, vector<16xf32>,
      tpu.vector_store %arg21[%swap3A_127], %broadcast_in_dim3A_17 {strides = array<i32>} : memref<16896xf32, #tpu.memory_space<vmem>>, vector<16xf32>,
      %mul3A_129 = arith.constant 8 : i32
      %mul3A_130 = arith.muli %scan3A_104, %mul3A_129 : i32
      %mul3A_131 = arith.constant 16 : i32
      %mul3A_132 = arith.muli %mul3A_130, %mul3A_131 : i32
      %add3A_133 = arith.constant 48 : i32
      %add3A_134 = arith.addi %mul3A_132, %add3A_133 : i32
      %swap3A_135 = arith.index_cast %add3A_134 : i32 to index
      %swap3A_136 = tpu.vector_load %arg21[%swap3A_135] {strides = array<i32>} : memref<16896xf32, #tpu.memory_space<vmem>>, vector<16xf32>,
      tpu.vector_store %arg21[%swap3A_135], %broadcast_in_dim3A_17 {strides = array<i32>} : memref<16896xf32, #tpu.memory_space<vmem>>, vector<16xf32>,
      %mul3A_137 = arith.constant 8 : i32
      %mul3A_138 = arith.muli %scan3A_104, %mul3A_137 : i32
      %mul3A_139 = arith.constant 16 : i32
      %mul3A_140 = arith.muli %mul3A_138, %mul3A_139 : i32
      %add3A_141 = arith.constant 64 : i32
      %add3A_142 = arith.addi %mul3A_140, %add3A_141 : i32
      %swap3A_143 = arith.index_cast %add3A_142 : i32 to index
      %swap3A_144 = tpu.vector_load %arg21[%swap3A_143] {strides = array<i32>} : memref<16896xf32, #tpu.memory_space<vmem>>, vector<16xf32>,
      tpu.vector_store %arg21[%swap3A_143], %broadcast_in_dim3A_17 {strides = array<i32>} : memref<16896xf32, #tpu.memory_space<vmem>>, vector<16xf32>,
      %mul3A_145 = arith.constant 8 : i32
      %mul3A_146 = arith.muli %scan3A_104, %mul3A_145 : i32
      %mul3A_147 = arith.constant 16 : i32
      %mul3A_148 = arith.muli %mul3A_146, %mul3A_147 : i32
      %add3A_149 = arith.constant 80 : i32
      %add3A_150 = arith.addi %mul3A_148, %add3A_149 : i32
      %swap3A_151 = arith.index_cast %add3A_150 : i32 to index
      %swap3A_152 = tpu.vector_load %arg21[%swap3A_151] {strides = array<i32>} : memref<16896xf32, #tpu.memory_space<vmem>>, vector<16xf32>,
      tpu.vector_store %arg21[%swap3A_151], %broadcast_in_dim3A_17 {strides = array<i32>} : memref<16896xf32, #tpu.memory_space<vmem>>, vector<16xf32>,
      %mul3A_153 = arith.constant 8 : i32
      %mul3A_154 = arith.muli %scan3A_104, %mul3A_153 : i32
      %mul3A_155 = arith.constant 16 : i32
      %mul3A_156 = arith.muli %mul3A_154, %mul3A_155 : i32
      %add3A_157 = arith.constant 96 : i32
      %add3A_158 = arith.addi %mul3A_156, %add3A_157 : i32
      %swap3A_159 = arith.index_cast %add3A_158 : i32 to index
      %swap3A_160 = tpu.vector_load %arg21[%swap3A_159] {strides = array<i32>} : memref<16896xf32, #tpu.memory_space<vmem>>, vector<16xf32>,
      tpu.vector_store %arg21[%swap3A_159], %broadcast_in_dim3A_17 {strides = array<i32>} : memref<16896xf32, #tpu.memory_space<vmem>>, vector<16xf32>,
      %mul3A_161 = arith.constant 8 : i32
      %mul3A_162 = arith.muli %scan3A_104, %mul3A_161 : i32
      %mul3A_163 = arith.constant 16 : i32
      %mul3A_164 = arith.muli %mul3A_162, %mul3A_163 : i32
      %add3A_165 = arith.constant 112 : i32
      %add3A_166 = arith.addi %mul3A_164, %add3A_165 : i32
      %swap3A_167 = arith.index_cast %add3A_166 : i32 to index
      %swap3A_168 = tpu.vector_load %arg21[%swap3A_167] {strides = array<i32>} : memref<16896xf32, #tpu.memory_space<vmem>>, vector<16xf32>,
      tpu.vector_store %arg21[%swap3A_167], %broadcast_in_dim3A_17 {strides = array<i32>} : memref<16896xf32, #tpu.memory_space<vmem>>, vector<16xf32>,
    }
    %scan3A_22 = arith.constant 132 : i32
    %scan3A_23 = arith.constant 0 : i32
    %scan3A_24 = arith.constant 256 : i32
    %scan3A_25 = arith.addi %scan3A_23, %scan3A_24 : i32
    %scan3A_26 = arith.constant 1 : i32
    scf.for %scan3A_104 = %scan3A_23 to %scan3A_25 step %scan3A_26  : i32 {
      %mul3A_105 = arith.constant 8 : i32
      %mul3A_106 = arith.muli %scan3A_104, %mul3A_105 : i32
      %mul3A_107 = arith.constant 16 : i32
      %mul3A_108 = arith.muli %mul3A_106, %mul3A_107 : i32
      %add3A_109 = arith.constant 0 : i32
      %add3A_110 = arith.addi %mul3A_108, %add3A_109 : i32
      %swap3A_111 = arith.index_cast %add3A_110 : i32 to index
      %swap3A_112 = tpu.vector_load %arg22[%swap3A_111] {strides = array<i32>} : memref<32768xf32, #tpu.memory_space<vmem>>, vector<16xf32>,
      tpu.vector_store %arg22[%swap3A_111], %broadcast_in_dim3A_17 {strides = array<i32>} : memref<32768xf32, #tpu.memory_space<vmem>>, vector<16xf32>,
      %mul3A_113 = arith.constant 8 : i32
      %mul3A_114 = arith.muli %scan3A_104, %mul3A_113 : i32
      %mul3A_115 = arith.constant 16 : i32
      %mul3A_116 = arith.muli %mul3A_114, %mul3A_115 : i32
      %add3A_117 = arith.constant 16 : i32
      %add3A_118 = arith.addi %mul3A_116, %add3A_117 : i32
      %swap3A_119 = arith.index_cast %add3A_118 : i32 to index
      %swap3A_120 = tpu.vector_load %arg22[%swap3A_119] {strides = array<i32>} : memref<32768xf32, #tpu.memory_space<vmem>>, vector<16xf32>,
      tpu.vector_store %arg22[%swap3A_119], %broadcast_in_dim3A_17 {strides = array<i32>} : memref<32768xf32, #tpu.memory_space<vmem>>, vector<16xf32>,
      %mul3A_121 = arith.constant 8 : i32
      %mul3A_122 = arith.muli %scan3A_104, %mul3A_121 : i32
      %mul3A_123 = arith.constant 16 : i32
      %mul3A_124 = arith.muli %mul3A_122, %mul3A_123 : i32
      %add3A_125 = arith.constant 32 : i32
      %add3A_126 = arith.addi %mul3A_124, %add3A_125 : i32
      %swap3A_127 = arith.index_cast %add3A_126 : i32 to index
      %swap3A_128 = tpu.vector_load %arg22[%swap3A_127] {strides = array<i32>} : memref<32768xf32, #tpu.memory_space<vmem>>, vector<16xf32>,
      tpu.vector_store %arg22[%swap3A_127], %broadcast_in_dim3A_17 {strides = array<i32>} : memref<32768xf32, #tpu.memory_space<vmem>>, vector<16xf32>,
      %mul3A_129 = arith.constant 8 : i32
      %mul3A_130 = arith.muli %scan3A_104, %mul3A_129 : i32
      %mul3A_131 = arith.constant 16 : i32
      %mul3A_132 = arith.muli %mul3A_130, %mul3A_131 : i32
      %add3A_133 = arith.constant 48 : i32
      %add3A_134 = arith.addi %mul3A_132, %add3A_133 : i32
      %swap3A_135 = arith.index_cast %add3A_134 : i32 to index
      %swap3A_136 = tpu.vector_load %arg22[%swap3A_135] {strides = array<i32>} : memref<32768xf32, #tpu.memory_space<vmem>>, vector<16xf32>,
      tpu.vector_store %arg22[%swap3A_135], %broadcast_in_dim3A_17 {strides = array<i32>} : memref<32768xf32, #tpu.memory_space<vmem>>, vector<16xf32>,
      %mul3A_137 = arith.constant 8 : i32
      %mul3A_138 = arith.muli %scan3A_104, %mul3A_137 : i32
      %mul3A_139 = arith.constant 16 : i32
      %mul3A_140 = arith.muli %mul3A_138, %mul3A_139 : i32
      %add3A_141 = arith.constant 64 : i32
      %add3A_142 = arith.addi %mul3A_140, %add3A_141 : i32
      %swap3A_143 = arith.index_cast %add3A_142 : i32 to index
      %swap3A_144 = tpu.vector_load %arg22[%swap3A_143] {strides = array<i32>} : memref<32768xf32, #tpu.memory_space<vmem>>, vector<16xf32>,
      tpu.vector_store %arg22[%swap3A_143], %broadcast_in_dim3A_17 {strides = array<i32>} : memref<32768xf32, #tpu.memory_space<vmem>>, vector<16xf32>,
      %mul3A_145 = arith.constant 8 : i32
      %mul3A_146 = arith.muli %scan3A_104, %mul3A_145 : i32
      %mul3A_147 = arith.constant 16 : i32
      %mul3A_148 = arith.muli %mul3A_146, %mul3A_147 : i32
      %add3A_149 = arith.constant 80 : i32
      %add3A_150 = arith.addi %mul3A_148, %add3A_149 : i32
      %swap3A_151 = arith.index_cast %add3A_150 : i32 to index
      %swap3A_152 = tpu.vector_load %arg22[%swap3A_151] {strides = array<i32>} : memref<32768xf32, #tpu.memory_space<vmem>>, vector<16xf32>,
      tpu.vector_store %arg22[%swap3A_151], %broadcast_in_dim3A_17 {strides = array<i32>} : memref<32768xf32, #tpu.memory_space<vmem>>, vector<16xf32>,
      %mul3A_153 = arith.constant 8 : i32
      %mul3A_154 = arith.muli %scan3A_104, %mul3A_153 : i32
      %mul3A_155 = arith.constant 16 : i32
      %mul3A_156 = arith.muli %mul3A_154, %mul3A_155 : i32
      %add3A_157 = arith.constant 96 : i32
      %add3A_158 = arith.addi %mul3A_156, %add3A_157 : i32
      %swap3A_159 = arith.index_cast %add3A_158 : i32 to index
      %swap3A_160 = tpu.vector_load %arg22[%swap3A_159] {strides = array<i32>} : memref<32768xf32, #tpu.memory_space<vmem>>, vector<16xf32>,
      tpu.vector_store %arg22[%swap3A_159], %broadcast_in_dim3A_17 {strides = array<i32>} : memref<32768xf32, #tpu.memory_space<vmem>>, vector<16xf32>,
      %mul3A_161 = arith.constant 8 : i32
      %mul3A_162 = arith.muli %scan3A_104, %mul3A_161 : i32
      %mul3A_163 = arith.constant 16 : i32
      %mul3A_164 = arith.muli %mul3A_162, %mul3A_163 : i32
      %add3A_165 = arith.constant 112 : i32
      %add3A_166 = arith.addi %mul3A_164, %add3A_165 : i32
      %swap3A_167 = arith.index_cast %add3A_166 : i32 to index
      %swap3A_168 = tpu.vector_load %arg22[%swap3A_167] {strides = array<i32>} : memref<32768xf32, #tpu.memory_space<vmem>>, vector<16xf32>,
      tpu.vector_store %arg22[%swap3A_167], %broadcast_in_dim3A_17 {strides = array<i32>} : memref<32768xf32, #tpu.memory_space<vmem>>, vector<16xf32>,
    }
    %scan3A_27 = arith.constant 256 : i32
    %swap3A_28 = arith.constant 0 : index
    %swap3A_29 = tpu.vector_load %arg20[%swap3A_28] {strides = array<i32>} : memref<512xf32, #tpu.memory_space<vmem>>, vector<16xf32>,
    tpu.vector_store %arg20[%swap3A_28], %broadcast_in_dim3A_17 {strides = array<i32>} : memref<512xf32, #tpu.memory_space<vmem>>, vector<16xf32>,
    %swap3A_30 = arith.constant 16 : index
    %swap3A_31 = tpu.vector_load %arg20[%swap3A_30] {strides = array<i32>} : memref<512xf32, #tpu.memory_space<vmem>>, vector<16xf32>,
    tpu.vector_store %arg20[%swap3A_30], %broadcast_in_dim3A_17 {strides = array<i32>} : memref<512xf32, #tpu.memory_space<vmem>>, vector<16xf32>,
    %swap3A_32 = arith.constant 32 : index
    %swap3A_33 = tpu.vector_load %arg20[%swap3A_32] {strides = array<i32>} : memref<512xf32, #tpu.memory_space<vmem>>, vector<16xf32>,
    tpu.vector_store %arg20[%swap3A_32], %broadcast_in_dim3A_17 {strides = array<i32>} : memref<512xf32, #tpu.memory_space<vmem>>, vector<16xf32>,
    %swap3A_34 = arith.constant 48 : index
    %swap3A_35 = tpu.vector_load %arg20[%swap3A_34] {strides = array<i32>} : memref<512xf32, #tpu.memory_space<vmem>>, vector<16xf32>,
    tpu.vector_store %arg20[%swap3A_34], %broadcast_in_dim3A_17 {strides = array<i32>} : memref<512xf32, #tpu.memory_space<vmem>>, vector<16xf32>,
    %swap3A_36 = arith.constant 64 : index
    %swap3A_37 = tpu.vector_load %arg20[%swap3A_36] {strides = array<i32>} : memref<512xf32, #tpu.memory_space<vmem>>, vector<16xf32>,
    tpu.vector_store %arg20[%swap3A_36], %broadcast_in_dim3A_17 {strides = array<i32>} : memref<512xf32, #tpu.memory_space<vmem>>, vector<16xf32>,
    %swap3A_38 = arith.constant 80 : index
    %swap3A_39 = tpu.vector_load %arg20[%swap3A_38] {strides = array<i32>} : memref<512xf32, #tpu.memory_space<vmem>>, vector<16xf32>,
    tpu.vector_store %arg20[%swap3A_38], %broadcast_in_dim3A_17 {strides = array<i32>} : memref<512xf32, #tpu.memory_space<vmem>>, vector<16xf32>,
    %swap3A_40 = arith.constant 96 : index
    %swap3A_41 = tpu.vector_load %arg20[%swap3A_40] {strides = array<i32>} : memref<512xf32, #tpu.memory_space<vmem>>, vector<16xf32>,
    tpu.vector_store %arg20[%swap3A_40], %broadcast_in_dim3A_17 {strides = array<i32>} : memref<512xf32, #tpu.memory_space<vmem>>, vector<16xf32>,
    %swap3A_42 = arith.constant 112 : index
    %swap3A_43 = tpu.vector_load %arg20[%swap3A_42] {strides = array<i32>} : memref<512xf32, #tpu.memory_space<vmem>>, vector<16xf32>,
    tpu.vector_store %arg20[%swap3A_42], %broadcast_in_dim3A_17 {strides = array<i32>} : memref<512xf32, #tpu.memory_space<vmem>>, vector<16xf32>,
    %swap3A_44 = arith.constant 128 : index
    %swap3A_45 = tpu.vector_load %arg20[%swap3A_44] {strides = array<i32>} : memref<512xf32, #tpu.memory_space<vmem>>, vector<16xf32>,
    tpu.vector_store %arg20[%swap3A_44], %broadcast_in_dim3A_17 {strides = array<i32>} : memref<512xf32, #tpu.memory_space<vmem>>, vector<16xf32>,
    %swap3A_46 = arith.constant 144 : index
    %swap3A_47 = tpu.vector_load %arg20[%swap3A_46] {strides = array<i32>} : memref<512xf32, #tpu.memory_space<vmem>>, vector<16xf32>,
    tpu.vector_store %arg20[%swap3A_46], %broadcast_in_dim3A_17 {strides = array<i32>} : memref<512xf32, #tpu.memory_space<vmem>>, vector<16xf32>,
    %swap3A_48 = arith.constant 160 : index
    %swap3A_49 = tpu.vector_load %arg20[%swap3A_48] {strides = array<i32>} : memref<512xf32, #tpu.memory_space<vmem>>, vector<16xf32>,
    tpu.vector_store %arg20[%swap3A_48], %broadcast_in_dim3A_17 {strides = array<i32>} : memref<512xf32, #tpu.memory_space<vmem>>, vector<16xf32>,
    %swap3A_50 = arith.constant 176 : index
    %swap3A_51 = tpu.vector_load %arg20[%swap3A_50] {strides = array<i32>} : memref<512xf32, #tpu.memory_space<vmem>>, vector<16xf32>,
    tpu.vector_store %arg20[%swap3A_50], %broadcast_in_dim3A_17 {strides = array<i32>} : memref<512xf32, #tpu.memory_space<vmem>>, vector<16xf32>,
    %swap3A_52 = arith.constant 192 : index
    %swap3A_53 = tpu.vector_load %arg20[%swap3A_52] {strides = array<i32>} : memref<512xf32, #tpu.memory_space<vmem>>, vector<16xf32>,
    tpu.vector_store %arg20[%swap3A_52], %broadcast_in_dim3A_17 {strides = array<i32>} : memref<512xf32, #tpu.memory_space<vmem>>, vector<16xf32>,
    %swap3A_54 = arith.constant 208 : index
    %swap3A_55 = tpu.vector_load %arg20[%swap3A_54] {strides = array<i32>} : memref<512xf32, #tpu.memory_space<vmem>>, vector<16xf32>,
    tpu.vector_store %arg20[%swap3A_54], %broadcast_in_dim3A_17 {strides = array<i32>} : memref<512xf32, #tpu.memory_space<vmem>>, vector<16xf32>,
    %swap3A_56 = arith.constant 224 : index
    %swap3A_57 = tpu.vector_load %arg20[%swap3A_56] {strides = array<i32>} : memref<512xf32, #tpu.memory_space<vmem>>, vector<16xf32>,
    tpu.vector_store %arg20[%swap3A_56], %broadcast_in_dim3A_17 {strides = array<i32>} : memref<512xf32, #tpu.memory_space<vmem>>, vector<16xf32>,
    %swap3A_58 = arith.constant 240 : index
    %swap3A_59 = tpu.vector_load %arg20[%swap3A_58] {strides = array<i32>} : memref<512xf32, #tpu.memory_space<vmem>>, vector<16xf32>,
    tpu.vector_store %arg20[%swap3A_58], %broadcast_in_dim3A_17 {strides = array<i32>} : memref<512xf32, #tpu.memory_space<vmem>>, vector<16xf32>,
    %swap3A_60 = arith.constant 256 : index
    %swap3A_61 = tpu.vector_load %arg20[%swap3A_60] {strides = array<i32>} : memref<512xf32, #tpu.memory_space<vmem>>, vector<16xf32>,
    tpu.vector_store %arg20[%swap3A_60], %broadcast_in_dim3A_17 {strides = array<i32>} : memref<512xf32, #tpu.memory_space<vmem>>, vector<16xf32>,
    %swap3A_62 = arith.constant 272 : index
    %swap3A_63 = tpu.vector_load %arg20[%swap3A_62] {strides = array<i32>} : memref<512xf32, #tpu.memory_space<vmem>>, vector<16xf32>,
    tpu.vector_store %arg20[%swap3A_62], %broadcast_in_dim3A_17 {strides = array<i32>} : memref<512xf32, #tpu.memory_space<vmem>>, vector<16xf32>,
    %swap3A_64 = arith.constant 288 : index
    %swap3A_65 = tpu.vector_load %arg20[%swap3A_64] {strides = array<i32>} : memref<512xf32, #tpu.memory_space<vmem>>, vector<16xf32>,
    tpu.vector_store %arg20[%swap3A_64], %broadcast_in_dim3A_17 {strides = array<i32>} : memref<512xf32, #tpu.memory_space<vmem>>, vector<16xf32>,
    %swap3A_66 = arith.constant 304 : index
    %swap3A_67 = tpu.vector_load %arg20[%swap3A_66] {strides = array<i32>} : memref<512xf32, #tpu.memory_space<vmem>>, vector<16xf32>,
    tpu.vector_store %arg20[%swap3A_66], %broadcast_in_dim3A_17 {strides = array<i32>} : memref<512xf32, #tpu.memory_space<vmem>>, vector<16xf32>,
    %swap3A_68 = arith.constant 320 : index
    %swap3A_69 = tpu.vector_load %arg20[%swap3A_68] {strides = array<i32>} : memref<512xf32, #tpu.memory_space<vmem>>, vector<16xf32>,
    tpu.vector_store %arg20[%swap3A_68], %broadcast_in_dim3A_17 {strides = array<i32>} : memref<512xf32, #tpu.memory_space<vmem>>, vector<16xf32>,
    %swap3A_70 = arith.constant 336 : index
    %swap3A_71 = tpu.vector_load %arg20[%swap3A_70] {strides = array<i32>} : memref<512xf32, #tpu.memory_space<vmem>>, vector<16xf32>,
    tpu.vector_store %arg20[%swap3A_70], %broadcast_in_dim3A_17 {strides = array<i32>} : memref<512xf32, #tpu.memory_space<vmem>>, vector<16xf32>,
    %swap3A_72 = arith.constant 352 : index
    %swap3A_73 = tpu.vector_load %arg20[%swap3A_72] {strides = array<i32>} : memref<512xf32, #tpu.memory_space<vmem>>, vector<16xf32>,
    tpu.vector_store %arg20[%swap3A_72], %broadcast_in_dim3A_17 {strides = array<i32>} : memref<512xf32, #tpu.memory_space<vmem>>, vector<16xf32>,
    %swap3A_74 = arith.constant 368 : index
    %swap3A_75 = tpu.vector_load %arg20[%swap3A_74] {strides = array<i32>} : memref<512xf32, #tpu.memory_space<vmem>>, vector<16xf32>,
    tpu.vector_store %arg20[%swap3A_74], %broadcast_in_dim3A_17 {strides = array<i32>} : memref<512xf32, #tpu.memory_space<vmem>>, vector<16xf32>,
    %swap3A_76 = arith.constant 384 : index
    %swap3A_77 = tpu.vector_load %arg20[%swap3A_76] {strides = array<i32>} : memref<512xf32, #tpu.memory_space<vmem>>, vector<16xf32>,
    tpu.vector_store %arg20[%swap3A_76], %broadcast_in_dim3A_17 {strides = array<i32>} : memref<512xf32, #tpu.memory_space<vmem>>, vector<16xf32>,
    %swap3A_78 = arith.constant 400 : index
    %swap3A_79 = tpu.vector_load %arg20[%swap3A_78] {strides = array<i32>} : memref<512xf32, #tpu.memory_space<vmem>>, vector<16xf32>,
    tpu.vector_store %arg20[%swap3A_78], %broadcast_in_dim3A_17 {strides = array<i32>} : memref<512xf32, #tpu.memory_space<vmem>>, vector<16xf32>,
    %swap3A_80 = arith.constant 416 : index
    %swap3A_81 = tpu.vector_load %arg20[%swap3A_80] {strides = array<i32>} : memref<512xf32, #tpu.memory_space<vmem>>, vector<16xf32>,
    tpu.vector_store %arg20[%swap3A_80], %broadcast_in_dim3A_17 {strides = array<i32>} : memref<512xf32, #tpu.memory_space<vmem>>, vector<16xf32>,
    %swap3A_82 = arith.constant 432 : index
    %swap3A_83 = tpu.vector_load %arg20[%swap3A_82] {strides = array<i32>} : memref<512xf32, #tpu.memory_space<vmem>>, vector<16xf32>,
    tpu.vector_store %arg20[%swap3A_82], %broadcast_in_dim3A_17 {strides = array<i32>} : memref<512xf32, #tpu.memory_space<vmem>>, vector<16xf32>,
    %swap3A_84 = arith.constant 448 : index
    %swap3A_85 = tpu.vector_load %arg20[%swap3A_84] {strides = array<i32>} : memref<512xf32, #tpu.memory_space<vmem>>, vector<16xf32>,
    tpu.vector_store %arg20[%swap3A_84], %broadcast_in_dim3A_17 {strides = array<i32>} : memref<512xf32, #tpu.memory_space<vmem>>, vector<16xf32>,
    %swap3A_86 = arith.constant 464 : index
    %swap3A_87 = tpu.vector_load %arg20[%swap3A_86] {strides = array<i32>} : memref<512xf32, #tpu.memory_space<vmem>>, vector<16xf32>,
    tpu.vector_store %arg20[%swap3A_86], %broadcast_in_dim3A_17 {strides = array<i32>} : memref<512xf32, #tpu.memory_space<vmem>>, vector<16xf32>,
    %swap3A_88 = arith.constant 480 : index
    %swap3A_89 = tpu.vector_load %arg20[%swap3A_88] {strides = array<i32>} : memref<512xf32, #tpu.memory_space<vmem>>, vector<16xf32>,
    tpu.vector_store %arg20[%swap3A_88], %broadcast_in_dim3A_17 {strides = array<i32>} : memref<512xf32, #tpu.memory_space<vmem>>, vector<16xf32>,
    %swap3A_90 = arith.constant 496 : index
    %swap3A_91 = tpu.vector_load %arg20[%swap3A_90] {strides = array<i32>} : memref<512xf32, #tpu.memory_space<vmem>>, vector<16xf32>,
    tpu.vector_store %arg20[%swap3A_90], %broadcast_in_dim3A_17 {strides = array<i32>} : memref<512xf32, #tpu.memory_space<vmem>>, vector<16xf32>,
    %swap3A_92 = arith.constant 0 : index
    %swap3A_93 = tpu.vector_load %arg28[%swap3A_92] {strides = array<i32>} : memref<16xf32, #tpu.memory_space<vmem>>, vector<16xf32>,
    tpu.vector_store %arg28[%swap3A_92], %broadcast_in_dim3A_17 {strides = array<i32>} : memref<16xf32, #tpu.memory_space<vmem>>, vector<16xf32>,
    %broadcast_in_dim3A_94 = arith.constant 0.000000e+00 : f32
    %broadcast_in_dim3A_95 = vector.broadcast %broadcast_in_dim3A_94 : f32 to vector<16xf32>
    %scan3A_96 = arith.constant 0 : i32
    %scan3A_97 = arith.constant 8 : i32
    %scan3A_98 = arith.addi %scan3A_96, %scan3A_97 : i32
    %scan3A_99 = arith.constant 1 : i32
    %scan3A_100 = scf.for %scan3A_104 = %scan3A_96 to %scan3A_98 step %scan3A_99 iter_args(%scan3A_105 = %broadcast_in_dim3A_95) -> (vector<16xf32>)  : i32 {
      %mul3A_106 = arith.constant 4096 : i32
      %mul3A_107 = arith.muli %add3A, %mul3A_106 : i32
      %mul3A_108 = arith.constant 512 : i32
      %mul3A_109 = arith.muli %scan3A_104, %mul3A_108 : i32
      %add3A_110 = arith.addi %mul3A_107, %mul3A_109 : i32
      "tpu.region"() ({
        %run_scoped3A = tpu.sem_alloc : memref<!tpu.dma_semaphore, #tpu.memory_space<semaphore_mem>>
        %dma_start3A = arith.constant 0 : i32
        %dma_start3A_114 = tpu.memref_slice %arg2[%dma_start3A, %add3A_110] : memref<32x131072xf32, #tpu.memory_space<hbm>> -> memref<32x512xf32, #tpu.memory_space<hbm>>
        %dma_start3A_115 = arith.constant 0 : i32
        %dma_start3A_116 = tpu.memref_slice %arg2[%dma_start3A_115, %add3A_110] : memref<32x131072xf32, #tpu.memory_space<hbm>> -> memref<32x512xf32, #tpu.memory_space<hbm>>
        tpu.enqueue_dma source(%dma_start3A_116 : memref<32x512xf32, #tpu.memory_space<hbm>>) target(%arg23 : memref<32x512xf32, #tpu.memory_space<vmem>>) target_semaphore(%run_scoped3A : memref<!tpu.dma_semaphore, #tpu.memory_space<semaphore_mem>>)
        %dma_wait3A = arith.constant 0 : i32
        %dma_wait3A_117 = tpu.memref_slice %arg2[%dma_wait3A, %add3A_110] : memref<32x131072xf32, #tpu.memory_space<hbm>> -> memref<32x512xf32, #tpu.memory_space<hbm>>
        %dma_wait3A_118 = arith.constant 0 : i32
        %dma_wait3A_119 = tpu.memref_slice %arg2[%dma_wait3A_118, %add3A_110] : memref<32x131072xf32, #tpu.memory_space<hbm>> -> memref<32x512xf32, #tpu.memory_space<hbm>>
        tpu.wait_dma2 semaphore(%run_scoped3A : memref<!tpu.dma_semaphore, #tpu.memory_space<semaphore_mem>>) src(%dma_wait3A_119 : memref<32x512xf32, #tpu.memory_space<hbm>>) dst(%arg23 : memref<32x512xf32, #tpu.memory_space<vmem>>)
        tpu.yield
      }) : () -> ()
      "tpu.region"() ({
        %run_scoped3A = tpu.sem_alloc : memref<!tpu.dma_semaphore, #tpu.memory_space<semaphore_mem>>
        %dma_start3A = tpu.memref_slice %arg3[%add3A_110] : memref<131072xi32, #tpu.memory_space<hbm>> -> memref<512xi32, #tpu.memory_space<hbm>>
        %dma_start3A_114 = tpu.memref_slice %arg3[%add3A_110] : memref<131072xi32, #tpu.memory_space<hbm>> -> memref<512xi32, #tpu.memory_space<hbm>>
        tpu.enqueue_dma source(%dma_start3A_114 : memref<512xi32, #tpu.memory_space<hbm>>) target(%arg24 : memref<512xi32, #tpu.memory_space<vmem>>) target_semaphore(%run_scoped3A : memref<!tpu.dma_semaphore, #tpu.memory_space<semaphore_mem>>)
        %dma_wait3A = tpu.memref_slice %arg3[%add3A_110] : memref<131072xi32, #tpu.memory_space<hbm>> -> memref<512xi32, #tpu.memory_space<hbm>>
        %dma_wait3A_115 = tpu.memref_slice %arg3[%add3A_110] : memref<131072xi32, #tpu.memory_space<hbm>> -> memref<512xi32, #tpu.memory_space<hbm>>
        tpu.wait_dma2 semaphore(%run_scoped3A : memref<!tpu.dma_semaphore, #tpu.memory_space<semaphore_mem>>) src(%dma_wait3A_115 : memref<512xi32, #tpu.memory_space<hbm>>) dst(%arg24 : memref<512xi32, #tpu.memory_space<vmem>>)
        tpu.yield
      }) : () -> ()
      "tpu.region"() ({
        %run_scoped3A = tpu.sem_alloc : memref<!tpu.dma_semaphore, #tpu.memory_space<semaphore_mem>>
        %dma_start3A = tpu.memref_slice %arg4[%add3A_110] : memref<131072xi32, #tpu.memory_space<hbm>> -> memref<512xi32, #tpu.memory_space<hbm>>
        %dma_start3A_114 = tpu.memref_slice %arg4[%add3A_110] : memref<131072xi32, #tpu.memory_space<hbm>> -> memref<512xi32, #tpu.memory_space<hbm>>
        tpu.enqueue_dma source(%dma_start3A_114 : memref<512xi32, #tpu.memory_space<hbm>>) target(%arg25 : memref<512xi32, #tpu.memory_space<vmem>>) target_semaphore(%run_scoped3A : memref<!tpu.dma_semaphore, #tpu.memory_space<semaphore_mem>>)
        %dma_wait3A = tpu.memref_slice %arg4[%add3A_110] : memref<131072xi32, #tpu.memory_space<hbm>> -> memref<512xi32, #tpu.memory_space<hbm>>
        %dma_wait3A_115 = tpu.memref_slice %arg4[%add3A_110] : memref<131072xi32, #tpu.memory_space<hbm>> -> memref<512xi32, #tpu.memory_space<hbm>>
        tpu.wait_dma2 semaphore(%run_scoped3A : memref<!tpu.dma_semaphore, #tpu.memory_space<semaphore_mem>>) src(%dma_wait3A_115 : memref<512xi32, #tpu.memory_space<hbm>>) dst(%arg25 : memref<512xi32, #tpu.memory_space<vmem>>)
        tpu.yield
      }) : () -> ()
      %parallel_loop3A = arith.constant 0 : i32
      %parallel_loop3A_111 = arith.constant 32 : i32
      %parallel_loop3A_112 = arith.constant 1 : i32
      %parallel_loop3A_113 = scf.for %parallel_loop3A_114 = %parallel_loop3A to %parallel_loop3A_111 step %parallel_loop3A_112 iter_args(%parallel_loop3A_115 = %scan3A_105) -> (vector<16xf32>)  : i32 {
        %parallel_loop3A_116 = arith.constant 16 : i32
        %parallel_loop3A_117 = arith.muli %parallel_loop3A_114, %parallel_loop3A_116 : i32
        %parallel_loop3A_118 = arith.index_cast %parallel_loop3A_117 : i32 to index
        %parallel_loop3A_119 = tpu.vector_load %arg24[%parallel_loop3A_118] {strides = array<i32>} : memref<512xi32, #tpu.memory_space<vmem>>, vector<16xi32>,
        %parallel_loop3A_120 = arith.index_cast %parallel_loop3A_117 : i32 to index
        %parallel_loop3A_121 = tpu.vector_load %arg25[%parallel_loop3A_120] {strides = array<i32>} : memref<512xi32, #tpu.memory_space<vmem>>, vector<16xi32>,
        %parallel_loop3A_122 = tpu.iota {dimensions = array<i32: 0>} : vector<16xi32>
        %parallel_loop3A_123 = arith.addi %add3A_110, %parallel_loop3A_117 : i32
        %parallel_loop3A_124 = vector.broadcast %parallel_loop3A_123 : i32 to vector<16xi32>
        %parallel_loop3A_125 = arith.addi %parallel_loop3A_124, %parallel_loop3A_122 : vector<16xi32>
        %parallel_loop3A_126 = arith.constant 0 : i32
        %parallel_loop3A_127 = arith.index_cast %parallel_loop3A_126 : i32 to index
        %parallel_loop3A_128 = arith.index_cast %parallel_loop3A_117 : i32 to index
        %parallel_loop3A_129 = tpu.vector_load %arg23[%parallel_loop3A_127, %parallel_loop3A_128] {strides = array<i32>} : memref<32x512xf32, #tpu.memory_space<vmem>>, vector<16xf32>,
        %parallel_loop3A_130 = arith.constant 1 : i32
        %parallel_loop3A_131 = arith.index_cast %parallel_loop3A_130 : i32 to index
        %parallel_loop3A_132 = arith.index_cast %parallel_loop3A_117 : i32 to index
        %parallel_loop3A_133 = tpu.vector_load %arg23[%parallel_loop3A_131, %parallel_loop3A_132] {strides = array<i32>} : memref<32x512xf32, #tpu.memory_space<vmem>>, vector<16xf32>,
        %parallel_loop3A_134 = arith.constant 2 : i32
        %parallel_loop3A_135 = arith.index_cast %parallel_loop3A_134 : i32 to index
        %parallel_loop3A_136 = arith.index_cast %parallel_loop3A_117 : i32 to index
        %parallel_loop3A_137 = tpu.vector_load %arg23[%parallel_loop3A_135, %parallel_loop3A_136] {strides = array<i32>} : memref<32x512xf32, #tpu.memory_space<vmem>>, vector<16xf32>,
        %parallel_loop3A_138 = arith.constant 3 : i32
        %parallel_loop3A_139 = arith.index_cast %parallel_loop3A_138 : i32 to index
        %parallel_loop3A_140 = arith.index_cast %parallel_loop3A_117 : i32 to index
        %parallel_loop3A_141 = tpu.vector_load %arg23[%parallel_loop3A_139, %parallel_loop3A_140] {strides = array<i32>} : memref<32x512xf32, #tpu.memory_space<vmem>>, vector<16xf32>,
        %parallel_loop3A_142 = arith.constant 4 : i32
        %parallel_loop3A_143 = arith.index_cast %parallel_loop3A_142 : i32 to index
        %parallel_loop3A_144 = arith.index_cast %parallel_loop3A_117 : i32 to index
        %parallel_loop3A_145 = tpu.vector_load %arg23[%parallel_loop3A_143, %parallel_loop3A_144] {strides = array<i32>} : memref<32x512xf32, #tpu.memory_space<vmem>>, vector<16xf32>,
        %parallel_loop3A_146 = arith.constant 5 : i32
        %parallel_loop3A_147 = arith.index_cast %parallel_loop3A_146 : i32 to index
        %parallel_loop3A_148 = arith.index_cast %parallel_loop3A_117 : i32 to index
        %parallel_loop3A_149 = tpu.vector_load %arg23[%parallel_loop3A_147, %parallel_loop3A_148] {strides = array<i32>} : memref<32x512xf32, #tpu.memory_space<vmem>>, vector<16xf32>,
        %parallel_loop3A_150 = arith.constant 6 : i32
        %parallel_loop3A_151 = arith.index_cast %parallel_loop3A_150 : i32 to index
        %parallel_loop3A_152 = arith.index_cast %parallel_loop3A_117 : i32 to index
        %parallel_loop3A_153 = tpu.vector_load %arg23[%parallel_loop3A_151, %parallel_loop3A_152] {strides = array<i32>} : memref<32x512xf32, #tpu.memory_space<vmem>>, vector<16xf32>,
        %parallel_loop3A_154 = arith.constant 7 : i32
        %parallel_loop3A_155 = arith.index_cast %parallel_loop3A_154 : i32 to index
        %parallel_loop3A_156 = arith.index_cast %parallel_loop3A_117 : i32 to index
        %parallel_loop3A_157 = tpu.vector_load %arg23[%parallel_loop3A_155, %parallel_loop3A_156] {strides = array<i32>} : memref<32x512xf32, #tpu.memory_space<vmem>>, vector<16xf32>,
        %parallel_loop3A_158 = arith.constant 8 : i32
        %parallel_loop3A_159 = arith.index_cast %parallel_loop3A_158 : i32 to index
        %parallel_loop3A_160 = arith.index_cast %parallel_loop3A_117 : i32 to index
        %parallel_loop3A_161 = tpu.vector_load %arg23[%parallel_loop3A_159, %parallel_loop3A_160] {strides = array<i32>} : memref<32x512xf32, #tpu.memory_space<vmem>>, vector<16xf32>,
        %parallel_loop3A_162 = arith.constant 9 : i32
        %parallel_loop3A_163 = arith.index_cast %parallel_loop3A_162 : i32 to index
        %parallel_loop3A_164 = arith.index_cast %parallel_loop3A_117 : i32 to index
        %parallel_loop3A_165 = tpu.vector_load %arg23[%parallel_loop3A_163, %parallel_loop3A_164] {strides = array<i32>} : memref<32x512xf32, #tpu.memory_space<vmem>>, vector<16xf32>,
        %parallel_loop3A_166 = arith.constant 10 : i32
        %parallel_loop3A_167 = arith.index_cast %parallel_loop3A_166 : i32 to index
        %parallel_loop3A_168 = arith.index_cast %parallel_loop3A_117 : i32 to index
        %parallel_loop3A_169 = tpu.vector_load %arg23[%parallel_loop3A_167, %parallel_loop3A_168] {strides = array<i32>} : memref<32x512xf32, #tpu.memory_space<vmem>>, vector<16xf32>,
        %parallel_loop3A_170 = arith.constant 11 : i32
        %parallel_loop3A_171 = arith.index_cast %parallel_loop3A_170 : i32 to index
        %parallel_loop3A_172 = arith.index_cast %parallel_loop3A_117 : i32 to index
        %parallel_loop3A_173 = tpu.vector_load %arg23[%parallel_loop3A_171, %parallel_loop3A_172] {strides = array<i32>} : memref<32x512xf32, #tpu.memory_space<vmem>>, vector<16xf32>,
        %parallel_loop3A_174 = arith.constant 12 : i32
        %parallel_loop3A_175 = arith.index_cast %parallel_loop3A_174 : i32 to index
        %parallel_loop3A_176 = arith.index_cast %parallel_loop3A_117 : i32 to index
        %parallel_loop3A_177 = tpu.vector_load %arg23[%parallel_loop3A_175, %parallel_loop3A_176] {strides = array<i32>} : memref<32x512xf32, #tpu.memory_space<vmem>>, vector<16xf32>,
        %parallel_loop3A_178 = arith.constant 13 : i32
        %parallel_loop3A_179 = arith.index_cast %parallel_loop3A_178 : i32 to index
        %parallel_loop3A_180 = arith.index_cast %parallel_loop3A_117 : i32 to index
        %parallel_loop3A_181 = tpu.vector_load %arg23[%parallel_loop3A_179, %parallel_loop3A_180] {strides = array<i32>} : memref<32x512xf32, #tpu.memory_space<vmem>>, vector<16xf32>,
        %parallel_loop3A_182 = arith.constant 14 : i32
        %parallel_loop3A_183 = arith.index_cast %parallel_loop3A_182 : i32 to index
        %parallel_loop3A_184 = arith.index_cast %parallel_loop3A_117 : i32 to index
        %parallel_loop3A_185 = tpu.vector_load %arg23[%parallel_loop3A_183, %parallel_loop3A_184] {strides = array<i32>} : memref<32x512xf32, #tpu.memory_space<vmem>>, vector<16xf32>,
        %parallel_loop3A_186 = arith.constant 15 : i32
        %parallel_loop3A_187 = arith.index_cast %parallel_loop3A_186 : i32 to index
        %parallel_loop3A_188 = arith.index_cast %parallel_loop3A_117 : i32 to index
        %parallel_loop3A_189 = tpu.vector_load %arg23[%parallel_loop3A_187, %parallel_loop3A_188] {strides = array<i32>} : memref<32x512xf32, #tpu.memory_space<vmem>>, vector<16xf32>,
        %parallel_loop3A_190 = arith.constant 16 : i32
        %parallel_loop3A_191 = arith.index_cast %parallel_loop3A_190 : i32 to index
        %parallel_loop3A_192 = arith.index_cast %parallel_loop3A_117 : i32 to index
        %parallel_loop3A_193 = tpu.vector_load %arg23[%parallel_loop3A_191, %parallel_loop3A_192] {strides = array<i32>} : memref<32x512xf32, #tpu.memory_space<vmem>>, vector<16xf32>,
        %parallel_loop3A_194 = arith.constant 17 : i32
        %parallel_loop3A_195 = arith.index_cast %parallel_loop3A_194 : i32 to index
        %parallel_loop3A_196 = arith.index_cast %parallel_loop3A_117 : i32 to index
        %parallel_loop3A_197 = tpu.vector_load %arg23[%parallel_loop3A_195, %parallel_loop3A_196] {strides = array<i32>} : memref<32x512xf32, #tpu.memory_space<vmem>>, vector<16xf32>,
        %parallel_loop3A_198 = arith.constant 18 : i32
        %parallel_loop3A_199 = arith.index_cast %parallel_loop3A_198 : i32 to index
        %parallel_loop3A_200 = arith.index_cast %parallel_loop3A_117 : i32 to index
        %parallel_loop3A_201 = tpu.vector_load %arg23[%parallel_loop3A_199, %parallel_loop3A_200] {strides = array<i32>} : memref<32x512xf32, #tpu.memory_space<vmem>>, vector<16xf32>,
        %parallel_loop3A_202 = arith.constant 19 : i32
        %parallel_loop3A_203 = arith.index_cast %parallel_loop3A_202 : i32 to index
        %parallel_loop3A_204 = arith.index_cast %parallel_loop3A_117 : i32 to index
        %parallel_loop3A_205 = tpu.vector_load %arg23[%parallel_loop3A_203, %parallel_loop3A_204] {strides = array<i32>} : memref<32x512xf32, #tpu.memory_space<vmem>>, vector<16xf32>,
        %parallel_loop3A_206 = arith.constant 20 : i32
        %parallel_loop3A_207 = arith.index_cast %parallel_loop3A_206 : i32 to index
        %parallel_loop3A_208 = arith.index_cast %parallel_loop3A_117 : i32 to index
        %parallel_loop3A_209 = tpu.vector_load %arg23[%parallel_loop3A_207, %parallel_loop3A_208] {strides = array<i32>} : memref<32x512xf32, #tpu.memory_space<vmem>>, vector<16xf32>,
        %parallel_loop3A_210 = arith.constant 21 : i32
        %parallel_loop3A_211 = arith.index_cast %parallel_loop3A_210 : i32 to index
        %parallel_loop3A_212 = arith.index_cast %parallel_loop3A_117 : i32 to index
        %parallel_loop3A_213 = tpu.vector_load %arg23[%parallel_loop3A_211, %parallel_loop3A_212] {strides = array<i32>} : memref<32x512xf32, #tpu.memory_space<vmem>>, vector<16xf32>,
        %parallel_loop3A_214 = arith.constant 22 : i32
        %parallel_loop3A_215 = arith.index_cast %parallel_loop3A_214 : i32 to index
        %parallel_loop3A_216 = arith.index_cast %parallel_loop3A_117 : i32 to index
        %parallel_loop3A_217 = tpu.vector_load %arg23[%parallel_loop3A_215, %parallel_loop3A_216] {strides = array<i32>} : memref<32x512xf32, #tpu.memory_space<vmem>>, vector<16xf32>,
        %parallel_loop3A_218 = arith.constant 23 : i32
        %parallel_loop3A_219 = arith.index_cast %parallel_loop3A_218 : i32 to index
        %parallel_loop3A_220 = arith.index_cast %parallel_loop3A_117 : i32 to index
        %parallel_loop3A_221 = tpu.vector_load %arg23[%parallel_loop3A_219, %parallel_loop3A_220] {strides = array<i32>} : memref<32x512xf32, #tpu.memory_space<vmem>>, vector<16xf32>,
        %parallel_loop3A_222 = arith.constant 24 : i32
        %parallel_loop3A_223 = arith.index_cast %parallel_loop3A_222 : i32 to index
        %parallel_loop3A_224 = arith.index_cast %parallel_loop3A_117 : i32 to index
        %parallel_loop3A_225 = tpu.vector_load %arg23[%parallel_loop3A_223, %parallel_loop3A_224] {strides = array<i32>} : memref<32x512xf32, #tpu.memory_space<vmem>>, vector<16xf32>,
        %parallel_loop3A_226 = arith.constant 25 : i32
        %parallel_loop3A_227 = arith.index_cast %parallel_loop3A_226 : i32 to index
        %parallel_loop3A_228 = arith.index_cast %parallel_loop3A_117 : i32 to index
        %parallel_loop3A_229 = tpu.vector_load %arg23[%parallel_loop3A_227, %parallel_loop3A_228] {strides = array<i32>} : memref<32x512xf32, #tpu.memory_space<vmem>>, vector<16xf32>,
        %parallel_loop3A_230 = arith.constant 26 : i32
        %parallel_loop3A_231 = arith.index_cast %parallel_loop3A_230 : i32 to index
        %parallel_loop3A_232 = arith.index_cast %parallel_loop3A_117 : i32 to index
        %parallel_loop3A_233 = tpu.vector_load %arg23[%parallel_loop3A_231, %parallel_loop3A_232] {strides = array<i32>} : memref<32x512xf32, #tpu.memory_space<vmem>>, vector<16xf32>,
        %parallel_loop3A_234 = arith.constant 27 : i32
        %parallel_loop3A_235 = arith.index_cast %parallel_loop3A_234 : i32 to index
        %parallel_loop3A_236 = arith.index_cast %parallel_loop3A_117 : i32 to index
        %parallel_loop3A_237 = tpu.vector_load %arg23[%parallel_loop3A_235, %parallel_loop3A_236] {strides = array<i32>} : memref<32x512xf32, #tpu.memory_space<vmem>>, vector<16xf32>,
        %parallel_loop3A_238 = arith.constant 28 : i32
        %parallel_loop3A_239 = arith.index_cast %parallel_loop3A_238 : i32 to index
        %parallel_loop3A_240 = arith.index_cast %parallel_loop3A_117 : i32 to index
        %parallel_loop3A_241 = tpu.vector_load %arg23[%parallel_loop3A_239, %parallel_loop3A_240] {strides = array<i32>} : memref<32x512xf32, #tpu.memory_space<vmem>>, vector<16xf32>,
        %parallel_loop3A_242 = arith.constant 29 : i32
        %parallel_loop3A_243 = arith.index_cast %parallel_loop3A_242 : i32 to index
        %parallel_loop3A_244 = arith.index_cast %parallel_loop3A_117 : i32 to index
        %parallel_loop3A_245 = tpu.vector_load %arg23[%parallel_loop3A_243, %parallel_loop3A_244] {strides = array<i32>} : memref<32x512xf32, #tpu.memory_space<vmem>>, vector<16xf32>,
        %parallel_loop3A_246 = arith.constant 30 : i32
        %parallel_loop3A_247 = arith.index_cast %parallel_loop3A_246 : i32 to index
        %parallel_loop3A_248 = arith.index_cast %parallel_loop3A_117 : i32 to index
        %parallel_loop3A_249 = tpu.vector_load %arg23[%parallel_loop3A_247, %parallel_loop3A_248] {strides = array<i32>} : memref<32x512xf32, #tpu.memory_space<vmem>>, vector<16xf32>,
        %parallel_loop3A_250 = arith.constant 31 : i32
        %parallel_loop3A_251 = arith.index_cast %parallel_loop3A_250 : i32 to index
        %parallel_loop3A_252 = arith.index_cast %parallel_loop3A_117 : i32 to index
        %parallel_loop3A_253 = tpu.vector_load %arg23[%parallel_loop3A_251, %parallel_loop3A_252] {strides = array<i32>} : memref<32x512xf32, #tpu.memory_space<vmem>>, vector<16xf32>,
        %parallel_loop3A_254 = arith.constant 0 : i32
        %parallel_loop3A_255 = vector.broadcast %parallel_loop3A_254 : i32 to vector<16xi32>
        %parallel_loop3A_256 = tpu.vector_load_idx %arg16[%parallel_loop3A_119, %parallel_loop3A_255] : memref<512x3xi32, #tpu.memory_space<vmem>>[vector<16xi32>, vector<16xi32>], vector<16xi32>,
        %parallel_loop3A_257 = arith.constant 1 : i32
        %parallel_loop3A_258 = vector.broadcast %parallel_loop3A_257 : i32 to vector<16xi32>
        %parallel_loop3A_259 = tpu.vector_load_idx %arg16[%parallel_loop3A_119, %parallel_loop3A_258] : memref<512x3xi32, #tpu.memory_space<vmem>>[vector<16xi32>, vector<16xi32>], vector<16xi32>,
        %parallel_loop3A_260 = arith.constant 2 : i32
        %parallel_loop3A_261 = vector.broadcast %parallel_loop3A_260 : i32 to vector<16xi32>
        %parallel_loop3A_262 = tpu.vector_load_idx %arg16[%parallel_loop3A_119, %parallel_loop3A_261] : memref<512x3xi32, #tpu.memory_space<vmem>>[vector<16xi32>, vector<16xi32>], vector<16xi32>,
        %parallel_loop3A_263 = arith.constant 0 : i32
        %parallel_loop3A_264 = vector.broadcast %parallel_loop3A_263 : i32 to vector<16xi32>
        %parallel_loop3A_265 = tpu.vector_load_idx %arg17[%parallel_loop3A_256, %parallel_loop3A_264] : memref<512x2xi32, #tpu.memory_space<vmem>>[vector<16xi32>, vector<16xi32>], vector<16xi32>,
        %parallel_loop3A_266 = arith.constant 1 : i32
        %parallel_loop3A_267 = vector.broadcast %parallel_loop3A_266 : i32 to vector<16xi32>
        %parallel_loop3A_268 = tpu.vector_load_idx %arg17[%parallel_loop3A_256, %parallel_loop3A_267] : memref<512x2xi32, #tpu.memory_space<vmem>>[vector<16xi32>, vector<16xi32>], vector<16xi32>,
        %parallel_loop3A_269 = arith.constant 0 : i32
        %parallel_loop3A_270 = vector.broadcast %parallel_loop3A_269 : i32 to vector<16xi32>
        %parallel_loop3A_271 = tpu.vector_load_idx %arg17[%parallel_loop3A_259, %parallel_loop3A_270] : memref<512x2xi32, #tpu.memory_space<vmem>>[vector<16xi32>, vector<16xi32>], vector<16xi32>,
        %parallel_loop3A_272 = arith.constant 1 : i32
        %parallel_loop3A_273 = vector.broadcast %parallel_loop3A_272 : i32 to vector<16xi32>
        %parallel_loop3A_274 = tpu.vector_load_idx %arg17[%parallel_loop3A_259, %parallel_loop3A_273] : memref<512x2xi32, #tpu.memory_space<vmem>>[vector<16xi32>, vector<16xi32>], vector<16xi32>,
        %parallel_loop3A_275 = arith.constant 0 : i32
        %parallel_loop3A_276 = vector.broadcast %parallel_loop3A_275 : i32 to vector<16xi32>
        %parallel_loop3A_277 = tpu.vector_load_idx %arg17[%parallel_loop3A_262, %parallel_loop3A_276] : memref<512x2xi32, #tpu.memory_space<vmem>>[vector<16xi32>, vector<16xi32>], vector<16xi32>,
        %parallel_loop3A_278 = arith.constant 1 : i32
        %parallel_loop3A_279 = vector.broadcast %parallel_loop3A_278 : i32 to vector<16xi32>
        %parallel_loop3A_280 = tpu.vector_load_idx %arg17[%parallel_loop3A_262, %parallel_loop3A_279] : memref<512x2xi32, #tpu.memory_space<vmem>>[vector<16xi32>, vector<16xi32>], vector<16xi32>,
        %parallel_loop3A_281 = tpu.vector_load_idx %arg19[%parallel_loop3A_121] : memref<64xi32, #tpu.memory_space<vmem>>[vector<16xi32>], vector<16xi32>,
        %parallel_loop3A_282 = arith.constant 1 : i32
        %parallel_loop3A_283 = vector.broadcast %parallel_loop3A_282 : i32 to vector<16xi32>
        %parallel_loop3A_284 = arith.maxsi %parallel_loop3A_281, %parallel_loop3A_283 : vector<16xi32>
        %parallel_loop3A_285 = arith.sitofp %parallel_loop3A_125 : vector<16xi32> to vector<16xf32>
        %parallel_loop3A_286 = arith.sitofp %parallel_loop3A_284 : vector<16xi32> to vector<16xf32>
        %parallel_loop3A_287 = arith.divf %parallel_loop3A_285, %parallel_loop3A_286 : vector<16xf32>
        %parallel_loop3A_288 = arith.fptosi %parallel_loop3A_287 : vector<16xf32> to vector<16xi32>
        %parallel_loop3A_289 = arith.muli %parallel_loop3A_288, %parallel_loop3A_284 : vector<16xi32>
        %parallel_loop3A_290 = arith.subi %parallel_loop3A_125, %parallel_loop3A_289 : vector<16xi32>
        %parallel_loop3A_291 = arith.constant 0 : i32
        %parallel_loop3A_292 = vector.broadcast %parallel_loop3A_291 : i32 to vector<16xi32>
        %parallel_loop3A_293 = arith.cmpi slt, %parallel_loop3A_290, %parallel_loop3A_292 : vector<16xi32>
        %parallel_loop3A_294 = arith.addi %parallel_loop3A_290, %parallel_loop3A_284 : vector<16xi32>
        %parallel_loop3A_295 = arith.select %parallel_loop3A_293, %parallel_loop3A_294, %parallel_loop3A_290 : vector<16xi1>, vector<16xi32>
        %parallel_loop3A_296 = arith.cmpi sge, %parallel_loop3A_295, %parallel_loop3A_284 : vector<16xi32>
        %parallel_loop3A_297 = arith.subi %parallel_loop3A_295, %parallel_loop3A_284 : vector<16xi32>
        %parallel_loop3A_298 = arith.select %parallel_loop3A_296, %parallel_loop3A_297, %parallel_loop3A_295 : vector<16xi1>, vector<16xi32>
        %parallel_loop3A_299 = tpu.vector_load_idx %arg18[%parallel_loop3A_121, %parallel_loop3A_298] : memref<64x512xi32, #tpu.memory_space<vmem>>[vector<16xi32>, vector<16xi32>], vector<16xi32>,
        %parallel_loop3A_300 = arith.constant 33 : i32
        %parallel_loop3A_301 = vector.broadcast %parallel_loop3A_300 : i32 to vector<16xi32>
        %parallel_loop3A_302 = arith.muli %parallel_loop3A_256, %parallel_loop3A_301 : vector<16xi32>
        %parallel_loop3A_303 = arith.constant 0 : i32
        %parallel_loop3A_304 = vector.broadcast %parallel_loop3A_303 : i32 to vector<16xi32>
        %parallel_loop3A_305 = arith.addi %parallel_loop3A_302, %parallel_loop3A_304 : vector<16xi32>
        %parallel_loop3A_306 = tpu.vector_load_idx %arg15[%parallel_loop3A_305] : memref<16896xf32, #tpu.memory_space<vmem>>[vector<16xi32>], vector<16xf32>,
        %parallel_loop3A_307 = arith.subf %parallel_loop3A_129, %parallel_loop3A_306 : vector<16xf32>
        %parallel_loop3A_308 = arith.mulf %parallel_loop3A_307, %parallel_loop3A_307 : vector<16xf32>
        %parallel_loop3A_309 = arith.constant 1 : i32
        %parallel_loop3A_310 = vector.broadcast %parallel_loop3A_309 : i32 to vector<16xi32>
        %parallel_loop3A_311 = arith.addi %parallel_loop3A_302, %parallel_loop3A_310 : vector<16xi32>
        %parallel_loop3A_312 = tpu.vector_load_idx %arg15[%parallel_loop3A_311] : memref<16896xf32, #tpu.memory_space<vmem>>[vector<16xi32>], vector<16xf32>,
        %parallel_loop3A_313 = arith.subf %parallel_loop3A_133, %parallel_loop3A_312 : vector<16xf32>
        %parallel_loop3A_314 = arith.mulf %parallel_loop3A_313, %parallel_loop3A_313 : vector<16xf32>
        %parallel_loop3A_315 = arith.constant 2 : i32
        %parallel_loop3A_316 = vector.broadcast %parallel_loop3A_315 : i32 to vector<16xi32>
        %parallel_loop3A_317 = arith.addi %parallel_loop3A_302, %parallel_loop3A_316 : vector<16xi32>
        %parallel_loop3A_318 = tpu.vector_load_idx %arg15[%parallel_loop3A_317] : memref<16896xf32, #tpu.memory_space<vmem>>[vector<16xi32>], vector<16xf32>,
        %parallel_loop3A_319 = arith.subf %parallel_loop3A_137, %parallel_loop3A_318 : vector<16xf32>
        %parallel_loop3A_320 = arith.mulf %parallel_loop3A_319, %parallel_loop3A_319 : vector<16xf32>
        %parallel_loop3A_321 = arith.constant 3 : i32
        %parallel_loop3A_322 = vector.broadcast %parallel_loop3A_321 : i32 to vector<16xi32>
        %parallel_loop3A_323 = arith.addi %parallel_loop3A_302, %parallel_loop3A_322 : vector<16xi32>
        %parallel_loop3A_324 = tpu.vector_load_idx %arg15[%parallel_loop3A_323] : memref<16896xf32, #tpu.memory_space<vmem>>[vector<16xi32>], vector<16xf32>,
        %parallel_loop3A_325 = arith.subf %parallel_loop3A_141, %parallel_loop3A_324 : vector<16xf32>
        %parallel_loop3A_326 = arith.mulf %parallel_loop3A_325, %parallel_loop3A_325 : vector<16xf32>
        %parallel_loop3A_327 = arith.constant 4 : i32
        %parallel_loop3A_328 = vector.broadcast %parallel_loop3A_327 : i32 to vector<16xi32>
        %parallel_loop3A_329 = arith.addi %parallel_loop3A_302, %parallel_loop3A_328 : vector<16xi32>
        %parallel_loop3A_330 = tpu.vector_load_idx %arg15[%parallel_loop3A_329] : memref<16896xf32, #tpu.memory_space<vmem>>[vector<16xi32>], vector<16xf32>,
        %parallel_loop3A_331 = arith.subf %parallel_loop3A_145, %parallel_loop3A_330 : vector<16xf32>
        %parallel_loop3A_332 = arith.mulf %parallel_loop3A_331, %parallel_loop3A_331 : vector<16xf32>
        %parallel_loop3A_333 = arith.constant 5 : i32
        %parallel_loop3A_334 = vector.broadcast %parallel_loop3A_333 : i32 to vector<16xi32>
        %parallel_loop3A_335 = arith.addi %parallel_loop3A_302, %parallel_loop3A_334 : vector<16xi32>
        %parallel_loop3A_336 = tpu.vector_load_idx %arg15[%parallel_loop3A_335] : memref<16896xf32, #tpu.memory_space<vmem>>[vector<16xi32>], vector<16xf32>,
        %parallel_loop3A_337 = arith.subf %parallel_loop3A_149, %parallel_loop3A_336 : vector<16xf32>
        %parallel_loop3A_338 = arith.mulf %parallel_loop3A_337, %parallel_loop3A_337 : vector<16xf32>
        %parallel_loop3A_339 = arith.constant 6 : i32
        %parallel_loop3A_340 = vector.broadcast %parallel_loop3A_339 : i32 to vector<16xi32>
        %parallel_loop3A_341 = arith.addi %parallel_loop3A_302, %parallel_loop3A_340 : vector<16xi32>
        %parallel_loop3A_342 = tpu.vector_load_idx %arg15[%parallel_loop3A_341] : memref<16896xf32, #tpu.memory_space<vmem>>[vector<16xi32>], vector<16xf32>,
        %parallel_loop3A_343 = arith.subf %parallel_loop3A_153, %parallel_loop3A_342 : vector<16xf32>
        %parallel_loop3A_344 = arith.mulf %parallel_loop3A_343, %parallel_loop3A_343 : vector<16xf32>
        %parallel_loop3A_345 = arith.constant 7 : i32
        %parallel_loop3A_346 = vector.broadcast %parallel_loop3A_345 : i32 to vector<16xi32>
        %parallel_loop3A_347 = arith.addi %parallel_loop3A_302, %parallel_loop3A_346 : vector<16xi32>
        %parallel_loop3A_348 = tpu.vector_load_idx %arg15[%parallel_loop3A_347] : memref<16896xf32, #tpu.memory_space<vmem>>[vector<16xi32>], vector<16xf32>,
        %parallel_loop3A_349 = arith.subf %parallel_loop3A_157, %parallel_loop3A_348 : vector<16xf32>
        %parallel_loop3A_350 = arith.mulf %parallel_loop3A_349, %parallel_loop3A_349 : vector<16xf32>
        %parallel_loop3A_351 = arith.constant 8 : i32
        %parallel_loop3A_352 = vector.broadcast %parallel_loop3A_351 : i32 to vector<16xi32>
        %parallel_loop3A_353 = arith.addi %parallel_loop3A_302, %parallel_loop3A_352 : vector<16xi32>
        %parallel_loop3A_354 = tpu.vector_load_idx %arg15[%parallel_loop3A_353] : memref<16896xf32, #tpu.memory_space<vmem>>[vector<16xi32>], vector<16xf32>,
        %parallel_loop3A_355 = arith.subf %parallel_loop3A_161, %parallel_loop3A_354 : vector<16xf32>
        %parallel_loop3A_356 = arith.mulf %parallel_loop3A_355, %parallel_loop3A_355 : vector<16xf32>
        %parallel_loop3A_357 = arith.constant 9 : i32
        %parallel_loop3A_358 = vector.broadcast %parallel_loop3A_357 : i32 to vector<16xi32>
        %parallel_loop3A_359 = arith.addi %parallel_loop3A_302, %parallel_loop3A_358 : vector<16xi32>
        %parallel_loop3A_360 = tpu.vector_load_idx %arg15[%parallel_loop3A_359] : memref<16896xf32, #tpu.memory_space<vmem>>[vector<16xi32>], vector<16xf32>,
        %parallel_loop3A_361 = arith.subf %parallel_loop3A_165, %parallel_loop3A_360 : vector<16xf32>
        %parallel_loop3A_362 = arith.mulf %parallel_loop3A_361, %parallel_loop3A_361 : vector<16xf32>
        %parallel_loop3A_363 = arith.constant 10 : i32
        %parallel_loop3A_364 = vector.broadcast %parallel_loop3A_363 : i32 to vector<16xi32>
        %parallel_loop3A_365 = arith.addi %parallel_loop3A_302, %parallel_loop3A_364 : vector<16xi32>
        %parallel_loop3A_366 = tpu.vector_load_idx %arg15[%parallel_loop3A_365] : memref<16896xf32, #tpu.memory_space<vmem>>[vector<16xi32>], vector<16xf32>,
        %parallel_loop3A_367 = arith.subf %parallel_loop3A_169, %parallel_loop3A_366 : vector<16xf32>
        %parallel_loop3A_368 = arith.mulf %parallel_loop3A_367, %parallel_loop3A_367 : vector<16xf32>
        %parallel_loop3A_369 = arith.constant 11 : i32
        %parallel_loop3A_370 = vector.broadcast %parallel_loop3A_369 : i32 to vector<16xi32>
        %parallel_loop3A_371 = arith.addi %parallel_loop3A_302, %parallel_loop3A_370 : vector<16xi32>
        %parallel_loop3A_372 = tpu.vector_load_idx %arg15[%parallel_loop3A_371] : memref<16896xf32, #tpu.memory_space<vmem>>[vector<16xi32>], vector<16xf32>,
        %parallel_loop3A_373 = arith.subf %parallel_loop3A_173, %parallel_loop3A_372 : vector<16xf32>
        %parallel_loop3A_374 = arith.mulf %parallel_loop3A_373, %parallel_loop3A_373 : vector<16xf32>
        %parallel_loop3A_375 = arith.constant 12 : i32
        %parallel_loop3A_376 = vector.broadcast %parallel_loop3A_375 : i32 to vector<16xi32>
        %parallel_loop3A_377 = arith.addi %parallel_loop3A_302, %parallel_loop3A_376 : vector<16xi32>
        %parallel_loop3A_378 = tpu.vector_load_idx %arg15[%parallel_loop3A_377] : memref<16896xf32, #tpu.memory_space<vmem>>[vector<16xi32>], vector<16xf32>,
        %parallel_loop3A_379 = arith.subf %parallel_loop3A_177, %parallel_loop3A_378 : vector<16xf32>
        %parallel_loop3A_380 = arith.mulf %parallel_loop3A_379, %parallel_loop3A_379 : vector<16xf32>
        %parallel_loop3A_381 = arith.constant 13 : i32
        %parallel_loop3A_382 = vector.broadcast %parallel_loop3A_381 : i32 to vector<16xi32>
        %parallel_loop3A_383 = arith.addi %parallel_loop3A_302, %parallel_loop3A_382 : vector<16xi32>
        %parallel_loop3A_384 = tpu.vector_load_idx %arg15[%parallel_loop3A_383] : memref<16896xf32, #tpu.memory_space<vmem>>[vector<16xi32>], vector<16xf32>,
        %parallel_loop3A_385 = arith.subf %parallel_loop3A_181, %parallel_loop3A_384 : vector<16xf32>
        %parallel_loop3A_386 = arith.mulf %parallel_loop3A_385, %parallel_loop3A_385 : vector<16xf32>
        %parallel_loop3A_387 = arith.constant 14 : i32
        %parallel_loop3A_388 = vector.broadcast %parallel_loop3A_387 : i32 to vector<16xi32>
        %parallel_loop3A_389 = arith.addi %parallel_loop3A_302, %parallel_loop3A_388 : vector<16xi32>
        %parallel_loop3A_390 = tpu.vector_load_idx %arg15[%parallel_loop3A_389] : memref<16896xf32, #tpu.memory_space<vmem>>[vector<16xi32>], vector<16xf32>,
        %parallel_loop3A_391 = arith.subf %parallel_loop3A_185, %parallel_loop3A_390 : vector<16xf32>
        %parallel_loop3A_392 = arith.mulf %parallel_loop3A_391, %parallel_loop3A_391 : vector<16xf32>
        %parallel_loop3A_393 = arith.constant 15 : i32
        %parallel_loop3A_394 = vector.broadcast %parallel_loop3A_393 : i32 to vector<16xi32>
        %parallel_loop3A_395 = arith.addi %parallel_loop3A_302, %parallel_loop3A_394 : vector<16xi32>
        %parallel_loop3A_396 = tpu.vector_load_idx %arg15[%parallel_loop3A_395] : memref<16896xf32, #tpu.memory_space<vmem>>[vector<16xi32>], vector<16xf32>,
        %parallel_loop3A_397 = arith.subf %parallel_loop3A_189, %parallel_loop3A_396 : vector<16xf32>
        %parallel_loop3A_398 = arith.mulf %parallel_loop3A_397, %parallel_loop3A_397 : vector<16xf32>
        %parallel_loop3A_399 = arith.constant 16 : i32
        %parallel_loop3A_400 = vector.broadcast %parallel_loop3A_399 : i32 to vector<16xi32>
        %parallel_loop3A_401 = arith.addi %parallel_loop3A_302, %parallel_loop3A_400 : vector<16xi32>
        %parallel_loop3A_402 = tpu.vector_load_idx %arg15[%parallel_loop3A_401] : memref<16896xf32, #tpu.memory_space<vmem>>[vector<16xi32>], vector<16xf32>,
        %parallel_loop3A_403 = arith.subf %parallel_loop3A_193, %parallel_loop3A_402 : vector<16xf32>
        %parallel_loop3A_404 = arith.mulf %parallel_loop3A_403, %parallel_loop3A_403 : vector<16xf32>
        %parallel_loop3A_405 = arith.constant 17 : i32
        %parallel_loop3A_406 = vector.broadcast %parallel_loop3A_405 : i32 to vector<16xi32>
        %parallel_loop3A_407 = arith.addi %parallel_loop3A_302, %parallel_loop3A_406 : vector<16xi32>
        %parallel_loop3A_408 = tpu.vector_load_idx %arg15[%parallel_loop3A_407] : memref<16896xf32, #tpu.memory_space<vmem>>[vector<16xi32>], vector<16xf32>,
        %parallel_loop3A_409 = arith.subf %parallel_loop3A_197, %parallel_loop3A_408 : vector<16xf32>
        %parallel_loop3A_410 = arith.mulf %parallel_loop3A_409, %parallel_loop3A_409 : vector<16xf32>
        %parallel_loop3A_411 = arith.constant 18 : i32
        %parallel_loop3A_412 = vector.broadcast %parallel_loop3A_411 : i32 to vector<16xi32>
        %parallel_loop3A_413 = arith.addi %parallel_loop3A_302, %parallel_loop3A_412 : vector<16xi32>
        %parallel_loop3A_414 = tpu.vector_load_idx %arg15[%parallel_loop3A_413] : memref<16896xf32, #tpu.memory_space<vmem>>[vector<16xi32>], vector<16xf32>,
        %parallel_loop3A_415 = arith.subf %parallel_loop3A_201, %parallel_loop3A_414 : vector<16xf32>
        %parallel_loop3A_416 = arith.mulf %parallel_loop3A_415, %parallel_loop3A_415 : vector<16xf32>
        %parallel_loop3A_417 = arith.constant 19 : i32
        %parallel_loop3A_418 = vector.broadcast %parallel_loop3A_417 : i32 to vector<16xi32>
        %parallel_loop3A_419 = arith.addi %parallel_loop3A_302, %parallel_loop3A_418 : vector<16xi32>
        %parallel_loop3A_420 = tpu.vector_load_idx %arg15[%parallel_loop3A_419] : memref<16896xf32, #tpu.memory_space<vmem>>[vector<16xi32>], vector<16xf32>,
        %parallel_loop3A_421 = arith.subf %parallel_loop3A_205, %parallel_loop3A_420 : vector<16xf32>
        %parallel_loop3A_422 = arith.mulf %parallel_loop3A_421, %parallel_loop3A_421 : vector<16xf32>
        %parallel_loop3A_423 = arith.constant 20 : i32
        %parallel_loop3A_424 = vector.broadcast %parallel_loop3A_423 : i32 to vector<16xi32>
        %parallel_loop3A_425 = arith.addi %parallel_loop3A_302, %parallel_loop3A_424 : vector<16xi32>
        %parallel_loop3A_426 = tpu.vector_load_idx %arg15[%parallel_loop3A_425] : memref<16896xf32, #tpu.memory_space<vmem>>[vector<16xi32>], vector<16xf32>,
        %parallel_loop3A_427 = arith.subf %parallel_loop3A_209, %parallel_loop3A_426 : vector<16xf32>
        %parallel_loop3A_428 = arith.mulf %parallel_loop3A_427, %parallel_loop3A_427 : vector<16xf32>
        %parallel_loop3A_429 = arith.constant 21 : i32
        %parallel_loop3A_430 = vector.broadcast %parallel_loop3A_429 : i32 to vector<16xi32>
        %parallel_loop3A_431 = arith.addi %parallel_loop3A_302, %parallel_loop3A_430 : vector<16xi32>
        %parallel_loop3A_432 = tpu.vector_load_idx %arg15[%parallel_loop3A_431] : memref<16896xf32, #tpu.memory_space<vmem>>[vector<16xi32>], vector<16xf32>,
        %parallel_loop3A_433 = arith.subf %parallel_loop3A_213, %parallel_loop3A_432 : vector<16xf32>
        %parallel_loop3A_434 = arith.mulf %parallel_loop3A_433, %parallel_loop3A_433 : vector<16xf32>
        %parallel_loop3A_435 = arith.constant 22 : i32
        %parallel_loop3A_436 = vector.broadcast %parallel_loop3A_435 : i32 to vector<16xi32>
        %parallel_loop3A_437 = arith.addi %parallel_loop3A_302, %parallel_loop3A_436 : vector<16xi32>
        %parallel_loop3A_438 = tpu.vector_load_idx %arg15[%parallel_loop3A_437] : memref<16896xf32, #tpu.memory_space<vmem>>[vector<16xi32>], vector<16xf32>,
        %parallel_loop3A_439 = arith.subf %parallel_loop3A_217, %parallel_loop3A_438 : vector<16xf32>
        %parallel_loop3A_440 = arith.mulf %parallel_loop3A_439, %parallel_loop3A_439 : vector<16xf32>
        %parallel_loop3A_441 = arith.constant 23 : i32
        %parallel_loop3A_442 = vector.broadcast %parallel_loop3A_441 : i32 to vector<16xi32>
        %parallel_loop3A_443 = arith.addi %parallel_loop3A_302, %parallel_loop3A_442 : vector<16xi32>
        %parallel_loop3A_444 = tpu.vector_load_idx %arg15[%parallel_loop3A_443] : memref<16896xf32, #tpu.memory_space<vmem>>[vector<16xi32>], vector<16xf32>,
        %parallel_loop3A_445 = arith.subf %parallel_loop3A_221, %parallel_loop3A_444 : vector<16xf32>
        %parallel_loop3A_446 = arith.mulf %parallel_loop3A_445, %parallel_loop3A_445 : vector<16xf32>
        %parallel_loop3A_447 = arith.constant 24 : i32
        %parallel_loop3A_448 = vector.broadcast %parallel_loop3A_447 : i32 to vector<16xi32>
        %parallel_loop3A_449 = arith.addi %parallel_loop3A_302, %parallel_loop3A_448 : vector<16xi32>
        %parallel_loop3A_450 = tpu.vector_load_idx %arg15[%parallel_loop3A_449] : memref<16896xf32, #tpu.memory_space<vmem>>[vector<16xi32>], vector<16xf32>,
        %parallel_loop3A_451 = arith.subf %parallel_loop3A_225, %parallel_loop3A_450 : vector<16xf32>
        %parallel_loop3A_452 = arith.mulf %parallel_loop3A_451, %parallel_loop3A_451 : vector<16xf32>
        %parallel_loop3A_453 = arith.constant 25 : i32
        %parallel_loop3A_454 = vector.broadcast %parallel_loop3A_453 : i32 to vector<16xi32>
        %parallel_loop3A_455 = arith.addi %parallel_loop3A_302, %parallel_loop3A_454 : vector<16xi32>
        %parallel_loop3A_456 = tpu.vector_load_idx %arg15[%parallel_loop3A_455] : memref<16896xf32, #tpu.memory_space<vmem>>[vector<16xi32>], vector<16xf32>,
        %parallel_loop3A_457 = arith.subf %parallel_loop3A_229, %parallel_loop3A_456 : vector<16xf32>
        %parallel_loop3A_458 = arith.mulf %parallel_loop3A_457, %parallel_loop3A_457 : vector<16xf32>
        %parallel_loop3A_459 = arith.constant 26 : i32
        %parallel_loop3A_460 = vector.broadcast %parallel_loop3A_459 : i32 to vector<16xi32>
        %parallel_loop3A_461 = arith.addi %parallel_loop3A_302, %parallel_loop3A_460 : vector<16xi32>
        %parallel_loop3A_462 = tpu.vector_load_idx %arg15[%parallel_loop3A_461] : memref<16896xf32, #tpu.memory_space<vmem>>[vector<16xi32>], vector<16xf32>,
        %parallel_loop3A_463 = arith.subf %parallel_loop3A_233, %parallel_loop3A_462 : vector<16xf32>
        %parallel_loop3A_464 = arith.mulf %parallel_loop3A_463, %parallel_loop3A_463 : vector<16xf32>
        %parallel_loop3A_465 = arith.constant 27 : i32
        %parallel_loop3A_466 = vector.broadcast %parallel_loop3A_465 : i32 to vector<16xi32>
        %parallel_loop3A_467 = arith.addi %parallel_loop3A_302, %parallel_loop3A_466 : vector<16xi32>
        %parallel_loop3A_468 = tpu.vector_load_idx %arg15[%parallel_loop3A_467] : memref<16896xf32, #tpu.memory_space<vmem>>[vector<16xi32>], vector<16xf32>,
        %parallel_loop3A_469 = arith.subf %parallel_loop3A_237, %parallel_loop3A_468 : vector<16xf32>
        %parallel_loop3A_470 = arith.mulf %parallel_loop3A_469, %parallel_loop3A_469 : vector<16xf32>
        %parallel_loop3A_471 = arith.constant 28 : i32
        %parallel_loop3A_472 = vector.broadcast %parallel_loop3A_471 : i32 to vector<16xi32>
        %parallel_loop3A_473 = arith.addi %parallel_loop3A_302, %parallel_loop3A_472 : vector<16xi32>
        %parallel_loop3A_474 = tpu.vector_load_idx %arg15[%parallel_loop3A_473] : memref<16896xf32, #tpu.memory_space<vmem>>[vector<16xi32>], vector<16xf32>,
        %parallel_loop3A_475 = arith.subf %parallel_loop3A_241, %parallel_loop3A_474 : vector<16xf32>
        %parallel_loop3A_476 = arith.mulf %parallel_loop3A_475, %parallel_loop3A_475 : vector<16xf32>
        %parallel_loop3A_477 = arith.constant 29 : i32
        %parallel_loop3A_478 = vector.broadcast %parallel_loop3A_477 : i32 to vector<16xi32>
        %parallel_loop3A_479 = arith.addi %parallel_loop3A_302, %parallel_loop3A_478 : vector<16xi32>
        %parallel_loop3A_480 = tpu.vector_load_idx %arg15[%parallel_loop3A_479] : memref<16896xf32, #tpu.memory_space<vmem>>[vector<16xi32>], vector<16xf32>,
        %parallel_loop3A_481 = arith.subf %parallel_loop3A_245, %parallel_loop3A_480 : vector<16xf32>
        %parallel_loop3A_482 = arith.mulf %parallel_loop3A_481, %parallel_loop3A_481 : vector<16xf32>
        %parallel_loop3A_483 = arith.constant 30 : i32
        %parallel_loop3A_484 = vector.broadcast %parallel_loop3A_483 : i32 to vector<16xi32>
        %parallel_loop3A_485 = arith.addi %parallel_loop3A_302, %parallel_loop3A_484 : vector<16xi32>
        %parallel_loop3A_486 = tpu.vector_load_idx %arg15[%parallel_loop3A_485] : memref<16896xf32, #tpu.memory_space<vmem>>[vector<16xi32>], vector<16xf32>,
        %parallel_loop3A_487 = arith.subf %parallel_loop3A_249, %parallel_loop3A_486 : vector<16xf32>
        %parallel_loop3A_488 = arith.mulf %parallel_loop3A_487, %parallel_loop3A_487 : vector<16xf32>
        %parallel_loop3A_489 = arith.constant 31 : i32
        %parallel_loop3A_490 = vector.broadcast %parallel_loop3A_489 : i32 to vector<16xi32>
        %parallel_loop3A_491 = arith.addi %parallel_loop3A_302, %parallel_loop3A_490 : vector<16xi32>
        %parallel_loop3A_492 = tpu.vector_load_idx %arg15[%parallel_loop3A_491] : memref<16896xf32, #tpu.memory_space<vmem>>[vector<16xi32>], vector<16xf32>,
        %parallel_loop3A_493 = arith.subf %parallel_loop3A_253, %parallel_loop3A_492 : vector<16xf32>
        %parallel_loop3A_494 = arith.mulf %parallel_loop3A_493, %parallel_loop3A_493 : vector<16xf32>
        %parallel_loop3A_495 = arith.addf %parallel_loop3A_308, %parallel_loop3A_314 : vector<16xf32>
        %parallel_loop3A_496 = arith.addf %parallel_loop3A_320, %parallel_loop3A_326 : vector<16xf32>
        %parallel_loop3A_497 = arith.addf %parallel_loop3A_332, %parallel_loop3A_338 : vector<16xf32>
        %parallel_loop3A_498 = arith.addf %parallel_loop3A_344, %parallel_loop3A_350 : vector<16xf32>
        %parallel_loop3A_499 = arith.addf %parallel_loop3A_356, %parallel_loop3A_362 : vector<16xf32>
        %parallel_loop3A_500 = arith.addf %parallel_loop3A_368, %parallel_loop3A_374 : vector<16xf32>
        %parallel_loop3A_501 = arith.addf %parallel_loop3A_380, %parallel_loop3A_386 : vector<16xf32>
        %parallel_loop3A_502 = arith.addf %parallel_loop3A_392, %parallel_loop3A_398 : vector<16xf32>
        %parallel_loop3A_503 = arith.addf %parallel_loop3A_404, %parallel_loop3A_410 : vector<16xf32>
        %parallel_loop3A_504 = arith.addf %parallel_loop3A_416, %parallel_loop3A_422 : vector<16xf32>
        %parallel_loop3A_505 = arith.addf %parallel_loop3A_428, %parallel_loop3A_434 : vector<16xf32>
        %parallel_loop3A_506 = arith.addf %parallel_loop3A_440, %parallel_loop3A_446 : vector<16xf32>
        %parallel_loop3A_507 = arith.addf %parallel_loop3A_452, %parallel_loop3A_458 : vector<16xf32>
        %parallel_loop3A_508 = arith.addf %parallel_loop3A_464, %parallel_loop3A_470 : vector<16xf32>
        %parallel_loop3A_509 = arith.addf %parallel_loop3A_476, %parallel_loop3A_482 : vector<16xf32>
        %parallel_loop3A_510 = arith.addf %parallel_loop3A_488, %parallel_loop3A_494 : vector<16xf32>
        %parallel_loop3A_511 = arith.addf %parallel_loop3A_495, %parallel_loop3A_496 : vector<16xf32>
        %parallel_loop3A_512 = arith.addf %parallel_loop3A_497, %parallel_loop3A_498 : vector<16xf32>
        %parallel_loop3A_513 = arith.addf %parallel_loop3A_499, %parallel_loop3A_500 : vector<16xf32>
        %parallel_loop3A_514 = arith.addf %parallel_loop3A_501, %parallel_loop3A_502 : vector<16xf32>
        %parallel_loop3A_515 = arith.addf %parallel_loop3A_503, %parallel_loop3A_504 : vector<16xf32>
        %parallel_loop3A_516 = arith.addf %parallel_loop3A_505, %parallel_loop3A_506 : vector<16xf32>
        %parallel_loop3A_517 = arith.addf %parallel_loop3A_507, %parallel_loop3A_508 : vector<16xf32>
        %parallel_loop3A_518 = arith.addf %parallel_loop3A_509, %parallel_loop3A_510 : vector<16xf32>
        %parallel_loop3A_519 = arith.addf %parallel_loop3A_511, %parallel_loop3A_512 : vector<16xf32>
        %parallel_loop3A_520 = arith.addf %parallel_loop3A_513, %parallel_loop3A_514 : vector<16xf32>
        %parallel_loop3A_521 = arith.addf %parallel_loop3A_515, %parallel_loop3A_516 : vector<16xf32>
        %parallel_loop3A_522 = arith.addf %parallel_loop3A_517, %parallel_loop3A_518 : vector<16xf32>
        %parallel_loop3A_523 = arith.addf %parallel_loop3A_519, %parallel_loop3A_520 : vector<16xf32>
        %parallel_loop3A_524 = arith.addf %parallel_loop3A_521, %parallel_loop3A_522 : vector<16xf32>
        %parallel_loop3A_525 = arith.addf %parallel_loop3A_523, %parallel_loop3A_524 : vector<16xf32>
        %parallel_loop3A_526 = arith.constant -5.000000e-01 : f32
        %parallel_loop3A_527 = vector.broadcast %parallel_loop3A_526 : f32 to vector<16xf32>
        %parallel_loop3A_528 = arith.mulf %parallel_loop3A_527, %parallel_loop3A_525 : vector<16xf32>
        %parallel_loop3A_529 = arith.constant 33 : i32
        %parallel_loop3A_530 = vector.broadcast %parallel_loop3A_529 : i32 to vector<16xi32>
        %parallel_loop3A_531 = arith.muli %parallel_loop3A_259, %parallel_loop3A_530 : vector<16xi32>
        %parallel_loop3A_532 = arith.constant 0 : i32
        %parallel_loop3A_533 = vector.broadcast %parallel_loop3A_532 : i32 to vector<16xi32>
        %parallel_loop3A_534 = arith.addi %parallel_loop3A_531, %parallel_loop3A_533 : vector<16xi32>
        %parallel_loop3A_535 = tpu.vector_load_idx %arg15[%parallel_loop3A_534] : memref<16896xf32, #tpu.memory_space<vmem>>[vector<16xi32>], vector<16xf32>,
        %parallel_loop3A_536 = arith.subf %parallel_loop3A_129, %parallel_loop3A_535 : vector<16xf32>
        %parallel_loop3A_537 = arith.mulf %parallel_loop3A_536, %parallel_loop3A_536 : vector<16xf32>
        %parallel_loop3A_538 = arith.constant 1 : i32
        %parallel_loop3A_539 = vector.broadcast %parallel_loop3A_538 : i32 to vector<16xi32>
        %parallel_loop3A_540 = arith.addi %parallel_loop3A_531, %parallel_loop3A_539 : vector<16xi32>
        %parallel_loop3A_541 = tpu.vector_load_idx %arg15[%parallel_loop3A_540] : memref<16896xf32, #tpu.memory_space<vmem>>[vector<16xi32>], vector<16xf32>,
        %parallel_loop3A_542 = arith.subf %parallel_loop3A_133, %parallel_loop3A_541 : vector<16xf32>
        %parallel_loop3A_543 = arith.mulf %parallel_loop3A_542, %parallel_loop3A_542 : vector<16xf32>
        %parallel_loop3A_544 = arith.constant 2 : i32
        %parallel_loop3A_545 = vector.broadcast %parallel_loop3A_544 : i32 to vector<16xi32>
        %parallel_loop3A_546 = arith.addi %parallel_loop3A_531, %parallel_loop3A_545 : vector<16xi32>
        %parallel_loop3A_547 = tpu.vector_load_idx %arg15[%parallel_loop3A_546] : memref<16896xf32, #tpu.memory_space<vmem>>[vector<16xi32>], vector<16xf32>,
        %parallel_loop3A_548 = arith.subf %parallel_loop3A_137, %parallel_loop3A_547 : vector<16xf32>
        %parallel_loop3A_549 = arith.mulf %parallel_loop3A_548, %parallel_loop3A_548 : vector<16xf32>
        %parallel_loop3A_550 = arith.constant 3 : i32
        %parallel_loop3A_551 = vector.broadcast %parallel_loop3A_550 : i32 to vector<16xi32>
        %parallel_loop3A_552 = arith.addi %parallel_loop3A_531, %parallel_loop3A_551 : vector<16xi32>
        %parallel_loop3A_553 = tpu.vector_load_idx %arg15[%parallel_loop3A_552] : memref<16896xf32, #tpu.memory_space<vmem>>[vector<16xi32>], vector<16xf32>,
        %parallel_loop3A_554 = arith.subf %parallel_loop3A_141, %parallel_loop3A_553 : vector<16xf32>
        %parallel_loop3A_555 = arith.mulf %parallel_loop3A_554, %parallel_loop3A_554 : vector<16xf32>
        %parallel_loop3A_556 = arith.constant 4 : i32
        %parallel_loop3A_557 = vector.broadcast %parallel_loop3A_556 : i32 to vector<16xi32>
        %parallel_loop3A_558 = arith.addi %parallel_loop3A_531, %parallel_loop3A_557 : vector<16xi32>
        %parallel_loop3A_559 = tpu.vector_load_idx %arg15[%parallel_loop3A_558] : memref<16896xf32, #tpu.memory_space<vmem>>[vector<16xi32>], vector<16xf32>,
        %parallel_loop3A_560 = arith.subf %parallel_loop3A_145, %parallel_loop3A_559 : vector<16xf32>
        %parallel_loop3A_561 = arith.mulf %parallel_loop3A_560, %parallel_loop3A_560 : vector<16xf32>
        %parallel_loop3A_562 = arith.constant 5 : i32
        %parallel_loop3A_563 = vector.broadcast %parallel_loop3A_562 : i32 to vector<16xi32>
        %parallel_loop3A_564 = arith.addi %parallel_loop3A_531, %parallel_loop3A_563 : vector<16xi32>
        %parallel_loop3A_565 = tpu.vector_load_idx %arg15[%parallel_loop3A_564] : memref<16896xf32, #tpu.memory_space<vmem>>[vector<16xi32>], vector<16xf32>,
        %parallel_loop3A_566 = arith.subf %parallel_loop3A_149, %parallel_loop3A_565 : vector<16xf32>
        %parallel_loop3A_567 = arith.mulf %parallel_loop3A_566, %parallel_loop3A_566 : vector<16xf32>
        %parallel_loop3A_568 = arith.constant 6 : i32
        %parallel_loop3A_569 = vector.broadcast %parallel_loop3A_568 : i32 to vector<16xi32>
        %parallel_loop3A_570 = arith.addi %parallel_loop3A_531, %parallel_loop3A_569 : vector<16xi32>
        %parallel_loop3A_571 = tpu.vector_load_idx %arg15[%parallel_loop3A_570] : memref<16896xf32, #tpu.memory_space<vmem>>[vector<16xi32>], vector<16xf32>,
        %parallel_loop3A_572 = arith.subf %parallel_loop3A_153, %parallel_loop3A_571 : vector<16xf32>
        %parallel_loop3A_573 = arith.mulf %parallel_loop3A_572, %parallel_loop3A_572 : vector<16xf32>
        %parallel_loop3A_574 = arith.constant 7 : i32
        %parallel_loop3A_575 = vector.broadcast %parallel_loop3A_574 : i32 to vector<16xi32>
        %parallel_loop3A_576 = arith.addi %parallel_loop3A_531, %parallel_loop3A_575 : vector<16xi32>
        %parallel_loop3A_577 = tpu.vector_load_idx %arg15[%parallel_loop3A_576] : memref<16896xf32, #tpu.memory_space<vmem>>[vector<16xi32>], vector<16xf32>,
        %parallel_loop3A_578 = arith.subf %parallel_loop3A_157, %parallel_loop3A_577 : vector<16xf32>
        %parallel_loop3A_579 = arith.mulf %parallel_loop3A_578, %parallel_loop3A_578 : vector<16xf32>
        %parallel_loop3A_580 = arith.constant 8 : i32
        %parallel_loop3A_581 = vector.broadcast %parallel_loop3A_580 : i32 to vector<16xi32>
        %parallel_loop3A_582 = arith.addi %parallel_loop3A_531, %parallel_loop3A_581 : vector<16xi32>
        %parallel_loop3A_583 = tpu.vector_load_idx %arg15[%parallel_loop3A_582] : memref<16896xf32, #tpu.memory_space<vmem>>[vector<16xi32>], vector<16xf32>,
        %parallel_loop3A_584 = arith.subf %parallel_loop3A_161, %parallel_loop3A_583 : vector<16xf32>
        %parallel_loop3A_585 = arith.mulf %parallel_loop3A_584, %parallel_loop3A_584 : vector<16xf32>
        %parallel_loop3A_586 = arith.constant 9 : i32
        %parallel_loop3A_587 = vector.broadcast %parallel_loop3A_586 : i32 to vector<16xi32>
        %parallel_loop3A_588 = arith.addi %parallel_loop3A_531, %parallel_loop3A_587 : vector<16xi32>
        %parallel_loop3A_589 = tpu.vector_load_idx %arg15[%parallel_loop3A_588] : memref<16896xf32, #tpu.memory_space<vmem>>[vector<16xi32>], vector<16xf32>,
        %parallel_loop3A_590 = arith.subf %parallel_loop3A_165, %parallel_loop3A_589 : vector<16xf32>
        %parallel_loop3A_591 = arith.mulf %parallel_loop3A_590, %parallel_loop3A_590 : vector<16xf32>
        %parallel_loop3A_592 = arith.constant 10 : i32
        %parallel_loop3A_593 = vector.broadcast %parallel_loop3A_592 : i32 to vector<16xi32>
        %parallel_loop3A_594 = arith.addi %parallel_loop3A_531, %parallel_loop3A_593 : vector<16xi32>
        %parallel_loop3A_595 = tpu.vector_load_idx %arg15[%parallel_loop3A_594] : memref<16896xf32, #tpu.memory_space<vmem>>[vector<16xi32>], vector<16xf32>,
        %parallel_loop3A_596 = arith.subf %parallel_loop3A_169, %parallel_loop3A_595 : vector<16xf32>
        %parallel_loop3A_597 = arith.mulf %parallel_loop3A_596, %parallel_loop3A_596 : vector<16xf32>
        %parallel_loop3A_598 = arith.constant 11 : i32
        %parallel_loop3A_599 = vector.broadcast %parallel_loop3A_598 : i32 to vector<16xi32>
        %parallel_loop3A_600 = arith.addi %parallel_loop3A_531, %parallel_loop3A_599 : vector<16xi32>
        %parallel_loop3A_601 = tpu.vector_load_idx %arg15[%parallel_loop3A_600] : memref<16896xf32, #tpu.memory_space<vmem>>[vector<16xi32>], vector<16xf32>,
        %parallel_loop3A_602 = arith.subf %parallel_loop3A_173, %parallel_loop3A_601 : vector<16xf32>
        %parallel_loop3A_603 = arith.mulf %parallel_loop3A_602, %parallel_loop3A_602 : vector<16xf32>
        %parallel_loop3A_604 = arith.constant 12 : i32
        %parallel_loop3A_605 = vector.broadcast %parallel_loop3A_604 : i32 to vector<16xi32>
        %parallel_loop3A_606 = arith.addi %parallel_loop3A_531, %parallel_loop3A_605 : vector<16xi32>
        %parallel_loop3A_607 = tpu.vector_load_idx %arg15[%parallel_loop3A_606] : memref<16896xf32, #tpu.memory_space<vmem>>[vector<16xi32>], vector<16xf32>,
        %parallel_loop3A_608 = arith.subf %parallel_loop3A_177, %parallel_loop3A_607 : vector<16xf32>
        %parallel_loop3A_609 = arith.mulf %parallel_loop3A_608, %parallel_loop3A_608 : vector<16xf32>
        %parallel_loop3A_610 = arith.constant 13 : i32
        %parallel_loop3A_611 = vector.broadcast %parallel_loop3A_610 : i32 to vector<16xi32>
        %parallel_loop3A_612 = arith.addi %parallel_loop3A_531, %parallel_loop3A_611 : vector<16xi32>
        %parallel_loop3A_613 = tpu.vector_load_idx %arg15[%parallel_loop3A_612] : memref<16896xf32, #tpu.memory_space<vmem>>[vector<16xi32>], vector<16xf32>,
        %parallel_loop3A_614 = arith.subf %parallel_loop3A_181, %parallel_loop3A_613 : vector<16xf32>
        %parallel_loop3A_615 = arith.mulf %parallel_loop3A_614, %parallel_loop3A_614 : vector<16xf32>
        %parallel_loop3A_616 = arith.constant 14 : i32
        %parallel_loop3A_617 = vector.broadcast %parallel_loop3A_616 : i32 to vector<16xi32>
        %parallel_loop3A_618 = arith.addi %parallel_loop3A_531, %parallel_loop3A_617 : vector<16xi32>
        %parallel_loop3A_619 = tpu.vector_load_idx %arg15[%parallel_loop3A_618] : memref<16896xf32, #tpu.memory_space<vmem>>[vector<16xi32>], vector<16xf32>,
        %parallel_loop3A_620 = arith.subf %parallel_loop3A_185, %parallel_loop3A_619 : vector<16xf32>
        %parallel_loop3A_621 = arith.mulf %parallel_loop3A_620, %parallel_loop3A_620 : vector<16xf32>
        %parallel_loop3A_622 = arith.constant 15 : i32
        %parallel_loop3A_623 = vector.broadcast %parallel_loop3A_622 : i32 to vector<16xi32>
        %parallel_loop3A_624 = arith.addi %parallel_loop3A_531, %parallel_loop3A_623 : vector<16xi32>
        %parallel_loop3A_625 = tpu.vector_load_idx %arg15[%parallel_loop3A_624] : memref<16896xf32, #tpu.memory_space<vmem>>[vector<16xi32>], vector<16xf32>,
        %parallel_loop3A_626 = arith.subf %parallel_loop3A_189, %parallel_loop3A_625 : vector<16xf32>
        %parallel_loop3A_627 = arith.mulf %parallel_loop3A_626, %parallel_loop3A_626 : vector<16xf32>
        %parallel_loop3A_628 = arith.constant 16 : i32
        %parallel_loop3A_629 = vector.broadcast %parallel_loop3A_628 : i32 to vector<16xi32>
        %parallel_loop3A_630 = arith.addi %parallel_loop3A_531, %parallel_loop3A_629 : vector<16xi32>
        %parallel_loop3A_631 = tpu.vector_load_idx %arg15[%parallel_loop3A_630] : memref<16896xf32, #tpu.memory_space<vmem>>[vector<16xi32>], vector<16xf32>,
        %parallel_loop3A_632 = arith.subf %parallel_loop3A_193, %parallel_loop3A_631 : vector<16xf32>
        %parallel_loop3A_633 = arith.mulf %parallel_loop3A_632, %parallel_loop3A_632 : vector<16xf32>
        %parallel_loop3A_634 = arith.constant 17 : i32
        %parallel_loop3A_635 = vector.broadcast %parallel_loop3A_634 : i32 to vector<16xi32>
        %parallel_loop3A_636 = arith.addi %parallel_loop3A_531, %parallel_loop3A_635 : vector<16xi32>
        %parallel_loop3A_637 = tpu.vector_load_idx %arg15[%parallel_loop3A_636] : memref<16896xf32, #tpu.memory_space<vmem>>[vector<16xi32>], vector<16xf32>,
        %parallel_loop3A_638 = arith.subf %parallel_loop3A_197, %parallel_loop3A_637 : vector<16xf32>
        %parallel_loop3A_639 = arith.mulf %parallel_loop3A_638, %parallel_loop3A_638 : vector<16xf32>
        %parallel_loop3A_640 = arith.constant 18 : i32
        %parallel_loop3A_641 = vector.broadcast %parallel_loop3A_640 : i32 to vector<16xi32>
        %parallel_loop3A_642 = arith.addi %parallel_loop3A_531, %parallel_loop3A_641 : vector<16xi32>
        %parallel_loop3A_643 = tpu.vector_load_idx %arg15[%parallel_loop3A_642] : memref<16896xf32, #tpu.memory_space<vmem>>[vector<16xi32>], vector<16xf32>,
        %parallel_loop3A_644 = arith.subf %parallel_loop3A_201, %parallel_loop3A_643 : vector<16xf32>
        %parallel_loop3A_645 = arith.mulf %parallel_loop3A_644, %parallel_loop3A_644 : vector<16xf32>
        %parallel_loop3A_646 = arith.constant 19 : i32
        %parallel_loop3A_647 = vector.broadcast %parallel_loop3A_646 : i32 to vector<16xi32>
        %parallel_loop3A_648 = arith.addi %parallel_loop3A_531, %parallel_loop3A_647 : vector<16xi32>
        %parallel_loop3A_649 = tpu.vector_load_idx %arg15[%parallel_loop3A_648] : memref<16896xf32, #tpu.memory_space<vmem>>[vector<16xi32>], vector<16xf32>,
        %parallel_loop3A_650 = arith.subf %parallel_loop3A_205, %parallel_loop3A_649 : vector<16xf32>
        %parallel_loop3A_651 = arith.mulf %parallel_loop3A_650, %parallel_loop3A_650 : vector<16xf32>
        %parallel_loop3A_652 = arith.constant 20 : i32
        %parallel_loop3A_653 = vector.broadcast %parallel_loop3A_652 : i32 to vector<16xi32>
        %parallel_loop3A_654 = arith.addi %parallel_loop3A_531, %parallel_loop3A_653 : vector<16xi32>
        %parallel_loop3A_655 = tpu.vector_load_idx %arg15[%parallel_loop3A_654] : memref<16896xf32, #tpu.memory_space<vmem>>[vector<16xi32>], vector<16xf32>,
        %parallel_loop3A_656 = arith.subf %parallel_loop3A_209, %parallel_loop3A_655 : vector<16xf32>
        %parallel_loop3A_657 = arith.mulf %parallel_loop3A_656, %parallel_loop3A_656 : vector<16xf32>
        %parallel_loop3A_658 = arith.constant 21 : i32
        %parallel_loop3A_659 = vector.broadcast %parallel_loop3A_658 : i32 to vector<16xi32>
        %parallel_loop3A_660 = arith.addi %parallel_loop3A_531, %parallel_loop3A_659 : vector<16xi32>
        %parallel_loop3A_661 = tpu.vector_load_idx %arg15[%parallel_loop3A_660] : memref<16896xf32, #tpu.memory_space<vmem>>[vector<16xi32>], vector<16xf32>,
        %parallel_loop3A_662 = arith.subf %parallel_loop3A_213, %parallel_loop3A_661 : vector<16xf32>
        %parallel_loop3A_663 = arith.mulf %parallel_loop3A_662, %parallel_loop3A_662 : vector<16xf32>
        %parallel_loop3A_664 = arith.constant 22 : i32
        %parallel_loop3A_665 = vector.broadcast %parallel_loop3A_664 : i32 to vector<16xi32>
        %parallel_loop3A_666 = arith.addi %parallel_loop3A_531, %parallel_loop3A_665 : vector<16xi32>
        %parallel_loop3A_667 = tpu.vector_load_idx %arg15[%parallel_loop3A_666] : memref<16896xf32, #tpu.memory_space<vmem>>[vector<16xi32>], vector<16xf32>,
        %parallel_loop3A_668 = arith.subf %parallel_loop3A_217, %parallel_loop3A_667 : vector<16xf32>
        %parallel_loop3A_669 = arith.mulf %parallel_loop3A_668, %parallel_loop3A_668 : vector<16xf32>
        %parallel_loop3A_670 = arith.constant 23 : i32
        %parallel_loop3A_671 = vector.broadcast %parallel_loop3A_670 : i32 to vector<16xi32>
        %parallel_loop3A_672 = arith.addi %parallel_loop3A_531, %parallel_loop3A_671 : vector<16xi32>
        %parallel_loop3A_673 = tpu.vector_load_idx %arg15[%parallel_loop3A_672] : memref<16896xf32, #tpu.memory_space<vmem>>[vector<16xi32>], vector<16xf32>,
        %parallel_loop3A_674 = arith.subf %parallel_loop3A_221, %parallel_loop3A_673 : vector<16xf32>
        %parallel_loop3A_675 = arith.mulf %parallel_loop3A_674, %parallel_loop3A_674 : vector<16xf32>
        %parallel_loop3A_676 = arith.constant 24 : i32
        %parallel_loop3A_677 = vector.broadcast %parallel_loop3A_676 : i32 to vector<16xi32>
        %parallel_loop3A_678 = arith.addi %parallel_loop3A_531, %parallel_loop3A_677 : vector<16xi32>
        %parallel_loop3A_679 = tpu.vector_load_idx %arg15[%parallel_loop3A_678] : memref<16896xf32, #tpu.memory_space<vmem>>[vector<16xi32>], vector<16xf32>,
        %parallel_loop3A_680 = arith.subf %parallel_loop3A_225, %parallel_loop3A_679 : vector<16xf32>
        %parallel_loop3A_681 = arith.mulf %parallel_loop3A_680, %parallel_loop3A_680 : vector<16xf32>
        %parallel_loop3A_682 = arith.constant 25 : i32
        %parallel_loop3A_683 = vector.broadcast %parallel_loop3A_682 : i32 to vector<16xi32>
        %parallel_loop3A_684 = arith.addi %parallel_loop3A_531, %parallel_loop3A_683 : vector<16xi32>
        %parallel_loop3A_685 = tpu.vector_load_idx %arg15[%parallel_loop3A_684] : memref<16896xf32, #tpu.memory_space<vmem>>[vector<16xi32>], vector<16xf32>,
        %parallel_loop3A_686 = arith.subf %parallel_loop3A_229, %parallel_loop3A_685 : vector<16xf32>
        %parallel_loop3A_687 = arith.mulf %parallel_loop3A_686, %parallel_loop3A_686 : vector<16xf32>
        %parallel_loop3A_688 = arith.constant 26 : i32
        %parallel_loop3A_689 = vector.broadcast %parallel_loop3A_688 : i32 to vector<16xi32>
        %parallel_loop3A_690 = arith.addi %parallel_loop3A_531, %parallel_loop3A_689 : vector<16xi32>
        %parallel_loop3A_691 = tpu.vector_load_idx %arg15[%parallel_loop3A_690] : memref<16896xf32, #tpu.memory_space<vmem>>[vector<16xi32>], vector<16xf32>,
        %parallel_loop3A_692 = arith.subf %parallel_loop3A_233, %parallel_loop3A_691 : vector<16xf32>
        %parallel_loop3A_693 = arith.mulf %parallel_loop3A_692, %parallel_loop3A_692 : vector<16xf32>
        %parallel_loop3A_694 = arith.constant 27 : i32
        %parallel_loop3A_695 = vector.broadcast %parallel_loop3A_694 : i32 to vector<16xi32>
        %parallel_loop3A_696 = arith.addi %parallel_loop3A_531, %parallel_loop3A_695 : vector<16xi32>
        %parallel_loop3A_697 = tpu.vector_load_idx %arg15[%parallel_loop3A_696] : memref<16896xf32, #tpu.memory_space<vmem>>[vector<16xi32>], vector<16xf32>,
        %parallel_loop3A_698 = arith.subf %parallel_loop3A_237, %parallel_loop3A_697 : vector<16xf32>
        %parallel_loop3A_699 = arith.mulf %parallel_loop3A_698, %parallel_loop3A_698 : vector<16xf32>
        %parallel_loop3A_700 = arith.constant 28 : i32
        %parallel_loop3A_701 = vector.broadcast %parallel_loop3A_700 : i32 to vector<16xi32>
        %parallel_loop3A_702 = arith.addi %parallel_loop3A_531, %parallel_loop3A_701 : vector<16xi32>
        %parallel_loop3A_703 = tpu.vector_load_idx %arg15[%parallel_loop3A_702] : memref<16896xf32, #tpu.memory_space<vmem>>[vector<16xi32>], vector<16xf32>,
        %parallel_loop3A_704 = arith.subf %parallel_loop3A_241, %parallel_loop3A_703 : vector<16xf32>
        %parallel_loop3A_705 = arith.mulf %parallel_loop3A_704, %parallel_loop3A_704 : vector<16xf32>
        %parallel_loop3A_706 = arith.constant 29 : i32
        %parallel_loop3A_707 = vector.broadcast %parallel_loop3A_706 : i32 to vector<16xi32>
        %parallel_loop3A_708 = arith.addi %parallel_loop3A_531, %parallel_loop3A_707 : vector<16xi32>
        %parallel_loop3A_709 = tpu.vector_load_idx %arg15[%parallel_loop3A_708] : memref<16896xf32, #tpu.memory_space<vmem>>[vector<16xi32>], vector<16xf32>,
        %parallel_loop3A_710 = arith.subf %parallel_loop3A_245, %parallel_loop3A_709 : vector<16xf32>
        %parallel_loop3A_711 = arith.mulf %parallel_loop3A_710, %parallel_loop3A_710 : vector<16xf32>
        %parallel_loop3A_712 = arith.constant 30 : i32
        %parallel_loop3A_713 = vector.broadcast %parallel_loop3A_712 : i32 to vector<16xi32>
        %parallel_loop3A_714 = arith.addi %parallel_loop3A_531, %parallel_loop3A_713 : vector<16xi32>
        %parallel_loop3A_715 = tpu.vector_load_idx %arg15[%parallel_loop3A_714] : memref<16896xf32, #tpu.memory_space<vmem>>[vector<16xi32>], vector<16xf32>,
        %parallel_loop3A_716 = arith.subf %parallel_loop3A_249, %parallel_loop3A_715 : vector<16xf32>
        %parallel_loop3A_717 = arith.mulf %parallel_loop3A_716, %parallel_loop3A_716 : vector<16xf32>
        %parallel_loop3A_718 = arith.constant 31 : i32
        %parallel_loop3A_719 = vector.broadcast %parallel_loop3A_718 : i32 to vector<16xi32>
        %parallel_loop3A_720 = arith.addi %parallel_loop3A_531, %parallel_loop3A_719 : vector<16xi32>
        %parallel_loop3A_721 = tpu.vector_load_idx %arg15[%parallel_loop3A_720] : memref<16896xf32, #tpu.memory_space<vmem>>[vector<16xi32>], vector<16xf32>,
        %parallel_loop3A_722 = arith.subf %parallel_loop3A_253, %parallel_loop3A_721 : vector<16xf32>
        %parallel_loop3A_723 = arith.mulf %parallel_loop3A_722, %parallel_loop3A_722 : vector<16xf32>
        %parallel_loop3A_724 = arith.addf %parallel_loop3A_537, %parallel_loop3A_543 : vector<16xf32>
        %parallel_loop3A_725 = arith.addf %parallel_loop3A_549, %parallel_loop3A_555 : vector<16xf32>
        %parallel_loop3A_726 = arith.addf %parallel_loop3A_561, %parallel_loop3A_567 : vector<16xf32>
        %parallel_loop3A_727 = arith.addf %parallel_loop3A_573, %parallel_loop3A_579 : vector<16xf32>
        %parallel_loop3A_728 = arith.addf %parallel_loop3A_585, %parallel_loop3A_591 : vector<16xf32>
        %parallel_loop3A_729 = arith.addf %parallel_loop3A_597, %parallel_loop3A_603 : vector<16xf32>
        %parallel_loop3A_730 = arith.addf %parallel_loop3A_609, %parallel_loop3A_615 : vector<16xf32>
        %parallel_loop3A_731 = arith.addf %parallel_loop3A_621, %parallel_loop3A_627 : vector<16xf32>
        %parallel_loop3A_732 = arith.addf %parallel_loop3A_633, %parallel_loop3A_639 : vector<16xf32>
        %parallel_loop3A_733 = arith.addf %parallel_loop3A_645, %parallel_loop3A_651 : vector<16xf32>
        %parallel_loop3A_734 = arith.addf %parallel_loop3A_657, %parallel_loop3A_663 : vector<16xf32>
        %parallel_loop3A_735 = arith.addf %parallel_loop3A_669, %parallel_loop3A_675 : vector<16xf32>
        %parallel_loop3A_736 = arith.addf %parallel_loop3A_681, %parallel_loop3A_687 : vector<16xf32>
        %parallel_loop3A_737 = arith.addf %parallel_loop3A_693, %parallel_loop3A_699 : vector<16xf32>
        %parallel_loop3A_738 = arith.addf %parallel_loop3A_705, %parallel_loop3A_711 : vector<16xf32>
        %parallel_loop3A_739 = arith.addf %parallel_loop3A_717, %parallel_loop3A_723 : vector<16xf32>
        %parallel_loop3A_740 = arith.addf %parallel_loop3A_724, %parallel_loop3A_725 : vector<16xf32>
        %parallel_loop3A_741 = arith.addf %parallel_loop3A_726, %parallel_loop3A_727 : vector<16xf32>
        %parallel_loop3A_742 = arith.addf %parallel_loop3A_728, %parallel_loop3A_729 : vector<16xf32>
        %parallel_loop3A_743 = arith.addf %parallel_loop3A_730, %parallel_loop3A_731 : vector<16xf32>
        %parallel_loop3A_744 = arith.addf %parallel_loop3A_732, %parallel_loop3A_733 : vector<16xf32>
        %parallel_loop3A_745 = arith.addf %parallel_loop3A_734, %parallel_loop3A_735 : vector<16xf32>
        %parallel_loop3A_746 = arith.addf %parallel_loop3A_736, %parallel_loop3A_737 : vector<16xf32>
        %parallel_loop3A_747 = arith.addf %parallel_loop3A_738, %parallel_loop3A_739 : vector<16xf32>
        %parallel_loop3A_748 = arith.addf %parallel_loop3A_740, %parallel_loop3A_741 : vector<16xf32>
        %parallel_loop3A_749 = arith.addf %parallel_loop3A_742, %parallel_loop3A_743 : vector<16xf32>
        %parallel_loop3A_750 = arith.addf %parallel_loop3A_744, %parallel_loop3A_745 : vector<16xf32>
        %parallel_loop3A_751 = arith.addf %parallel_loop3A_746, %parallel_loop3A_747 : vector<16xf32>
        %parallel_loop3A_752 = arith.addf %parallel_loop3A_748, %parallel_loop3A_749 : vector<16xf32>
        %parallel_loop3A_753 = arith.addf %parallel_loop3A_750, %parallel_loop3A_751 : vector<16xf32>
        %parallel_loop3A_754 = arith.addf %parallel_loop3A_752, %parallel_loop3A_753 : vector<16xf32>
        %parallel_loop3A_755 = arith.constant -5.000000e-01 : f32
        %parallel_loop3A_756 = vector.broadcast %parallel_loop3A_755 : f32 to vector<16xf32>
        %parallel_loop3A_757 = arith.mulf %parallel_loop3A_756, %parallel_loop3A_754 : vector<16xf32>
        %parallel_loop3A_758 = arith.constant 33 : i32
        %parallel_loop3A_759 = vector.broadcast %parallel_loop3A_758 : i32 to vector<16xi32>
        %parallel_loop3A_760 = arith.muli %parallel_loop3A_262, %parallel_loop3A_759 : vector<16xi32>
        %parallel_loop3A_761 = arith.constant 0 : i32
        %parallel_loop3A_762 = vector.broadcast %parallel_loop3A_761 : i32 to vector<16xi32>
        %parallel_loop3A_763 = arith.addi %parallel_loop3A_760, %parallel_loop3A_762 : vector<16xi32>
        %parallel_loop3A_764 = tpu.vector_load_idx %arg15[%parallel_loop3A_763] : memref<16896xf32, #tpu.memory_space<vmem>>[vector<16xi32>], vector<16xf32>,
        %parallel_loop3A_765 = arith.subf %parallel_loop3A_129, %parallel_loop3A_764 : vector<16xf32>
        %parallel_loop3A_766 = arith.mulf %parallel_loop3A_765, %parallel_loop3A_765 : vector<16xf32>
        %parallel_loop3A_767 = arith.constant 1 : i32
        %parallel_loop3A_768 = vector.broadcast %parallel_loop3A_767 : i32 to vector<16xi32>
        %parallel_loop3A_769 = arith.addi %parallel_loop3A_760, %parallel_loop3A_768 : vector<16xi32>
        %parallel_loop3A_770 = tpu.vector_load_idx %arg15[%parallel_loop3A_769] : memref<16896xf32, #tpu.memory_space<vmem>>[vector<16xi32>], vector<16xf32>,
        %parallel_loop3A_771 = arith.subf %parallel_loop3A_133, %parallel_loop3A_770 : vector<16xf32>
        %parallel_loop3A_772 = arith.mulf %parallel_loop3A_771, %parallel_loop3A_771 : vector<16xf32>
        %parallel_loop3A_773 = arith.constant 2 : i32
        %parallel_loop3A_774 = vector.broadcast %parallel_loop3A_773 : i32 to vector<16xi32>
        %parallel_loop3A_775 = arith.addi %parallel_loop3A_760, %parallel_loop3A_774 : vector<16xi32>
        %parallel_loop3A_776 = tpu.vector_load_idx %arg15[%parallel_loop3A_775] : memref<16896xf32, #tpu.memory_space<vmem>>[vector<16xi32>], vector<16xf32>,
        %parallel_loop3A_777 = arith.subf %parallel_loop3A_137, %parallel_loop3A_776 : vector<16xf32>
        %parallel_loop3A_778 = arith.mulf %parallel_loop3A_777, %parallel_loop3A_777 : vector<16xf32>
        %parallel_loop3A_779 = arith.constant 3 : i32
        %parallel_loop3A_780 = vector.broadcast %parallel_loop3A_779 : i32 to vector<16xi32>
        %parallel_loop3A_781 = arith.addi %parallel_loop3A_760, %parallel_loop3A_780 : vector<16xi32>
        %parallel_loop3A_782 = tpu.vector_load_idx %arg15[%parallel_loop3A_781] : memref<16896xf32, #tpu.memory_space<vmem>>[vector<16xi32>], vector<16xf32>,
        %parallel_loop3A_783 = arith.subf %parallel_loop3A_141, %parallel_loop3A_782 : vector<16xf32>
        %parallel_loop3A_784 = arith.mulf %parallel_loop3A_783, %parallel_loop3A_783 : vector<16xf32>
        %parallel_loop3A_785 = arith.constant 4 : i32
        %parallel_loop3A_786 = vector.broadcast %parallel_loop3A_785 : i32 to vector<16xi32>
        %parallel_loop3A_787 = arith.addi %parallel_loop3A_760, %parallel_loop3A_786 : vector<16xi32>
        %parallel_loop3A_788 = tpu.vector_load_idx %arg15[%parallel_loop3A_787] : memref<16896xf32, #tpu.memory_space<vmem>>[vector<16xi32>], vector<16xf32>,
        %parallel_loop3A_789 = arith.subf %parallel_loop3A_145, %parallel_loop3A_788 : vector<16xf32>
        %parallel_loop3A_790 = arith.mulf %parallel_loop3A_789, %parallel_loop3A_789 : vector<16xf32>
        %parallel_loop3A_791 = arith.constant 5 : i32
        %parallel_loop3A_792 = vector.broadcast %parallel_loop3A_791 : i32 to vector<16xi32>
        %parallel_loop3A_793 = arith.addi %parallel_loop3A_760, %parallel_loop3A_792 : vector<16xi32>
        %parallel_loop3A_794 = tpu.vector_load_idx %arg15[%parallel_loop3A_793] : memref<16896xf32, #tpu.memory_space<vmem>>[vector<16xi32>], vector<16xf32>,
        %parallel_loop3A_795 = arith.subf %parallel_loop3A_149, %parallel_loop3A_794 : vector<16xf32>
        %parallel_loop3A_796 = arith.mulf %parallel_loop3A_795, %parallel_loop3A_795 : vector<16xf32>
        %parallel_loop3A_797 = arith.constant 6 : i32
        %parallel_loop3A_798 = vector.broadcast %parallel_loop3A_797 : i32 to vector<16xi32>
        %parallel_loop3A_799 = arith.addi %parallel_loop3A_760, %parallel_loop3A_798 : vector<16xi32>
        %parallel_loop3A_800 = tpu.vector_load_idx %arg15[%parallel_loop3A_799] : memref<16896xf32, #tpu.memory_space<vmem>>[vector<16xi32>], vector<16xf32>,
        %parallel_loop3A_801 = arith.subf %parallel_loop3A_153, %parallel_loop3A_800 : vector<16xf32>
        %parallel_loop3A_802 = arith.mulf %parallel_loop3A_801, %parallel_loop3A_801 : vector<16xf32>
        %parallel_loop3A_803 = arith.constant 7 : i32
        %parallel_loop3A_804 = vector.broadcast %parallel_loop3A_803 : i32 to vector<16xi32>
        %parallel_loop3A_805 = arith.addi %parallel_loop3A_760, %parallel_loop3A_804 : vector<16xi32>
        %parallel_loop3A_806 = tpu.vector_load_idx %arg15[%parallel_loop3A_805] : memref<16896xf32, #tpu.memory_space<vmem>>[vector<16xi32>], vector<16xf32>,
        %parallel_loop3A_807 = arith.subf %parallel_loop3A_157, %parallel_loop3A_806 : vector<16xf32>
        %parallel_loop3A_808 = arith.mulf %parallel_loop3A_807, %parallel_loop3A_807 : vector<16xf32>
        %parallel_loop3A_809 = arith.constant 8 : i32
        %parallel_loop3A_810 = vector.broadcast %parallel_loop3A_809 : i32 to vector<16xi32>
        %parallel_loop3A_811 = arith.addi %parallel_loop3A_760, %parallel_loop3A_810 : vector<16xi32>
        %parallel_loop3A_812 = tpu.vector_load_idx %arg15[%parallel_loop3A_811] : memref<16896xf32, #tpu.memory_space<vmem>>[vector<16xi32>], vector<16xf32>,
        %parallel_loop3A_813 = arith.subf %parallel_loop3A_161, %parallel_loop3A_812 : vector<16xf32>
        %parallel_loop3A_814 = arith.mulf %parallel_loop3A_813, %parallel_loop3A_813 : vector<16xf32>
        %parallel_loop3A_815 = arith.constant 9 : i32
        %parallel_loop3A_816 = vector.broadcast %parallel_loop3A_815 : i32 to vector<16xi32>
        %parallel_loop3A_817 = arith.addi %parallel_loop3A_760, %parallel_loop3A_816 : vector<16xi32>
        %parallel_loop3A_818 = tpu.vector_load_idx %arg15[%parallel_loop3A_817] : memref<16896xf32, #tpu.memory_space<vmem>>[vector<16xi32>], vector<16xf32>,
        %parallel_loop3A_819 = arith.subf %parallel_loop3A_165, %parallel_loop3A_818 : vector<16xf32>
        %parallel_loop3A_820 = arith.mulf %parallel_loop3A_819, %parallel_loop3A_819 : vector<16xf32>
        %parallel_loop3A_821 = arith.constant 10 : i32
        %parallel_loop3A_822 = vector.broadcast %parallel_loop3A_821 : i32 to vector<16xi32>
        %parallel_loop3A_823 = arith.addi %parallel_loop3A_760, %parallel_loop3A_822 : vector<16xi32>
        %parallel_loop3A_824 = tpu.vector_load_idx %arg15[%parallel_loop3A_823] : memref<16896xf32, #tpu.memory_space<vmem>>[vector<16xi32>], vector<16xf32>,
        %parallel_loop3A_825 = arith.subf %parallel_loop3A_169, %parallel_loop3A_824 : vector<16xf32>
        %parallel_loop3A_826 = arith.mulf %parallel_loop3A_825, %parallel_loop3A_825 : vector<16xf32>
        %parallel_loop3A_827 = arith.constant 11 : i32
        %parallel_loop3A_828 = vector.broadcast %parallel_loop3A_827 : i32 to vector<16xi32>
        %parallel_loop3A_829 = arith.addi %parallel_loop3A_760, %parallel_loop3A_828 : vector<16xi32>
        %parallel_loop3A_830 = tpu.vector_load_idx %arg15[%parallel_loop3A_829] : memref<16896xf32, #tpu.memory_space<vmem>>[vector<16xi32>], vector<16xf32>,
        %parallel_loop3A_831 = arith.subf %parallel_loop3A_173, %parallel_loop3A_830 : vector<16xf32>
        %parallel_loop3A_832 = arith.mulf %parallel_loop3A_831, %parallel_loop3A_831 : vector<16xf32>
        %parallel_loop3A_833 = arith.constant 12 : i32
        %parallel_loop3A_834 = vector.broadcast %parallel_loop3A_833 : i32 to vector<16xi32>
        %parallel_loop3A_835 = arith.addi %parallel_loop3A_760, %parallel_loop3A_834 : vector<16xi32>
        %parallel_loop3A_836 = tpu.vector_load_idx %arg15[%parallel_loop3A_835] : memref<16896xf32, #tpu.memory_space<vmem>>[vector<16xi32>], vector<16xf32>,
        %parallel_loop3A_837 = arith.subf %parallel_loop3A_177, %parallel_loop3A_836 : vector<16xf32>
        %parallel_loop3A_838 = arith.mulf %parallel_loop3A_837, %parallel_loop3A_837 : vector<16xf32>
        %parallel_loop3A_839 = arith.constant 13 : i32
        %parallel_loop3A_840 = vector.broadcast %parallel_loop3A_839 : i32 to vector<16xi32>
        %parallel_loop3A_841 = arith.addi %parallel_loop3A_760, %parallel_loop3A_840 : vector<16xi32>
        %parallel_loop3A_842 = tpu.vector_load_idx %arg15[%parallel_loop3A_841] : memref<16896xf32, #tpu.memory_space<vmem>>[vector<16xi32>], vector<16xf32>,
        %parallel_loop3A_843 = arith.subf %parallel_loop3A_181, %parallel_loop3A_842 : vector<16xf32>
        %parallel_loop3A_844 = arith.mulf %parallel_loop3A_843, %parallel_loop3A_843 : vector<16xf32>
        %parallel_loop3A_845 = arith.constant 14 : i32
        %parallel_loop3A_846 = vector.broadcast %parallel_loop3A_845 : i32 to vector<16xi32>
        %parallel_loop3A_847 = arith.addi %parallel_loop3A_760, %parallel_loop3A_846 : vector<16xi32>
        %parallel_loop3A_848 = tpu.vector_load_idx %arg15[%parallel_loop3A_847] : memref<16896xf32, #tpu.memory_space<vmem>>[vector<16xi32>], vector<16xf32>,
        %parallel_loop3A_849 = arith.subf %parallel_loop3A_185, %parallel_loop3A_848 : vector<16xf32>
        %parallel_loop3A_850 = arith.mulf %parallel_loop3A_849, %parallel_loop3A_849 : vector<16xf32>
        %parallel_loop3A_851 = arith.constant 15 : i32
        %parallel_loop3A_852 = vector.broadcast %parallel_loop3A_851 : i32 to vector<16xi32>
        %parallel_loop3A_853 = arith.addi %parallel_loop3A_760, %parallel_loop3A_852 : vector<16xi32>
        %parallel_loop3A_854 = tpu.vector_load_idx %arg15[%parallel_loop3A_853] : memref<16896xf32, #tpu.memory_space<vmem>>[vector<16xi32>], vector<16xf32>,
        %parallel_loop3A_855 = arith.subf %parallel_loop3A_189, %parallel_loop3A_854 : vector<16xf32>
        %parallel_loop3A_856 = arith.mulf %parallel_loop3A_855, %parallel_loop3A_855 : vector<16xf32>
        %parallel_loop3A_857 = arith.constant 16 : i32
        %parallel_loop3A_858 = vector.broadcast %parallel_loop3A_857 : i32 to vector<16xi32>
        %parallel_loop3A_859 = arith.addi %parallel_loop3A_760, %parallel_loop3A_858 : vector<16xi32>
        %parallel_loop3A_860 = tpu.vector_load_idx %arg15[%parallel_loop3A_859] : memref<16896xf32, #tpu.memory_space<vmem>>[vector<16xi32>], vector<16xf32>,
        %parallel_loop3A_861 = arith.subf %parallel_loop3A_193, %parallel_loop3A_860 : vector<16xf32>
        %parallel_loop3A_862 = arith.mulf %parallel_loop3A_861, %parallel_loop3A_861 : vector<16xf32>
        %parallel_loop3A_863 = arith.constant 17 : i32
        %parallel_loop3A_864 = vector.broadcast %parallel_loop3A_863 : i32 to vector<16xi32>
        %parallel_loop3A_865 = arith.addi %parallel_loop3A_760, %parallel_loop3A_864 : vector<16xi32>
        %parallel_loop3A_866 = tpu.vector_load_idx %arg15[%parallel_loop3A_865] : memref<16896xf32, #tpu.memory_space<vmem>>[vector<16xi32>], vector<16xf32>,
        %parallel_loop3A_867 = arith.subf %parallel_loop3A_197, %parallel_loop3A_866 : vector<16xf32>
        %parallel_loop3A_868 = arith.mulf %parallel_loop3A_867, %parallel_loop3A_867 : vector<16xf32>
        %parallel_loop3A_869 = arith.constant 18 : i32
        %parallel_loop3A_870 = vector.broadcast %parallel_loop3A_869 : i32 to vector<16xi32>
        %parallel_loop3A_871 = arith.addi %parallel_loop3A_760, %parallel_loop3A_870 : vector<16xi32>
        %parallel_loop3A_872 = tpu.vector_load_idx %arg15[%parallel_loop3A_871] : memref<16896xf32, #tpu.memory_space<vmem>>[vector<16xi32>], vector<16xf32>,
        %parallel_loop3A_873 = arith.subf %parallel_loop3A_201, %parallel_loop3A_872 : vector<16xf32>
        %parallel_loop3A_874 = arith.mulf %parallel_loop3A_873, %parallel_loop3A_873 : vector<16xf32>
        %parallel_loop3A_875 = arith.constant 19 : i32
        %parallel_loop3A_876 = vector.broadcast %parallel_loop3A_875 : i32 to vector<16xi32>
        %parallel_loop3A_877 = arith.addi %parallel_loop3A_760, %parallel_loop3A_876 : vector<16xi32>
        %parallel_loop3A_878 = tpu.vector_load_idx %arg15[%parallel_loop3A_877] : memref<16896xf32, #tpu.memory_space<vmem>>[vector<16xi32>], vector<16xf32>,
        %parallel_loop3A_879 = arith.subf %parallel_loop3A_205, %parallel_loop3A_878 : vector<16xf32>
        %parallel_loop3A_880 = arith.mulf %parallel_loop3A_879, %parallel_loop3A_879 : vector<16xf32>
        %parallel_loop3A_881 = arith.constant 20 : i32
        %parallel_loop3A_882 = vector.broadcast %parallel_loop3A_881 : i32 to vector<16xi32>
        %parallel_loop3A_883 = arith.addi %parallel_loop3A_760, %parallel_loop3A_882 : vector<16xi32>
        %parallel_loop3A_884 = tpu.vector_load_idx %arg15[%parallel_loop3A_883] : memref<16896xf32, #tpu.memory_space<vmem>>[vector<16xi32>], vector<16xf32>,
        %parallel_loop3A_885 = arith.subf %parallel_loop3A_209, %parallel_loop3A_884 : vector<16xf32>
        %parallel_loop3A_886 = arith.mulf %parallel_loop3A_885, %parallel_loop3A_885 : vector<16xf32>
        %parallel_loop3A_887 = arith.constant 21 : i32
        %parallel_loop3A_888 = vector.broadcast %parallel_loop3A_887 : i32 to vector<16xi32>
        %parallel_loop3A_889 = arith.addi %parallel_loop3A_760, %parallel_loop3A_888 : vector<16xi32>
        %parallel_loop3A_890 = tpu.vector_load_idx %arg15[%parallel_loop3A_889] : memref<16896xf32, #tpu.memory_space<vmem>>[vector<16xi32>], vector<16xf32>,
        %parallel_loop3A_891 = arith.subf %parallel_loop3A_213, %parallel_loop3A_890 : vector<16xf32>
        %parallel_loop3A_892 = arith.mulf %parallel_loop3A_891, %parallel_loop3A_891 : vector<16xf32>
        %parallel_loop3A_893 = arith.constant 22 : i32
        %parallel_loop3A_894 = vector.broadcast %parallel_loop3A_893 : i32 to vector<16xi32>
        %parallel_loop3A_895 = arith.addi %parallel_loop3A_760, %parallel_loop3A_894 : vector<16xi32>
        %parallel_loop3A_896 = tpu.vector_load_idx %arg15[%parallel_loop3A_895] : memref<16896xf32, #tpu.memory_space<vmem>>[vector<16xi32>], vector<16xf32>,
        %parallel_loop3A_897 = arith.subf %parallel_loop3A_217, %parallel_loop3A_896 : vector<16xf32>
        %parallel_loop3A_898 = arith.mulf %parallel_loop3A_897, %parallel_loop3A_897 : vector<16xf32>
        %parallel_loop3A_899 = arith.constant 23 : i32
        %parallel_loop3A_900 = vector.broadcast %parallel_loop3A_899 : i32 to vector<16xi32>
        %parallel_loop3A_901 = arith.addi %parallel_loop3A_760, %parallel_loop3A_900 : vector<16xi32>
        %parallel_loop3A_902 = tpu.vector_load_idx %arg15[%parallel_loop3A_901] : memref<16896xf32, #tpu.memory_space<vmem>>[vector<16xi32>], vector<16xf32>,
        %parallel_loop3A_903 = arith.subf %parallel_loop3A_221, %parallel_loop3A_902 : vector<16xf32>
        %parallel_loop3A_904 = arith.mulf %parallel_loop3A_903, %parallel_loop3A_903 : vector<16xf32>
        %parallel_loop3A_905 = arith.constant 24 : i32
        %parallel_loop3A_906 = vector.broadcast %parallel_loop3A_905 : i32 to vector<16xi32>
        %parallel_loop3A_907 = arith.addi %parallel_loop3A_760, %parallel_loop3A_906 : vector<16xi32>
        %parallel_loop3A_908 = tpu.vector_load_idx %arg15[%parallel_loop3A_907] : memref<16896xf32, #tpu.memory_space<vmem>>[vector<16xi32>], vector<16xf32>,
        %parallel_loop3A_909 = arith.subf %parallel_loop3A_225, %parallel_loop3A_908 : vector<16xf32>
        %parallel_loop3A_910 = arith.mulf %parallel_loop3A_909, %parallel_loop3A_909 : vector<16xf32>
        %parallel_loop3A_911 = arith.constant 25 : i32
        %parallel_loop3A_912 = vector.broadcast %parallel_loop3A_911 : i32 to vector<16xi32>
        %parallel_loop3A_913 = arith.addi %parallel_loop3A_760, %parallel_loop3A_912 : vector<16xi32>
        %parallel_loop3A_914 = tpu.vector_load_idx %arg15[%parallel_loop3A_913] : memref<16896xf32, #tpu.memory_space<vmem>>[vector<16xi32>], vector<16xf32>,
        %parallel_loop3A_915 = arith.subf %parallel_loop3A_229, %parallel_loop3A_914 : vector<16xf32>
        %parallel_loop3A_916 = arith.mulf %parallel_loop3A_915, %parallel_loop3A_915 : vector<16xf32>
        %parallel_loop3A_917 = arith.constant 26 : i32
        %parallel_loop3A_918 = vector.broadcast %parallel_loop3A_917 : i32 to vector<16xi32>
        %parallel_loop3A_919 = arith.addi %parallel_loop3A_760, %parallel_loop3A_918 : vector<16xi32>
        %parallel_loop3A_920 = tpu.vector_load_idx %arg15[%parallel_loop3A_919] : memref<16896xf32, #tpu.memory_space<vmem>>[vector<16xi32>], vector<16xf32>,
        %parallel_loop3A_921 = arith.subf %parallel_loop3A_233, %parallel_loop3A_920 : vector<16xf32>
        %parallel_loop3A_922 = arith.mulf %parallel_loop3A_921, %parallel_loop3A_921 : vector<16xf32>
        %parallel_loop3A_923 = arith.constant 27 : i32
        %parallel_loop3A_924 = vector.broadcast %parallel_loop3A_923 : i32 to vector<16xi32>
        %parallel_loop3A_925 = arith.addi %parallel_loop3A_760, %parallel_loop3A_924 : vector<16xi32>
        %parallel_loop3A_926 = tpu.vector_load_idx %arg15[%parallel_loop3A_925] : memref<16896xf32, #tpu.memory_space<vmem>>[vector<16xi32>], vector<16xf32>,
        %parallel_loop3A_927 = arith.subf %parallel_loop3A_237, %parallel_loop3A_926 : vector<16xf32>
        %parallel_loop3A_928 = arith.mulf %parallel_loop3A_927, %parallel_loop3A_927 : vector<16xf32>
        %parallel_loop3A_929 = arith.constant 28 : i32
        %parallel_loop3A_930 = vector.broadcast %parallel_loop3A_929 : i32 to vector<16xi32>
        %parallel_loop3A_931 = arith.addi %parallel_loop3A_760, %parallel_loop3A_930 : vector<16xi32>
        %parallel_loop3A_932 = tpu.vector_load_idx %arg15[%parallel_loop3A_931] : memref<16896xf32, #tpu.memory_space<vmem>>[vector<16xi32>], vector<16xf32>,
        %parallel_loop3A_933 = arith.subf %parallel_loop3A_241, %parallel_loop3A_932 : vector<16xf32>
        %parallel_loop3A_934 = arith.mulf %parallel_loop3A_933, %parallel_loop3A_933 : vector<16xf32>
        %parallel_loop3A_935 = arith.constant 29 : i32
        %parallel_loop3A_936 = vector.broadcast %parallel_loop3A_935 : i32 to vector<16xi32>
        %parallel_loop3A_937 = arith.addi %parallel_loop3A_760, %parallel_loop3A_936 : vector<16xi32>
        %parallel_loop3A_938 = tpu.vector_load_idx %arg15[%parallel_loop3A_937] : memref<16896xf32, #tpu.memory_space<vmem>>[vector<16xi32>], vector<16xf32>,
        %parallel_loop3A_939 = arith.subf %parallel_loop3A_245, %parallel_loop3A_938 : vector<16xf32>
        %parallel_loop3A_940 = arith.mulf %parallel_loop3A_939, %parallel_loop3A_939 : vector<16xf32>
        %parallel_loop3A_941 = arith.constant 30 : i32
        %parallel_loop3A_942 = vector.broadcast %parallel_loop3A_941 : i32 to vector<16xi32>
        %parallel_loop3A_943 = arith.addi %parallel_loop3A_760, %parallel_loop3A_942 : vector<16xi32>
        %parallel_loop3A_944 = tpu.vector_load_idx %arg15[%parallel_loop3A_943] : memref<16896xf32, #tpu.memory_space<vmem>>[vector<16xi32>], vector<16xf32>,
        %parallel_loop3A_945 = arith.subf %parallel_loop3A_249, %parallel_loop3A_944 : vector<16xf32>
        %parallel_loop3A_946 = arith.mulf %parallel_loop3A_945, %parallel_loop3A_945 : vector<16xf32>
        %parallel_loop3A_947 = arith.constant 31 : i32
        %parallel_loop3A_948 = vector.broadcast %parallel_loop3A_947 : i32 to vector<16xi32>
        %parallel_loop3A_949 = arith.addi %parallel_loop3A_760, %parallel_loop3A_948 : vector<16xi32>
        %parallel_loop3A_950 = tpu.vector_load_idx %arg15[%parallel_loop3A_949] : memref<16896xf32, #tpu.memory_space<vmem>>[vector<16xi32>], vector<16xf32>,
        %parallel_loop3A_951 = arith.subf %parallel_loop3A_253, %parallel_loop3A_950 : vector<16xf32>
        %parallel_loop3A_952 = arith.mulf %parallel_loop3A_951, %parallel_loop3A_951 : vector<16xf32>
        %parallel_loop3A_953 = arith.addf %parallel_loop3A_766, %parallel_loop3A_772 : vector<16xf32>
        %parallel_loop3A_954 = arith.addf %parallel_loop3A_778, %parallel_loop3A_784 : vector<16xf32>
        %parallel_loop3A_955 = arith.addf %parallel_loop3A_790, %parallel_loop3A_796 : vector<16xf32>
        %parallel_loop3A_956 = arith.addf %parallel_loop3A_802, %parallel_loop3A_808 : vector<16xf32>
        %parallel_loop3A_957 = arith.addf %parallel_loop3A_814, %parallel_loop3A_820 : vector<16xf32>
        %parallel_loop3A_958 = arith.addf %parallel_loop3A_826, %parallel_loop3A_832 : vector<16xf32>
        %parallel_loop3A_959 = arith.addf %parallel_loop3A_838, %parallel_loop3A_844 : vector<16xf32>
        %parallel_loop3A_960 = arith.addf %parallel_loop3A_850, %parallel_loop3A_856 : vector<16xf32>
        %parallel_loop3A_961 = arith.addf %parallel_loop3A_862, %parallel_loop3A_868 : vector<16xf32>
        %parallel_loop3A_962 = arith.addf %parallel_loop3A_874, %parallel_loop3A_880 : vector<16xf32>
        %parallel_loop3A_963 = arith.addf %parallel_loop3A_886, %parallel_loop3A_892 : vector<16xf32>
        %parallel_loop3A_964 = arith.addf %parallel_loop3A_898, %parallel_loop3A_904 : vector<16xf32>
        %parallel_loop3A_965 = arith.addf %parallel_loop3A_910, %parallel_loop3A_916 : vector<16xf32>
        %parallel_loop3A_966 = arith.addf %parallel_loop3A_922, %parallel_loop3A_928 : vector<16xf32>
        %parallel_loop3A_967 = arith.addf %parallel_loop3A_934, %parallel_loop3A_940 : vector<16xf32>
        %parallel_loop3A_968 = arith.addf %parallel_loop3A_946, %parallel_loop3A_952 : vector<16xf32>
        %parallel_loop3A_969 = arith.addf %parallel_loop3A_953, %parallel_loop3A_954 : vector<16xf32>
        %parallel_loop3A_970 = arith.addf %parallel_loop3A_955, %parallel_loop3A_956 : vector<16xf32>
        %parallel_loop3A_971 = arith.addf %parallel_loop3A_957, %parallel_loop3A_958 : vector<16xf32>
        %parallel_loop3A_972 = arith.addf %parallel_loop3A_959, %parallel_loop3A_960 : vector<16xf32>
        %parallel_loop3A_973 = arith.addf %parallel_loop3A_961, %parallel_loop3A_962 : vector<16xf32>
        %parallel_loop3A_974 = arith.addf %parallel_loop3A_963, %parallel_loop3A_964 : vector<16xf32>
        %parallel_loop3A_975 = arith.addf %parallel_loop3A_965, %parallel_loop3A_966 : vector<16xf32>
        %parallel_loop3A_976 = arith.addf %parallel_loop3A_967, %parallel_loop3A_968 : vector<16xf32>
        %parallel_loop3A_977 = arith.addf %parallel_loop3A_969, %parallel_loop3A_970 : vector<16xf32>
        %parallel_loop3A_978 = arith.addf %parallel_loop3A_971, %parallel_loop3A_972 : vector<16xf32>
        %parallel_loop3A_979 = arith.addf %parallel_loop3A_973, %parallel_loop3A_974 : vector<16xf32>
        %parallel_loop3A_980 = arith.addf %parallel_loop3A_975, %parallel_loop3A_976 : vector<16xf32>
        %parallel_loop3A_981 = arith.addf %parallel_loop3A_977, %parallel_loop3A_978 : vector<16xf32>
        %parallel_loop3A_982 = arith.addf %parallel_loop3A_979, %parallel_loop3A_980 : vector<16xf32>
        %parallel_loop3A_983 = arith.addf %parallel_loop3A_981, %parallel_loop3A_982 : vector<16xf32>
        %parallel_loop3A_984 = arith.constant -5.000000e-01 : f32
        %parallel_loop3A_985 = vector.broadcast %parallel_loop3A_984 : f32 to vector<16xf32>
        %parallel_loop3A_986 = arith.mulf %parallel_loop3A_985, %parallel_loop3A_983 : vector<16xf32>
        %parallel_loop3A_987 = arith.constant 33 : i32
        %parallel_loop3A_988 = vector.broadcast %parallel_loop3A_987 : i32 to vector<16xi32>
        %parallel_loop3A_989 = arith.muli %parallel_loop3A_265, %parallel_loop3A_988 : vector<16xi32>
        %parallel_loop3A_990 = arith.constant 0 : i32
        %parallel_loop3A_991 = vector.broadcast %parallel_loop3A_990 : i32 to vector<16xi32>
        %parallel_loop3A_992 = arith.addi %parallel_loop3A_989, %parallel_loop3A_991 : vector<16xi32>
        %parallel_loop3A_993 = tpu.vector_load_idx %arg15[%parallel_loop3A_992] : memref<16896xf32, #tpu.memory_space<vmem>>[vector<16xi32>], vector<16xf32>,
        %parallel_loop3A_994 = arith.subf %parallel_loop3A_129, %parallel_loop3A_993 : vector<16xf32>
        %parallel_loop3A_995 = arith.mulf %parallel_loop3A_994, %parallel_loop3A_994 : vector<16xf32>
        %parallel_loop3A_996 = arith.constant 1 : i32
        %parallel_loop3A_997 = vector.broadcast %parallel_loop3A_996 : i32 to vector<16xi32>
        %parallel_loop3A_998 = arith.addi %parallel_loop3A_989, %parallel_loop3A_997 : vector<16xi32>
        %parallel_loop3A_999 = tpu.vector_load_idx %arg15[%parallel_loop3A_998] : memref<16896xf32, #tpu.memory_space<vmem>>[vector<16xi32>], vector<16xf32>,
        %parallel_loop3A_1000 = arith.subf %parallel_loop3A_133, %parallel_loop3A_999 : vector<16xf32>
        %parallel_loop3A_1001 = arith.mulf %parallel_loop3A_1000, %parallel_loop3A_1000 : vector<16xf32>
        %parallel_loop3A_1002 = arith.constant 2 : i32
        %parallel_loop3A_1003 = vector.broadcast %parallel_loop3A_1002 : i32 to vector<16xi32>
        %parallel_loop3A_1004 = arith.addi %parallel_loop3A_989, %parallel_loop3A_1003 : vector<16xi32>
        %parallel_loop3A_1005 = tpu.vector_load_idx %arg15[%parallel_loop3A_1004] : memref<16896xf32, #tpu.memory_space<vmem>>[vector<16xi32>], vector<16xf32>,
        %parallel_loop3A_1006 = arith.subf %parallel_loop3A_137, %parallel_loop3A_1005 : vector<16xf32>
        %parallel_loop3A_1007 = arith.mulf %parallel_loop3A_1006, %parallel_loop3A_1006 : vector<16xf32>
        %parallel_loop3A_1008 = arith.constant 3 : i32
        %parallel_loop3A_1009 = vector.broadcast %parallel_loop3A_1008 : i32 to vector<16xi32>
        %parallel_loop3A_1010 = arith.addi %parallel_loop3A_989, %parallel_loop3A_1009 : vector<16xi32>
        %parallel_loop3A_1011 = tpu.vector_load_idx %arg15[%parallel_loop3A_1010] : memref<16896xf32, #tpu.memory_space<vmem>>[vector<16xi32>], vector<16xf32>,
        %parallel_loop3A_1012 = arith.subf %parallel_loop3A_141, %parallel_loop3A_1011 : vector<16xf32>
        %parallel_loop3A_1013 = arith.mulf %parallel_loop3A_1012, %parallel_loop3A_1012 : vector<16xf32>
        %parallel_loop3A_1014 = arith.constant 4 : i32
        %parallel_loop3A_1015 = vector.broadcast %parallel_loop3A_1014 : i32 to vector<16xi32>
        %parallel_loop3A_1016 = arith.addi %parallel_loop3A_989, %parallel_loop3A_1015 : vector<16xi32>
        %parallel_loop3A_1017 = tpu.vector_load_idx %arg15[%parallel_loop3A_1016] : memref<16896xf32, #tpu.memory_space<vmem>>[vector<16xi32>], vector<16xf32>,
        %parallel_loop3A_1018 = arith.subf %parallel_loop3A_145, %parallel_loop3A_1017 : vector<16xf32>
        %parallel_loop3A_1019 = arith.mulf %parallel_loop3A_1018, %parallel_loop3A_1018 : vector<16xf32>
        %parallel_loop3A_1020 = arith.constant 5 : i32
        %parallel_loop3A_1021 = vector.broadcast %parallel_loop3A_1020 : i32 to vector<16xi32>
        %parallel_loop3A_1022 = arith.addi %parallel_loop3A_989, %parallel_loop3A_1021 : vector<16xi32>
        %parallel_loop3A_1023 = tpu.vector_load_idx %arg15[%parallel_loop3A_1022] : memref<16896xf32, #tpu.memory_space<vmem>>[vector<16xi32>], vector<16xf32>,
        %parallel_loop3A_1024 = arith.subf %parallel_loop3A_149, %parallel_loop3A_1023 : vector<16xf32>
        %parallel_loop3A_1025 = arith.mulf %parallel_loop3A_1024, %parallel_loop3A_1024 : vector<16xf32>
        %parallel_loop3A_1026 = arith.constant 6 : i32
        %parallel_loop3A_1027 = vector.broadcast %parallel_loop3A_1026 : i32 to vector<16xi32>
        %parallel_loop3A_1028 = arith.addi %parallel_loop3A_989, %parallel_loop3A_1027 : vector<16xi32>
        %parallel_loop3A_1029 = tpu.vector_load_idx %arg15[%parallel_loop3A_1028] : memref<16896xf32, #tpu.memory_space<vmem>>[vector<16xi32>], vector<16xf32>,
        %parallel_loop3A_1030 = arith.subf %parallel_loop3A_153, %parallel_loop3A_1029 : vector<16xf32>
        %parallel_loop3A_1031 = arith.mulf %parallel_loop3A_1030, %parallel_loop3A_1030 : vector<16xf32>
        %parallel_loop3A_1032 = arith.constant 7 : i32
        %parallel_loop3A_1033 = vector.broadcast %parallel_loop3A_1032 : i32 to vector<16xi32>
        %parallel_loop3A_1034 = arith.addi %parallel_loop3A_989, %parallel_loop3A_1033 : vector<16xi32>
        %parallel_loop3A_1035 = tpu.vector_load_idx %arg15[%parallel_loop3A_1034] : memref<16896xf32, #tpu.memory_space<vmem>>[vector<16xi32>], vector<16xf32>,
        %parallel_loop3A_1036 = arith.subf %parallel_loop3A_157, %parallel_loop3A_1035 : vector<16xf32>
        %parallel_loop3A_1037 = arith.mulf %parallel_loop3A_1036, %parallel_loop3A_1036 : vector<16xf32>
        %parallel_loop3A_1038 = arith.constant 8 : i32
        %parallel_loop3A_1039 = vector.broadcast %parallel_loop3A_1038 : i32 to vector<16xi32>
        %parallel_loop3A_1040 = arith.addi %parallel_loop3A_989, %parallel_loop3A_1039 : vector<16xi32>
        %parallel_loop3A_1041 = tpu.vector_load_idx %arg15[%parallel_loop3A_1040] : memref<16896xf32, #tpu.memory_space<vmem>>[vector<16xi32>], vector<16xf32>,
        %parallel_loop3A_1042 = arith.subf %parallel_loop3A_161, %parallel_loop3A_1041 : vector<16xf32>
        %parallel_loop3A_1043 = arith.mulf %parallel_loop3A_1042, %parallel_loop3A_1042 : vector<16xf32>
        %parallel_loop3A_1044 = arith.constant 9 : i32
        %parallel_loop3A_1045 = vector.broadcast %parallel_loop3A_1044 : i32 to vector<16xi32>
        %parallel_loop3A_1046 = arith.addi %parallel_loop3A_989, %parallel_loop3A_1045 : vector<16xi32>
        %parallel_loop3A_1047 = tpu.vector_load_idx %arg15[%parallel_loop3A_1046] : memref<16896xf32, #tpu.memory_space<vmem>>[vector<16xi32>], vector<16xf32>,
        %parallel_loop3A_1048 = arith.subf %parallel_loop3A_165, %parallel_loop3A_1047 : vector<16xf32>
        %parallel_loop3A_1049 = arith.mulf %parallel_loop3A_1048, %parallel_loop3A_1048 : vector<16xf32>
        %parallel_loop3A_1050 = arith.constant 10 : i32
        %parallel_loop3A_1051 = vector.broadcast %parallel_loop3A_1050 : i32 to vector<16xi32>
        %parallel_loop3A_1052 = arith.addi %parallel_loop3A_989, %parallel_loop3A_1051 : vector<16xi32>
        %parallel_loop3A_1053 = tpu.vector_load_idx %arg15[%parallel_loop3A_1052] : memref<16896xf32, #tpu.memory_space<vmem>>[vector<16xi32>], vector<16xf32>,
        %parallel_loop3A_1054 = arith.subf %parallel_loop3A_169, %parallel_loop3A_1053 : vector<16xf32>
        %parallel_loop3A_1055 = arith.mulf %parallel_loop3A_1054, %parallel_loop3A_1054 : vector<16xf32>
        %parallel_loop3A_1056 = arith.constant 11 : i32
        %parallel_loop3A_1057 = vector.broadcast %parallel_loop3A_1056 : i32 to vector<16xi32>
        %parallel_loop3A_1058 = arith.addi %parallel_loop3A_989, %parallel_loop3A_1057 : vector<16xi32>
        %parallel_loop3A_1059 = tpu.vector_load_idx %arg15[%parallel_loop3A_1058] : memref<16896xf32, #tpu.memory_space<vmem>>[vector<16xi32>], vector<16xf32>,
        %parallel_loop3A_1060 = arith.subf %parallel_loop3A_173, %parallel_loop3A_1059 : vector<16xf32>
        %parallel_loop3A_1061 = arith.mulf %parallel_loop3A_1060, %parallel_loop3A_1060 : vector<16xf32>
        %parallel_loop3A_1062 = arith.constant 12 : i32
        %parallel_loop3A_1063 = vector.broadcast %parallel_loop3A_1062 : i32 to vector<16xi32>
        %parallel_loop3A_1064 = arith.addi %parallel_loop3A_989, %parallel_loop3A_1063 : vector<16xi32>
        %parallel_loop3A_1065 = tpu.vector_load_idx %arg15[%parallel_loop3A_1064] : memref<16896xf32, #tpu.memory_space<vmem>>[vector<16xi32>], vector<16xf32>,
        %parallel_loop3A_1066 = arith.subf %parallel_loop3A_177, %parallel_loop3A_1065 : vector<16xf32>
        %parallel_loop3A_1067 = arith.mulf %parallel_loop3A_1066, %parallel_loop3A_1066 : vector<16xf32>
        %parallel_loop3A_1068 = arith.constant 13 : i32
        %parallel_loop3A_1069 = vector.broadcast %parallel_loop3A_1068 : i32 to vector<16xi32>
        %parallel_loop3A_1070 = arith.addi %parallel_loop3A_989, %parallel_loop3A_1069 : vector<16xi32>
        %parallel_loop3A_1071 = tpu.vector_load_idx %arg15[%parallel_loop3A_1070] : memref<16896xf32, #tpu.memory_space<vmem>>[vector<16xi32>], vector<16xf32>,
        %parallel_loop3A_1072 = arith.subf %parallel_loop3A_181, %parallel_loop3A_1071 : vector<16xf32>
        %parallel_loop3A_1073 = arith.mulf %parallel_loop3A_1072, %parallel_loop3A_1072 : vector<16xf32>
        %parallel_loop3A_1074 = arith.constant 14 : i32
        %parallel_loop3A_1075 = vector.broadcast %parallel_loop3A_1074 : i32 to vector<16xi32>
        %parallel_loop3A_1076 = arith.addi %parallel_loop3A_989, %parallel_loop3A_1075 : vector<16xi32>
        %parallel_loop3A_1077 = tpu.vector_load_idx %arg15[%parallel_loop3A_1076] : memref<16896xf32, #tpu.memory_space<vmem>>[vector<16xi32>], vector<16xf32>,
        %parallel_loop3A_1078 = arith.subf %parallel_loop3A_185, %parallel_loop3A_1077 : vector<16xf32>
        %parallel_loop3A_1079 = arith.mulf %parallel_loop3A_1078, %parallel_loop3A_1078 : vector<16xf32>
        %parallel_loop3A_1080 = arith.constant 15 : i32
        %parallel_loop3A_1081 = vector.broadcast %parallel_loop3A_1080 : i32 to vector<16xi32>
        %parallel_loop3A_1082 = arith.addi %parallel_loop3A_989, %parallel_loop3A_1081 : vector<16xi32>
        %parallel_loop3A_1083 = tpu.vector_load_idx %arg15[%parallel_loop3A_1082] : memref<16896xf32, #tpu.memory_space<vmem>>[vector<16xi32>], vector<16xf32>,
        %parallel_loop3A_1084 = arith.subf %parallel_loop3A_189, %parallel_loop3A_1083 : vector<16xf32>
        %parallel_loop3A_1085 = arith.mulf %parallel_loop3A_1084, %parallel_loop3A_1084 : vector<16xf32>
        %parallel_loop3A_1086 = arith.constant 16 : i32
        %parallel_loop3A_1087 = vector.broadcast %parallel_loop3A_1086 : i32 to vector<16xi32>
        %parallel_loop3A_1088 = arith.addi %parallel_loop3A_989, %parallel_loop3A_1087 : vector<16xi32>
        %parallel_loop3A_1089 = tpu.vector_load_idx %arg15[%parallel_loop3A_1088] : memref<16896xf32, #tpu.memory_space<vmem>>[vector<16xi32>], vector<16xf32>,
        %parallel_loop3A_1090 = arith.subf %parallel_loop3A_193, %parallel_loop3A_1089 : vector<16xf32>
        %parallel_loop3A_1091 = arith.mulf %parallel_loop3A_1090, %parallel_loop3A_1090 : vector<16xf32>
        %parallel_loop3A_1092 = arith.constant 17 : i32
        %parallel_loop3A_1093 = vector.broadcast %parallel_loop3A_1092 : i32 to vector<16xi32>
        %parallel_loop3A_1094 = arith.addi %parallel_loop3A_989, %parallel_loop3A_1093 : vector<16xi32>
        %parallel_loop3A_1095 = tpu.vector_load_idx %arg15[%parallel_loop3A_1094] : memref<16896xf32, #tpu.memory_space<vmem>>[vector<16xi32>], vector<16xf32>,
        %parallel_loop3A_1096 = arith.subf %parallel_loop3A_197, %parallel_loop3A_1095 : vector<16xf32>
        %parallel_loop3A_1097 = arith.mulf %parallel_loop3A_1096, %parallel_loop3A_1096 : vector<16xf32>
        %parallel_loop3A_1098 = arith.constant 18 : i32
        %parallel_loop3A_1099 = vector.broadcast %parallel_loop3A_1098 : i32 to vector<16xi32>
        %parallel_loop3A_1100 = arith.addi %parallel_loop3A_989, %parallel_loop3A_1099 : vector<16xi32>
        %parallel_loop3A_1101 = tpu.vector_load_idx %arg15[%parallel_loop3A_1100] : memref<16896xf32, #tpu.memory_space<vmem>>[vector<16xi32>], vector<16xf32>,
        %parallel_loop3A_1102 = arith.subf %parallel_loop3A_201, %parallel_loop3A_1101 : vector<16xf32>
        %parallel_loop3A_1103 = arith.mulf %parallel_loop3A_1102, %parallel_loop3A_1102 : vector<16xf32>
        %parallel_loop3A_1104 = arith.constant 19 : i32
        %parallel_loop3A_1105 = vector.broadcast %parallel_loop3A_1104 : i32 to vector<16xi32>
        %parallel_loop3A_1106 = arith.addi %parallel_loop3A_989, %parallel_loop3A_1105 : vector<16xi32>
        %parallel_loop3A_1107 = tpu.vector_load_idx %arg15[%parallel_loop3A_1106] : memref<16896xf32, #tpu.memory_space<vmem>>[vector<16xi32>], vector<16xf32>,
        %parallel_loop3A_1108 = arith.subf %parallel_loop3A_205, %parallel_loop3A_1107 : vector<16xf32>
        %parallel_loop3A_1109 = arith.mulf %parallel_loop3A_1108, %parallel_loop3A_1108 : vector<16xf32>
        %parallel_loop3A_1110 = arith.constant 20 : i32
        %parallel_loop3A_1111 = vector.broadcast %parallel_loop3A_1110 : i32 to vector<16xi32>
        %parallel_loop3A_1112 = arith.addi %parallel_loop3A_989, %parallel_loop3A_1111 : vector<16xi32>
        %parallel_loop3A_1113 = tpu.vector_load_idx %arg15[%parallel_loop3A_1112] : memref<16896xf32, #tpu.memory_space<vmem>>[vector<16xi32>], vector<16xf32>,
        %parallel_loop3A_1114 = arith.subf %parallel_loop3A_209, %parallel_loop3A_1113 : vector<16xf32>
        %parallel_loop3A_1115 = arith.mulf %parallel_loop3A_1114, %parallel_loop3A_1114 : vector<16xf32>
        %parallel_loop3A_1116 = arith.constant 21 : i32
        %parallel_loop3A_1117 = vector.broadcast %parallel_loop3A_1116 : i32 to vector<16xi32>
        %parallel_loop3A_1118 = arith.addi %parallel_loop3A_989, %parallel_loop3A_1117 : vector<16xi32>
        %parallel_loop3A_1119 = tpu.vector_load_idx %arg15[%parallel_loop3A_1118] : memref<16896xf32, #tpu.memory_space<vmem>>[vector<16xi32>], vector<16xf32>,
        %parallel_loop3A_1120 = arith.subf %parallel_loop3A_213, %parallel_loop3A_1119 : vector<16xf32>
        %parallel_loop3A_1121 = arith.mulf %parallel_loop3A_1120, %parallel_loop3A_1120 : vector<16xf32>
        %parallel_loop3A_1122 = arith.constant 22 : i32
        %parallel_loop3A_1123 = vector.broadcast %parallel_loop3A_1122 : i32 to vector<16xi32>
        %parallel_loop3A_1124 = arith.addi %parallel_loop3A_989, %parallel_loop3A_1123 : vector<16xi32>
        %parallel_loop3A_1125 = tpu.vector_load_idx %arg15[%parallel_loop3A_1124] : memref<16896xf32, #tpu.memory_space<vmem>>[vector<16xi32>], vector<16xf32>,
        %parallel_loop3A_1126 = arith.subf %parallel_loop3A_217, %parallel_loop3A_1125 : vector<16xf32>
        %parallel_loop3A_1127 = arith.mulf %parallel_loop3A_1126, %parallel_loop3A_1126 : vector<16xf32>
        %parallel_loop3A_1128 = arith.constant 23 : i32
        %parallel_loop3A_1129 = vector.broadcast %parallel_loop3A_1128 : i32 to vector<16xi32>
        %parallel_loop3A_1130 = arith.addi %parallel_loop3A_989, %parallel_loop3A_1129 : vector<16xi32>
        %parallel_loop3A_1131 = tpu.vector_load_idx %arg15[%parallel_loop3A_1130] : memref<16896xf32, #tpu.memory_space<vmem>>[vector<16xi32>], vector<16xf32>,
        %parallel_loop3A_1132 = arith.subf %parallel_loop3A_221, %parallel_loop3A_1131 : vector<16xf32>
        %parallel_loop3A_1133 = arith.mulf %parallel_loop3A_1132, %parallel_loop3A_1132 : vector<16xf32>
        %parallel_loop3A_1134 = arith.constant 24 : i32
        %parallel_loop3A_1135 = vector.broadcast %parallel_loop3A_1134 : i32 to vector<16xi32>
        %parallel_loop3A_1136 = arith.addi %parallel_loop3A_989, %parallel_loop3A_1135 : vector<16xi32>
        %parallel_loop3A_1137 = tpu.vector_load_idx %arg15[%parallel_loop3A_1136] : memref<16896xf32, #tpu.memory_space<vmem>>[vector<16xi32>], vector<16xf32>,
        %parallel_loop3A_1138 = arith.subf %parallel_loop3A_225, %parallel_loop3A_1137 : vector<16xf32>
        %parallel_loop3A_1139 = arith.mulf %parallel_loop3A_1138, %parallel_loop3A_1138 : vector<16xf32>
        %parallel_loop3A_1140 = arith.constant 25 : i32
        %parallel_loop3A_1141 = vector.broadcast %parallel_loop3A_1140 : i32 to vector<16xi32>
        %parallel_loop3A_1142 = arith.addi %parallel_loop3A_989, %parallel_loop3A_1141 : vector<16xi32>
        %parallel_loop3A_1143 = tpu.vector_load_idx %arg15[%parallel_loop3A_1142] : memref<16896xf32, #tpu.memory_space<vmem>>[vector<16xi32>], vector<16xf32>,
        %parallel_loop3A_1144 = arith.subf %parallel_loop3A_229, %parallel_loop3A_1143 : vector<16xf32>
        %parallel_loop3A_1145 = arith.mulf %parallel_loop3A_1144, %parallel_loop3A_1144 : vector<16xf32>
        %parallel_loop3A_1146 = arith.constant 26 : i32
        %parallel_loop3A_1147 = vector.broadcast %parallel_loop3A_1146 : i32 to vector<16xi32>
        %parallel_loop3A_1148 = arith.addi %parallel_loop3A_989, %parallel_loop3A_1147 : vector<16xi32>
        %parallel_loop3A_1149 = tpu.vector_load_idx %arg15[%parallel_loop3A_1148] : memref<16896xf32, #tpu.memory_space<vmem>>[vector<16xi32>], vector<16xf32>,
        %parallel_loop3A_1150 = arith.subf %parallel_loop3A_233, %parallel_loop3A_1149 : vector<16xf32>
        %parallel_loop3A_1151 = arith.mulf %parallel_loop3A_1150, %parallel_loop3A_1150 : vector<16xf32>
        %parallel_loop3A_1152 = arith.constant 27 : i32
        %parallel_loop3A_1153 = vector.broadcast %parallel_loop3A_1152 : i32 to vector<16xi32>
        %parallel_loop3A_1154 = arith.addi %parallel_loop3A_989, %parallel_loop3A_1153 : vector<16xi32>
        %parallel_loop3A_1155 = tpu.vector_load_idx %arg15[%parallel_loop3A_1154] : memref<16896xf32, #tpu.memory_space<vmem>>[vector<16xi32>], vector<16xf32>,
        %parallel_loop3A_1156 = arith.subf %parallel_loop3A_237, %parallel_loop3A_1155 : vector<16xf32>
        %parallel_loop3A_1157 = arith.mulf %parallel_loop3A_1156, %parallel_loop3A_1156 : vector<16xf32>
        %parallel_loop3A_1158 = arith.constant 28 : i32
        %parallel_loop3A_1159 = vector.broadcast %parallel_loop3A_1158 : i32 to vector<16xi32>
        %parallel_loop3A_1160 = arith.addi %parallel_loop3A_989, %parallel_loop3A_1159 : vector<16xi32>
        %parallel_loop3A_1161 = tpu.vector_load_idx %arg15[%parallel_loop3A_1160] : memref<16896xf32, #tpu.memory_space<vmem>>[vector<16xi32>], vector<16xf32>,
        %parallel_loop3A_1162 = arith.subf %parallel_loop3A_241, %parallel_loop3A_1161 : vector<16xf32>
        %parallel_loop3A_1163 = arith.mulf %parallel_loop3A_1162, %parallel_loop3A_1162 : vector<16xf32>
        %parallel_loop3A_1164 = arith.constant 29 : i32
        %parallel_loop3A_1165 = vector.broadcast %parallel_loop3A_1164 : i32 to vector<16xi32>
        %parallel_loop3A_1166 = arith.addi %parallel_loop3A_989, %parallel_loop3A_1165 : vector<16xi32>
        %parallel_loop3A_1167 = tpu.vector_load_idx %arg15[%parallel_loop3A_1166] : memref<16896xf32, #tpu.memory_space<vmem>>[vector<16xi32>], vector<16xf32>,
        %parallel_loop3A_1168 = arith.subf %parallel_loop3A_245, %parallel_loop3A_1167 : vector<16xf32>
        %parallel_loop3A_1169 = arith.mulf %parallel_loop3A_1168, %parallel_loop3A_1168 : vector<16xf32>
        %parallel_loop3A_1170 = arith.constant 30 : i32
        %parallel_loop3A_1171 = vector.broadcast %parallel_loop3A_1170 : i32 to vector<16xi32>
        %parallel_loop3A_1172 = arith.addi %parallel_loop3A_989, %parallel_loop3A_1171 : vector<16xi32>
        %parallel_loop3A_1173 = tpu.vector_load_idx %arg15[%parallel_loop3A_1172] : memref<16896xf32, #tpu.memory_space<vmem>>[vector<16xi32>], vector<16xf32>,
        %parallel_loop3A_1174 = arith.subf %parallel_loop3A_249, %parallel_loop3A_1173 : vector<16xf32>
        %parallel_loop3A_1175 = arith.mulf %parallel_loop3A_1174, %parallel_loop3A_1174 : vector<16xf32>
        %parallel_loop3A_1176 = arith.constant 31 : i32
        %parallel_loop3A_1177 = vector.broadcast %parallel_loop3A_1176 : i32 to vector<16xi32>
        %parallel_loop3A_1178 = arith.addi %parallel_loop3A_989, %parallel_loop3A_1177 : vector<16xi32>
        %parallel_loop3A_1179 = tpu.vector_load_idx %arg15[%parallel_loop3A_1178] : memref<16896xf32, #tpu.memory_space<vmem>>[vector<16xi32>], vector<16xf32>,
        %parallel_loop3A_1180 = arith.subf %parallel_loop3A_253, %parallel_loop3A_1179 : vector<16xf32>
        %parallel_loop3A_1181 = arith.mulf %parallel_loop3A_1180, %parallel_loop3A_1180 : vector<16xf32>
        %parallel_loop3A_1182 = arith.addf %parallel_loop3A_995, %parallel_loop3A_1001 : vector<16xf32>
        %parallel_loop3A_1183 = arith.addf %parallel_loop3A_1007, %parallel_loop3A_1013 : vector<16xf32>
        %parallel_loop3A_1184 = arith.addf %parallel_loop3A_1019, %parallel_loop3A_1025 : vector<16xf32>
        %parallel_loop3A_1185 = arith.addf %parallel_loop3A_1031, %parallel_loop3A_1037 : vector<16xf32>
        %parallel_loop3A_1186 = arith.addf %parallel_loop3A_1043, %parallel_loop3A_1049 : vector<16xf32>
        %parallel_loop3A_1187 = arith.addf %parallel_loop3A_1055, %parallel_loop3A_1061 : vector<16xf32>
        %parallel_loop3A_1188 = arith.addf %parallel_loop3A_1067, %parallel_loop3A_1073 : vector<16xf32>
        %parallel_loop3A_1189 = arith.addf %parallel_loop3A_1079, %parallel_loop3A_1085 : vector<16xf32>
        %parallel_loop3A_1190 = arith.addf %parallel_loop3A_1091, %parallel_loop3A_1097 : vector<16xf32>
        %parallel_loop3A_1191 = arith.addf %parallel_loop3A_1103, %parallel_loop3A_1109 : vector<16xf32>
        %parallel_loop3A_1192 = arith.addf %parallel_loop3A_1115, %parallel_loop3A_1121 : vector<16xf32>
        %parallel_loop3A_1193 = arith.addf %parallel_loop3A_1127, %parallel_loop3A_1133 : vector<16xf32>
        %parallel_loop3A_1194 = arith.addf %parallel_loop3A_1139, %parallel_loop3A_1145 : vector<16xf32>
        %parallel_loop3A_1195 = arith.addf %parallel_loop3A_1151, %parallel_loop3A_1157 : vector<16xf32>
        %parallel_loop3A_1196 = arith.addf %parallel_loop3A_1163, %parallel_loop3A_1169 : vector<16xf32>
        %parallel_loop3A_1197 = arith.addf %parallel_loop3A_1175, %parallel_loop3A_1181 : vector<16xf32>
        %parallel_loop3A_1198 = arith.addf %parallel_loop3A_1182, %parallel_loop3A_1183 : vector<16xf32>
        %parallel_loop3A_1199 = arith.addf %parallel_loop3A_1184, %parallel_loop3A_1185 : vector<16xf32>
        %parallel_loop3A_1200 = arith.addf %parallel_loop3A_1186, %parallel_loop3A_1187 : vector<16xf32>
        %parallel_loop3A_1201 = arith.addf %parallel_loop3A_1188, %parallel_loop3A_1189 : vector<16xf32>
        %parallel_loop3A_1202 = arith.addf %parallel_loop3A_1190, %parallel_loop3A_1191 : vector<16xf32>
        %parallel_loop3A_1203 = arith.addf %parallel_loop3A_1192, %parallel_loop3A_1193 : vector<16xf32>
        %parallel_loop3A_1204 = arith.addf %parallel_loop3A_1194, %parallel_loop3A_1195 : vector<16xf32>
        %parallel_loop3A_1205 = arith.addf %parallel_loop3A_1196, %parallel_loop3A_1197 : vector<16xf32>
        %parallel_loop3A_1206 = arith.addf %parallel_loop3A_1198, %parallel_loop3A_1199 : vector<16xf32>
        %parallel_loop3A_1207 = arith.addf %parallel_loop3A_1200, %parallel_loop3A_1201 : vector<16xf32>
        %parallel_loop3A_1208 = arith.addf %parallel_loop3A_1202, %parallel_loop3A_1203 : vector<16xf32>
        %parallel_loop3A_1209 = arith.addf %parallel_loop3A_1204, %parallel_loop3A_1205 : vector<16xf32>
        %parallel_loop3A_1210 = arith.addf %parallel_loop3A_1206, %parallel_loop3A_1207 : vector<16xf32>
        %parallel_loop3A_1211 = arith.addf %parallel_loop3A_1208, %parallel_loop3A_1209 : vector<16xf32>
        %parallel_loop3A_1212 = arith.addf %parallel_loop3A_1210, %parallel_loop3A_1211 : vector<16xf32>
        %parallel_loop3A_1213 = arith.constant -5.000000e-01 : f32
        %parallel_loop3A_1214 = vector.broadcast %parallel_loop3A_1213 : f32 to vector<16xf32>
        %parallel_loop3A_1215 = arith.mulf %parallel_loop3A_1214, %parallel_loop3A_1212 : vector<16xf32>
        %parallel_loop3A_1216 = arith.constant 33 : i32
        %parallel_loop3A_1217 = vector.broadcast %parallel_loop3A_1216 : i32 to vector<16xi32>
        %parallel_loop3A_1218 = arith.muli %parallel_loop3A_268, %parallel_loop3A_1217 : vector<16xi32>
        %parallel_loop3A_1219 = arith.constant 0 : i32
        %parallel_loop3A_1220 = vector.broadcast %parallel_loop3A_1219 : i32 to vector<16xi32>
        %parallel_loop3A_1221 = arith.addi %parallel_loop3A_1218, %parallel_loop3A_1220 : vector<16xi32>
        %parallel_loop3A_1222 = tpu.vector_load_idx %arg15[%parallel_loop3A_1221] : memref<16896xf32, #tpu.memory_space<vmem>>[vector<16xi32>], vector<16xf32>,
        %parallel_loop3A_1223 = arith.subf %parallel_loop3A_129, %parallel_loop3A_1222 : vector<16xf32>
        %parallel_loop3A_1224 = arith.mulf %parallel_loop3A_1223, %parallel_loop3A_1223 : vector<16xf32>
        %parallel_loop3A_1225 = arith.constant 1 : i32
        %parallel_loop3A_1226 = vector.broadcast %parallel_loop3A_1225 : i32 to vector<16xi32>
        %parallel_loop3A_1227 = arith.addi %parallel_loop3A_1218, %parallel_loop3A_1226 : vector<16xi32>
        %parallel_loop3A_1228 = tpu.vector_load_idx %arg15[%parallel_loop3A_1227] : memref<16896xf32, #tpu.memory_space<vmem>>[vector<16xi32>], vector<16xf32>,
        %parallel_loop3A_1229 = arith.subf %parallel_loop3A_133, %parallel_loop3A_1228 : vector<16xf32>
        %parallel_loop3A_1230 = arith.mulf %parallel_loop3A_1229, %parallel_loop3A_1229 : vector<16xf32>
        %parallel_loop3A_1231 = arith.constant 2 : i32
        %parallel_loop3A_1232 = vector.broadcast %parallel_loop3A_1231 : i32 to vector<16xi32>
        %parallel_loop3A_1233 = arith.addi %parallel_loop3A_1218, %parallel_loop3A_1232 : vector<16xi32>
        %parallel_loop3A_1234 = tpu.vector_load_idx %arg15[%parallel_loop3A_1233] : memref<16896xf32, #tpu.memory_space<vmem>>[vector<16xi32>], vector<16xf32>,
        %parallel_loop3A_1235 = arith.subf %parallel_loop3A_137, %parallel_loop3A_1234 : vector<16xf32>
        %parallel_loop3A_1236 = arith.mulf %parallel_loop3A_1235, %parallel_loop3A_1235 : vector<16xf32>
        %parallel_loop3A_1237 = arith.constant 3 : i32
        %parallel_loop3A_1238 = vector.broadcast %parallel_loop3A_1237 : i32 to vector<16xi32>
        %parallel_loop3A_1239 = arith.addi %parallel_loop3A_1218, %parallel_loop3A_1238 : vector<16xi32>
        %parallel_loop3A_1240 = tpu.vector_load_idx %arg15[%parallel_loop3A_1239] : memref<16896xf32, #tpu.memory_space<vmem>>[vector<16xi32>], vector<16xf32>,
        %parallel_loop3A_1241 = arith.subf %parallel_loop3A_141, %parallel_loop3A_1240 : vector<16xf32>
        %parallel_loop3A_1242 = arith.mulf %parallel_loop3A_1241, %parallel_loop3A_1241 : vector<16xf32>
        %parallel_loop3A_1243 = arith.constant 4 : i32
        %parallel_loop3A_1244 = vector.broadcast %parallel_loop3A_1243 : i32 to vector<16xi32>
        %parallel_loop3A_1245 = arith.addi %parallel_loop3A_1218, %parallel_loop3A_1244 : vector<16xi32>
        %parallel_loop3A_1246 = tpu.vector_load_idx %arg15[%parallel_loop3A_1245] : memref<16896xf32, #tpu.memory_space<vmem>>[vector<16xi32>], vector<16xf32>,
        %parallel_loop3A_1247 = arith.subf %parallel_loop3A_145, %parallel_loop3A_1246 : vector<16xf32>
        %parallel_loop3A_1248 = arith.mulf %parallel_loop3A_1247, %parallel_loop3A_1247 : vector<16xf32>
        %parallel_loop3A_1249 = arith.constant 5 : i32
        %parallel_loop3A_1250 = vector.broadcast %parallel_loop3A_1249 : i32 to vector<16xi32>
        %parallel_loop3A_1251 = arith.addi %parallel_loop3A_1218, %parallel_loop3A_1250 : vector<16xi32>
        %parallel_loop3A_1252 = tpu.vector_load_idx %arg15[%parallel_loop3A_1251] : memref<16896xf32, #tpu.memory_space<vmem>>[vector<16xi32>], vector<16xf32>,
        %parallel_loop3A_1253 = arith.subf %parallel_loop3A_149, %parallel_loop3A_1252 : vector<16xf32>
        %parallel_loop3A_1254 = arith.mulf %parallel_loop3A_1253, %parallel_loop3A_1253 : vector<16xf32>
        %parallel_loop3A_1255 = arith.constant 6 : i32
        %parallel_loop3A_1256 = vector.broadcast %parallel_loop3A_1255 : i32 to vector<16xi32>
        %parallel_loop3A_1257 = arith.addi %parallel_loop3A_1218, %parallel_loop3A_1256 : vector<16xi32>
        %parallel_loop3A_1258 = tpu.vector_load_idx %arg15[%parallel_loop3A_1257] : memref<16896xf32, #tpu.memory_space<vmem>>[vector<16xi32>], vector<16xf32>,
        %parallel_loop3A_1259 = arith.subf %parallel_loop3A_153, %parallel_loop3A_1258 : vector<16xf32>
        %parallel_loop3A_1260 = arith.mulf %parallel_loop3A_1259, %parallel_loop3A_1259 : vector<16xf32>
        %parallel_loop3A_1261 = arith.constant 7 : i32
        %parallel_loop3A_1262 = vector.broadcast %parallel_loop3A_1261 : i32 to vector<16xi32>
        %parallel_loop3A_1263 = arith.addi %parallel_loop3A_1218, %parallel_loop3A_1262 : vector<16xi32>
        %parallel_loop3A_1264 = tpu.vector_load_idx %arg15[%parallel_loop3A_1263] : memref<16896xf32, #tpu.memory_space<vmem>>[vector<16xi32>], vector<16xf32>,
        %parallel_loop3A_1265 = arith.subf %parallel_loop3A_157, %parallel_loop3A_1264 : vector<16xf32>
        %parallel_loop3A_1266 = arith.mulf %parallel_loop3A_1265, %parallel_loop3A_1265 : vector<16xf32>
        %parallel_loop3A_1267 = arith.constant 8 : i32
        %parallel_loop3A_1268 = vector.broadcast %parallel_loop3A_1267 : i32 to vector<16xi32>
        %parallel_loop3A_1269 = arith.addi %parallel_loop3A_1218, %parallel_loop3A_1268 : vector<16xi32>
        %parallel_loop3A_1270 = tpu.vector_load_idx %arg15[%parallel_loop3A_1269] : memref<16896xf32, #tpu.memory_space<vmem>>[vector<16xi32>], vector<16xf32>,
        %parallel_loop3A_1271 = arith.subf %parallel_loop3A_161, %parallel_loop3A_1270 : vector<16xf32>
        %parallel_loop3A_1272 = arith.mulf %parallel_loop3A_1271, %parallel_loop3A_1271 : vector<16xf32>
        %parallel_loop3A_1273 = arith.constant 9 : i32
        %parallel_loop3A_1274 = vector.broadcast %parallel_loop3A_1273 : i32 to vector<16xi32>
        %parallel_loop3A_1275 = arith.addi %parallel_loop3A_1218, %parallel_loop3A_1274 : vector<16xi32>
        %parallel_loop3A_1276 = tpu.vector_load_idx %arg15[%parallel_loop3A_1275] : memref<16896xf32, #tpu.memory_space<vmem>>[vector<16xi32>], vector<16xf32>,
        %parallel_loop3A_1277 = arith.subf %parallel_loop3A_165, %parallel_loop3A_1276 : vector<16xf32>
        %parallel_loop3A_1278 = arith.mulf %parallel_loop3A_1277, %parallel_loop3A_1277 : vector<16xf32>
        %parallel_loop3A_1279 = arith.constant 10 : i32
        %parallel_loop3A_1280 = vector.broadcast %parallel_loop3A_1279 : i32 to vector<16xi32>
        %parallel_loop3A_1281 = arith.addi %parallel_loop3A_1218, %parallel_loop3A_1280 : vector<16xi32>
        %parallel_loop3A_1282 = tpu.vector_load_idx %arg15[%parallel_loop3A_1281] : memref<16896xf32, #tpu.memory_space<vmem>>[vector<16xi32>], vector<16xf32>,
        %parallel_loop3A_1283 = arith.subf %parallel_loop3A_169, %parallel_loop3A_1282 : vector<16xf32>
        %parallel_loop3A_1284 = arith.mulf %parallel_loop3A_1283, %parallel_loop3A_1283 : vector<16xf32>
        %parallel_loop3A_1285 = arith.constant 11 : i32
        %parallel_loop3A_1286 = vector.broadcast %parallel_loop3A_1285 : i32 to vector<16xi32>
        %parallel_loop3A_1287 = arith.addi %parallel_loop3A_1218, %parallel_loop3A_1286 : vector<16xi32>
        %parallel_loop3A_1288 = tpu.vector_load_idx %arg15[%parallel_loop3A_1287] : memref<16896xf32, #tpu.memory_space<vmem>>[vector<16xi32>], vector<16xf32>,
        %parallel_loop3A_1289 = arith.subf %parallel_loop3A_173, %parallel_loop3A_1288 : vector<16xf32>
        %parallel_loop3A_1290 = arith.mulf %parallel_loop3A_1289, %parallel_loop3A_1289 : vector<16xf32>
        %parallel_loop3A_1291 = arith.constant 12 : i32
        %parallel_loop3A_1292 = vector.broadcast %parallel_loop3A_1291 : i32 to vector<16xi32>
        %parallel_loop3A_1293 = arith.addi %parallel_loop3A_1218, %parallel_loop3A_1292 : vector<16xi32>
        %parallel_loop3A_1294 = tpu.vector_load_idx %arg15[%parallel_loop3A_1293] : memref<16896xf32, #tpu.memory_space<vmem>>[vector<16xi32>], vector<16xf32>,
        %parallel_loop3A_1295 = arith.subf %parallel_loop3A_177, %parallel_loop3A_1294 : vector<16xf32>
        %parallel_loop3A_1296 = arith.mulf %parallel_loop3A_1295, %parallel_loop3A_1295 : vector<16xf32>
        %parallel_loop3A_1297 = arith.constant 13 : i32
        %parallel_loop3A_1298 = vector.broadcast %parallel_loop3A_1297 : i32 to vector<16xi32>
        %parallel_loop3A_1299 = arith.addi %parallel_loop3A_1218, %parallel_loop3A_1298 : vector<16xi32>
        %parallel_loop3A_1300 = tpu.vector_load_idx %arg15[%parallel_loop3A_1299] : memref<16896xf32, #tpu.memory_space<vmem>>[vector<16xi32>], vector<16xf32>,
        %parallel_loop3A_1301 = arith.subf %parallel_loop3A_181, %parallel_loop3A_1300 : vector<16xf32>
        %parallel_loop3A_1302 = arith.mulf %parallel_loop3A_1301, %parallel_loop3A_1301 : vector<16xf32>
        %parallel_loop3A_1303 = arith.constant 14 : i32
        %parallel_loop3A_1304 = vector.broadcast %parallel_loop3A_1303 : i32 to vector<16xi32>
        %parallel_loop3A_1305 = arith.addi %parallel_loop3A_1218, %parallel_loop3A_1304 : vector<16xi32>
        %parallel_loop3A_1306 = tpu.vector_load_idx %arg15[%parallel_loop3A_1305] : memref<16896xf32, #tpu.memory_space<vmem>>[vector<16xi32>], vector<16xf32>,
        %parallel_loop3A_1307 = arith.subf %parallel_loop3A_185, %parallel_loop3A_1306 : vector<16xf32>
        %parallel_loop3A_1308 = arith.mulf %parallel_loop3A_1307, %parallel_loop3A_1307 : vector<16xf32>
        %parallel_loop3A_1309 = arith.constant 15 : i32
        %parallel_loop3A_1310 = vector.broadcast %parallel_loop3A_1309 : i32 to vector<16xi32>
        %parallel_loop3A_1311 = arith.addi %parallel_loop3A_1218, %parallel_loop3A_1310 : vector<16xi32>
        %parallel_loop3A_1312 = tpu.vector_load_idx %arg15[%parallel_loop3A_1311] : memref<16896xf32, #tpu.memory_space<vmem>>[vector<16xi32>], vector<16xf32>,
        %parallel_loop3A_1313 = arith.subf %parallel_loop3A_189, %parallel_loop3A_1312 : vector<16xf32>
        %parallel_loop3A_1314 = arith.mulf %parallel_loop3A_1313, %parallel_loop3A_1313 : vector<16xf32>
        %parallel_loop3A_1315 = arith.constant 16 : i32
        %parallel_loop3A_1316 = vector.broadcast %parallel_loop3A_1315 : i32 to vector<16xi32>
        %parallel_loop3A_1317 = arith.addi %parallel_loop3A_1218, %parallel_loop3A_1316 : vector<16xi32>
        %parallel_loop3A_1318 = tpu.vector_load_idx %arg15[%parallel_loop3A_1317] : memref<16896xf32, #tpu.memory_space<vmem>>[vector<16xi32>], vector<16xf32>,
        %parallel_loop3A_1319 = arith.subf %parallel_loop3A_193, %parallel_loop3A_1318 : vector<16xf32>
        %parallel_loop3A_1320 = arith.mulf %parallel_loop3A_1319, %parallel_loop3A_1319 : vector<16xf32>
        %parallel_loop3A_1321 = arith.constant 17 : i32
        %parallel_loop3A_1322 = vector.broadcast %parallel_loop3A_1321 : i32 to vector<16xi32>
        %parallel_loop3A_1323 = arith.addi %parallel_loop3A_1218, %parallel_loop3A_1322 : vector<16xi32>
        %parallel_loop3A_1324 = tpu.vector_load_idx %arg15[%parallel_loop3A_1323] : memref<16896xf32, #tpu.memory_space<vmem>>[vector<16xi32>], vector<16xf32>,
        %parallel_loop3A_1325 = arith.subf %parallel_loop3A_197, %parallel_loop3A_1324 : vector<16xf32>
        %parallel_loop3A_1326 = arith.mulf %parallel_loop3A_1325, %parallel_loop3A_1325 : vector<16xf32>
        %parallel_loop3A_1327 = arith.constant 18 : i32
        %parallel_loop3A_1328 = vector.broadcast %parallel_loop3A_1327 : i32 to vector<16xi32>
        %parallel_loop3A_1329 = arith.addi %parallel_loop3A_1218, %parallel_loop3A_1328 : vector<16xi32>
        %parallel_loop3A_1330 = tpu.vector_load_idx %arg15[%parallel_loop3A_1329] : memref<16896xf32, #tpu.memory_space<vmem>>[vector<16xi32>], vector<16xf32>,
        %parallel_loop3A_1331 = arith.subf %parallel_loop3A_201, %parallel_loop3A_1330 : vector<16xf32>
        %parallel_loop3A_1332 = arith.mulf %parallel_loop3A_1331, %parallel_loop3A_1331 : vector<16xf32>
        %parallel_loop3A_1333 = arith.constant 19 : i32
        %parallel_loop3A_1334 = vector.broadcast %parallel_loop3A_1333 : i32 to vector<16xi32>
        %parallel_loop3A_1335 = arith.addi %parallel_loop3A_1218, %parallel_loop3A_1334 : vector<16xi32>
        %parallel_loop3A_1336 = tpu.vector_load_idx %arg15[%parallel_loop3A_1335] : memref<16896xf32, #tpu.memory_space<vmem>>[vector<16xi32>], vector<16xf32>,
        %parallel_loop3A_1337 = arith.subf %parallel_loop3A_205, %parallel_loop3A_1336 : vector<16xf32>
        %parallel_loop3A_1338 = arith.mulf %parallel_loop3A_1337, %parallel_loop3A_1337 : vector<16xf32>
        %parallel_loop3A_1339 = arith.constant 20 : i32
        %parallel_loop3A_1340 = vector.broadcast %parallel_loop3A_1339 : i32 to vector<16xi32>
        %parallel_loop3A_1341 = arith.addi %parallel_loop3A_1218, %parallel_loop3A_1340 : vector<16xi32>
        %parallel_loop3A_1342 = tpu.vector_load_idx %arg15[%parallel_loop3A_1341] : memref<16896xf32, #tpu.memory_space<vmem>>[vector<16xi32>], vector<16xf32>,
        %parallel_loop3A_1343 = arith.subf %parallel_loop3A_209, %parallel_loop3A_1342 : vector<16xf32>
        %parallel_loop3A_1344 = arith.mulf %parallel_loop3A_1343, %parallel_loop3A_1343 : vector<16xf32>
        %parallel_loop3A_1345 = arith.constant 21 : i32
        %parallel_loop3A_1346 = vector.broadcast %parallel_loop3A_1345 : i32 to vector<16xi32>
        %parallel_loop3A_1347 = arith.addi %parallel_loop3A_1218, %parallel_loop3A_1346 : vector<16xi32>
        %parallel_loop3A_1348 = tpu.vector_load_idx %arg15[%parallel_loop3A_1347] : memref<16896xf32, #tpu.memory_space<vmem>>[vector<16xi32>], vector<16xf32>,
        %parallel_loop3A_1349 = arith.subf %parallel_loop3A_213, %parallel_loop3A_1348 : vector<16xf32>
        %parallel_loop3A_1350 = arith.mulf %parallel_loop3A_1349, %parallel_loop3A_1349 : vector<16xf32>
        %parallel_loop3A_1351 = arith.constant 22 : i32
        %parallel_loop3A_1352 = vector.broadcast %parallel_loop3A_1351 : i32 to vector<16xi32>
        %parallel_loop3A_1353 = arith.addi %parallel_loop3A_1218, %parallel_loop3A_1352 : vector<16xi32>
        %parallel_loop3A_1354 = tpu.vector_load_idx %arg15[%parallel_loop3A_1353] : memref<16896xf32, #tpu.memory_space<vmem>>[vector<16xi32>], vector<16xf32>,
        %parallel_loop3A_1355 = arith.subf %parallel_loop3A_217, %parallel_loop3A_1354 : vector<16xf32>
        %parallel_loop3A_1356 = arith.mulf %parallel_loop3A_1355, %parallel_loop3A_1355 : vector<16xf32>
        %parallel_loop3A_1357 = arith.constant 23 : i32
        %parallel_loop3A_1358 = vector.broadcast %parallel_loop3A_1357 : i32 to vector<16xi32>
        %parallel_loop3A_1359 = arith.addi %parallel_loop3A_1218, %parallel_loop3A_1358 : vector<16xi32>
        %parallel_loop3A_1360 = tpu.vector_load_idx %arg15[%parallel_loop3A_1359] : memref<16896xf32, #tpu.memory_space<vmem>>[vector<16xi32>], vector<16xf32>,
        %parallel_loop3A_1361 = arith.subf %parallel_loop3A_221, %parallel_loop3A_1360 : vector<16xf32>
        %parallel_loop3A_1362 = arith.mulf %parallel_loop3A_1361, %parallel_loop3A_1361 : vector<16xf32>
        %parallel_loop3A_1363 = arith.constant 24 : i32
        %parallel_loop3A_1364 = vector.broadcast %parallel_loop3A_1363 : i32 to vector<16xi32>
        %parallel_loop3A_1365 = arith.addi %parallel_loop3A_1218, %parallel_loop3A_1364 : vector<16xi32>
        %parallel_loop3A_1366 = tpu.vector_load_idx %arg15[%parallel_loop3A_1365] : memref<16896xf32, #tpu.memory_space<vmem>>[vector<16xi32>], vector<16xf32>,
        %parallel_loop3A_1367 = arith.subf %parallel_loop3A_225, %parallel_loop3A_1366 : vector<16xf32>
        %parallel_loop3A_1368 = arith.mulf %parallel_loop3A_1367, %parallel_loop3A_1367 : vector<16xf32>
        %parallel_loop3A_1369 = arith.constant 25 : i32
        %parallel_loop3A_1370 = vector.broadcast %parallel_loop3A_1369 : i32 to vector<16xi32>
        %parallel_loop3A_1371 = arith.addi %parallel_loop3A_1218, %parallel_loop3A_1370 : vector<16xi32>
        %parallel_loop3A_1372 = tpu.vector_load_idx %arg15[%parallel_loop3A_1371] : memref<16896xf32, #tpu.memory_space<vmem>>[vector<16xi32>], vector<16xf32>,
        %parallel_loop3A_1373 = arith.subf %parallel_loop3A_229, %parallel_loop3A_1372 : vector<16xf32>
        %parallel_loop3A_1374 = arith.mulf %parallel_loop3A_1373, %parallel_loop3A_1373 : vector<16xf32>
        %parallel_loop3A_1375 = arith.constant 26 : i32
        %parallel_loop3A_1376 = vector.broadcast %parallel_loop3A_1375 : i32 to vector<16xi32>
        %parallel_loop3A_1377 = arith.addi %parallel_loop3A_1218, %parallel_loop3A_1376 : vector<16xi32>
        %parallel_loop3A_1378 = tpu.vector_load_idx %arg15[%parallel_loop3A_1377] : memref<16896xf32, #tpu.memory_space<vmem>>[vector<16xi32>], vector<16xf32>,
        %parallel_loop3A_1379 = arith.subf %parallel_loop3A_233, %parallel_loop3A_1378 : vector<16xf32>
        %parallel_loop3A_1380 = arith.mulf %parallel_loop3A_1379, %parallel_loop3A_1379 : vector<16xf32>
        %parallel_loop3A_1381 = arith.constant 27 : i32
        %parallel_loop3A_1382 = vector.broadcast %parallel_loop3A_1381 : i32 to vector<16xi32>
        %parallel_loop3A_1383 = arith.addi %parallel_loop3A_1218, %parallel_loop3A_1382 : vector<16xi32>
        %parallel_loop3A_1384 = tpu.vector_load_idx %arg15[%parallel_loop3A_1383] : memref<16896xf32, #tpu.memory_space<vmem>>[vector<16xi32>], vector<16xf32>,
        %parallel_loop3A_1385 = arith.subf %parallel_loop3A_237, %parallel_loop3A_1384 : vector<16xf32>
        %parallel_loop3A_1386 = arith.mulf %parallel_loop3A_1385, %parallel_loop3A_1385 : vector<16xf32>
        %parallel_loop3A_1387 = arith.constant 28 : i32
        %parallel_loop3A_1388 = vector.broadcast %parallel_loop3A_1387 : i32 to vector<16xi32>
        %parallel_loop3A_1389 = arith.addi %parallel_loop3A_1218, %parallel_loop3A_1388 : vector<16xi32>
        %parallel_loop3A_1390 = tpu.vector_load_idx %arg15[%parallel_loop3A_1389] : memref<16896xf32, #tpu.memory_space<vmem>>[vector<16xi32>], vector<16xf32>,
        %parallel_loop3A_1391 = arith.subf %parallel_loop3A_241, %parallel_loop3A_1390 : vector<16xf32>
        %parallel_loop3A_1392 = arith.mulf %parallel_loop3A_1391, %parallel_loop3A_1391 : vector<16xf32>
        %parallel_loop3A_1393 = arith.constant 29 : i32
        %parallel_loop3A_1394 = vector.broadcast %parallel_loop3A_1393 : i32 to vector<16xi32>
        %parallel_loop3A_1395 = arith.addi %parallel_loop3A_1218, %parallel_loop3A_1394 : vector<16xi32>
        %parallel_loop3A_1396 = tpu.vector_load_idx %arg15[%parallel_loop3A_1395] : memref<16896xf32, #tpu.memory_space<vmem>>[vector<16xi32>], vector<16xf32>,
        %parallel_loop3A_1397 = arith.subf %parallel_loop3A_245, %parallel_loop3A_1396 : vector<16xf32>
        %parallel_loop3A_1398 = arith.mulf %parallel_loop3A_1397, %parallel_loop3A_1397 : vector<16xf32>
        %parallel_loop3A_1399 = arith.constant 30 : i32
        %parallel_loop3A_1400 = vector.broadcast %parallel_loop3A_1399 : i32 to vector<16xi32>
        %parallel_loop3A_1401 = arith.addi %parallel_loop3A_1218, %parallel_loop3A_1400 : vector<16xi32>
        %parallel_loop3A_1402 = tpu.vector_load_idx %arg15[%parallel_loop3A_1401] : memref<16896xf32, #tpu.memory_space<vmem>>[vector<16xi32>], vector<16xf32>,
        %parallel_loop3A_1403 = arith.subf %parallel_loop3A_249, %parallel_loop3A_1402 : vector<16xf32>
        %parallel_loop3A_1404 = arith.mulf %parallel_loop3A_1403, %parallel_loop3A_1403 : vector<16xf32>
        %parallel_loop3A_1405 = arith.constant 31 : i32
        %parallel_loop3A_1406 = vector.broadcast %parallel_loop3A_1405 : i32 to vector<16xi32>
        %parallel_loop3A_1407 = arith.addi %parallel_loop3A_1218, %parallel_loop3A_1406 : vector<16xi32>
        %parallel_loop3A_1408 = tpu.vector_load_idx %arg15[%parallel_loop3A_1407] : memref<16896xf32, #tpu.memory_space<vmem>>[vector<16xi32>], vector<16xf32>,
        %parallel_loop3A_1409 = arith.subf %parallel_loop3A_253, %parallel_loop3A_1408 : vector<16xf32>
        %parallel_loop3A_1410 = arith.mulf %parallel_loop3A_1409, %parallel_loop3A_1409 : vector<16xf32>
        %parallel_loop3A_1411 = arith.addf %parallel_loop3A_1224, %parallel_loop3A_1230 : vector<16xf32>
        %parallel_loop3A_1412 = arith.addf %parallel_loop3A_1236, %parallel_loop3A_1242 : vector<16xf32>
        %parallel_loop3A_1413 = arith.addf %parallel_loop3A_1248, %parallel_loop3A_1254 : vector<16xf32>
        %parallel_loop3A_1414 = arith.addf %parallel_loop3A_1260, %parallel_loop3A_1266 : vector<16xf32>
        %parallel_loop3A_1415 = arith.addf %parallel_loop3A_1272, %parallel_loop3A_1278 : vector<16xf32>
        %parallel_loop3A_1416 = arith.addf %parallel_loop3A_1284, %parallel_loop3A_1290 : vector<16xf32>
        %parallel_loop3A_1417 = arith.addf %parallel_loop3A_1296, %parallel_loop3A_1302 : vector<16xf32>
        %parallel_loop3A_1418 = arith.addf %parallel_loop3A_1308, %parallel_loop3A_1314 : vector<16xf32>
        %parallel_loop3A_1419 = arith.addf %parallel_loop3A_1320, %parallel_loop3A_1326 : vector<16xf32>
        %parallel_loop3A_1420 = arith.addf %parallel_loop3A_1332, %parallel_loop3A_1338 : vector<16xf32>
        %parallel_loop3A_1421 = arith.addf %parallel_loop3A_1344, %parallel_loop3A_1350 : vector<16xf32>
        %parallel_loop3A_1422 = arith.addf %parallel_loop3A_1356, %parallel_loop3A_1362 : vector<16xf32>
        %parallel_loop3A_1423 = arith.addf %parallel_loop3A_1368, %parallel_loop3A_1374 : vector<16xf32>
        %parallel_loop3A_1424 = arith.addf %parallel_loop3A_1380, %parallel_loop3A_1386 : vector<16xf32>
        %parallel_loop3A_1425 = arith.addf %parallel_loop3A_1392, %parallel_loop3A_1398 : vector<16xf32>
        %parallel_loop3A_1426 = arith.addf %parallel_loop3A_1404, %parallel_loop3A_1410 : vector<16xf32>
        %parallel_loop3A_1427 = arith.addf %parallel_loop3A_1411, %parallel_loop3A_1412 : vector<16xf32>
        %parallel_loop3A_1428 = arith.addf %parallel_loop3A_1413, %parallel_loop3A_1414 : vector<16xf32>
        %parallel_loop3A_1429 = arith.addf %parallel_loop3A_1415, %parallel_loop3A_1416 : vector<16xf32>
        %parallel_loop3A_1430 = arith.addf %parallel_loop3A_1417, %parallel_loop3A_1418 : vector<16xf32>
        %parallel_loop3A_1431 = arith.addf %parallel_loop3A_1419, %parallel_loop3A_1420 : vector<16xf32>
        %parallel_loop3A_1432 = arith.addf %parallel_loop3A_1421, %parallel_loop3A_1422 : vector<16xf32>
        %parallel_loop3A_1433 = arith.addf %parallel_loop3A_1423, %parallel_loop3A_1424 : vector<16xf32>
        %parallel_loop3A_1434 = arith.addf %parallel_loop3A_1425, %parallel_loop3A_1426 : vector<16xf32>
        %parallel_loop3A_1435 = arith.addf %parallel_loop3A_1427, %parallel_loop3A_1428 : vector<16xf32>
        %parallel_loop3A_1436 = arith.addf %parallel_loop3A_1429, %parallel_loop3A_1430 : vector<16xf32>
        %parallel_loop3A_1437 = arith.addf %parallel_loop3A_1431, %parallel_loop3A_1432 : vector<16xf32>
        %parallel_loop3A_1438 = arith.addf %parallel_loop3A_1433, %parallel_loop3A_1434 : vector<16xf32>
        %parallel_loop3A_1439 = arith.addf %parallel_loop3A_1435, %parallel_loop3A_1436 : vector<16xf32>
        %parallel_loop3A_1440 = arith.addf %parallel_loop3A_1437, %parallel_loop3A_1438 : vector<16xf32>
        %parallel_loop3A_1441 = arith.addf %parallel_loop3A_1439, %parallel_loop3A_1440 : vector<16xf32>
        %parallel_loop3A_1442 = arith.constant -5.000000e-01 : f32
        %parallel_loop3A_1443 = vector.broadcast %parallel_loop3A_1442 : f32 to vector<16xf32>
        %parallel_loop3A_1444 = arith.mulf %parallel_loop3A_1443, %parallel_loop3A_1441 : vector<16xf32>
        %parallel_loop3A_1445 = arith.constant 33 : i32
        %parallel_loop3A_1446 = vector.broadcast %parallel_loop3A_1445 : i32 to vector<16xi32>
        %parallel_loop3A_1447 = arith.muli %parallel_loop3A_271, %parallel_loop3A_1446 : vector<16xi32>
        %parallel_loop3A_1448 = arith.constant 0 : i32
        %parallel_loop3A_1449 = vector.broadcast %parallel_loop3A_1448 : i32 to vector<16xi32>
        %parallel_loop3A_1450 = arith.addi %parallel_loop3A_1447, %parallel_loop3A_1449 : vector<16xi32>
        %parallel_loop3A_1451 = tpu.vector_load_idx %arg15[%parallel_loop3A_1450] : memref<16896xf32, #tpu.memory_space<vmem>>[vector<16xi32>], vector<16xf32>,
        %parallel_loop3A_1452 = arith.subf %parallel_loop3A_129, %parallel_loop3A_1451 : vector<16xf32>
        %parallel_loop3A_1453 = arith.mulf %parallel_loop3A_1452, %parallel_loop3A_1452 : vector<16xf32>
        %parallel_loop3A_1454 = arith.constant 1 : i32
        %parallel_loop3A_1455 = vector.broadcast %parallel_loop3A_1454 : i32 to vector<16xi32>
        %parallel_loop3A_1456 = arith.addi %parallel_loop3A_1447, %parallel_loop3A_1455 : vector<16xi32>
        %parallel_loop3A_1457 = tpu.vector_load_idx %arg15[%parallel_loop3A_1456] : memref<16896xf32, #tpu.memory_space<vmem>>[vector<16xi32>], vector<16xf32>,
        %parallel_loop3A_1458 = arith.subf %parallel_loop3A_133, %parallel_loop3A_1457 : vector<16xf32>
        %parallel_loop3A_1459 = arith.mulf %parallel_loop3A_1458, %parallel_loop3A_1458 : vector<16xf32>
        %parallel_loop3A_1460 = arith.constant 2 : i32
        %parallel_loop3A_1461 = vector.broadcast %parallel_loop3A_1460 : i32 to vector<16xi32>
        %parallel_loop3A_1462 = arith.addi %parallel_loop3A_1447, %parallel_loop3A_1461 : vector<16xi32>
        %parallel_loop3A_1463 = tpu.vector_load_idx %arg15[%parallel_loop3A_1462] : memref<16896xf32, #tpu.memory_space<vmem>>[vector<16xi32>], vector<16xf32>,
        %parallel_loop3A_1464 = arith.subf %parallel_loop3A_137, %parallel_loop3A_1463 : vector<16xf32>
        %parallel_loop3A_1465 = arith.mulf %parallel_loop3A_1464, %parallel_loop3A_1464 : vector<16xf32>
        %parallel_loop3A_1466 = arith.constant 3 : i32
        %parallel_loop3A_1467 = vector.broadcast %parallel_loop3A_1466 : i32 to vector<16xi32>
        %parallel_loop3A_1468 = arith.addi %parallel_loop3A_1447, %parallel_loop3A_1467 : vector<16xi32>
        %parallel_loop3A_1469 = tpu.vector_load_idx %arg15[%parallel_loop3A_1468] : memref<16896xf32, #tpu.memory_space<vmem>>[vector<16xi32>], vector<16xf32>,
        %parallel_loop3A_1470 = arith.subf %parallel_loop3A_141, %parallel_loop3A_1469 : vector<16xf32>
        %parallel_loop3A_1471 = arith.mulf %parallel_loop3A_1470, %parallel_loop3A_1470 : vector<16xf32>
        %parallel_loop3A_1472 = arith.constant 4 : i32
        %parallel_loop3A_1473 = vector.broadcast %parallel_loop3A_1472 : i32 to vector<16xi32>
        %parallel_loop3A_1474 = arith.addi %parallel_loop3A_1447, %parallel_loop3A_1473 : vector<16xi32>
        %parallel_loop3A_1475 = tpu.vector_load_idx %arg15[%parallel_loop3A_1474] : memref<16896xf32, #tpu.memory_space<vmem>>[vector<16xi32>], vector<16xf32>,
        %parallel_loop3A_1476 = arith.subf %parallel_loop3A_145, %parallel_loop3A_1475 : vector<16xf32>
        %parallel_loop3A_1477 = arith.mulf %parallel_loop3A_1476, %parallel_loop3A_1476 : vector<16xf32>
        %parallel_loop3A_1478 = arith.constant 5 : i32
        %parallel_loop3A_1479 = vector.broadcast %parallel_loop3A_1478 : i32 to vector<16xi32>
        %parallel_loop3A_1480 = arith.addi %parallel_loop3A_1447, %parallel_loop3A_1479 : vector<16xi32>
        %parallel_loop3A_1481 = tpu.vector_load_idx %arg15[%parallel_loop3A_1480] : memref<16896xf32, #tpu.memory_space<vmem>>[vector<16xi32>], vector<16xf32>,
        %parallel_loop3A_1482 = arith.subf %parallel_loop3A_149, %parallel_loop3A_1481 : vector<16xf32>
        %parallel_loop3A_1483 = arith.mulf %parallel_loop3A_1482, %parallel_loop3A_1482 : vector<16xf32>
        %parallel_loop3A_1484 = arith.constant 6 : i32
        %parallel_loop3A_1485 = vector.broadcast %parallel_loop3A_1484 : i32 to vector<16xi32>
        %parallel_loop3A_1486 = arith.addi %parallel_loop3A_1447, %parallel_loop3A_1485 : vector<16xi32>
        %parallel_loop3A_1487 = tpu.vector_load_idx %arg15[%parallel_loop3A_1486] : memref<16896xf32, #tpu.memory_space<vmem>>[vector<16xi32>], vector<16xf32>,
        %parallel_loop3A_1488 = arith.subf %parallel_loop3A_153, %parallel_loop3A_1487 : vector<16xf32>
        %parallel_loop3A_1489 = arith.mulf %parallel_loop3A_1488, %parallel_loop3A_1488 : vector<16xf32>
        %parallel_loop3A_1490 = arith.constant 7 : i32
        %parallel_loop3A_1491 = vector.broadcast %parallel_loop3A_1490 : i32 to vector<16xi32>
        %parallel_loop3A_1492 = arith.addi %parallel_loop3A_1447, %parallel_loop3A_1491 : vector<16xi32>
        %parallel_loop3A_1493 = tpu.vector_load_idx %arg15[%parallel_loop3A_1492] : memref<16896xf32, #tpu.memory_space<vmem>>[vector<16xi32>], vector<16xf32>,
        %parallel_loop3A_1494 = arith.subf %parallel_loop3A_157, %parallel_loop3A_1493 : vector<16xf32>
        %parallel_loop3A_1495 = arith.mulf %parallel_loop3A_1494, %parallel_loop3A_1494 : vector<16xf32>
        %parallel_loop3A_1496 = arith.constant 8 : i32
        %parallel_loop3A_1497 = vector.broadcast %parallel_loop3A_1496 : i32 to vector<16xi32>
        %parallel_loop3A_1498 = arith.addi %parallel_loop3A_1447, %parallel_loop3A_1497 : vector<16xi32>
        %parallel_loop3A_1499 = tpu.vector_load_idx %arg15[%parallel_loop3A_1498] : memref<16896xf32, #tpu.memory_space<vmem>>[vector<16xi32>], vector<16xf32>,
        %parallel_loop3A_1500 = arith.subf %parallel_loop3A_161, %parallel_loop3A_1499 : vector<16xf32>
        %parallel_loop3A_1501 = arith.mulf %parallel_loop3A_1500, %parallel_loop3A_1500 : vector<16xf32>
        %parallel_loop3A_1502 = arith.constant 9 : i32
        %parallel_loop3A_1503 = vector.broadcast %parallel_loop3A_1502 : i32 to vector<16xi32>
        %parallel_loop3A_1504 = arith.addi %parallel_loop3A_1447, %parallel_loop3A_1503 : vector<16xi32>
        %parallel_loop3A_1505 = tpu.vector_load_idx %arg15[%parallel_loop3A_1504] : memref<16896xf32, #tpu.memory_space<vmem>>[vector<16xi32>], vector<16xf32>,
        %parallel_loop3A_1506 = arith.subf %parallel_loop3A_165, %parallel_loop3A_1505 : vector<16xf32>
        %parallel_loop3A_1507 = arith.mulf %parallel_loop3A_1506, %parallel_loop3A_1506 : vector<16xf32>
        %parallel_loop3A_1508 = arith.constant 10 : i32
        %parallel_loop3A_1509 = vector.broadcast %parallel_loop3A_1508 : i32 to vector<16xi32>
        %parallel_loop3A_1510 = arith.addi %parallel_loop3A_1447, %parallel_loop3A_1509 : vector<16xi32>
        %parallel_loop3A_1511 = tpu.vector_load_idx %arg15[%parallel_loop3A_1510] : memref<16896xf32, #tpu.memory_space<vmem>>[vector<16xi32>], vector<16xf32>,
        %parallel_loop3A_1512 = arith.subf %parallel_loop3A_169, %parallel_loop3A_1511 : vector<16xf32>
        %parallel_loop3A_1513 = arith.mulf %parallel_loop3A_1512, %parallel_loop3A_1512 : vector<16xf32>
        %parallel_loop3A_1514 = arith.constant 11 : i32
        %parallel_loop3A_1515 = vector.broadcast %parallel_loop3A_1514 : i32 to vector<16xi32>
        %parallel_loop3A_1516 = arith.addi %parallel_loop3A_1447, %parallel_loop3A_1515 : vector<16xi32>
        %parallel_loop3A_1517 = tpu.vector_load_idx %arg15[%parallel_loop3A_1516] : memref<16896xf32, #tpu.memory_space<vmem>>[vector<16xi32>], vector<16xf32>,
        %parallel_loop3A_1518 = arith.subf %parallel_loop3A_173, %parallel_loop3A_1517 : vector<16xf32>
        %parallel_loop3A_1519 = arith.mulf %parallel_loop3A_1518, %parallel_loop3A_1518 : vector<16xf32>
        %parallel_loop3A_1520 = arith.constant 12 : i32
        %parallel_loop3A_1521 = vector.broadcast %parallel_loop3A_1520 : i32 to vector<16xi32>
        %parallel_loop3A_1522 = arith.addi %parallel_loop3A_1447, %parallel_loop3A_1521 : vector<16xi32>
        %parallel_loop3A_1523 = tpu.vector_load_idx %arg15[%parallel_loop3A_1522] : memref<16896xf32, #tpu.memory_space<vmem>>[vector<16xi32>], vector<16xf32>,
        %parallel_loop3A_1524 = arith.subf %parallel_loop3A_177, %parallel_loop3A_1523 : vector<16xf32>
        %parallel_loop3A_1525 = arith.mulf %parallel_loop3A_1524, %parallel_loop3A_1524 : vector<16xf32>
        %parallel_loop3A_1526 = arith.constant 13 : i32
        %parallel_loop3A_1527 = vector.broadcast %parallel_loop3A_1526 : i32 to vector<16xi32>
        %parallel_loop3A_1528 = arith.addi %parallel_loop3A_1447, %parallel_loop3A_1527 : vector<16xi32>
        %parallel_loop3A_1529 = tpu.vector_load_idx %arg15[%parallel_loop3A_1528] : memref<16896xf32, #tpu.memory_space<vmem>>[vector<16xi32>], vector<16xf32>,
        %parallel_loop3A_1530 = arith.subf %parallel_loop3A_181, %parallel_loop3A_1529 : vector<16xf32>
        %parallel_loop3A_1531 = arith.mulf %parallel_loop3A_1530, %parallel_loop3A_1530 : vector<16xf32>
        %parallel_loop3A_1532 = arith.constant 14 : i32
        %parallel_loop3A_1533 = vector.broadcast %parallel_loop3A_1532 : i32 to vector<16xi32>
        %parallel_loop3A_1534 = arith.addi %parallel_loop3A_1447, %parallel_loop3A_1533 : vector<16xi32>
        %parallel_loop3A_1535 = tpu.vector_load_idx %arg15[%parallel_loop3A_1534] : memref<16896xf32, #tpu.memory_space<vmem>>[vector<16xi32>], vector<16xf32>,
        %parallel_loop3A_1536 = arith.subf %parallel_loop3A_185, %parallel_loop3A_1535 : vector<16xf32>
        %parallel_loop3A_1537 = arith.mulf %parallel_loop3A_1536, %parallel_loop3A_1536 : vector<16xf32>
        %parallel_loop3A_1538 = arith.constant 15 : i32
        %parallel_loop3A_1539 = vector.broadcast %parallel_loop3A_1538 : i32 to vector<16xi32>
        %parallel_loop3A_1540 = arith.addi %parallel_loop3A_1447, %parallel_loop3A_1539 : vector<16xi32>
        %parallel_loop3A_1541 = tpu.vector_load_idx %arg15[%parallel_loop3A_1540] : memref<16896xf32, #tpu.memory_space<vmem>>[vector<16xi32>], vector<16xf32>,
        %parallel_loop3A_1542 = arith.subf %parallel_loop3A_189, %parallel_loop3A_1541 : vector<16xf32>
        %parallel_loop3A_1543 = arith.mulf %parallel_loop3A_1542, %parallel_loop3A_1542 : vector<16xf32>
        %parallel_loop3A_1544 = arith.constant 16 : i32
        %parallel_loop3A_1545 = vector.broadcast %parallel_loop3A_1544 : i32 to vector<16xi32>
        %parallel_loop3A_1546 = arith.addi %parallel_loop3A_1447, %parallel_loop3A_1545 : vector<16xi32>
        %parallel_loop3A_1547 = tpu.vector_load_idx %arg15[%parallel_loop3A_1546] : memref<16896xf32, #tpu.memory_space<vmem>>[vector<16xi32>], vector<16xf32>,
        %parallel_loop3A_1548 = arith.subf %parallel_loop3A_193, %parallel_loop3A_1547 : vector<16xf32>
        %parallel_loop3A_1549 = arith.mulf %parallel_loop3A_1548, %parallel_loop3A_1548 : vector<16xf32>
        %parallel_loop3A_1550 = arith.constant 17 : i32
        %parallel_loop3A_1551 = vector.broadcast %parallel_loop3A_1550 : i32 to vector<16xi32>
        %parallel_loop3A_1552 = arith.addi %parallel_loop3A_1447, %parallel_loop3A_1551 : vector<16xi32>
        %parallel_loop3A_1553 = tpu.vector_load_idx %arg15[%parallel_loop3A_1552] : memref<16896xf32, #tpu.memory_space<vmem>>[vector<16xi32>], vector<16xf32>,
        %parallel_loop3A_1554 = arith.subf %parallel_loop3A_197, %parallel_loop3A_1553 : vector<16xf32>
        %parallel_loop3A_1555 = arith.mulf %parallel_loop3A_1554, %parallel_loop3A_1554 : vector<16xf32>
        %parallel_loop3A_1556 = arith.constant 18 : i32
        %parallel_loop3A_1557 = vector.broadcast %parallel_loop3A_1556 : i32 to vector<16xi32>
        %parallel_loop3A_1558 = arith.addi %parallel_loop3A_1447, %parallel_loop3A_1557 : vector<16xi32>
        %parallel_loop3A_1559 = tpu.vector_load_idx %arg15[%parallel_loop3A_1558] : memref<16896xf32, #tpu.memory_space<vmem>>[vector<16xi32>], vector<16xf32>,
        %parallel_loop3A_1560 = arith.subf %parallel_loop3A_201, %parallel_loop3A_1559 : vector<16xf32>
        %parallel_loop3A_1561 = arith.mulf %parallel_loop3A_1560, %parallel_loop3A_1560 : vector<16xf32>
        %parallel_loop3A_1562 = arith.constant 19 : i32
        %parallel_loop3A_1563 = vector.broadcast %parallel_loop3A_1562 : i32 to vector<16xi32>
        %parallel_loop3A_1564 = arith.addi %parallel_loop3A_1447, %parallel_loop3A_1563 : vector<16xi32>
        %parallel_loop3A_1565 = tpu.vector_load_idx %arg15[%parallel_loop3A_1564] : memref<16896xf32, #tpu.memory_space<vmem>>[vector<16xi32>], vector<16xf32>,
        %parallel_loop3A_1566 = arith.subf %parallel_loop3A_205, %parallel_loop3A_1565 : vector<16xf32>
        %parallel_loop3A_1567 = arith.mulf %parallel_loop3A_1566, %parallel_loop3A_1566 : vector<16xf32>
        %parallel_loop3A_1568 = arith.constant 20 : i32
        %parallel_loop3A_1569 = vector.broadcast %parallel_loop3A_1568 : i32 to vector<16xi32>
        %parallel_loop3A_1570 = arith.addi %parallel_loop3A_1447, %parallel_loop3A_1569 : vector<16xi32>
        %parallel_loop3A_1571 = tpu.vector_load_idx %arg15[%parallel_loop3A_1570] : memref<16896xf32, #tpu.memory_space<vmem>>[vector<16xi32>], vector<16xf32>,
        %parallel_loop3A_1572 = arith.subf %parallel_loop3A_209, %parallel_loop3A_1571 : vector<16xf32>
        %parallel_loop3A_1573 = arith.mulf %parallel_loop3A_1572, %parallel_loop3A_1572 : vector<16xf32>
        %parallel_loop3A_1574 = arith.constant 21 : i32
        %parallel_loop3A_1575 = vector.broadcast %parallel_loop3A_1574 : i32 to vector<16xi32>
        %parallel_loop3A_1576 = arith.addi %parallel_loop3A_1447, %parallel_loop3A_1575 : vector<16xi32>
        %parallel_loop3A_1577 = tpu.vector_load_idx %arg15[%parallel_loop3A_1576] : memref<16896xf32, #tpu.memory_space<vmem>>[vector<16xi32>], vector<16xf32>,
        %parallel_loop3A_1578 = arith.subf %parallel_loop3A_213, %parallel_loop3A_1577 : vector<16xf32>
        %parallel_loop3A_1579 = arith.mulf %parallel_loop3A_1578, %parallel_loop3A_1578 : vector<16xf32>
        %parallel_loop3A_1580 = arith.constant 22 : i32
        %parallel_loop3A_1581 = vector.broadcast %parallel_loop3A_1580 : i32 to vector<16xi32>
        %parallel_loop3A_1582 = arith.addi %parallel_loop3A_1447, %parallel_loop3A_1581 : vector<16xi32>
        %parallel_loop3A_1583 = tpu.vector_load_idx %arg15[%parallel_loop3A_1582] : memref<16896xf32, #tpu.memory_space<vmem>>[vector<16xi32>], vector<16xf32>,
        %parallel_loop3A_1584 = arith.subf %parallel_loop3A_217, %parallel_loop3A_1583 : vector<16xf32>
        %parallel_loop3A_1585 = arith.mulf %parallel_loop3A_1584, %parallel_loop3A_1584 : vector<16xf32>
        %parallel_loop3A_1586 = arith.constant 23 : i32
        %parallel_loop3A_1587 = vector.broadcast %parallel_loop3A_1586 : i32 to vector<16xi32>
        %parallel_loop3A_1588 = arith.addi %parallel_loop3A_1447, %parallel_loop3A_1587 : vector<16xi32>
        %parallel_loop3A_1589 = tpu.vector_load_idx %arg15[%parallel_loop3A_1588] : memref<16896xf32, #tpu.memory_space<vmem>>[vector<16xi32>], vector<16xf32>,
        %parallel_loop3A_1590 = arith.subf %parallel_loop3A_221, %parallel_loop3A_1589 : vector<16xf32>
        %parallel_loop3A_1591 = arith.mulf %parallel_loop3A_1590, %parallel_loop3A_1590 : vector<16xf32>
        %parallel_loop3A_1592 = arith.constant 24 : i32
        %parallel_loop3A_1593 = vector.broadcast %parallel_loop3A_1592 : i32 to vector<16xi32>
        %parallel_loop3A_1594 = arith.addi %parallel_loop3A_1447, %parallel_loop3A_1593 : vector<16xi32>
        %parallel_loop3A_1595 = tpu.vector_load_idx %arg15[%parallel_loop3A_1594] : memref<16896xf32, #tpu.memory_space<vmem>>[vector<16xi32>], vector<16xf32>,
        %parallel_loop3A_1596 = arith.subf %parallel_loop3A_225, %parallel_loop3A_1595 : vector<16xf32>
        %parallel_loop3A_1597 = arith.mulf %parallel_loop3A_1596, %parallel_loop3A_1596 : vector<16xf32>
        %parallel_loop3A_1598 = arith.constant 25 : i32
        %parallel_loop3A_1599 = vector.broadcast %parallel_loop3A_1598 : i32 to vector<16xi32>
        %parallel_loop3A_1600 = arith.addi %parallel_loop3A_1447, %parallel_loop3A_1599 : vector<16xi32>
        %parallel_loop3A_1601 = tpu.vector_load_idx %arg15[%parallel_loop3A_1600] : memref<16896xf32, #tpu.memory_space<vmem>>[vector<16xi32>], vector<16xf32>,
        %parallel_loop3A_1602 = arith.subf %parallel_loop3A_229, %parallel_loop3A_1601 : vector<16xf32>
        %parallel_loop3A_1603 = arith.mulf %parallel_loop3A_1602, %parallel_loop3A_1602 : vector<16xf32>
        %parallel_loop3A_1604 = arith.constant 26 : i32
        %parallel_loop3A_1605 = vector.broadcast %parallel_loop3A_1604 : i32 to vector<16xi32>
        %parallel_loop3A_1606 = arith.addi %parallel_loop3A_1447, %parallel_loop3A_1605 : vector<16xi32>
        %parallel_loop3A_1607 = tpu.vector_load_idx %arg15[%parallel_loop3A_1606] : memref<16896xf32, #tpu.memory_space<vmem>>[vector<16xi32>], vector<16xf32>,
        %parallel_loop3A_1608 = arith.subf %parallel_loop3A_233, %parallel_loop3A_1607 : vector<16xf32>
        %parallel_loop3A_1609 = arith.mulf %parallel_loop3A_1608, %parallel_loop3A_1608 : vector<16xf32>
        %parallel_loop3A_1610 = arith.constant 27 : i32
        %parallel_loop3A_1611 = vector.broadcast %parallel_loop3A_1610 : i32 to vector<16xi32>
        %parallel_loop3A_1612 = arith.addi %parallel_loop3A_1447, %parallel_loop3A_1611 : vector<16xi32>
        %parallel_loop3A_1613 = tpu.vector_load_idx %arg15[%parallel_loop3A_1612] : memref<16896xf32, #tpu.memory_space<vmem>>[vector<16xi32>], vector<16xf32>,
        %parallel_loop3A_1614 = arith.subf %parallel_loop3A_237, %parallel_loop3A_1613 : vector<16xf32>
        %parallel_loop3A_1615 = arith.mulf %parallel_loop3A_1614, %parallel_loop3A_1614 : vector<16xf32>
        %parallel_loop3A_1616 = arith.constant 28 : i32
        %parallel_loop3A_1617 = vector.broadcast %parallel_loop3A_1616 : i32 to vector<16xi32>
        %parallel_loop3A_1618 = arith.addi %parallel_loop3A_1447, %parallel_loop3A_1617 : vector<16xi32>
        %parallel_loop3A_1619 = tpu.vector_load_idx %arg15[%parallel_loop3A_1618] : memref<16896xf32, #tpu.memory_space<vmem>>[vector<16xi32>], vector<16xf32>,
        %parallel_loop3A_1620 = arith.subf %parallel_loop3A_241, %parallel_loop3A_1619 : vector<16xf32>
        %parallel_loop3A_1621 = arith.mulf %parallel_loop3A_1620, %parallel_loop3A_1620 : vector<16xf32>
        %parallel_loop3A_1622 = arith.constant 29 : i32
        %parallel_loop3A_1623 = vector.broadcast %parallel_loop3A_1622 : i32 to vector<16xi32>
        %parallel_loop3A_1624 = arith.addi %parallel_loop3A_1447, %parallel_loop3A_1623 : vector<16xi32>
        %parallel_loop3A_1625 = tpu.vector_load_idx %arg15[%parallel_loop3A_1624] : memref<16896xf32, #tpu.memory_space<vmem>>[vector<16xi32>], vector<16xf32>,
        %parallel_loop3A_1626 = arith.subf %parallel_loop3A_245, %parallel_loop3A_1625 : vector<16xf32>
        %parallel_loop3A_1627 = arith.mulf %parallel_loop3A_1626, %parallel_loop3A_1626 : vector<16xf32>
        %parallel_loop3A_1628 = arith.constant 30 : i32
        %parallel_loop3A_1629 = vector.broadcast %parallel_loop3A_1628 : i32 to vector<16xi32>
        %parallel_loop3A_1630 = arith.addi %parallel_loop3A_1447, %parallel_loop3A_1629 : vector<16xi32>
        %parallel_loop3A_1631 = tpu.vector_load_idx %arg15[%parallel_loop3A_1630] : memref<16896xf32, #tpu.memory_space<vmem>>[vector<16xi32>], vector<16xf32>,
        %parallel_loop3A_1632 = arith.subf %parallel_loop3A_249, %parallel_loop3A_1631 : vector<16xf32>
        %parallel_loop3A_1633 = arith.mulf %parallel_loop3A_1632, %parallel_loop3A_1632 : vector<16xf32>
        %parallel_loop3A_1634 = arith.constant 31 : i32
        %parallel_loop3A_1635 = vector.broadcast %parallel_loop3A_1634 : i32 to vector<16xi32>
        %parallel_loop3A_1636 = arith.addi %parallel_loop3A_1447, %parallel_loop3A_1635 : vector<16xi32>
        %parallel_loop3A_1637 = tpu.vector_load_idx %arg15[%parallel_loop3A_1636] : memref<16896xf32, #tpu.memory_space<vmem>>[vector<16xi32>], vector<16xf32>,
        %parallel_loop3A_1638 = arith.subf %parallel_loop3A_253, %parallel_loop3A_1637 : vector<16xf32>
        %parallel_loop3A_1639 = arith.mulf %parallel_loop3A_1638, %parallel_loop3A_1638 : vector<16xf32>
        %parallel_loop3A_1640 = arith.addf %parallel_loop3A_1453, %parallel_loop3A_1459 : vector<16xf32>
        %parallel_loop3A_1641 = arith.addf %parallel_loop3A_1465, %parallel_loop3A_1471 : vector<16xf32>
        %parallel_loop3A_1642 = arith.addf %parallel_loop3A_1477, %parallel_loop3A_1483 : vector<16xf32>
        %parallel_loop3A_1643 = arith.addf %parallel_loop3A_1489, %parallel_loop3A_1495 : vector<16xf32>
        %parallel_loop3A_1644 = arith.addf %parallel_loop3A_1501, %parallel_loop3A_1507 : vector<16xf32>
        %parallel_loop3A_1645 = arith.addf %parallel_loop3A_1513, %parallel_loop3A_1519 : vector<16xf32>
        %parallel_loop3A_1646 = arith.addf %parallel_loop3A_1525, %parallel_loop3A_1531 : vector<16xf32>
        %parallel_loop3A_1647 = arith.addf %parallel_loop3A_1537, %parallel_loop3A_1543 : vector<16xf32>
        %parallel_loop3A_1648 = arith.addf %parallel_loop3A_1549, %parallel_loop3A_1555 : vector<16xf32>
        %parallel_loop3A_1649 = arith.addf %parallel_loop3A_1561, %parallel_loop3A_1567 : vector<16xf32>
        %parallel_loop3A_1650 = arith.addf %parallel_loop3A_1573, %parallel_loop3A_1579 : vector<16xf32>
        %parallel_loop3A_1651 = arith.addf %parallel_loop3A_1585, %parallel_loop3A_1591 : vector<16xf32>
        %parallel_loop3A_1652 = arith.addf %parallel_loop3A_1597, %parallel_loop3A_1603 : vector<16xf32>
        %parallel_loop3A_1653 = arith.addf %parallel_loop3A_1609, %parallel_loop3A_1615 : vector<16xf32>
        %parallel_loop3A_1654 = arith.addf %parallel_loop3A_1621, %parallel_loop3A_1627 : vector<16xf32>
        %parallel_loop3A_1655 = arith.addf %parallel_loop3A_1633, %parallel_loop3A_1639 : vector<16xf32>
        %parallel_loop3A_1656 = arith.addf %parallel_loop3A_1640, %parallel_loop3A_1641 : vector<16xf32>
        %parallel_loop3A_1657 = arith.addf %parallel_loop3A_1642, %parallel_loop3A_1643 : vector<16xf32>
        %parallel_loop3A_1658 = arith.addf %parallel_loop3A_1644, %parallel_loop3A_1645 : vector<16xf32>
        %parallel_loop3A_1659 = arith.addf %parallel_loop3A_1646, %parallel_loop3A_1647 : vector<16xf32>
        %parallel_loop3A_1660 = arith.addf %parallel_loop3A_1648, %parallel_loop3A_1649 : vector<16xf32>
        %parallel_loop3A_1661 = arith.addf %parallel_loop3A_1650, %parallel_loop3A_1651 : vector<16xf32>
        %parallel_loop3A_1662 = arith.addf %parallel_loop3A_1652, %parallel_loop3A_1653 : vector<16xf32>
        %parallel_loop3A_1663 = arith.addf %parallel_loop3A_1654, %parallel_loop3A_1655 : vector<16xf32>
        %parallel_loop3A_1664 = arith.addf %parallel_loop3A_1656, %parallel_loop3A_1657 : vector<16xf32>
        %parallel_loop3A_1665 = arith.addf %parallel_loop3A_1658, %parallel_loop3A_1659 : vector<16xf32>
        %parallel_loop3A_1666 = arith.addf %parallel_loop3A_1660, %parallel_loop3A_1661 : vector<16xf32>
        %parallel_loop3A_1667 = arith.addf %parallel_loop3A_1662, %parallel_loop3A_1663 : vector<16xf32>
        %parallel_loop3A_1668 = arith.addf %parallel_loop3A_1664, %parallel_loop3A_1665 : vector<16xf32>
        %parallel_loop3A_1669 = arith.addf %parallel_loop3A_1666, %parallel_loop3A_1667 : vector<16xf32>
        %parallel_loop3A_1670 = arith.addf %parallel_loop3A_1668, %parallel_loop3A_1669 : vector<16xf32>
        %parallel_loop3A_1671 = arith.constant -5.000000e-01 : f32
        %parallel_loop3A_1672 = vector.broadcast %parallel_loop3A_1671 : f32 to vector<16xf32>
        %parallel_loop3A_1673 = arith.mulf %parallel_loop3A_1672, %parallel_loop3A_1670 : vector<16xf32>
        %parallel_loop3A_1674 = arith.constant 33 : i32
        %parallel_loop3A_1675 = vector.broadcast %parallel_loop3A_1674 : i32 to vector<16xi32>
        %parallel_loop3A_1676 = arith.muli %parallel_loop3A_274, %parallel_loop3A_1675 : vector<16xi32>
        %parallel_loop3A_1677 = arith.constant 0 : i32
        %parallel_loop3A_1678 = vector.broadcast %parallel_loop3A_1677 : i32 to vector<16xi32>
        %parallel_loop3A_1679 = arith.addi %parallel_loop3A_1676, %parallel_loop3A_1678 : vector<16xi32>
        %parallel_loop3A_1680 = tpu.vector_load_idx %arg15[%parallel_loop3A_1679] : memref<16896xf32, #tpu.memory_space<vmem>>[vector<16xi32>], vector<16xf32>,
        %parallel_loop3A_1681 = arith.subf %parallel_loop3A_129, %parallel_loop3A_1680 : vector<16xf32>
        %parallel_loop3A_1682 = arith.mulf %parallel_loop3A_1681, %parallel_loop3A_1681 : vector<16xf32>
        %parallel_loop3A_1683 = arith.constant 1 : i32
        %parallel_loop3A_1684 = vector.broadcast %parallel_loop3A_1683 : i32 to vector<16xi32>
        %parallel_loop3A_1685 = arith.addi %parallel_loop3A_1676, %parallel_loop3A_1684 : vector<16xi32>
        %parallel_loop3A_1686 = tpu.vector_load_idx %arg15[%parallel_loop3A_1685] : memref<16896xf32, #tpu.memory_space<vmem>>[vector<16xi32>], vector<16xf32>,
        %parallel_loop3A_1687 = arith.subf %parallel_loop3A_133, %parallel_loop3A_1686 : vector<16xf32>
        %parallel_loop3A_1688 = arith.mulf %parallel_loop3A_1687, %parallel_loop3A_1687 : vector<16xf32>
        %parallel_loop3A_1689 = arith.constant 2 : i32
        %parallel_loop3A_1690 = vector.broadcast %parallel_loop3A_1689 : i32 to vector<16xi32>
        %parallel_loop3A_1691 = arith.addi %parallel_loop3A_1676, %parallel_loop3A_1690 : vector<16xi32>
        %parallel_loop3A_1692 = tpu.vector_load_idx %arg15[%parallel_loop3A_1691] : memref<16896xf32, #tpu.memory_space<vmem>>[vector<16xi32>], vector<16xf32>,
        %parallel_loop3A_1693 = arith.subf %parallel_loop3A_137, %parallel_loop3A_1692 : vector<16xf32>
        %parallel_loop3A_1694 = arith.mulf %parallel_loop3A_1693, %parallel_loop3A_1693 : vector<16xf32>
        %parallel_loop3A_1695 = arith.constant 3 : i32
        %parallel_loop3A_1696 = vector.broadcast %parallel_loop3A_1695 : i32 to vector<16xi32>
        %parallel_loop3A_1697 = arith.addi %parallel_loop3A_1676, %parallel_loop3A_1696 : vector<16xi32>
        %parallel_loop3A_1698 = tpu.vector_load_idx %arg15[%parallel_loop3A_1697] : memref<16896xf32, #tpu.memory_space<vmem>>[vector<16xi32>], vector<16xf32>,
        %parallel_loop3A_1699 = arith.subf %parallel_loop3A_141, %parallel_loop3A_1698 : vector<16xf32>
        %parallel_loop3A_1700 = arith.mulf %parallel_loop3A_1699, %parallel_loop3A_1699 : vector<16xf32>
        %parallel_loop3A_1701 = arith.constant 4 : i32
        %parallel_loop3A_1702 = vector.broadcast %parallel_loop3A_1701 : i32 to vector<16xi32>
        %parallel_loop3A_1703 = arith.addi %parallel_loop3A_1676, %parallel_loop3A_1702 : vector<16xi32>
        %parallel_loop3A_1704 = tpu.vector_load_idx %arg15[%parallel_loop3A_1703] : memref<16896xf32, #tpu.memory_space<vmem>>[vector<16xi32>], vector<16xf32>,
        %parallel_loop3A_1705 = arith.subf %parallel_loop3A_145, %parallel_loop3A_1704 : vector<16xf32>
        %parallel_loop3A_1706 = arith.mulf %parallel_loop3A_1705, %parallel_loop3A_1705 : vector<16xf32>
        %parallel_loop3A_1707 = arith.constant 5 : i32
        %parallel_loop3A_1708 = vector.broadcast %parallel_loop3A_1707 : i32 to vector<16xi32>
        %parallel_loop3A_1709 = arith.addi %parallel_loop3A_1676, %parallel_loop3A_1708 : vector<16xi32>
        %parallel_loop3A_1710 = tpu.vector_load_idx %arg15[%parallel_loop3A_1709] : memref<16896xf32, #tpu.memory_space<vmem>>[vector<16xi32>], vector<16xf32>,
        %parallel_loop3A_1711 = arith.subf %parallel_loop3A_149, %parallel_loop3A_1710 : vector<16xf32>
        %parallel_loop3A_1712 = arith.mulf %parallel_loop3A_1711, %parallel_loop3A_1711 : vector<16xf32>
        %parallel_loop3A_1713 = arith.constant 6 : i32
        %parallel_loop3A_1714 = vector.broadcast %parallel_loop3A_1713 : i32 to vector<16xi32>
        %parallel_loop3A_1715 = arith.addi %parallel_loop3A_1676, %parallel_loop3A_1714 : vector<16xi32>
        %parallel_loop3A_1716 = tpu.vector_load_idx %arg15[%parallel_loop3A_1715] : memref<16896xf32, #tpu.memory_space<vmem>>[vector<16xi32>], vector<16xf32>,
        %parallel_loop3A_1717 = arith.subf %parallel_loop3A_153, %parallel_loop3A_1716 : vector<16xf32>
        %parallel_loop3A_1718 = arith.mulf %parallel_loop3A_1717, %parallel_loop3A_1717 : vector<16xf32>
        %parallel_loop3A_1719 = arith.constant 7 : i32
        %parallel_loop3A_1720 = vector.broadcast %parallel_loop3A_1719 : i32 to vector<16xi32>
        %parallel_loop3A_1721 = arith.addi %parallel_loop3A_1676, %parallel_loop3A_1720 : vector<16xi32>
        %parallel_loop3A_1722 = tpu.vector_load_idx %arg15[%parallel_loop3A_1721] : memref<16896xf32, #tpu.memory_space<vmem>>[vector<16xi32>], vector<16xf32>,
        %parallel_loop3A_1723 = arith.subf %parallel_loop3A_157, %parallel_loop3A_1722 : vector<16xf32>
        %parallel_loop3A_1724 = arith.mulf %parallel_loop3A_1723, %parallel_loop3A_1723 : vector<16xf32>
        %parallel_loop3A_1725 = arith.constant 8 : i32
        %parallel_loop3A_1726 = vector.broadcast %parallel_loop3A_1725 : i32 to vector<16xi32>
        %parallel_loop3A_1727 = arith.addi %parallel_loop3A_1676, %parallel_loop3A_1726 : vector<16xi32>
        %parallel_loop3A_1728 = tpu.vector_load_idx %arg15[%parallel_loop3A_1727] : memref<16896xf32, #tpu.memory_space<vmem>>[vector<16xi32>], vector<16xf32>,
        %parallel_loop3A_1729 = arith.subf %parallel_loop3A_161, %parallel_loop3A_1728 : vector<16xf32>
        %parallel_loop3A_1730 = arith.mulf %parallel_loop3A_1729, %parallel_loop3A_1729 : vector<16xf32>
        %parallel_loop3A_1731 = arith.constant 9 : i32
        %parallel_loop3A_1732 = vector.broadcast %parallel_loop3A_1731 : i32 to vector<16xi32>
        %parallel_loop3A_1733 = arith.addi %parallel_loop3A_1676, %parallel_loop3A_1732 : vector<16xi32>
        %parallel_loop3A_1734 = tpu.vector_load_idx %arg15[%parallel_loop3A_1733] : memref<16896xf32, #tpu.memory_space<vmem>>[vector<16xi32>], vector<16xf32>,
        %parallel_loop3A_1735 = arith.subf %parallel_loop3A_165, %parallel_loop3A_1734 : vector<16xf32>
        %parallel_loop3A_1736 = arith.mulf %parallel_loop3A_1735, %parallel_loop3A_1735 : vector<16xf32>
        %parallel_loop3A_1737 = arith.constant 10 : i32
        %parallel_loop3A_1738 = vector.broadcast %parallel_loop3A_1737 : i32 to vector<16xi32>
        %parallel_loop3A_1739 = arith.addi %parallel_loop3A_1676, %parallel_loop3A_1738 : vector<16xi32>
        %parallel_loop3A_1740 = tpu.vector_load_idx %arg15[%parallel_loop3A_1739] : memref<16896xf32, #tpu.memory_space<vmem>>[vector<16xi32>], vector<16xf32>,
        %parallel_loop3A_1741 = arith.subf %parallel_loop3A_169, %parallel_loop3A_1740 : vector<16xf32>
        %parallel_loop3A_1742 = arith.mulf %parallel_loop3A_1741, %parallel_loop3A_1741 : vector<16xf32>
        %parallel_loop3A_1743 = arith.constant 11 : i32
        %parallel_loop3A_1744 = vector.broadcast %parallel_loop3A_1743 : i32 to vector<16xi32>
        %parallel_loop3A_1745 = arith.addi %parallel_loop3A_1676, %parallel_loop3A_1744 : vector<16xi32>
        %parallel_loop3A_1746 = tpu.vector_load_idx %arg15[%parallel_loop3A_1745] : memref<16896xf32, #tpu.memory_space<vmem>>[vector<16xi32>], vector<16xf32>,
        %parallel_loop3A_1747 = arith.subf %parallel_loop3A_173, %parallel_loop3A_1746 : vector<16xf32>
        %parallel_loop3A_1748 = arith.mulf %parallel_loop3A_1747, %parallel_loop3A_1747 : vector<16xf32>
        %parallel_loop3A_1749 = arith.constant 12 : i32
        %parallel_loop3A_1750 = vector.broadcast %parallel_loop3A_1749 : i32 to vector<16xi32>
        %parallel_loop3A_1751 = arith.addi %parallel_loop3A_1676, %parallel_loop3A_1750 : vector<16xi32>
        %parallel_loop3A_1752 = tpu.vector_load_idx %arg15[%parallel_loop3A_1751] : memref<16896xf32, #tpu.memory_space<vmem>>[vector<16xi32>], vector<16xf32>,
        %parallel_loop3A_1753 = arith.subf %parallel_loop3A_177, %parallel_loop3A_1752 : vector<16xf32>
        %parallel_loop3A_1754 = arith.mulf %parallel_loop3A_1753, %parallel_loop3A_1753 : vector<16xf32>
        %parallel_loop3A_1755 = arith.constant 13 : i32
        %parallel_loop3A_1756 = vector.broadcast %parallel_loop3A_1755 : i32 to vector<16xi32>
        %parallel_loop3A_1757 = arith.addi %parallel_loop3A_1676, %parallel_loop3A_1756 : vector<16xi32>
        %parallel_loop3A_1758 = tpu.vector_load_idx %arg15[%parallel_loop3A_1757] : memref<16896xf32, #tpu.memory_space<vmem>>[vector<16xi32>], vector<16xf32>,
        %parallel_loop3A_1759 = arith.subf %parallel_loop3A_181, %parallel_loop3A_1758 : vector<16xf32>
        %parallel_loop3A_1760 = arith.mulf %parallel_loop3A_1759, %parallel_loop3A_1759 : vector<16xf32>
        %parallel_loop3A_1761 = arith.constant 14 : i32
        %parallel_loop3A_1762 = vector.broadcast %parallel_loop3A_1761 : i32 to vector<16xi32>
        %parallel_loop3A_1763 = arith.addi %parallel_loop3A_1676, %parallel_loop3A_1762 : vector<16xi32>
        %parallel_loop3A_1764 = tpu.vector_load_idx %arg15[%parallel_loop3A_1763] : memref<16896xf32, #tpu.memory_space<vmem>>[vector<16xi32>], vector<16xf32>,
        %parallel_loop3A_1765 = arith.subf %parallel_loop3A_185, %parallel_loop3A_1764 : vector<16xf32>
        %parallel_loop3A_1766 = arith.mulf %parallel_loop3A_1765, %parallel_loop3A_1765 : vector<16xf32>
        %parallel_loop3A_1767 = arith.constant 15 : i32
        %parallel_loop3A_1768 = vector.broadcast %parallel_loop3A_1767 : i32 to vector<16xi32>
        %parallel_loop3A_1769 = arith.addi %parallel_loop3A_1676, %parallel_loop3A_1768 : vector<16xi32>
        %parallel_loop3A_1770 = tpu.vector_load_idx %arg15[%parallel_loop3A_1769] : memref<16896xf32, #tpu.memory_space<vmem>>[vector<16xi32>], vector<16xf32>,
        %parallel_loop3A_1771 = arith.subf %parallel_loop3A_189, %parallel_loop3A_1770 : vector<16xf32>
        %parallel_loop3A_1772 = arith.mulf %parallel_loop3A_1771, %parallel_loop3A_1771 : vector<16xf32>
        %parallel_loop3A_1773 = arith.constant 16 : i32
        %parallel_loop3A_1774 = vector.broadcast %parallel_loop3A_1773 : i32 to vector<16xi32>
        %parallel_loop3A_1775 = arith.addi %parallel_loop3A_1676, %parallel_loop3A_1774 : vector<16xi32>
        %parallel_loop3A_1776 = tpu.vector_load_idx %arg15[%parallel_loop3A_1775] : memref<16896xf32, #tpu.memory_space<vmem>>[vector<16xi32>], vector<16xf32>,
        %parallel_loop3A_1777 = arith.subf %parallel_loop3A_193, %parallel_loop3A_1776 : vector<16xf32>
        %parallel_loop3A_1778 = arith.mulf %parallel_loop3A_1777, %parallel_loop3A_1777 : vector<16xf32>
        %parallel_loop3A_1779 = arith.constant 17 : i32
        %parallel_loop3A_1780 = vector.broadcast %parallel_loop3A_1779 : i32 to vector<16xi32>
        %parallel_loop3A_1781 = arith.addi %parallel_loop3A_1676, %parallel_loop3A_1780 : vector<16xi32>
        %parallel_loop3A_1782 = tpu.vector_load_idx %arg15[%parallel_loop3A_1781] : memref<16896xf32, #tpu.memory_space<vmem>>[vector<16xi32>], vector<16xf32>,
        %parallel_loop3A_1783 = arith.subf %parallel_loop3A_197, %parallel_loop3A_1782 : vector<16xf32>
        %parallel_loop3A_1784 = arith.mulf %parallel_loop3A_1783, %parallel_loop3A_1783 : vector<16xf32>
        %parallel_loop3A_1785 = arith.constant 18 : i32
        %parallel_loop3A_1786 = vector.broadcast %parallel_loop3A_1785 : i32 to vector<16xi32>
        %parallel_loop3A_1787 = arith.addi %parallel_loop3A_1676, %parallel_loop3A_1786 : vector<16xi32>
        %parallel_loop3A_1788 = tpu.vector_load_idx %arg15[%parallel_loop3A_1787] : memref<16896xf32, #tpu.memory_space<vmem>>[vector<16xi32>], vector<16xf32>,
        %parallel_loop3A_1789 = arith.subf %parallel_loop3A_201, %parallel_loop3A_1788 : vector<16xf32>
        %parallel_loop3A_1790 = arith.mulf %parallel_loop3A_1789, %parallel_loop3A_1789 : vector<16xf32>
        %parallel_loop3A_1791 = arith.constant 19 : i32
        %parallel_loop3A_1792 = vector.broadcast %parallel_loop3A_1791 : i32 to vector<16xi32>
        %parallel_loop3A_1793 = arith.addi %parallel_loop3A_1676, %parallel_loop3A_1792 : vector<16xi32>
        %parallel_loop3A_1794 = tpu.vector_load_idx %arg15[%parallel_loop3A_1793] : memref<16896xf32, #tpu.memory_space<vmem>>[vector<16xi32>], vector<16xf32>,
        %parallel_loop3A_1795 = arith.subf %parallel_loop3A_205, %parallel_loop3A_1794 : vector<16xf32>
        %parallel_loop3A_1796 = arith.mulf %parallel_loop3A_1795, %parallel_loop3A_1795 : vector<16xf32>
        %parallel_loop3A_1797 = arith.constant 20 : i32
        %parallel_loop3A_1798 = vector.broadcast %parallel_loop3A_1797 : i32 to vector<16xi32>
        %parallel_loop3A_1799 = arith.addi %parallel_loop3A_1676, %parallel_loop3A_1798 : vector<16xi32>
        %parallel_loop3A_1800 = tpu.vector_load_idx %arg15[%parallel_loop3A_1799] : memref<16896xf32, #tpu.memory_space<vmem>>[vector<16xi32>], vector<16xf32>,
        %parallel_loop3A_1801 = arith.subf %parallel_loop3A_209, %parallel_loop3A_1800 : vector<16xf32>
        %parallel_loop3A_1802 = arith.mulf %parallel_loop3A_1801, %parallel_loop3A_1801 : vector<16xf32>
        %parallel_loop3A_1803 = arith.constant 21 : i32
        %parallel_loop3A_1804 = vector.broadcast %parallel_loop3A_1803 : i32 to vector<16xi32>
        %parallel_loop3A_1805 = arith.addi %parallel_loop3A_1676, %parallel_loop3A_1804 : vector<16xi32>
        %parallel_loop3A_1806 = tpu.vector_load_idx %arg15[%parallel_loop3A_1805] : memref<16896xf32, #tpu.memory_space<vmem>>[vector<16xi32>], vector<16xf32>,
        %parallel_loop3A_1807 = arith.subf %parallel_loop3A_213, %parallel_loop3A_1806 : vector<16xf32>
        %parallel_loop3A_1808 = arith.mulf %parallel_loop3A_1807, %parallel_loop3A_1807 : vector<16xf32>
        %parallel_loop3A_1809 = arith.constant 22 : i32
        %parallel_loop3A_1810 = vector.broadcast %parallel_loop3A_1809 : i32 to vector<16xi32>
        %parallel_loop3A_1811 = arith.addi %parallel_loop3A_1676, %parallel_loop3A_1810 : vector<16xi32>
        %parallel_loop3A_1812 = tpu.vector_load_idx %arg15[%parallel_loop3A_1811] : memref<16896xf32, #tpu.memory_space<vmem>>[vector<16xi32>], vector<16xf32>,
        %parallel_loop3A_1813 = arith.subf %parallel_loop3A_217, %parallel_loop3A_1812 : vector<16xf32>
        %parallel_loop3A_1814 = arith.mulf %parallel_loop3A_1813, %parallel_loop3A_1813 : vector<16xf32>
        %parallel_loop3A_1815 = arith.constant 23 : i32
        %parallel_loop3A_1816 = vector.broadcast %parallel_loop3A_1815 : i32 to vector<16xi32>
        %parallel_loop3A_1817 = arith.addi %parallel_loop3A_1676, %parallel_loop3A_1816 : vector<16xi32>
        %parallel_loop3A_1818 = tpu.vector_load_idx %arg15[%parallel_loop3A_1817] : memref<16896xf32, #tpu.memory_space<vmem>>[vector<16xi32>], vector<16xf32>,
        %parallel_loop3A_1819 = arith.subf %parallel_loop3A_221, %parallel_loop3A_1818 : vector<16xf32>
        %parallel_loop3A_1820 = arith.mulf %parallel_loop3A_1819, %parallel_loop3A_1819 : vector<16xf32>
        %parallel_loop3A_1821 = arith.constant 24 : i32
        %parallel_loop3A_1822 = vector.broadcast %parallel_loop3A_1821 : i32 to vector<16xi32>
        %parallel_loop3A_1823 = arith.addi %parallel_loop3A_1676, %parallel_loop3A_1822 : vector<16xi32>
        %parallel_loop3A_1824 = tpu.vector_load_idx %arg15[%parallel_loop3A_1823] : memref<16896xf32, #tpu.memory_space<vmem>>[vector<16xi32>], vector<16xf32>,
        %parallel_loop3A_1825 = arith.subf %parallel_loop3A_225, %parallel_loop3A_1824 : vector<16xf32>
        %parallel_loop3A_1826 = arith.mulf %parallel_loop3A_1825, %parallel_loop3A_1825 : vector<16xf32>
        %parallel_loop3A_1827 = arith.constant 25 : i32
        %parallel_loop3A_1828 = vector.broadcast %parallel_loop3A_1827 : i32 to vector<16xi32>
        %parallel_loop3A_1829 = arith.addi %parallel_loop3A_1676, %parallel_loop3A_1828 : vector<16xi32>
        %parallel_loop3A_1830 = tpu.vector_load_idx %arg15[%parallel_loop3A_1829] : memref<16896xf32, #tpu.memory_space<vmem>>[vector<16xi32>], vector<16xf32>,
        %parallel_loop3A_1831 = arith.subf %parallel_loop3A_229, %parallel_loop3A_1830 : vector<16xf32>
        %parallel_loop3A_1832 = arith.mulf %parallel_loop3A_1831, %parallel_loop3A_1831 : vector<16xf32>
        %parallel_loop3A_1833 = arith.constant 26 : i32
        %parallel_loop3A_1834 = vector.broadcast %parallel_loop3A_1833 : i32 to vector<16xi32>
        %parallel_loop3A_1835 = arith.addi %parallel_loop3A_1676, %parallel_loop3A_1834 : vector<16xi32>
        %parallel_loop3A_1836 = tpu.vector_load_idx %arg15[%parallel_loop3A_1835] : memref<16896xf32, #tpu.memory_space<vmem>>[vector<16xi32>], vector<16xf32>,
        %parallel_loop3A_1837 = arith.subf %parallel_loop3A_233, %parallel_loop3A_1836 : vector<16xf32>
        %parallel_loop3A_1838 = arith.mulf %parallel_loop3A_1837, %parallel_loop3A_1837 : vector<16xf32>
        %parallel_loop3A_1839 = arith.constant 27 : i32
        %parallel_loop3A_1840 = vector.broadcast %parallel_loop3A_1839 : i32 to vector<16xi32>
        %parallel_loop3A_1841 = arith.addi %parallel_loop3A_1676, %parallel_loop3A_1840 : vector<16xi32>
        %parallel_loop3A_1842 = tpu.vector_load_idx %arg15[%parallel_loop3A_1841] : memref<16896xf32, #tpu.memory_space<vmem>>[vector<16xi32>], vector<16xf32>,
        %parallel_loop3A_1843 = arith.subf %parallel_loop3A_237, %parallel_loop3A_1842 : vector<16xf32>
        %parallel_loop3A_1844 = arith.mulf %parallel_loop3A_1843, %parallel_loop3A_1843 : vector<16xf32>
        %parallel_loop3A_1845 = arith.constant 28 : i32
        %parallel_loop3A_1846 = vector.broadcast %parallel_loop3A_1845 : i32 to vector<16xi32>
        %parallel_loop3A_1847 = arith.addi %parallel_loop3A_1676, %parallel_loop3A_1846 : vector<16xi32>
        %parallel_loop3A_1848 = tpu.vector_load_idx %arg15[%parallel_loop3A_1847] : memref<16896xf32, #tpu.memory_space<vmem>>[vector<16xi32>], vector<16xf32>,
        %parallel_loop3A_1849 = arith.subf %parallel_loop3A_241, %parallel_loop3A_1848 : vector<16xf32>
        %parallel_loop3A_1850 = arith.mulf %parallel_loop3A_1849, %parallel_loop3A_1849 : vector<16xf32>
        %parallel_loop3A_1851 = arith.constant 29 : i32
        %parallel_loop3A_1852 = vector.broadcast %parallel_loop3A_1851 : i32 to vector<16xi32>
        %parallel_loop3A_1853 = arith.addi %parallel_loop3A_1676, %parallel_loop3A_1852 : vector<16xi32>
        %parallel_loop3A_1854 = tpu.vector_load_idx %arg15[%parallel_loop3A_1853] : memref<16896xf32, #tpu.memory_space<vmem>>[vector<16xi32>], vector<16xf32>,
        %parallel_loop3A_1855 = arith.subf %parallel_loop3A_245, %parallel_loop3A_1854 : vector<16xf32>
        %parallel_loop3A_1856 = arith.mulf %parallel_loop3A_1855, %parallel_loop3A_1855 : vector<16xf32>
        %parallel_loop3A_1857 = arith.constant 30 : i32
        %parallel_loop3A_1858 = vector.broadcast %parallel_loop3A_1857 : i32 to vector<16xi32>
        %parallel_loop3A_1859 = arith.addi %parallel_loop3A_1676, %parallel_loop3A_1858 : vector<16xi32>
        %parallel_loop3A_1860 = tpu.vector_load_idx %arg15[%parallel_loop3A_1859] : memref<16896xf32, #tpu.memory_space<vmem>>[vector<16xi32>], vector<16xf32>,
        %parallel_loop3A_1861 = arith.subf %parallel_loop3A_249, %parallel_loop3A_1860 : vector<16xf32>
        %parallel_loop3A_1862 = arith.mulf %parallel_loop3A_1861, %parallel_loop3A_1861 : vector<16xf32>
        %parallel_loop3A_1863 = arith.constant 31 : i32
        %parallel_loop3A_1864 = vector.broadcast %parallel_loop3A_1863 : i32 to vector<16xi32>
        %parallel_loop3A_1865 = arith.addi %parallel_loop3A_1676, %parallel_loop3A_1864 : vector<16xi32>
        %parallel_loop3A_1866 = tpu.vector_load_idx %arg15[%parallel_loop3A_1865] : memref<16896xf32, #tpu.memory_space<vmem>>[vector<16xi32>], vector<16xf32>,
        %parallel_loop3A_1867 = arith.subf %parallel_loop3A_253, %parallel_loop3A_1866 : vector<16xf32>
        %parallel_loop3A_1868 = arith.mulf %parallel_loop3A_1867, %parallel_loop3A_1867 : vector<16xf32>
        %parallel_loop3A_1869 = arith.addf %parallel_loop3A_1682, %parallel_loop3A_1688 : vector<16xf32>
        %parallel_loop3A_1870 = arith.addf %parallel_loop3A_1694, %parallel_loop3A_1700 : vector<16xf32>
        %parallel_loop3A_1871 = arith.addf %parallel_loop3A_1706, %parallel_loop3A_1712 : vector<16xf32>
        %parallel_loop3A_1872 = arith.addf %parallel_loop3A_1718, %parallel_loop3A_1724 : vector<16xf32>
        %parallel_loop3A_1873 = arith.addf %parallel_loop3A_1730, %parallel_loop3A_1736 : vector<16xf32>
        %parallel_loop3A_1874 = arith.addf %parallel_loop3A_1742, %parallel_loop3A_1748 : vector<16xf32>
        %parallel_loop3A_1875 = arith.addf %parallel_loop3A_1754, %parallel_loop3A_1760 : vector<16xf32>
        %parallel_loop3A_1876 = arith.addf %parallel_loop3A_1766, %parallel_loop3A_1772 : vector<16xf32>
        %parallel_loop3A_1877 = arith.addf %parallel_loop3A_1778, %parallel_loop3A_1784 : vector<16xf32>
        %parallel_loop3A_1878 = arith.addf %parallel_loop3A_1790, %parallel_loop3A_1796 : vector<16xf32>
        %parallel_loop3A_1879 = arith.addf %parallel_loop3A_1802, %parallel_loop3A_1808 : vector<16xf32>
        %parallel_loop3A_1880 = arith.addf %parallel_loop3A_1814, %parallel_loop3A_1820 : vector<16xf32>
        %parallel_loop3A_1881 = arith.addf %parallel_loop3A_1826, %parallel_loop3A_1832 : vector<16xf32>
        %parallel_loop3A_1882 = arith.addf %parallel_loop3A_1838, %parallel_loop3A_1844 : vector<16xf32>
        %parallel_loop3A_1883 = arith.addf %parallel_loop3A_1850, %parallel_loop3A_1856 : vector<16xf32>
        %parallel_loop3A_1884 = arith.addf %parallel_loop3A_1862, %parallel_loop3A_1868 : vector<16xf32>
        %parallel_loop3A_1885 = arith.addf %parallel_loop3A_1869, %parallel_loop3A_1870 : vector<16xf32>
        %parallel_loop3A_1886 = arith.addf %parallel_loop3A_1871, %parallel_loop3A_1872 : vector<16xf32>
        %parallel_loop3A_1887 = arith.addf %parallel_loop3A_1873, %parallel_loop3A_1874 : vector<16xf32>
        %parallel_loop3A_1888 = arith.addf %parallel_loop3A_1875, %parallel_loop3A_1876 : vector<16xf32>
        %parallel_loop3A_1889 = arith.addf %parallel_loop3A_1877, %parallel_loop3A_1878 : vector<16xf32>
        %parallel_loop3A_1890 = arith.addf %parallel_loop3A_1879, %parallel_loop3A_1880 : vector<16xf32>
        %parallel_loop3A_1891 = arith.addf %parallel_loop3A_1881, %parallel_loop3A_1882 : vector<16xf32>
        %parallel_loop3A_1892 = arith.addf %parallel_loop3A_1883, %parallel_loop3A_1884 : vector<16xf32>
        %parallel_loop3A_1893 = arith.addf %parallel_loop3A_1885, %parallel_loop3A_1886 : vector<16xf32>
        %parallel_loop3A_1894 = arith.addf %parallel_loop3A_1887, %parallel_loop3A_1888 : vector<16xf32>
        %parallel_loop3A_1895 = arith.addf %parallel_loop3A_1889, %parallel_loop3A_1890 : vector<16xf32>
        %parallel_loop3A_1896 = arith.addf %parallel_loop3A_1891, %parallel_loop3A_1892 : vector<16xf32>
        %parallel_loop3A_1897 = arith.addf %parallel_loop3A_1893, %parallel_loop3A_1894 : vector<16xf32>
        %parallel_loop3A_1898 = arith.addf %parallel_loop3A_1895, %parallel_loop3A_1896 : vector<16xf32>
        %parallel_loop3A_1899 = arith.addf %parallel_loop3A_1897, %parallel_loop3A_1898 : vector<16xf32>
        %parallel_loop3A_1900 = arith.constant -5.000000e-01 : f32
        %parallel_loop3A_1901 = vector.broadcast %parallel_loop3A_1900 : f32 to vector<16xf32>
        %parallel_loop3A_1902 = arith.mulf %parallel_loop3A_1901, %parallel_loop3A_1899 : vector<16xf32>
        %parallel_loop3A_1903 = arith.constant 33 : i32
        %parallel_loop3A_1904 = vector.broadcast %parallel_loop3A_1903 : i32 to vector<16xi32>
        %parallel_loop3A_1905 = arith.muli %parallel_loop3A_277, %parallel_loop3A_1904 : vector<16xi32>
        %parallel_loop3A_1906 = arith.constant 0 : i32
        %parallel_loop3A_1907 = vector.broadcast %parallel_loop3A_1906 : i32 to vector<16xi32>
        %parallel_loop3A_1908 = arith.addi %parallel_loop3A_1905, %parallel_loop3A_1907 : vector<16xi32>
        %parallel_loop3A_1909 = tpu.vector_load_idx %arg15[%parallel_loop3A_1908] : memref<16896xf32, #tpu.memory_space<vmem>>[vector<16xi32>], vector<16xf32>,
        %parallel_loop3A_1910 = arith.subf %parallel_loop3A_129, %parallel_loop3A_1909 : vector<16xf32>
        %parallel_loop3A_1911 = arith.mulf %parallel_loop3A_1910, %parallel_loop3A_1910 : vector<16xf32>
        %parallel_loop3A_1912 = arith.constant 1 : i32
        %parallel_loop3A_1913 = vector.broadcast %parallel_loop3A_1912 : i32 to vector<16xi32>
        %parallel_loop3A_1914 = arith.addi %parallel_loop3A_1905, %parallel_loop3A_1913 : vector<16xi32>
        %parallel_loop3A_1915 = tpu.vector_load_idx %arg15[%parallel_loop3A_1914] : memref<16896xf32, #tpu.memory_space<vmem>>[vector<16xi32>], vector<16xf32>,
        %parallel_loop3A_1916 = arith.subf %parallel_loop3A_133, %parallel_loop3A_1915 : vector<16xf32>
        %parallel_loop3A_1917 = arith.mulf %parallel_loop3A_1916, %parallel_loop3A_1916 : vector<16xf32>
        %parallel_loop3A_1918 = arith.constant 2 : i32
        %parallel_loop3A_1919 = vector.broadcast %parallel_loop3A_1918 : i32 to vector<16xi32>
        %parallel_loop3A_1920 = arith.addi %parallel_loop3A_1905, %parallel_loop3A_1919 : vector<16xi32>
        %parallel_loop3A_1921 = tpu.vector_load_idx %arg15[%parallel_loop3A_1920] : memref<16896xf32, #tpu.memory_space<vmem>>[vector<16xi32>], vector<16xf32>,
        %parallel_loop3A_1922 = arith.subf %parallel_loop3A_137, %parallel_loop3A_1921 : vector<16xf32>
        %parallel_loop3A_1923 = arith.mulf %parallel_loop3A_1922, %parallel_loop3A_1922 : vector<16xf32>
        %parallel_loop3A_1924 = arith.constant 3 : i32
        %parallel_loop3A_1925 = vector.broadcast %parallel_loop3A_1924 : i32 to vector<16xi32>
        %parallel_loop3A_1926 = arith.addi %parallel_loop3A_1905, %parallel_loop3A_1925 : vector<16xi32>
        %parallel_loop3A_1927 = tpu.vector_load_idx %arg15[%parallel_loop3A_1926] : memref<16896xf32, #tpu.memory_space<vmem>>[vector<16xi32>], vector<16xf32>,
        %parallel_loop3A_1928 = arith.subf %parallel_loop3A_141, %parallel_loop3A_1927 : vector<16xf32>
        %parallel_loop3A_1929 = arith.mulf %parallel_loop3A_1928, %parallel_loop3A_1928 : vector<16xf32>
        %parallel_loop3A_1930 = arith.constant 4 : i32
        %parallel_loop3A_1931 = vector.broadcast %parallel_loop3A_1930 : i32 to vector<16xi32>
        %parallel_loop3A_1932 = arith.addi %parallel_loop3A_1905, %parallel_loop3A_1931 : vector<16xi32>
        %parallel_loop3A_1933 = tpu.vector_load_idx %arg15[%parallel_loop3A_1932] : memref<16896xf32, #tpu.memory_space<vmem>>[vector<16xi32>], vector<16xf32>,
        %parallel_loop3A_1934 = arith.subf %parallel_loop3A_145, %parallel_loop3A_1933 : vector<16xf32>
        %parallel_loop3A_1935 = arith.mulf %parallel_loop3A_1934, %parallel_loop3A_1934 : vector<16xf32>
        %parallel_loop3A_1936 = arith.constant 5 : i32
        %parallel_loop3A_1937 = vector.broadcast %parallel_loop3A_1936 : i32 to vector<16xi32>
        %parallel_loop3A_1938 = arith.addi %parallel_loop3A_1905, %parallel_loop3A_1937 : vector<16xi32>
        %parallel_loop3A_1939 = tpu.vector_load_idx %arg15[%parallel_loop3A_1938] : memref<16896xf32, #tpu.memory_space<vmem>>[vector<16xi32>], vector<16xf32>,
        %parallel_loop3A_1940 = arith.subf %parallel_loop3A_149, %parallel_loop3A_1939 : vector<16xf32>
        %parallel_loop3A_1941 = arith.mulf %parallel_loop3A_1940, %parallel_loop3A_1940 : vector<16xf32>
        %parallel_loop3A_1942 = arith.constant 6 : i32
        %parallel_loop3A_1943 = vector.broadcast %parallel_loop3A_1942 : i32 to vector<16xi32>
        %parallel_loop3A_1944 = arith.addi %parallel_loop3A_1905, %parallel_loop3A_1943 : vector<16xi32>
        %parallel_loop3A_1945 = tpu.vector_load_idx %arg15[%parallel_loop3A_1944] : memref<16896xf32, #tpu.memory_space<vmem>>[vector<16xi32>], vector<16xf32>,
        %parallel_loop3A_1946 = arith.subf %parallel_loop3A_153, %parallel_loop3A_1945 : vector<16xf32>
        %parallel_loop3A_1947 = arith.mulf %parallel_loop3A_1946, %parallel_loop3A_1946 : vector<16xf32>
        %parallel_loop3A_1948 = arith.constant 7 : i32
        %parallel_loop3A_1949 = vector.broadcast %parallel_loop3A_1948 : i32 to vector<16xi32>
        %parallel_loop3A_1950 = arith.addi %parallel_loop3A_1905, %parallel_loop3A_1949 : vector<16xi32>
        %parallel_loop3A_1951 = tpu.vector_load_idx %arg15[%parallel_loop3A_1950] : memref<16896xf32, #tpu.memory_space<vmem>>[vector<16xi32>], vector<16xf32>,
        %parallel_loop3A_1952 = arith.subf %parallel_loop3A_157, %parallel_loop3A_1951 : vector<16xf32>
        %parallel_loop3A_1953 = arith.mulf %parallel_loop3A_1952, %parallel_loop3A_1952 : vector<16xf32>
        %parallel_loop3A_1954 = arith.constant 8 : i32
        %parallel_loop3A_1955 = vector.broadcast %parallel_loop3A_1954 : i32 to vector<16xi32>
        %parallel_loop3A_1956 = arith.addi %parallel_loop3A_1905, %parallel_loop3A_1955 : vector<16xi32>
        %parallel_loop3A_1957 = tpu.vector_load_idx %arg15[%parallel_loop3A_1956] : memref<16896xf32, #tpu.memory_space<vmem>>[vector<16xi32>], vector<16xf32>,
        %parallel_loop3A_1958 = arith.subf %parallel_loop3A_161, %parallel_loop3A_1957 : vector<16xf32>
        %parallel_loop3A_1959 = arith.mulf %parallel_loop3A_1958, %parallel_loop3A_1958 : vector<16xf32>
        %parallel_loop3A_1960 = arith.constant 9 : i32
        %parallel_loop3A_1961 = vector.broadcast %parallel_loop3A_1960 : i32 to vector<16xi32>
        %parallel_loop3A_1962 = arith.addi %parallel_loop3A_1905, %parallel_loop3A_1961 : vector<16xi32>
        %parallel_loop3A_1963 = tpu.vector_load_idx %arg15[%parallel_loop3A_1962] : memref<16896xf32, #tpu.memory_space<vmem>>[vector<16xi32>], vector<16xf32>,
        %parallel_loop3A_1964 = arith.subf %parallel_loop3A_165, %parallel_loop3A_1963 : vector<16xf32>
        %parallel_loop3A_1965 = arith.mulf %parallel_loop3A_1964, %parallel_loop3A_1964 : vector<16xf32>
        %parallel_loop3A_1966 = arith.constant 10 : i32
        %parallel_loop3A_1967 = vector.broadcast %parallel_loop3A_1966 : i32 to vector<16xi32>
        %parallel_loop3A_1968 = arith.addi %parallel_loop3A_1905, %parallel_loop3A_1967 : vector<16xi32>
        %parallel_loop3A_1969 = tpu.vector_load_idx %arg15[%parallel_loop3A_1968] : memref<16896xf32, #tpu.memory_space<vmem>>[vector<16xi32>], vector<16xf32>,
        %parallel_loop3A_1970 = arith.subf %parallel_loop3A_169, %parallel_loop3A_1969 : vector<16xf32>
        %parallel_loop3A_1971 = arith.mulf %parallel_loop3A_1970, %parallel_loop3A_1970 : vector<16xf32>
        %parallel_loop3A_1972 = arith.constant 11 : i32
        %parallel_loop3A_1973 = vector.broadcast %parallel_loop3A_1972 : i32 to vector<16xi32>
        %parallel_loop3A_1974 = arith.addi %parallel_loop3A_1905, %parallel_loop3A_1973 : vector<16xi32>
        %parallel_loop3A_1975 = tpu.vector_load_idx %arg15[%parallel_loop3A_1974] : memref<16896xf32, #tpu.memory_space<vmem>>[vector<16xi32>], vector<16xf32>,
        %parallel_loop3A_1976 = arith.subf %parallel_loop3A_173, %parallel_loop3A_1975 : vector<16xf32>
        %parallel_loop3A_1977 = arith.mulf %parallel_loop3A_1976, %parallel_loop3A_1976 : vector<16xf32>
        %parallel_loop3A_1978 = arith.constant 12 : i32
        %parallel_loop3A_1979 = vector.broadcast %parallel_loop3A_1978 : i32 to vector<16xi32>
        %parallel_loop3A_1980 = arith.addi %parallel_loop3A_1905, %parallel_loop3A_1979 : vector<16xi32>
        %parallel_loop3A_1981 = tpu.vector_load_idx %arg15[%parallel_loop3A_1980] : memref<16896xf32, #tpu.memory_space<vmem>>[vector<16xi32>], vector<16xf32>,
        %parallel_loop3A_1982 = arith.subf %parallel_loop3A_177, %parallel_loop3A_1981 : vector<16xf32>
        %parallel_loop3A_1983 = arith.mulf %parallel_loop3A_1982, %parallel_loop3A_1982 : vector<16xf32>
        %parallel_loop3A_1984 = arith.constant 13 : i32
        %parallel_loop3A_1985 = vector.broadcast %parallel_loop3A_1984 : i32 to vector<16xi32>
        %parallel_loop3A_1986 = arith.addi %parallel_loop3A_1905, %parallel_loop3A_1985 : vector<16xi32>
        %parallel_loop3A_1987 = tpu.vector_load_idx %arg15[%parallel_loop3A_1986] : memref<16896xf32, #tpu.memory_space<vmem>>[vector<16xi32>], vector<16xf32>,
        %parallel_loop3A_1988 = arith.subf %parallel_loop3A_181, %parallel_loop3A_1987 : vector<16xf32>
        %parallel_loop3A_1989 = arith.mulf %parallel_loop3A_1988, %parallel_loop3A_1988 : vector<16xf32>
        %parallel_loop3A_1990 = arith.constant 14 : i32
        %parallel_loop3A_1991 = vector.broadcast %parallel_loop3A_1990 : i32 to vector<16xi32>
        %parallel_loop3A_1992 = arith.addi %parallel_loop3A_1905, %parallel_loop3A_1991 : vector<16xi32>
        %parallel_loop3A_1993 = tpu.vector_load_idx %arg15[%parallel_loop3A_1992] : memref<16896xf32, #tpu.memory_space<vmem>>[vector<16xi32>], vector<16xf32>,
        %parallel_loop3A_1994 = arith.subf %parallel_loop3A_185, %parallel_loop3A_1993 : vector<16xf32>
        %parallel_loop3A_1995 = arith.mulf %parallel_loop3A_1994, %parallel_loop3A_1994 : vector<16xf32>
        %parallel_loop3A_1996 = arith.constant 15 : i32
        %parallel_loop3A_1997 = vector.broadcast %parallel_loop3A_1996 : i32 to vector<16xi32>
        %parallel_loop3A_1998 = arith.addi %parallel_loop3A_1905, %parallel_loop3A_1997 : vector<16xi32>
        %parallel_loop3A_1999 = tpu.vector_load_idx %arg15[%parallel_loop3A_1998] : memref<16896xf32, #tpu.memory_space<vmem>>[vector<16xi32>], vector<16xf32>,
        %parallel_loop3A_2000 = arith.subf %parallel_loop3A_189, %parallel_loop3A_1999 : vector<16xf32>
        %parallel_loop3A_2001 = arith.mulf %parallel_loop3A_2000, %parallel_loop3A_2000 : vector<16xf32>
        %parallel_loop3A_2002 = arith.constant 16 : i32
        %parallel_loop3A_2003 = vector.broadcast %parallel_loop3A_2002 : i32 to vector<16xi32>
        %parallel_loop3A_2004 = arith.addi %parallel_loop3A_1905, %parallel_loop3A_2003 : vector<16xi32>
        %parallel_loop3A_2005 = tpu.vector_load_idx %arg15[%parallel_loop3A_2004] : memref<16896xf32, #tpu.memory_space<vmem>>[vector<16xi32>], vector<16xf32>,
        %parallel_loop3A_2006 = arith.subf %parallel_loop3A_193, %parallel_loop3A_2005 : vector<16xf32>
        %parallel_loop3A_2007 = arith.mulf %parallel_loop3A_2006, %parallel_loop3A_2006 : vector<16xf32>
        %parallel_loop3A_2008 = arith.constant 17 : i32
        %parallel_loop3A_2009 = vector.broadcast %parallel_loop3A_2008 : i32 to vector<16xi32>
        %parallel_loop3A_2010 = arith.addi %parallel_loop3A_1905, %parallel_loop3A_2009 : vector<16xi32>
        %parallel_loop3A_2011 = tpu.vector_load_idx %arg15[%parallel_loop3A_2010] : memref<16896xf32, #tpu.memory_space<vmem>>[vector<16xi32>], vector<16xf32>,
        %parallel_loop3A_2012 = arith.subf %parallel_loop3A_197, %parallel_loop3A_2011 : vector<16xf32>
        %parallel_loop3A_2013 = arith.mulf %parallel_loop3A_2012, %parallel_loop3A_2012 : vector<16xf32>
        %parallel_loop3A_2014 = arith.constant 18 : i32
        %parallel_loop3A_2015 = vector.broadcast %parallel_loop3A_2014 : i32 to vector<16xi32>
        %parallel_loop3A_2016 = arith.addi %parallel_loop3A_1905, %parallel_loop3A_2015 : vector<16xi32>
        %parallel_loop3A_2017 = tpu.vector_load_idx %arg15[%parallel_loop3A_2016] : memref<16896xf32, #tpu.memory_space<vmem>>[vector<16xi32>], vector<16xf32>,
        %parallel_loop3A_2018 = arith.subf %parallel_loop3A_201, %parallel_loop3A_2017 : vector<16xf32>
        %parallel_loop3A_2019 = arith.mulf %parallel_loop3A_2018, %parallel_loop3A_2018 : vector<16xf32>
        %parallel_loop3A_2020 = arith.constant 19 : i32
        %parallel_loop3A_2021 = vector.broadcast %parallel_loop3A_2020 : i32 to vector<16xi32>
        %parallel_loop3A_2022 = arith.addi %parallel_loop3A_1905, %parallel_loop3A_2021 : vector<16xi32>
        %parallel_loop3A_2023 = tpu.vector_load_idx %arg15[%parallel_loop3A_2022] : memref<16896xf32, #tpu.memory_space<vmem>>[vector<16xi32>], vector<16xf32>,
        %parallel_loop3A_2024 = arith.subf %parallel_loop3A_205, %parallel_loop3A_2023 : vector<16xf32>
        %parallel_loop3A_2025 = arith.mulf %parallel_loop3A_2024, %parallel_loop3A_2024 : vector<16xf32>
        %parallel_loop3A_2026 = arith.constant 20 : i32
        %parallel_loop3A_2027 = vector.broadcast %parallel_loop3A_2026 : i32 to vector<16xi32>
        %parallel_loop3A_2028 = arith.addi %parallel_loop3A_1905, %parallel_loop3A_2027 : vector<16xi32>
        %parallel_loop3A_2029 = tpu.vector_load_idx %arg15[%parallel_loop3A_2028] : memref<16896xf32, #tpu.memory_space<vmem>>[vector<16xi32>], vector<16xf32>,
        %parallel_loop3A_2030 = arith.subf %parallel_loop3A_209, %parallel_loop3A_2029 : vector<16xf32>
        %parallel_loop3A_2031 = arith.mulf %parallel_loop3A_2030, %parallel_loop3A_2030 : vector<16xf32>
        %parallel_loop3A_2032 = arith.constant 21 : i32
        %parallel_loop3A_2033 = vector.broadcast %parallel_loop3A_2032 : i32 to vector<16xi32>
        %parallel_loop3A_2034 = arith.addi %parallel_loop3A_1905, %parallel_loop3A_2033 : vector<16xi32>
        %parallel_loop3A_2035 = tpu.vector_load_idx %arg15[%parallel_loop3A_2034] : memref<16896xf32, #tpu.memory_space<vmem>>[vector<16xi32>], vector<16xf32>,
        %parallel_loop3A_2036 = arith.subf %parallel_loop3A_213, %parallel_loop3A_2035 : vector<16xf32>
        %parallel_loop3A_2037 = arith.mulf %parallel_loop3A_2036, %parallel_loop3A_2036 : vector<16xf32>
        %parallel_loop3A_2038 = arith.constant 22 : i32
        %parallel_loop3A_2039 = vector.broadcast %parallel_loop3A_2038 : i32 to vector<16xi32>
        %parallel_loop3A_2040 = arith.addi %parallel_loop3A_1905, %parallel_loop3A_2039 : vector<16xi32>
        %parallel_loop3A_2041 = tpu.vector_load_idx %arg15[%parallel_loop3A_2040] : memref<16896xf32, #tpu.memory_space<vmem>>[vector<16xi32>], vector<16xf32>,
        %parallel_loop3A_2042 = arith.subf %parallel_loop3A_217, %parallel_loop3A_2041 : vector<16xf32>
        %parallel_loop3A_2043 = arith.mulf %parallel_loop3A_2042, %parallel_loop3A_2042 : vector<16xf32>
        %parallel_loop3A_2044 = arith.constant 23 : i32
        %parallel_loop3A_2045 = vector.broadcast %parallel_loop3A_2044 : i32 to vector<16xi32>
        %parallel_loop3A_2046 = arith.addi %parallel_loop3A_1905, %parallel_loop3A_2045 : vector<16xi32>
        %parallel_loop3A_2047 = tpu.vector_load_idx %arg15[%parallel_loop3A_2046] : memref<16896xf32, #tpu.memory_space<vmem>>[vector<16xi32>], vector<16xf32>,
        %parallel_loop3A_2048 = arith.subf %parallel_loop3A_221, %parallel_loop3A_2047 : vector<16xf32>
        %parallel_loop3A_2049 = arith.mulf %parallel_loop3A_2048, %parallel_loop3A_2048 : vector<16xf32>
        %parallel_loop3A_2050 = arith.constant 24 : i32
        %parallel_loop3A_2051 = vector.broadcast %parallel_loop3A_2050 : i32 to vector<16xi32>
        %parallel_loop3A_2052 = arith.addi %parallel_loop3A_1905, %parallel_loop3A_2051 : vector<16xi32>
        %parallel_loop3A_2053 = tpu.vector_load_idx %arg15[%parallel_loop3A_2052] : memref<16896xf32, #tpu.memory_space<vmem>>[vector<16xi32>], vector<16xf32>,
        %parallel_loop3A_2054 = arith.subf %parallel_loop3A_225, %parallel_loop3A_2053 : vector<16xf32>
        %parallel_loop3A_2055 = arith.mulf %parallel_loop3A_2054, %parallel_loop3A_2054 : vector<16xf32>
        %parallel_loop3A_2056 = arith.constant 25 : i32
        %parallel_loop3A_2057 = vector.broadcast %parallel_loop3A_2056 : i32 to vector<16xi32>
        %parallel_loop3A_2058 = arith.addi %parallel_loop3A_1905, %parallel_loop3A_2057 : vector<16xi32>
        %parallel_loop3A_2059 = tpu.vector_load_idx %arg15[%parallel_loop3A_2058] : memref<16896xf32, #tpu.memory_space<vmem>>[vector<16xi32>], vector<16xf32>,
        %parallel_loop3A_2060 = arith.subf %parallel_loop3A_229, %parallel_loop3A_2059 : vector<16xf32>
        %parallel_loop3A_2061 = arith.mulf %parallel_loop3A_2060, %parallel_loop3A_2060 : vector<16xf32>
        %parallel_loop3A_2062 = arith.constant 26 : i32
        %parallel_loop3A_2063 = vector.broadcast %parallel_loop3A_2062 : i32 to vector<16xi32>
        %parallel_loop3A_2064 = arith.addi %parallel_loop3A_1905, %parallel_loop3A_2063 : vector<16xi32>
        %parallel_loop3A_2065 = tpu.vector_load_idx %arg15[%parallel_loop3A_2064] : memref<16896xf32, #tpu.memory_space<vmem>>[vector<16xi32>], vector<16xf32>,
        %parallel_loop3A_2066 = arith.subf %parallel_loop3A_233, %parallel_loop3A_2065 : vector<16xf32>
        %parallel_loop3A_2067 = arith.mulf %parallel_loop3A_2066, %parallel_loop3A_2066 : vector<16xf32>
        %parallel_loop3A_2068 = arith.constant 27 : i32
        %parallel_loop3A_2069 = vector.broadcast %parallel_loop3A_2068 : i32 to vector<16xi32>
        %parallel_loop3A_2070 = arith.addi %parallel_loop3A_1905, %parallel_loop3A_2069 : vector<16xi32>
        %parallel_loop3A_2071 = tpu.vector_load_idx %arg15[%parallel_loop3A_2070] : memref<16896xf32, #tpu.memory_space<vmem>>[vector<16xi32>], vector<16xf32>,
        %parallel_loop3A_2072 = arith.subf %parallel_loop3A_237, %parallel_loop3A_2071 : vector<16xf32>
        %parallel_loop3A_2073 = arith.mulf %parallel_loop3A_2072, %parallel_loop3A_2072 : vector<16xf32>
        %parallel_loop3A_2074 = arith.constant 28 : i32
        %parallel_loop3A_2075 = vector.broadcast %parallel_loop3A_2074 : i32 to vector<16xi32>
        %parallel_loop3A_2076 = arith.addi %parallel_loop3A_1905, %parallel_loop3A_2075 : vector<16xi32>
        %parallel_loop3A_2077 = tpu.vector_load_idx %arg15[%parallel_loop3A_2076] : memref<16896xf32, #tpu.memory_space<vmem>>[vector<16xi32>], vector<16xf32>,
        %parallel_loop3A_2078 = arith.subf %parallel_loop3A_241, %parallel_loop3A_2077 : vector<16xf32>
        %parallel_loop3A_2079 = arith.mulf %parallel_loop3A_2078, %parallel_loop3A_2078 : vector<16xf32>
        %parallel_loop3A_2080 = arith.constant 29 : i32
        %parallel_loop3A_2081 = vector.broadcast %parallel_loop3A_2080 : i32 to vector<16xi32>
        %parallel_loop3A_2082 = arith.addi %parallel_loop3A_1905, %parallel_loop3A_2081 : vector<16xi32>
        %parallel_loop3A_2083 = tpu.vector_load_idx %arg15[%parallel_loop3A_2082] : memref<16896xf32, #tpu.memory_space<vmem>>[vector<16xi32>], vector<16xf32>,
        %parallel_loop3A_2084 = arith.subf %parallel_loop3A_245, %parallel_loop3A_2083 : vector<16xf32>
        %parallel_loop3A_2085 = arith.mulf %parallel_loop3A_2084, %parallel_loop3A_2084 : vector<16xf32>
        %parallel_loop3A_2086 = arith.constant 30 : i32
        %parallel_loop3A_2087 = vector.broadcast %parallel_loop3A_2086 : i32 to vector<16xi32>
        %parallel_loop3A_2088 = arith.addi %parallel_loop3A_1905, %parallel_loop3A_2087 : vector<16xi32>
        %parallel_loop3A_2089 = tpu.vector_load_idx %arg15[%parallel_loop3A_2088] : memref<16896xf32, #tpu.memory_space<vmem>>[vector<16xi32>], vector<16xf32>,
        %parallel_loop3A_2090 = arith.subf %parallel_loop3A_249, %parallel_loop3A_2089 : vector<16xf32>
        %parallel_loop3A_2091 = arith.mulf %parallel_loop3A_2090, %parallel_loop3A_2090 : vector<16xf32>
        %parallel_loop3A_2092 = arith.constant 31 : i32
        %parallel_loop3A_2093 = vector.broadcast %parallel_loop3A_2092 : i32 to vector<16xi32>
        %parallel_loop3A_2094 = arith.addi %parallel_loop3A_1905, %parallel_loop3A_2093 : vector<16xi32>
        %parallel_loop3A_2095 = tpu.vector_load_idx %arg15[%parallel_loop3A_2094] : memref<16896xf32, #tpu.memory_space<vmem>>[vector<16xi32>], vector<16xf32>,
        %parallel_loop3A_2096 = arith.subf %parallel_loop3A_253, %parallel_loop3A_2095 : vector<16xf32>
        %parallel_loop3A_2097 = arith.mulf %parallel_loop3A_2096, %parallel_loop3A_2096 : vector<16xf32>
        %parallel_loop3A_2098 = arith.addf %parallel_loop3A_1911, %parallel_loop3A_1917 : vector<16xf32>
        %parallel_loop3A_2099 = arith.addf %parallel_loop3A_1923, %parallel_loop3A_1929 : vector<16xf32>
        %parallel_loop3A_2100 = arith.addf %parallel_loop3A_1935, %parallel_loop3A_1941 : vector<16xf32>
        %parallel_loop3A_2101 = arith.addf %parallel_loop3A_1947, %parallel_loop3A_1953 : vector<16xf32>
        %parallel_loop3A_2102 = arith.addf %parallel_loop3A_1959, %parallel_loop3A_1965 : vector<16xf32>
        %parallel_loop3A_2103 = arith.addf %parallel_loop3A_1971, %parallel_loop3A_1977 : vector<16xf32>
        %parallel_loop3A_2104 = arith.addf %parallel_loop3A_1983, %parallel_loop3A_1989 : vector<16xf32>
        %parallel_loop3A_2105 = arith.addf %parallel_loop3A_1995, %parallel_loop3A_2001 : vector<16xf32>
        %parallel_loop3A_2106 = arith.addf %parallel_loop3A_2007, %parallel_loop3A_2013 : vector<16xf32>
        %parallel_loop3A_2107 = arith.addf %parallel_loop3A_2019, %parallel_loop3A_2025 : vector<16xf32>
        %parallel_loop3A_2108 = arith.addf %parallel_loop3A_2031, %parallel_loop3A_2037 : vector<16xf32>
        %parallel_loop3A_2109 = arith.addf %parallel_loop3A_2043, %parallel_loop3A_2049 : vector<16xf32>
        %parallel_loop3A_2110 = arith.addf %parallel_loop3A_2055, %parallel_loop3A_2061 : vector<16xf32>
        %parallel_loop3A_2111 = arith.addf %parallel_loop3A_2067, %parallel_loop3A_2073 : vector<16xf32>
        %parallel_loop3A_2112 = arith.addf %parallel_loop3A_2079, %parallel_loop3A_2085 : vector<16xf32>
        %parallel_loop3A_2113 = arith.addf %parallel_loop3A_2091, %parallel_loop3A_2097 : vector<16xf32>
        %parallel_loop3A_2114 = arith.addf %parallel_loop3A_2098, %parallel_loop3A_2099 : vector<16xf32>
        %parallel_loop3A_2115 = arith.addf %parallel_loop3A_2100, %parallel_loop3A_2101 : vector<16xf32>
        %parallel_loop3A_2116 = arith.addf %parallel_loop3A_2102, %parallel_loop3A_2103 : vector<16xf32>
        %parallel_loop3A_2117 = arith.addf %parallel_loop3A_2104, %parallel_loop3A_2105 : vector<16xf32>
        %parallel_loop3A_2118 = arith.addf %parallel_loop3A_2106, %parallel_loop3A_2107 : vector<16xf32>
        %parallel_loop3A_2119 = arith.addf %parallel_loop3A_2108, %parallel_loop3A_2109 : vector<16xf32>
        %parallel_loop3A_2120 = arith.addf %parallel_loop3A_2110, %parallel_loop3A_2111 : vector<16xf32>
        %parallel_loop3A_2121 = arith.addf %parallel_loop3A_2112, %parallel_loop3A_2113 : vector<16xf32>
        %parallel_loop3A_2122 = arith.addf %parallel_loop3A_2114, %parallel_loop3A_2115 : vector<16xf32>
        %parallel_loop3A_2123 = arith.addf %parallel_loop3A_2116, %parallel_loop3A_2117 : vector<16xf32>
        %parallel_loop3A_2124 = arith.addf %parallel_loop3A_2118, %parallel_loop3A_2119 : vector<16xf32>
        %parallel_loop3A_2125 = arith.addf %parallel_loop3A_2120, %parallel_loop3A_2121 : vector<16xf32>
        %parallel_loop3A_2126 = arith.addf %parallel_loop3A_2122, %parallel_loop3A_2123 : vector<16xf32>
        %parallel_loop3A_2127 = arith.addf %parallel_loop3A_2124, %parallel_loop3A_2125 : vector<16xf32>
        %parallel_loop3A_2128 = arith.addf %parallel_loop3A_2126, %parallel_loop3A_2127 : vector<16xf32>
        %parallel_loop3A_2129 = arith.constant -5.000000e-01 : f32
        %parallel_loop3A_2130 = vector.broadcast %parallel_loop3A_2129 : f32 to vector<16xf32>
        %parallel_loop3A_2131 = arith.mulf %parallel_loop3A_2130, %parallel_loop3A_2128 : vector<16xf32>
        %parallel_loop3A_2132 = arith.constant 33 : i32
        %parallel_loop3A_2133 = vector.broadcast %parallel_loop3A_2132 : i32 to vector<16xi32>
        %parallel_loop3A_2134 = arith.muli %parallel_loop3A_280, %parallel_loop3A_2133 : vector<16xi32>
        %parallel_loop3A_2135 = arith.constant 0 : i32
        %parallel_loop3A_2136 = vector.broadcast %parallel_loop3A_2135 : i32 to vector<16xi32>
        %parallel_loop3A_2137 = arith.addi %parallel_loop3A_2134, %parallel_loop3A_2136 : vector<16xi32>
        %parallel_loop3A_2138 = tpu.vector_load_idx %arg15[%parallel_loop3A_2137] : memref<16896xf32, #tpu.memory_space<vmem>>[vector<16xi32>], vector<16xf32>,
        %parallel_loop3A_2139 = arith.subf %parallel_loop3A_129, %parallel_loop3A_2138 : vector<16xf32>
        %parallel_loop3A_2140 = arith.mulf %parallel_loop3A_2139, %parallel_loop3A_2139 : vector<16xf32>
        %parallel_loop3A_2141 = arith.constant 1 : i32
        %parallel_loop3A_2142 = vector.broadcast %parallel_loop3A_2141 : i32 to vector<16xi32>
        %parallel_loop3A_2143 = arith.addi %parallel_loop3A_2134, %parallel_loop3A_2142 : vector<16xi32>
        %parallel_loop3A_2144 = tpu.vector_load_idx %arg15[%parallel_loop3A_2143] : memref<16896xf32, #tpu.memory_space<vmem>>[vector<16xi32>], vector<16xf32>,
        %parallel_loop3A_2145 = arith.subf %parallel_loop3A_133, %parallel_loop3A_2144 : vector<16xf32>
        %parallel_loop3A_2146 = arith.mulf %parallel_loop3A_2145, %parallel_loop3A_2145 : vector<16xf32>
        %parallel_loop3A_2147 = arith.constant 2 : i32
        %parallel_loop3A_2148 = vector.broadcast %parallel_loop3A_2147 : i32 to vector<16xi32>
        %parallel_loop3A_2149 = arith.addi %parallel_loop3A_2134, %parallel_loop3A_2148 : vector<16xi32>
        %parallel_loop3A_2150 = tpu.vector_load_idx %arg15[%parallel_loop3A_2149] : memref<16896xf32, #tpu.memory_space<vmem>>[vector<16xi32>], vector<16xf32>,
        %parallel_loop3A_2151 = arith.subf %parallel_loop3A_137, %parallel_loop3A_2150 : vector<16xf32>
        %parallel_loop3A_2152 = arith.mulf %parallel_loop3A_2151, %parallel_loop3A_2151 : vector<16xf32>
        %parallel_loop3A_2153 = arith.constant 3 : i32
        %parallel_loop3A_2154 = vector.broadcast %parallel_loop3A_2153 : i32 to vector<16xi32>
        %parallel_loop3A_2155 = arith.addi %parallel_loop3A_2134, %parallel_loop3A_2154 : vector<16xi32>
        %parallel_loop3A_2156 = tpu.vector_load_idx %arg15[%parallel_loop3A_2155] : memref<16896xf32, #tpu.memory_space<vmem>>[vector<16xi32>], vector<16xf32>,
        %parallel_loop3A_2157 = arith.subf %parallel_loop3A_141, %parallel_loop3A_2156 : vector<16xf32>
        %parallel_loop3A_2158 = arith.mulf %parallel_loop3A_2157, %parallel_loop3A_2157 : vector<16xf32>
        %parallel_loop3A_2159 = arith.constant 4 : i32
        %parallel_loop3A_2160 = vector.broadcast %parallel_loop3A_2159 : i32 to vector<16xi32>
        %parallel_loop3A_2161 = arith.addi %parallel_loop3A_2134, %parallel_loop3A_2160 : vector<16xi32>
        %parallel_loop3A_2162 = tpu.vector_load_idx %arg15[%parallel_loop3A_2161] : memref<16896xf32, #tpu.memory_space<vmem>>[vector<16xi32>], vector<16xf32>,
        %parallel_loop3A_2163 = arith.subf %parallel_loop3A_145, %parallel_loop3A_2162 : vector<16xf32>
        %parallel_loop3A_2164 = arith.mulf %parallel_loop3A_2163, %parallel_loop3A_2163 : vector<16xf32>
        %parallel_loop3A_2165 = arith.constant 5 : i32
        %parallel_loop3A_2166 = vector.broadcast %parallel_loop3A_2165 : i32 to vector<16xi32>
        %parallel_loop3A_2167 = arith.addi %parallel_loop3A_2134, %parallel_loop3A_2166 : vector<16xi32>
        %parallel_loop3A_2168 = tpu.vector_load_idx %arg15[%parallel_loop3A_2167] : memref<16896xf32, #tpu.memory_space<vmem>>[vector<16xi32>], vector<16xf32>,
        %parallel_loop3A_2169 = arith.subf %parallel_loop3A_149, %parallel_loop3A_2168 : vector<16xf32>
        %parallel_loop3A_2170 = arith.mulf %parallel_loop3A_2169, %parallel_loop3A_2169 : vector<16xf32>
        %parallel_loop3A_2171 = arith.constant 6 : i32
        %parallel_loop3A_2172 = vector.broadcast %parallel_loop3A_2171 : i32 to vector<16xi32>
        %parallel_loop3A_2173 = arith.addi %parallel_loop3A_2134, %parallel_loop3A_2172 : vector<16xi32>
        %parallel_loop3A_2174 = tpu.vector_load_idx %arg15[%parallel_loop3A_2173] : memref<16896xf32, #tpu.memory_space<vmem>>[vector<16xi32>], vector<16xf32>,
        %parallel_loop3A_2175 = arith.subf %parallel_loop3A_153, %parallel_loop3A_2174 : vector<16xf32>
        %parallel_loop3A_2176 = arith.mulf %parallel_loop3A_2175, %parallel_loop3A_2175 : vector<16xf32>
        %parallel_loop3A_2177 = arith.constant 7 : i32
        %parallel_loop3A_2178 = vector.broadcast %parallel_loop3A_2177 : i32 to vector<16xi32>
        %parallel_loop3A_2179 = arith.addi %parallel_loop3A_2134, %parallel_loop3A_2178 : vector<16xi32>
        %parallel_loop3A_2180 = tpu.vector_load_idx %arg15[%parallel_loop3A_2179] : memref<16896xf32, #tpu.memory_space<vmem>>[vector<16xi32>], vector<16xf32>,
        %parallel_loop3A_2181 = arith.subf %parallel_loop3A_157, %parallel_loop3A_2180 : vector<16xf32>
        %parallel_loop3A_2182 = arith.mulf %parallel_loop3A_2181, %parallel_loop3A_2181 : vector<16xf32>
        %parallel_loop3A_2183 = arith.constant 8 : i32
        %parallel_loop3A_2184 = vector.broadcast %parallel_loop3A_2183 : i32 to vector<16xi32>
        %parallel_loop3A_2185 = arith.addi %parallel_loop3A_2134, %parallel_loop3A_2184 : vector<16xi32>
        %parallel_loop3A_2186 = tpu.vector_load_idx %arg15[%parallel_loop3A_2185] : memref<16896xf32, #tpu.memory_space<vmem>>[vector<16xi32>], vector<16xf32>,
        %parallel_loop3A_2187 = arith.subf %parallel_loop3A_161, %parallel_loop3A_2186 : vector<16xf32>
        %parallel_loop3A_2188 = arith.mulf %parallel_loop3A_2187, %parallel_loop3A_2187 : vector<16xf32>
        %parallel_loop3A_2189 = arith.constant 9 : i32
        %parallel_loop3A_2190 = vector.broadcast %parallel_loop3A_2189 : i32 to vector<16xi32>
        %parallel_loop3A_2191 = arith.addi %parallel_loop3A_2134, %parallel_loop3A_2190 : vector<16xi32>
        %parallel_loop3A_2192 = tpu.vector_load_idx %arg15[%parallel_loop3A_2191] : memref<16896xf32, #tpu.memory_space<vmem>>[vector<16xi32>], vector<16xf32>,
        %parallel_loop3A_2193 = arith.subf %parallel_loop3A_165, %parallel_loop3A_2192 : vector<16xf32>
        %parallel_loop3A_2194 = arith.mulf %parallel_loop3A_2193, %parallel_loop3A_2193 : vector<16xf32>
        %parallel_loop3A_2195 = arith.constant 10 : i32
        %parallel_loop3A_2196 = vector.broadcast %parallel_loop3A_2195 : i32 to vector<16xi32>
        %parallel_loop3A_2197 = arith.addi %parallel_loop3A_2134, %parallel_loop3A_2196 : vector<16xi32>
        %parallel_loop3A_2198 = tpu.vector_load_idx %arg15[%parallel_loop3A_2197] : memref<16896xf32, #tpu.memory_space<vmem>>[vector<16xi32>], vector<16xf32>,
        %parallel_loop3A_2199 = arith.subf %parallel_loop3A_169, %parallel_loop3A_2198 : vector<16xf32>
        %parallel_loop3A_2200 = arith.mulf %parallel_loop3A_2199, %parallel_loop3A_2199 : vector<16xf32>
        %parallel_loop3A_2201 = arith.constant 11 : i32
        %parallel_loop3A_2202 = vector.broadcast %parallel_loop3A_2201 : i32 to vector<16xi32>
        %parallel_loop3A_2203 = arith.addi %parallel_loop3A_2134, %parallel_loop3A_2202 : vector<16xi32>
        %parallel_loop3A_2204 = tpu.vector_load_idx %arg15[%parallel_loop3A_2203] : memref<16896xf32, #tpu.memory_space<vmem>>[vector<16xi32>], vector<16xf32>,
        %parallel_loop3A_2205 = arith.subf %parallel_loop3A_173, %parallel_loop3A_2204 : vector<16xf32>
        %parallel_loop3A_2206 = arith.mulf %parallel_loop3A_2205, %parallel_loop3A_2205 : vector<16xf32>
        %parallel_loop3A_2207 = arith.constant 12 : i32
        %parallel_loop3A_2208 = vector.broadcast %parallel_loop3A_2207 : i32 to vector<16xi32>
        %parallel_loop3A_2209 = arith.addi %parallel_loop3A_2134, %parallel_loop3A_2208 : vector<16xi32>
        %parallel_loop3A_2210 = tpu.vector_load_idx %arg15[%parallel_loop3A_2209] : memref<16896xf32, #tpu.memory_space<vmem>>[vector<16xi32>], vector<16xf32>,
        %parallel_loop3A_2211 = arith.subf %parallel_loop3A_177, %parallel_loop3A_2210 : vector<16xf32>
        %parallel_loop3A_2212 = arith.mulf %parallel_loop3A_2211, %parallel_loop3A_2211 : vector<16xf32>
        %parallel_loop3A_2213 = arith.constant 13 : i32
        %parallel_loop3A_2214 = vector.broadcast %parallel_loop3A_2213 : i32 to vector<16xi32>
        %parallel_loop3A_2215 = arith.addi %parallel_loop3A_2134, %parallel_loop3A_2214 : vector<16xi32>
        %parallel_loop3A_2216 = tpu.vector_load_idx %arg15[%parallel_loop3A_2215] : memref<16896xf32, #tpu.memory_space<vmem>>[vector<16xi32>], vector<16xf32>,
        %parallel_loop3A_2217 = arith.subf %parallel_loop3A_181, %parallel_loop3A_2216 : vector<16xf32>
        %parallel_loop3A_2218 = arith.mulf %parallel_loop3A_2217, %parallel_loop3A_2217 : vector<16xf32>
        %parallel_loop3A_2219 = arith.constant 14 : i32
        %parallel_loop3A_2220 = vector.broadcast %parallel_loop3A_2219 : i32 to vector<16xi32>
        %parallel_loop3A_2221 = arith.addi %parallel_loop3A_2134, %parallel_loop3A_2220 : vector<16xi32>
        %parallel_loop3A_2222 = tpu.vector_load_idx %arg15[%parallel_loop3A_2221] : memref<16896xf32, #tpu.memory_space<vmem>>[vector<16xi32>], vector<16xf32>,
        %parallel_loop3A_2223 = arith.subf %parallel_loop3A_185, %parallel_loop3A_2222 : vector<16xf32>
        %parallel_loop3A_2224 = arith.mulf %parallel_loop3A_2223, %parallel_loop3A_2223 : vector<16xf32>
        %parallel_loop3A_2225 = arith.constant 15 : i32
        %parallel_loop3A_2226 = vector.broadcast %parallel_loop3A_2225 : i32 to vector<16xi32>
        %parallel_loop3A_2227 = arith.addi %parallel_loop3A_2134, %parallel_loop3A_2226 : vector<16xi32>
        %parallel_loop3A_2228 = tpu.vector_load_idx %arg15[%parallel_loop3A_2227] : memref<16896xf32, #tpu.memory_space<vmem>>[vector<16xi32>], vector<16xf32>,
        %parallel_loop3A_2229 = arith.subf %parallel_loop3A_189, %parallel_loop3A_2228 : vector<16xf32>
        %parallel_loop3A_2230 = arith.mulf %parallel_loop3A_2229, %parallel_loop3A_2229 : vector<16xf32>
        %parallel_loop3A_2231 = arith.constant 16 : i32
        %parallel_loop3A_2232 = vector.broadcast %parallel_loop3A_2231 : i32 to vector<16xi32>
        %parallel_loop3A_2233 = arith.addi %parallel_loop3A_2134, %parallel_loop3A_2232 : vector<16xi32>
        %parallel_loop3A_2234 = tpu.vector_load_idx %arg15[%parallel_loop3A_2233] : memref<16896xf32, #tpu.memory_space<vmem>>[vector<16xi32>], vector<16xf32>,
        %parallel_loop3A_2235 = arith.subf %parallel_loop3A_193, %parallel_loop3A_2234 : vector<16xf32>
        %parallel_loop3A_2236 = arith.mulf %parallel_loop3A_2235, %parallel_loop3A_2235 : vector<16xf32>
        %parallel_loop3A_2237 = arith.constant 17 : i32
        %parallel_loop3A_2238 = vector.broadcast %parallel_loop3A_2237 : i32 to vector<16xi32>
        %parallel_loop3A_2239 = arith.addi %parallel_loop3A_2134, %parallel_loop3A_2238 : vector<16xi32>
        %parallel_loop3A_2240 = tpu.vector_load_idx %arg15[%parallel_loop3A_2239] : memref<16896xf32, #tpu.memory_space<vmem>>[vector<16xi32>], vector<16xf32>,
        %parallel_loop3A_2241 = arith.subf %parallel_loop3A_197, %parallel_loop3A_2240 : vector<16xf32>
        %parallel_loop3A_2242 = arith.mulf %parallel_loop3A_2241, %parallel_loop3A_2241 : vector<16xf32>
        %parallel_loop3A_2243 = arith.constant 18 : i32
        %parallel_loop3A_2244 = vector.broadcast %parallel_loop3A_2243 : i32 to vector<16xi32>
        %parallel_loop3A_2245 = arith.addi %parallel_loop3A_2134, %parallel_loop3A_2244 : vector<16xi32>
        %parallel_loop3A_2246 = tpu.vector_load_idx %arg15[%parallel_loop3A_2245] : memref<16896xf32, #tpu.memory_space<vmem>>[vector<16xi32>], vector<16xf32>,
        %parallel_loop3A_2247 = arith.subf %parallel_loop3A_201, %parallel_loop3A_2246 : vector<16xf32>
        %parallel_loop3A_2248 = arith.mulf %parallel_loop3A_2247, %parallel_loop3A_2247 : vector<16xf32>
        %parallel_loop3A_2249 = arith.constant 19 : i32
        %parallel_loop3A_2250 = vector.broadcast %parallel_loop3A_2249 : i32 to vector<16xi32>
        %parallel_loop3A_2251 = arith.addi %parallel_loop3A_2134, %parallel_loop3A_2250 : vector<16xi32>
        %parallel_loop3A_2252 = tpu.vector_load_idx %arg15[%parallel_loop3A_2251] : memref<16896xf32, #tpu.memory_space<vmem>>[vector<16xi32>], vector<16xf32>,
        %parallel_loop3A_2253 = arith.subf %parallel_loop3A_205, %parallel_loop3A_2252 : vector<16xf32>
        %parallel_loop3A_2254 = arith.mulf %parallel_loop3A_2253, %parallel_loop3A_2253 : vector<16xf32>
        %parallel_loop3A_2255 = arith.constant 20 : i32
        %parallel_loop3A_2256 = vector.broadcast %parallel_loop3A_2255 : i32 to vector<16xi32>
        %parallel_loop3A_2257 = arith.addi %parallel_loop3A_2134, %parallel_loop3A_2256 : vector<16xi32>
        %parallel_loop3A_2258 = tpu.vector_load_idx %arg15[%parallel_loop3A_2257] : memref<16896xf32, #tpu.memory_space<vmem>>[vector<16xi32>], vector<16xf32>,
        %parallel_loop3A_2259 = arith.subf %parallel_loop3A_209, %parallel_loop3A_2258 : vector<16xf32>
        %parallel_loop3A_2260 = arith.mulf %parallel_loop3A_2259, %parallel_loop3A_2259 : vector<16xf32>
        %parallel_loop3A_2261 = arith.constant 21 : i32
        %parallel_loop3A_2262 = vector.broadcast %parallel_loop3A_2261 : i32 to vector<16xi32>
        %parallel_loop3A_2263 = arith.addi %parallel_loop3A_2134, %parallel_loop3A_2262 : vector<16xi32>
        %parallel_loop3A_2264 = tpu.vector_load_idx %arg15[%parallel_loop3A_2263] : memref<16896xf32, #tpu.memory_space<vmem>>[vector<16xi32>], vector<16xf32>,
        %parallel_loop3A_2265 = arith.subf %parallel_loop3A_213, %parallel_loop3A_2264 : vector<16xf32>
        %parallel_loop3A_2266 = arith.mulf %parallel_loop3A_2265, %parallel_loop3A_2265 : vector<16xf32>
        %parallel_loop3A_2267 = arith.constant 22 : i32
        %parallel_loop3A_2268 = vector.broadcast %parallel_loop3A_2267 : i32 to vector<16xi32>
        %parallel_loop3A_2269 = arith.addi %parallel_loop3A_2134, %parallel_loop3A_2268 : vector<16xi32>
        %parallel_loop3A_2270 = tpu.vector_load_idx %arg15[%parallel_loop3A_2269] : memref<16896xf32, #tpu.memory_space<vmem>>[vector<16xi32>], vector<16xf32>,
        %parallel_loop3A_2271 = arith.subf %parallel_loop3A_217, %parallel_loop3A_2270 : vector<16xf32>
        %parallel_loop3A_2272 = arith.mulf %parallel_loop3A_2271, %parallel_loop3A_2271 : vector<16xf32>
        %parallel_loop3A_2273 = arith.constant 23 : i32
        %parallel_loop3A_2274 = vector.broadcast %parallel_loop3A_2273 : i32 to vector<16xi32>
        %parallel_loop3A_2275 = arith.addi %parallel_loop3A_2134, %parallel_loop3A_2274 : vector<16xi32>
        %parallel_loop3A_2276 = tpu.vector_load_idx %arg15[%parallel_loop3A_2275] : memref<16896xf32, #tpu.memory_space<vmem>>[vector<16xi32>], vector<16xf32>,
        %parallel_loop3A_2277 = arith.subf %parallel_loop3A_221, %parallel_loop3A_2276 : vector<16xf32>
        %parallel_loop3A_2278 = arith.mulf %parallel_loop3A_2277, %parallel_loop3A_2277 : vector<16xf32>
        %parallel_loop3A_2279 = arith.constant 24 : i32
        %parallel_loop3A_2280 = vector.broadcast %parallel_loop3A_2279 : i32 to vector<16xi32>
        %parallel_loop3A_2281 = arith.addi %parallel_loop3A_2134, %parallel_loop3A_2280 : vector<16xi32>
        %parallel_loop3A_2282 = tpu.vector_load_idx %arg15[%parallel_loop3A_2281] : memref<16896xf32, #tpu.memory_space<vmem>>[vector<16xi32>], vector<16xf32>,
        %parallel_loop3A_2283 = arith.subf %parallel_loop3A_225, %parallel_loop3A_2282 : vector<16xf32>
        %parallel_loop3A_2284 = arith.mulf %parallel_loop3A_2283, %parallel_loop3A_2283 : vector<16xf32>
        %parallel_loop3A_2285 = arith.constant 25 : i32
        %parallel_loop3A_2286 = vector.broadcast %parallel_loop3A_2285 : i32 to vector<16xi32>
        %parallel_loop3A_2287 = arith.addi %parallel_loop3A_2134, %parallel_loop3A_2286 : vector<16xi32>
        %parallel_loop3A_2288 = tpu.vector_load_idx %arg15[%parallel_loop3A_2287] : memref<16896xf32, #tpu.memory_space<vmem>>[vector<16xi32>], vector<16xf32>,
        %parallel_loop3A_2289 = arith.subf %parallel_loop3A_229, %parallel_loop3A_2288 : vector<16xf32>
        %parallel_loop3A_2290 = arith.mulf %parallel_loop3A_2289, %parallel_loop3A_2289 : vector<16xf32>
        %parallel_loop3A_2291 = arith.constant 26 : i32
        %parallel_loop3A_2292 = vector.broadcast %parallel_loop3A_2291 : i32 to vector<16xi32>
        %parallel_loop3A_2293 = arith.addi %parallel_loop3A_2134, %parallel_loop3A_2292 : vector<16xi32>
        %parallel_loop3A_2294 = tpu.vector_load_idx %arg15[%parallel_loop3A_2293] : memref<16896xf32, #tpu.memory_space<vmem>>[vector<16xi32>], vector<16xf32>,
        %parallel_loop3A_2295 = arith.subf %parallel_loop3A_233, %parallel_loop3A_2294 : vector<16xf32>
        %parallel_loop3A_2296 = arith.mulf %parallel_loop3A_2295, %parallel_loop3A_2295 : vector<16xf32>
        %parallel_loop3A_2297 = arith.constant 27 : i32
        %parallel_loop3A_2298 = vector.broadcast %parallel_loop3A_2297 : i32 to vector<16xi32>
        %parallel_loop3A_2299 = arith.addi %parallel_loop3A_2134, %parallel_loop3A_2298 : vector<16xi32>
        %parallel_loop3A_2300 = tpu.vector_load_idx %arg15[%parallel_loop3A_2299] : memref<16896xf32, #tpu.memory_space<vmem>>[vector<16xi32>], vector<16xf32>,
        %parallel_loop3A_2301 = arith.subf %parallel_loop3A_237, %parallel_loop3A_2300 : vector<16xf32>
        %parallel_loop3A_2302 = arith.mulf %parallel_loop3A_2301, %parallel_loop3A_2301 : vector<16xf32>
        %parallel_loop3A_2303 = arith.constant 28 : i32
        %parallel_loop3A_2304 = vector.broadcast %parallel_loop3A_2303 : i32 to vector<16xi32>
        %parallel_loop3A_2305 = arith.addi %parallel_loop3A_2134, %parallel_loop3A_2304 : vector<16xi32>
        %parallel_loop3A_2306 = tpu.vector_load_idx %arg15[%parallel_loop3A_2305] : memref<16896xf32, #tpu.memory_space<vmem>>[vector<16xi32>], vector<16xf32>,
        %parallel_loop3A_2307 = arith.subf %parallel_loop3A_241, %parallel_loop3A_2306 : vector<16xf32>
        %parallel_loop3A_2308 = arith.mulf %parallel_loop3A_2307, %parallel_loop3A_2307 : vector<16xf32>
        %parallel_loop3A_2309 = arith.constant 29 : i32
        %parallel_loop3A_2310 = vector.broadcast %parallel_loop3A_2309 : i32 to vector<16xi32>
        %parallel_loop3A_2311 = arith.addi %parallel_loop3A_2134, %parallel_loop3A_2310 : vector<16xi32>
        %parallel_loop3A_2312 = tpu.vector_load_idx %arg15[%parallel_loop3A_2311] : memref<16896xf32, #tpu.memory_space<vmem>>[vector<16xi32>], vector<16xf32>,
        %parallel_loop3A_2313 = arith.subf %parallel_loop3A_245, %parallel_loop3A_2312 : vector<16xf32>
        %parallel_loop3A_2314 = arith.mulf %parallel_loop3A_2313, %parallel_loop3A_2313 : vector<16xf32>
        %parallel_loop3A_2315 = arith.constant 30 : i32
        %parallel_loop3A_2316 = vector.broadcast %parallel_loop3A_2315 : i32 to vector<16xi32>
        %parallel_loop3A_2317 = arith.addi %parallel_loop3A_2134, %parallel_loop3A_2316 : vector<16xi32>
        %parallel_loop3A_2318 = tpu.vector_load_idx %arg15[%parallel_loop3A_2317] : memref<16896xf32, #tpu.memory_space<vmem>>[vector<16xi32>], vector<16xf32>,
        %parallel_loop3A_2319 = arith.subf %parallel_loop3A_249, %parallel_loop3A_2318 : vector<16xf32>
        %parallel_loop3A_2320 = arith.mulf %parallel_loop3A_2319, %parallel_loop3A_2319 : vector<16xf32>
        %parallel_loop3A_2321 = arith.constant 31 : i32
        %parallel_loop3A_2322 = vector.broadcast %parallel_loop3A_2321 : i32 to vector<16xi32>
        %parallel_loop3A_2323 = arith.addi %parallel_loop3A_2134, %parallel_loop3A_2322 : vector<16xi32>
        %parallel_loop3A_2324 = tpu.vector_load_idx %arg15[%parallel_loop3A_2323] : memref<16896xf32, #tpu.memory_space<vmem>>[vector<16xi32>], vector<16xf32>,
        %parallel_loop3A_2325 = arith.subf %parallel_loop3A_253, %parallel_loop3A_2324 : vector<16xf32>
        %parallel_loop3A_2326 = arith.mulf %parallel_loop3A_2325, %parallel_loop3A_2325 : vector<16xf32>
        %parallel_loop3A_2327 = arith.addf %parallel_loop3A_2140, %parallel_loop3A_2146 : vector<16xf32>
        %parallel_loop3A_2328 = arith.addf %parallel_loop3A_2152, %parallel_loop3A_2158 : vector<16xf32>
        %parallel_loop3A_2329 = arith.addf %parallel_loop3A_2164, %parallel_loop3A_2170 : vector<16xf32>
        %parallel_loop3A_2330 = arith.addf %parallel_loop3A_2176, %parallel_loop3A_2182 : vector<16xf32>
        %parallel_loop3A_2331 = arith.addf %parallel_loop3A_2188, %parallel_loop3A_2194 : vector<16xf32>
        %parallel_loop3A_2332 = arith.addf %parallel_loop3A_2200, %parallel_loop3A_2206 : vector<16xf32>
        %parallel_loop3A_2333 = arith.addf %parallel_loop3A_2212, %parallel_loop3A_2218 : vector<16xf32>
        %parallel_loop3A_2334 = arith.addf %parallel_loop3A_2224, %parallel_loop3A_2230 : vector<16xf32>
        %parallel_loop3A_2335 = arith.addf %parallel_loop3A_2236, %parallel_loop3A_2242 : vector<16xf32>
        %parallel_loop3A_2336 = arith.addf %parallel_loop3A_2248, %parallel_loop3A_2254 : vector<16xf32>
        %parallel_loop3A_2337 = arith.addf %parallel_loop3A_2260, %parallel_loop3A_2266 : vector<16xf32>
        %parallel_loop3A_2338 = arith.addf %parallel_loop3A_2272, %parallel_loop3A_2278 : vector<16xf32>
        %parallel_loop3A_2339 = arith.addf %parallel_loop3A_2284, %parallel_loop3A_2290 : vector<16xf32>
        %parallel_loop3A_2340 = arith.addf %parallel_loop3A_2296, %parallel_loop3A_2302 : vector<16xf32>
        %parallel_loop3A_2341 = arith.addf %parallel_loop3A_2308, %parallel_loop3A_2314 : vector<16xf32>
        %parallel_loop3A_2342 = arith.addf %parallel_loop3A_2320, %parallel_loop3A_2326 : vector<16xf32>
        %parallel_loop3A_2343 = arith.addf %parallel_loop3A_2327, %parallel_loop3A_2328 : vector<16xf32>
        %parallel_loop3A_2344 = arith.addf %parallel_loop3A_2329, %parallel_loop3A_2330 : vector<16xf32>
        %parallel_loop3A_2345 = arith.addf %parallel_loop3A_2331, %parallel_loop3A_2332 : vector<16xf32>
        %parallel_loop3A_2346 = arith.addf %parallel_loop3A_2333, %parallel_loop3A_2334 : vector<16xf32>
        %parallel_loop3A_2347 = arith.addf %parallel_loop3A_2335, %parallel_loop3A_2336 : vector<16xf32>
        %parallel_loop3A_2348 = arith.addf %parallel_loop3A_2337, %parallel_loop3A_2338 : vector<16xf32>
        %parallel_loop3A_2349 = arith.addf %parallel_loop3A_2339, %parallel_loop3A_2340 : vector<16xf32>
        %parallel_loop3A_2350 = arith.addf %parallel_loop3A_2341, %parallel_loop3A_2342 : vector<16xf32>
        %parallel_loop3A_2351 = arith.addf %parallel_loop3A_2343, %parallel_loop3A_2344 : vector<16xf32>
        %parallel_loop3A_2352 = arith.addf %parallel_loop3A_2345, %parallel_loop3A_2346 : vector<16xf32>
        %parallel_loop3A_2353 = arith.addf %parallel_loop3A_2347, %parallel_loop3A_2348 : vector<16xf32>
        %parallel_loop3A_2354 = arith.addf %parallel_loop3A_2349, %parallel_loop3A_2350 : vector<16xf32>
        %parallel_loop3A_2355 = arith.addf %parallel_loop3A_2351, %parallel_loop3A_2352 : vector<16xf32>
        %parallel_loop3A_2356 = arith.addf %parallel_loop3A_2353, %parallel_loop3A_2354 : vector<16xf32>
        %parallel_loop3A_2357 = arith.addf %parallel_loop3A_2355, %parallel_loop3A_2356 : vector<16xf32>
        %parallel_loop3A_2358 = arith.constant -5.000000e-01 : f32
        %parallel_loop3A_2359 = vector.broadcast %parallel_loop3A_2358 : f32 to vector<16xf32>
        %parallel_loop3A_2360 = arith.mulf %parallel_loop3A_2359, %parallel_loop3A_2357 : vector<16xf32>
        %parallel_loop3A_2361 = arith.constant 33 : i32
        %parallel_loop3A_2362 = vector.broadcast %parallel_loop3A_2361 : i32 to vector<16xi32>
        %parallel_loop3A_2363 = arith.muli %parallel_loop3A_299, %parallel_loop3A_2362 : vector<16xi32>
        %parallel_loop3A_2364 = arith.constant 0 : i32
        %parallel_loop3A_2365 = vector.broadcast %parallel_loop3A_2364 : i32 to vector<16xi32>
        %parallel_loop3A_2366 = arith.addi %parallel_loop3A_2363, %parallel_loop3A_2365 : vector<16xi32>
        %parallel_loop3A_2367 = tpu.vector_load_idx %arg15[%parallel_loop3A_2366] : memref<16896xf32, #tpu.memory_space<vmem>>[vector<16xi32>], vector<16xf32>,
        %parallel_loop3A_2368 = arith.subf %parallel_loop3A_129, %parallel_loop3A_2367 : vector<16xf32>
        %parallel_loop3A_2369 = arith.mulf %parallel_loop3A_2368, %parallel_loop3A_2368 : vector<16xf32>
        %parallel_loop3A_2370 = arith.constant 1 : i32
        %parallel_loop3A_2371 = vector.broadcast %parallel_loop3A_2370 : i32 to vector<16xi32>
        %parallel_loop3A_2372 = arith.addi %parallel_loop3A_2363, %parallel_loop3A_2371 : vector<16xi32>
        %parallel_loop3A_2373 = tpu.vector_load_idx %arg15[%parallel_loop3A_2372] : memref<16896xf32, #tpu.memory_space<vmem>>[vector<16xi32>], vector<16xf32>,
        %parallel_loop3A_2374 = arith.subf %parallel_loop3A_133, %parallel_loop3A_2373 : vector<16xf32>
        %parallel_loop3A_2375 = arith.mulf %parallel_loop3A_2374, %parallel_loop3A_2374 : vector<16xf32>
        %parallel_loop3A_2376 = arith.constant 2 : i32
        %parallel_loop3A_2377 = vector.broadcast %parallel_loop3A_2376 : i32 to vector<16xi32>
        %parallel_loop3A_2378 = arith.addi %parallel_loop3A_2363, %parallel_loop3A_2377 : vector<16xi32>
        %parallel_loop3A_2379 = tpu.vector_load_idx %arg15[%parallel_loop3A_2378] : memref<16896xf32, #tpu.memory_space<vmem>>[vector<16xi32>], vector<16xf32>,
        %parallel_loop3A_2380 = arith.subf %parallel_loop3A_137, %parallel_loop3A_2379 : vector<16xf32>
        %parallel_loop3A_2381 = arith.mulf %parallel_loop3A_2380, %parallel_loop3A_2380 : vector<16xf32>
        %parallel_loop3A_2382 = arith.constant 3 : i32
        %parallel_loop3A_2383 = vector.broadcast %parallel_loop3A_2382 : i32 to vector<16xi32>
        %parallel_loop3A_2384 = arith.addi %parallel_loop3A_2363, %parallel_loop3A_2383 : vector<16xi32>
        %parallel_loop3A_2385 = tpu.vector_load_idx %arg15[%parallel_loop3A_2384] : memref<16896xf32, #tpu.memory_space<vmem>>[vector<16xi32>], vector<16xf32>,
        %parallel_loop3A_2386 = arith.subf %parallel_loop3A_141, %parallel_loop3A_2385 : vector<16xf32>
        %parallel_loop3A_2387 = arith.mulf %parallel_loop3A_2386, %parallel_loop3A_2386 : vector<16xf32>
        %parallel_loop3A_2388 = arith.constant 4 : i32
        %parallel_loop3A_2389 = vector.broadcast %parallel_loop3A_2388 : i32 to vector<16xi32>
        %parallel_loop3A_2390 = arith.addi %parallel_loop3A_2363, %parallel_loop3A_2389 : vector<16xi32>
        %parallel_loop3A_2391 = tpu.vector_load_idx %arg15[%parallel_loop3A_2390] : memref<16896xf32, #tpu.memory_space<vmem>>[vector<16xi32>], vector<16xf32>,
        %parallel_loop3A_2392 = arith.subf %parallel_loop3A_145, %parallel_loop3A_2391 : vector<16xf32>
        %parallel_loop3A_2393 = arith.mulf %parallel_loop3A_2392, %parallel_loop3A_2392 : vector<16xf32>
        %parallel_loop3A_2394 = arith.constant 5 : i32
        %parallel_loop3A_2395 = vector.broadcast %parallel_loop3A_2394 : i32 to vector<16xi32>
        %parallel_loop3A_2396 = arith.addi %parallel_loop3A_2363, %parallel_loop3A_2395 : vector<16xi32>
        %parallel_loop3A_2397 = tpu.vector_load_idx %arg15[%parallel_loop3A_2396] : memref<16896xf32, #tpu.memory_space<vmem>>[vector<16xi32>], vector<16xf32>,
        %parallel_loop3A_2398 = arith.subf %parallel_loop3A_149, %parallel_loop3A_2397 : vector<16xf32>
        %parallel_loop3A_2399 = arith.mulf %parallel_loop3A_2398, %parallel_loop3A_2398 : vector<16xf32>
        %parallel_loop3A_2400 = arith.constant 6 : i32
        %parallel_loop3A_2401 = vector.broadcast %parallel_loop3A_2400 : i32 to vector<16xi32>
        %parallel_loop3A_2402 = arith.addi %parallel_loop3A_2363, %parallel_loop3A_2401 : vector<16xi32>
        %parallel_loop3A_2403 = tpu.vector_load_idx %arg15[%parallel_loop3A_2402] : memref<16896xf32, #tpu.memory_space<vmem>>[vector<16xi32>], vector<16xf32>,
        %parallel_loop3A_2404 = arith.subf %parallel_loop3A_153, %parallel_loop3A_2403 : vector<16xf32>
        %parallel_loop3A_2405 = arith.mulf %parallel_loop3A_2404, %parallel_loop3A_2404 : vector<16xf32>
        %parallel_loop3A_2406 = arith.constant 7 : i32
        %parallel_loop3A_2407 = vector.broadcast %parallel_loop3A_2406 : i32 to vector<16xi32>
        %parallel_loop3A_2408 = arith.addi %parallel_loop3A_2363, %parallel_loop3A_2407 : vector<16xi32>
        %parallel_loop3A_2409 = tpu.vector_load_idx %arg15[%parallel_loop3A_2408] : memref<16896xf32, #tpu.memory_space<vmem>>[vector<16xi32>], vector<16xf32>,
        %parallel_loop3A_2410 = arith.subf %parallel_loop3A_157, %parallel_loop3A_2409 : vector<16xf32>
        %parallel_loop3A_2411 = arith.mulf %parallel_loop3A_2410, %parallel_loop3A_2410 : vector<16xf32>
        %parallel_loop3A_2412 = arith.constant 8 : i32
        %parallel_loop3A_2413 = vector.broadcast %parallel_loop3A_2412 : i32 to vector<16xi32>
        %parallel_loop3A_2414 = arith.addi %parallel_loop3A_2363, %parallel_loop3A_2413 : vector<16xi32>
        %parallel_loop3A_2415 = tpu.vector_load_idx %arg15[%parallel_loop3A_2414] : memref<16896xf32, #tpu.memory_space<vmem>>[vector<16xi32>], vector<16xf32>,
        %parallel_loop3A_2416 = arith.subf %parallel_loop3A_161, %parallel_loop3A_2415 : vector<16xf32>
        %parallel_loop3A_2417 = arith.mulf %parallel_loop3A_2416, %parallel_loop3A_2416 : vector<16xf32>
        %parallel_loop3A_2418 = arith.constant 9 : i32
        %parallel_loop3A_2419 = vector.broadcast %parallel_loop3A_2418 : i32 to vector<16xi32>
        %parallel_loop3A_2420 = arith.addi %parallel_loop3A_2363, %parallel_loop3A_2419 : vector<16xi32>
        %parallel_loop3A_2421 = tpu.vector_load_idx %arg15[%parallel_loop3A_2420] : memref<16896xf32, #tpu.memory_space<vmem>>[vector<16xi32>], vector<16xf32>,
        %parallel_loop3A_2422 = arith.subf %parallel_loop3A_165, %parallel_loop3A_2421 : vector<16xf32>
        %parallel_loop3A_2423 = arith.mulf %parallel_loop3A_2422, %parallel_loop3A_2422 : vector<16xf32>
        %parallel_loop3A_2424 = arith.constant 10 : i32
        %parallel_loop3A_2425 = vector.broadcast %parallel_loop3A_2424 : i32 to vector<16xi32>
        %parallel_loop3A_2426 = arith.addi %parallel_loop3A_2363, %parallel_loop3A_2425 : vector<16xi32>
        %parallel_loop3A_2427 = tpu.vector_load_idx %arg15[%parallel_loop3A_2426] : memref<16896xf32, #tpu.memory_space<vmem>>[vector<16xi32>], vector<16xf32>,
        %parallel_loop3A_2428 = arith.subf %parallel_loop3A_169, %parallel_loop3A_2427 : vector<16xf32>
        %parallel_loop3A_2429 = arith.mulf %parallel_loop3A_2428, %parallel_loop3A_2428 : vector<16xf32>
        %parallel_loop3A_2430 = arith.constant 11 : i32
        %parallel_loop3A_2431 = vector.broadcast %parallel_loop3A_2430 : i32 to vector<16xi32>
        %parallel_loop3A_2432 = arith.addi %parallel_loop3A_2363, %parallel_loop3A_2431 : vector<16xi32>
        %parallel_loop3A_2433 = tpu.vector_load_idx %arg15[%parallel_loop3A_2432] : memref<16896xf32, #tpu.memory_space<vmem>>[vector<16xi32>], vector<16xf32>,
        %parallel_loop3A_2434 = arith.subf %parallel_loop3A_173, %parallel_loop3A_2433 : vector<16xf32>
        %parallel_loop3A_2435 = arith.mulf %parallel_loop3A_2434, %parallel_loop3A_2434 : vector<16xf32>
        %parallel_loop3A_2436 = arith.constant 12 : i32
        %parallel_loop3A_2437 = vector.broadcast %parallel_loop3A_2436 : i32 to vector<16xi32>
        %parallel_loop3A_2438 = arith.addi %parallel_loop3A_2363, %parallel_loop3A_2437 : vector<16xi32>
        %parallel_loop3A_2439 = tpu.vector_load_idx %arg15[%parallel_loop3A_2438] : memref<16896xf32, #tpu.memory_space<vmem>>[vector<16xi32>], vector<16xf32>,
        %parallel_loop3A_2440 = arith.subf %parallel_loop3A_177, %parallel_loop3A_2439 : vector<16xf32>
        %parallel_loop3A_2441 = arith.mulf %parallel_loop3A_2440, %parallel_loop3A_2440 : vector<16xf32>
        %parallel_loop3A_2442 = arith.constant 13 : i32
        %parallel_loop3A_2443 = vector.broadcast %parallel_loop3A_2442 : i32 to vector<16xi32>
        %parallel_loop3A_2444 = arith.addi %parallel_loop3A_2363, %parallel_loop3A_2443 : vector<16xi32>
        %parallel_loop3A_2445 = tpu.vector_load_idx %arg15[%parallel_loop3A_2444] : memref<16896xf32, #tpu.memory_space<vmem>>[vector<16xi32>], vector<16xf32>,
        %parallel_loop3A_2446 = arith.subf %parallel_loop3A_181, %parallel_loop3A_2445 : vector<16xf32>
        %parallel_loop3A_2447 = arith.mulf %parallel_loop3A_2446, %parallel_loop3A_2446 : vector<16xf32>
        %parallel_loop3A_2448 = arith.constant 14 : i32
        %parallel_loop3A_2449 = vector.broadcast %parallel_loop3A_2448 : i32 to vector<16xi32>
        %parallel_loop3A_2450 = arith.addi %parallel_loop3A_2363, %parallel_loop3A_2449 : vector<16xi32>
        %parallel_loop3A_2451 = tpu.vector_load_idx %arg15[%parallel_loop3A_2450] : memref<16896xf32, #tpu.memory_space<vmem>>[vector<16xi32>], vector<16xf32>,
        %parallel_loop3A_2452 = arith.subf %parallel_loop3A_185, %parallel_loop3A_2451 : vector<16xf32>
        %parallel_loop3A_2453 = arith.mulf %parallel_loop3A_2452, %parallel_loop3A_2452 : vector<16xf32>
        %parallel_loop3A_2454 = arith.constant 15 : i32
        %parallel_loop3A_2455 = vector.broadcast %parallel_loop3A_2454 : i32 to vector<16xi32>
        %parallel_loop3A_2456 = arith.addi %parallel_loop3A_2363, %parallel_loop3A_2455 : vector<16xi32>
        %parallel_loop3A_2457 = tpu.vector_load_idx %arg15[%parallel_loop3A_2456] : memref<16896xf32, #tpu.memory_space<vmem>>[vector<16xi32>], vector<16xf32>,
        %parallel_loop3A_2458 = arith.subf %parallel_loop3A_189, %parallel_loop3A_2457 : vector<16xf32>
        %parallel_loop3A_2459 = arith.mulf %parallel_loop3A_2458, %parallel_loop3A_2458 : vector<16xf32>
        %parallel_loop3A_2460 = arith.constant 16 : i32
        %parallel_loop3A_2461 = vector.broadcast %parallel_loop3A_2460 : i32 to vector<16xi32>
        %parallel_loop3A_2462 = arith.addi %parallel_loop3A_2363, %parallel_loop3A_2461 : vector<16xi32>
        %parallel_loop3A_2463 = tpu.vector_load_idx %arg15[%parallel_loop3A_2462] : memref<16896xf32, #tpu.memory_space<vmem>>[vector<16xi32>], vector<16xf32>,
        %parallel_loop3A_2464 = arith.subf %parallel_loop3A_193, %parallel_loop3A_2463 : vector<16xf32>
        %parallel_loop3A_2465 = arith.mulf %parallel_loop3A_2464, %parallel_loop3A_2464 : vector<16xf32>
        %parallel_loop3A_2466 = arith.constant 17 : i32
        %parallel_loop3A_2467 = vector.broadcast %parallel_loop3A_2466 : i32 to vector<16xi32>
        %parallel_loop3A_2468 = arith.addi %parallel_loop3A_2363, %parallel_loop3A_2467 : vector<16xi32>
        %parallel_loop3A_2469 = tpu.vector_load_idx %arg15[%parallel_loop3A_2468] : memref<16896xf32, #tpu.memory_space<vmem>>[vector<16xi32>], vector<16xf32>,
        %parallel_loop3A_2470 = arith.subf %parallel_loop3A_197, %parallel_loop3A_2469 : vector<16xf32>
        %parallel_loop3A_2471 = arith.mulf %parallel_loop3A_2470, %parallel_loop3A_2470 : vector<16xf32>
        %parallel_loop3A_2472 = arith.constant 18 : i32
        %parallel_loop3A_2473 = vector.broadcast %parallel_loop3A_2472 : i32 to vector<16xi32>
        %parallel_loop3A_2474 = arith.addi %parallel_loop3A_2363, %parallel_loop3A_2473 : vector<16xi32>
        %parallel_loop3A_2475 = tpu.vector_load_idx %arg15[%parallel_loop3A_2474] : memref<16896xf32, #tpu.memory_space<vmem>>[vector<16xi32>], vector<16xf32>,
        %parallel_loop3A_2476 = arith.subf %parallel_loop3A_201, %parallel_loop3A_2475 : vector<16xf32>
        %parallel_loop3A_2477 = arith.mulf %parallel_loop3A_2476, %parallel_loop3A_2476 : vector<16xf32>
        %parallel_loop3A_2478 = arith.constant 19 : i32
        %parallel_loop3A_2479 = vector.broadcast %parallel_loop3A_2478 : i32 to vector<16xi32>
        %parallel_loop3A_2480 = arith.addi %parallel_loop3A_2363, %parallel_loop3A_2479 : vector<16xi32>
        %parallel_loop3A_2481 = tpu.vector_load_idx %arg15[%parallel_loop3A_2480] : memref<16896xf32, #tpu.memory_space<vmem>>[vector<16xi32>], vector<16xf32>,
        %parallel_loop3A_2482 = arith.subf %parallel_loop3A_205, %parallel_loop3A_2481 : vector<16xf32>
        %parallel_loop3A_2483 = arith.mulf %parallel_loop3A_2482, %parallel_loop3A_2482 : vector<16xf32>
        %parallel_loop3A_2484 = arith.constant 20 : i32
        %parallel_loop3A_2485 = vector.broadcast %parallel_loop3A_2484 : i32 to vector<16xi32>
        %parallel_loop3A_2486 = arith.addi %parallel_loop3A_2363, %parallel_loop3A_2485 : vector<16xi32>
        %parallel_loop3A_2487 = tpu.vector_load_idx %arg15[%parallel_loop3A_2486] : memref<16896xf32, #tpu.memory_space<vmem>>[vector<16xi32>], vector<16xf32>,
        %parallel_loop3A_2488 = arith.subf %parallel_loop3A_209, %parallel_loop3A_2487 : vector<16xf32>
        %parallel_loop3A_2489 = arith.mulf %parallel_loop3A_2488, %parallel_loop3A_2488 : vector<16xf32>
        %parallel_loop3A_2490 = arith.constant 21 : i32
        %parallel_loop3A_2491 = vector.broadcast %parallel_loop3A_2490 : i32 to vector<16xi32>
        %parallel_loop3A_2492 = arith.addi %parallel_loop3A_2363, %parallel_loop3A_2491 : vector<16xi32>
        %parallel_loop3A_2493 = tpu.vector_load_idx %arg15[%parallel_loop3A_2492] : memref<16896xf32, #tpu.memory_space<vmem>>[vector<16xi32>], vector<16xf32>,
        %parallel_loop3A_2494 = arith.subf %parallel_loop3A_213, %parallel_loop3A_2493 : vector<16xf32>
        %parallel_loop3A_2495 = arith.mulf %parallel_loop3A_2494, %parallel_loop3A_2494 : vector<16xf32>
        %parallel_loop3A_2496 = arith.constant 22 : i32
        %parallel_loop3A_2497 = vector.broadcast %parallel_loop3A_2496 : i32 to vector<16xi32>
        %parallel_loop3A_2498 = arith.addi %parallel_loop3A_2363, %parallel_loop3A_2497 : vector<16xi32>
        %parallel_loop3A_2499 = tpu.vector_load_idx %arg15[%parallel_loop3A_2498] : memref<16896xf32, #tpu.memory_space<vmem>>[vector<16xi32>], vector<16xf32>,
        %parallel_loop3A_2500 = arith.subf %parallel_loop3A_217, %parallel_loop3A_2499 : vector<16xf32>
        %parallel_loop3A_2501 = arith.mulf %parallel_loop3A_2500, %parallel_loop3A_2500 : vector<16xf32>
        %parallel_loop3A_2502 = arith.constant 23 : i32
        %parallel_loop3A_2503 = vector.broadcast %parallel_loop3A_2502 : i32 to vector<16xi32>
        %parallel_loop3A_2504 = arith.addi %parallel_loop3A_2363, %parallel_loop3A_2503 : vector<16xi32>
        %parallel_loop3A_2505 = tpu.vector_load_idx %arg15[%parallel_loop3A_2504] : memref<16896xf32, #tpu.memory_space<vmem>>[vector<16xi32>], vector<16xf32>,
        %parallel_loop3A_2506 = arith.subf %parallel_loop3A_221, %parallel_loop3A_2505 : vector<16xf32>
        %parallel_loop3A_2507 = arith.mulf %parallel_loop3A_2506, %parallel_loop3A_2506 : vector<16xf32>
        %parallel_loop3A_2508 = arith.constant 24 : i32
        %parallel_loop3A_2509 = vector.broadcast %parallel_loop3A_2508 : i32 to vector<16xi32>
        %parallel_loop3A_2510 = arith.addi %parallel_loop3A_2363, %parallel_loop3A_2509 : vector<16xi32>
        %parallel_loop3A_2511 = tpu.vector_load_idx %arg15[%parallel_loop3A_2510] : memref<16896xf32, #tpu.memory_space<vmem>>[vector<16xi32>], vector<16xf32>,
        %parallel_loop3A_2512 = arith.subf %parallel_loop3A_225, %parallel_loop3A_2511 : vector<16xf32>
        %parallel_loop3A_2513 = arith.mulf %parallel_loop3A_2512, %parallel_loop3A_2512 : vector<16xf32>
        %parallel_loop3A_2514 = arith.constant 25 : i32
        %parallel_loop3A_2515 = vector.broadcast %parallel_loop3A_2514 : i32 to vector<16xi32>
        %parallel_loop3A_2516 = arith.addi %parallel_loop3A_2363, %parallel_loop3A_2515 : vector<16xi32>
        %parallel_loop3A_2517 = tpu.vector_load_idx %arg15[%parallel_loop3A_2516] : memref<16896xf32, #tpu.memory_space<vmem>>[vector<16xi32>], vector<16xf32>,
        %parallel_loop3A_2518 = arith.subf %parallel_loop3A_229, %parallel_loop3A_2517 : vector<16xf32>
        %parallel_loop3A_2519 = arith.mulf %parallel_loop3A_2518, %parallel_loop3A_2518 : vector<16xf32>
        %parallel_loop3A_2520 = arith.constant 26 : i32
        %parallel_loop3A_2521 = vector.broadcast %parallel_loop3A_2520 : i32 to vector<16xi32>
        %parallel_loop3A_2522 = arith.addi %parallel_loop3A_2363, %parallel_loop3A_2521 : vector<16xi32>
        %parallel_loop3A_2523 = tpu.vector_load_idx %arg15[%parallel_loop3A_2522] : memref<16896xf32, #tpu.memory_space<vmem>>[vector<16xi32>], vector<16xf32>,
        %parallel_loop3A_2524 = arith.subf %parallel_loop3A_233, %parallel_loop3A_2523 : vector<16xf32>
        %parallel_loop3A_2525 = arith.mulf %parallel_loop3A_2524, %parallel_loop3A_2524 : vector<16xf32>
        %parallel_loop3A_2526 = arith.constant 27 : i32
        %parallel_loop3A_2527 = vector.broadcast %parallel_loop3A_2526 : i32 to vector<16xi32>
        %parallel_loop3A_2528 = arith.addi %parallel_loop3A_2363, %parallel_loop3A_2527 : vector<16xi32>
        %parallel_loop3A_2529 = tpu.vector_load_idx %arg15[%parallel_loop3A_2528] : memref<16896xf32, #tpu.memory_space<vmem>>[vector<16xi32>], vector<16xf32>,
        %parallel_loop3A_2530 = arith.subf %parallel_loop3A_237, %parallel_loop3A_2529 : vector<16xf32>
        %parallel_loop3A_2531 = arith.mulf %parallel_loop3A_2530, %parallel_loop3A_2530 : vector<16xf32>
        %parallel_loop3A_2532 = arith.constant 28 : i32
        %parallel_loop3A_2533 = vector.broadcast %parallel_loop3A_2532 : i32 to vector<16xi32>
        %parallel_loop3A_2534 = arith.addi %parallel_loop3A_2363, %parallel_loop3A_2533 : vector<16xi32>
        %parallel_loop3A_2535 = tpu.vector_load_idx %arg15[%parallel_loop3A_2534] : memref<16896xf32, #tpu.memory_space<vmem>>[vector<16xi32>], vector<16xf32>,
        %parallel_loop3A_2536 = arith.subf %parallel_loop3A_241, %parallel_loop3A_2535 : vector<16xf32>
        %parallel_loop3A_2537 = arith.mulf %parallel_loop3A_2536, %parallel_loop3A_2536 : vector<16xf32>
        %parallel_loop3A_2538 = arith.constant 29 : i32
        %parallel_loop3A_2539 = vector.broadcast %parallel_loop3A_2538 : i32 to vector<16xi32>
        %parallel_loop3A_2540 = arith.addi %parallel_loop3A_2363, %parallel_loop3A_2539 : vector<16xi32>
        %parallel_loop3A_2541 = tpu.vector_load_idx %arg15[%parallel_loop3A_2540] : memref<16896xf32, #tpu.memory_space<vmem>>[vector<16xi32>], vector<16xf32>,
        %parallel_loop3A_2542 = arith.subf %parallel_loop3A_245, %parallel_loop3A_2541 : vector<16xf32>
        %parallel_loop3A_2543 = arith.mulf %parallel_loop3A_2542, %parallel_loop3A_2542 : vector<16xf32>
        %parallel_loop3A_2544 = arith.constant 30 : i32
        %parallel_loop3A_2545 = vector.broadcast %parallel_loop3A_2544 : i32 to vector<16xi32>
        %parallel_loop3A_2546 = arith.addi %parallel_loop3A_2363, %parallel_loop3A_2545 : vector<16xi32>
        %parallel_loop3A_2547 = tpu.vector_load_idx %arg15[%parallel_loop3A_2546] : memref<16896xf32, #tpu.memory_space<vmem>>[vector<16xi32>], vector<16xf32>,
        %parallel_loop3A_2548 = arith.subf %parallel_loop3A_249, %parallel_loop3A_2547 : vector<16xf32>
        %parallel_loop3A_2549 = arith.mulf %parallel_loop3A_2548, %parallel_loop3A_2548 : vector<16xf32>
        %parallel_loop3A_2550 = arith.constant 31 : i32
        %parallel_loop3A_2551 = vector.broadcast %parallel_loop3A_2550 : i32 to vector<16xi32>
        %parallel_loop3A_2552 = arith.addi %parallel_loop3A_2363, %parallel_loop3A_2551 : vector<16xi32>
        %parallel_loop3A_2553 = tpu.vector_load_idx %arg15[%parallel_loop3A_2552] : memref<16896xf32, #tpu.memory_space<vmem>>[vector<16xi32>], vector<16xf32>,
        %parallel_loop3A_2554 = arith.subf %parallel_loop3A_253, %parallel_loop3A_2553 : vector<16xf32>
        %parallel_loop3A_2555 = arith.mulf %parallel_loop3A_2554, %parallel_loop3A_2554 : vector<16xf32>
        %parallel_loop3A_2556 = arith.addf %parallel_loop3A_2369, %parallel_loop3A_2375 : vector<16xf32>
        %parallel_loop3A_2557 = arith.addf %parallel_loop3A_2381, %parallel_loop3A_2387 : vector<16xf32>
        %parallel_loop3A_2558 = arith.addf %parallel_loop3A_2393, %parallel_loop3A_2399 : vector<16xf32>
        %parallel_loop3A_2559 = arith.addf %parallel_loop3A_2405, %parallel_loop3A_2411 : vector<16xf32>
        %parallel_loop3A_2560 = arith.addf %parallel_loop3A_2417, %parallel_loop3A_2423 : vector<16xf32>
        %parallel_loop3A_2561 = arith.addf %parallel_loop3A_2429, %parallel_loop3A_2435 : vector<16xf32>
        %parallel_loop3A_2562 = arith.addf %parallel_loop3A_2441, %parallel_loop3A_2447 : vector<16xf32>
        %parallel_loop3A_2563 = arith.addf %parallel_loop3A_2453, %parallel_loop3A_2459 : vector<16xf32>
        %parallel_loop3A_2564 = arith.addf %parallel_loop3A_2465, %parallel_loop3A_2471 : vector<16xf32>
        %parallel_loop3A_2565 = arith.addf %parallel_loop3A_2477, %parallel_loop3A_2483 : vector<16xf32>
        %parallel_loop3A_2566 = arith.addf %parallel_loop3A_2489, %parallel_loop3A_2495 : vector<16xf32>
        %parallel_loop3A_2567 = arith.addf %parallel_loop3A_2501, %parallel_loop3A_2507 : vector<16xf32>
        %parallel_loop3A_2568 = arith.addf %parallel_loop3A_2513, %parallel_loop3A_2519 : vector<16xf32>
        %parallel_loop3A_2569 = arith.addf %parallel_loop3A_2525, %parallel_loop3A_2531 : vector<16xf32>
        %parallel_loop3A_2570 = arith.addf %parallel_loop3A_2537, %parallel_loop3A_2543 : vector<16xf32>
        %parallel_loop3A_2571 = arith.addf %parallel_loop3A_2549, %parallel_loop3A_2555 : vector<16xf32>
        %parallel_loop3A_2572 = arith.addf %parallel_loop3A_2556, %parallel_loop3A_2557 : vector<16xf32>
        %parallel_loop3A_2573 = arith.addf %parallel_loop3A_2558, %parallel_loop3A_2559 : vector<16xf32>
        %parallel_loop3A_2574 = arith.addf %parallel_loop3A_2560, %parallel_loop3A_2561 : vector<16xf32>
        %parallel_loop3A_2575 = arith.addf %parallel_loop3A_2562, %parallel_loop3A_2563 : vector<16xf32>
        %parallel_loop3A_2576 = arith.addf %parallel_loop3A_2564, %parallel_loop3A_2565 : vector<16xf32>
        %parallel_loop3A_2577 = arith.addf %parallel_loop3A_2566, %parallel_loop3A_2567 : vector<16xf32>
        %parallel_loop3A_2578 = arith.addf %parallel_loop3A_2568, %parallel_loop3A_2569 : vector<16xf32>
        %parallel_loop3A_2579 = arith.addf %parallel_loop3A_2570, %parallel_loop3A_2571 : vector<16xf32>
        %parallel_loop3A_2580 = arith.addf %parallel_loop3A_2572, %parallel_loop3A_2573 : vector<16xf32>
        %parallel_loop3A_2581 = arith.addf %parallel_loop3A_2574, %parallel_loop3A_2575 : vector<16xf32>
        %parallel_loop3A_2582 = arith.addf %parallel_loop3A_2576, %parallel_loop3A_2577 : vector<16xf32>
        %parallel_loop3A_2583 = arith.addf %parallel_loop3A_2578, %parallel_loop3A_2579 : vector<16xf32>
        %parallel_loop3A_2584 = arith.addf %parallel_loop3A_2580, %parallel_loop3A_2581 : vector<16xf32>
        %parallel_loop3A_2585 = arith.addf %parallel_loop3A_2582, %parallel_loop3A_2583 : vector<16xf32>
        %parallel_loop3A_2586 = arith.addf %parallel_loop3A_2584, %parallel_loop3A_2585 : vector<16xf32>
        %parallel_loop3A_2587 = arith.constant -5.000000e-01 : f32
        %parallel_loop3A_2588 = vector.broadcast %parallel_loop3A_2587 : f32 to vector<16xf32>
        %parallel_loop3A_2589 = arith.mulf %parallel_loop3A_2588, %parallel_loop3A_2586 : vector<16xf32>
        %parallel_loop3A_2590 = arith.constant 0xFF800000 : f32
        %parallel_loop3A_2591 = vector.broadcast %parallel_loop3A_2590 : f32 to vector<16xf32>
        %parallel_loop3A_2592 = arith.constant 0 : i32
        %parallel_loop3A_2593 = vector.broadcast %parallel_loop3A_2592 : i32 to vector<16xi32>
        %parallel_loop3A_2594 = arith.constant 0 : i32
        %parallel_loop3A_2595 = vector.broadcast %parallel_loop3A_2594 : i32 to vector<16xi32>
        %parallel_loop3A_2596 = arith.cmpf ogt, %parallel_loop3A_528, %parallel_loop3A_2591 : vector<16xf32>
        %parallel_loop3A_2597 = arith.select %parallel_loop3A_2596, %parallel_loop3A_528, %parallel_loop3A_2591 : vector<16xi1>, vector<16xf32>
        %parallel_loop3A_2598 = arith.constant 0 : i32
        %parallel_loop3A_2599 = vector.broadcast %parallel_loop3A_2598 : i32 to vector<16xi32>
        %parallel_loop3A_2600 = arith.select %parallel_loop3A_2596, %parallel_loop3A_2599, %parallel_loop3A_2593 : vector<16xi1>, vector<16xi32>
        %parallel_loop3A_2601 = arith.select %parallel_loop3A_2596, %parallel_loop3A_256, %parallel_loop3A_2595 : vector<16xi1>, vector<16xi32>
        %parallel_loop3A_2602 = arith.cmpf ogt, %parallel_loop3A_757, %parallel_loop3A_2597 : vector<16xf32>
        %parallel_loop3A_2603 = arith.select %parallel_loop3A_2602, %parallel_loop3A_757, %parallel_loop3A_2597 : vector<16xi1>, vector<16xf32>
        %parallel_loop3A_2604 = arith.constant 1 : i32
        %parallel_loop3A_2605 = vector.broadcast %parallel_loop3A_2604 : i32 to vector<16xi32>
        %parallel_loop3A_2606 = arith.select %parallel_loop3A_2602, %parallel_loop3A_2605, %parallel_loop3A_2600 : vector<16xi1>, vector<16xi32>
        %parallel_loop3A_2607 = arith.select %parallel_loop3A_2602, %parallel_loop3A_259, %parallel_loop3A_2601 : vector<16xi1>, vector<16xi32>
        %parallel_loop3A_2608 = arith.cmpf ogt, %parallel_loop3A_986, %parallel_loop3A_2603 : vector<16xf32>
        %parallel_loop3A_2609 = arith.select %parallel_loop3A_2608, %parallel_loop3A_986, %parallel_loop3A_2603 : vector<16xi1>, vector<16xf32>
        %parallel_loop3A_2610 = arith.constant 2 : i32
        %parallel_loop3A_2611 = vector.broadcast %parallel_loop3A_2610 : i32 to vector<16xi32>
        %parallel_loop3A_2612 = arith.select %parallel_loop3A_2608, %parallel_loop3A_2611, %parallel_loop3A_2606 : vector<16xi1>, vector<16xi32>
        %parallel_loop3A_2613 = arith.select %parallel_loop3A_2608, %parallel_loop3A_262, %parallel_loop3A_2607 : vector<16xi1>, vector<16xi32>
        %parallel_loop3A_2614 = arith.cmpf ogt, %parallel_loop3A_1215, %parallel_loop3A_2609 : vector<16xf32>
        %parallel_loop3A_2615 = arith.select %parallel_loop3A_2614, %parallel_loop3A_1215, %parallel_loop3A_2609 : vector<16xi1>, vector<16xf32>
        %parallel_loop3A_2616 = arith.constant 3 : i32
        %parallel_loop3A_2617 = vector.broadcast %parallel_loop3A_2616 : i32 to vector<16xi32>
        %parallel_loop3A_2618 = arith.select %parallel_loop3A_2614, %parallel_loop3A_2617, %parallel_loop3A_2612 : vector<16xi1>, vector<16xi32>
        %parallel_loop3A_2619 = arith.select %parallel_loop3A_2614, %parallel_loop3A_265, %parallel_loop3A_2613 : vector<16xi1>, vector<16xi32>
        %parallel_loop3A_2620 = arith.cmpf ogt, %parallel_loop3A_1444, %parallel_loop3A_2615 : vector<16xf32>
        %parallel_loop3A_2621 = arith.select %parallel_loop3A_2620, %parallel_loop3A_1444, %parallel_loop3A_2615 : vector<16xi1>, vector<16xf32>
        %parallel_loop3A_2622 = arith.constant 4 : i32
        %parallel_loop3A_2623 = vector.broadcast %parallel_loop3A_2622 : i32 to vector<16xi32>
        %parallel_loop3A_2624 = arith.select %parallel_loop3A_2620, %parallel_loop3A_2623, %parallel_loop3A_2618 : vector<16xi1>, vector<16xi32>
        %parallel_loop3A_2625 = arith.select %parallel_loop3A_2620, %parallel_loop3A_268, %parallel_loop3A_2619 : vector<16xi1>, vector<16xi32>
        %parallel_loop3A_2626 = arith.cmpf ogt, %parallel_loop3A_1673, %parallel_loop3A_2621 : vector<16xf32>
        %parallel_loop3A_2627 = arith.select %parallel_loop3A_2626, %parallel_loop3A_1673, %parallel_loop3A_2621 : vector<16xi1>, vector<16xf32>
        %parallel_loop3A_2628 = arith.constant 5 : i32
        %parallel_loop3A_2629 = vector.broadcast %parallel_loop3A_2628 : i32 to vector<16xi32>
        %parallel_loop3A_2630 = arith.select %parallel_loop3A_2626, %parallel_loop3A_2629, %parallel_loop3A_2624 : vector<16xi1>, vector<16xi32>
        %parallel_loop3A_2631 = arith.select %parallel_loop3A_2626, %parallel_loop3A_271, %parallel_loop3A_2625 : vector<16xi1>, vector<16xi32>
        %parallel_loop3A_2632 = arith.cmpf ogt, %parallel_loop3A_1902, %parallel_loop3A_2627 : vector<16xf32>
        %parallel_loop3A_2633 = arith.select %parallel_loop3A_2632, %parallel_loop3A_1902, %parallel_loop3A_2627 : vector<16xi1>, vector<16xf32>
        %parallel_loop3A_2634 = arith.constant 6 : i32
        %parallel_loop3A_2635 = vector.broadcast %parallel_loop3A_2634 : i32 to vector<16xi32>
        %parallel_loop3A_2636 = arith.select %parallel_loop3A_2632, %parallel_loop3A_2635, %parallel_loop3A_2630 : vector<16xi1>, vector<16xi32>
        %parallel_loop3A_2637 = arith.select %parallel_loop3A_2632, %parallel_loop3A_274, %parallel_loop3A_2631 : vector<16xi1>, vector<16xi32>
        %parallel_loop3A_2638 = arith.cmpf ogt, %parallel_loop3A_2131, %parallel_loop3A_2633 : vector<16xf32>
        %parallel_loop3A_2639 = arith.select %parallel_loop3A_2638, %parallel_loop3A_2131, %parallel_loop3A_2633 : vector<16xi1>, vector<16xf32>
        %parallel_loop3A_2640 = arith.constant 7 : i32
        %parallel_loop3A_2641 = vector.broadcast %parallel_loop3A_2640 : i32 to vector<16xi32>
        %parallel_loop3A_2642 = arith.select %parallel_loop3A_2638, %parallel_loop3A_2641, %parallel_loop3A_2636 : vector<16xi1>, vector<16xi32>
        %parallel_loop3A_2643 = arith.select %parallel_loop3A_2638, %parallel_loop3A_277, %parallel_loop3A_2637 : vector<16xi1>, vector<16xi32>
        %parallel_loop3A_2644 = arith.cmpf ogt, %parallel_loop3A_2360, %parallel_loop3A_2639 : vector<16xf32>
        %parallel_loop3A_2645 = arith.select %parallel_loop3A_2644, %parallel_loop3A_2360, %parallel_loop3A_2639 : vector<16xi1>, vector<16xf32>
        %parallel_loop3A_2646 = arith.constant 8 : i32
        %parallel_loop3A_2647 = vector.broadcast %parallel_loop3A_2646 : i32 to vector<16xi32>
        %parallel_loop3A_2648 = arith.select %parallel_loop3A_2644, %parallel_loop3A_2647, %parallel_loop3A_2642 : vector<16xi1>, vector<16xi32>
        %parallel_loop3A_2649 = arith.select %parallel_loop3A_2644, %parallel_loop3A_280, %parallel_loop3A_2643 : vector<16xi1>, vector<16xi32>
        %parallel_loop3A_2650 = arith.cmpf ogt, %parallel_loop3A_2589, %parallel_loop3A_2645 : vector<16xf32>
        %parallel_loop3A_2651 = arith.select %parallel_loop3A_2650, %parallel_loop3A_2589, %parallel_loop3A_2645 : vector<16xi1>, vector<16xf32>
        %parallel_loop3A_2652 = arith.constant 9 : i32
        %parallel_loop3A_2653 = vector.broadcast %parallel_loop3A_2652 : i32 to vector<16xi32>
        %parallel_loop3A_2654 = arith.select %parallel_loop3A_2650, %parallel_loop3A_2653, %parallel_loop3A_2648 : vector<16xi1>, vector<16xi32>
        %parallel_loop3A_2655 = arith.select %parallel_loop3A_2650, %parallel_loop3A_299, %parallel_loop3A_2649 : vector<16xi1>, vector<16xi32>
        %parallel_loop3A_2656 = arith.constant 0 : i32
        %parallel_loop3A_2657 = vector.broadcast %parallel_loop3A_2656 : i32 to vector<16xi32>
        %parallel_loop3A_2658 = arith.constant 0 : i32
        %parallel_loop3A_2659 = vector.broadcast %parallel_loop3A_2658 : i32 to vector<16xi32>
        %parallel_loop3A_2660 = arith.cmpf ogt, %parallel_loop3A_528, %parallel_loop3A_2591 : vector<16xf32>
        %parallel_loop3A_2661 = arith.constant 0 : i32
        %parallel_loop3A_2662 = vector.broadcast %parallel_loop3A_2661 : i32 to vector<16xi32>
        %parallel_loop3A_2663 = arith.cmpi ne, %parallel_loop3A_2654, %parallel_loop3A_2662 : vector<16xi32>
        %parallel_loop3A_2664 = arith.andi %parallel_loop3A_2660, %parallel_loop3A_2663 : vector<16xi1>
        %parallel_loop3A_2665 = arith.select %parallel_loop3A_2664, %parallel_loop3A_528, %parallel_loop3A_2591 : vector<16xi1>, vector<16xf32>
        %parallel_loop3A_2666 = arith.constant 0 : i32
        %parallel_loop3A_2667 = vector.broadcast %parallel_loop3A_2666 : i32 to vector<16xi32>
        %parallel_loop3A_2668 = arith.select %parallel_loop3A_2664, %parallel_loop3A_2667, %parallel_loop3A_2657 : vector<16xi1>, vector<16xi32>
        %parallel_loop3A_2669 = arith.select %parallel_loop3A_2664, %parallel_loop3A_256, %parallel_loop3A_2659 : vector<16xi1>, vector<16xi32>
        %parallel_loop3A_2670 = arith.cmpf ogt, %parallel_loop3A_757, %parallel_loop3A_2665 : vector<16xf32>
        %parallel_loop3A_2671 = arith.constant 1 : i32
        %parallel_loop3A_2672 = vector.broadcast %parallel_loop3A_2671 : i32 to vector<16xi32>
        %parallel_loop3A_2673 = arith.cmpi ne, %parallel_loop3A_2654, %parallel_loop3A_2672 : vector<16xi32>
        %parallel_loop3A_2674 = arith.andi %parallel_loop3A_2670, %parallel_loop3A_2673 : vector<16xi1>
        %parallel_loop3A_2675 = arith.select %parallel_loop3A_2674, %parallel_loop3A_757, %parallel_loop3A_2665 : vector<16xi1>, vector<16xf32>
        %parallel_loop3A_2676 = arith.constant 1 : i32
        %parallel_loop3A_2677 = vector.broadcast %parallel_loop3A_2676 : i32 to vector<16xi32>
        %parallel_loop3A_2678 = arith.select %parallel_loop3A_2674, %parallel_loop3A_2677, %parallel_loop3A_2668 : vector<16xi1>, vector<16xi32>
        %parallel_loop3A_2679 = arith.select %parallel_loop3A_2674, %parallel_loop3A_259, %parallel_loop3A_2669 : vector<16xi1>, vector<16xi32>
        %parallel_loop3A_2680 = arith.cmpf ogt, %parallel_loop3A_986, %parallel_loop3A_2675 : vector<16xf32>
        %parallel_loop3A_2681 = arith.constant 2 : i32
        %parallel_loop3A_2682 = vector.broadcast %parallel_loop3A_2681 : i32 to vector<16xi32>
        %parallel_loop3A_2683 = arith.cmpi ne, %parallel_loop3A_2654, %parallel_loop3A_2682 : vector<16xi32>
        %parallel_loop3A_2684 = arith.andi %parallel_loop3A_2680, %parallel_loop3A_2683 : vector<16xi1>
        %parallel_loop3A_2685 = arith.select %parallel_loop3A_2684, %parallel_loop3A_986, %parallel_loop3A_2675 : vector<16xi1>, vector<16xf32>
        %parallel_loop3A_2686 = arith.constant 2 : i32
        %parallel_loop3A_2687 = vector.broadcast %parallel_loop3A_2686 : i32 to vector<16xi32>
        %parallel_loop3A_2688 = arith.select %parallel_loop3A_2684, %parallel_loop3A_2687, %parallel_loop3A_2678 : vector<16xi1>, vector<16xi32>
        %parallel_loop3A_2689 = arith.select %parallel_loop3A_2684, %parallel_loop3A_262, %parallel_loop3A_2679 : vector<16xi1>, vector<16xi32>
        %parallel_loop3A_2690 = arith.cmpf ogt, %parallel_loop3A_1215, %parallel_loop3A_2685 : vector<16xf32>
        %parallel_loop3A_2691 = arith.constant 3 : i32
        %parallel_loop3A_2692 = vector.broadcast %parallel_loop3A_2691 : i32 to vector<16xi32>
        %parallel_loop3A_2693 = arith.cmpi ne, %parallel_loop3A_2654, %parallel_loop3A_2692 : vector<16xi32>
        %parallel_loop3A_2694 = arith.andi %parallel_loop3A_2690, %parallel_loop3A_2693 : vector<16xi1>
        %parallel_loop3A_2695 = arith.select %parallel_loop3A_2694, %parallel_loop3A_1215, %parallel_loop3A_2685 : vector<16xi1>, vector<16xf32>
        %parallel_loop3A_2696 = arith.constant 3 : i32
        %parallel_loop3A_2697 = vector.broadcast %parallel_loop3A_2696 : i32 to vector<16xi32>
        %parallel_loop3A_2698 = arith.select %parallel_loop3A_2694, %parallel_loop3A_2697, %parallel_loop3A_2688 : vector<16xi1>, vector<16xi32>
        %parallel_loop3A_2699 = arith.select %parallel_loop3A_2694, %parallel_loop3A_265, %parallel_loop3A_2689 : vector<16xi1>, vector<16xi32>
        %parallel_loop3A_2700 = arith.cmpf ogt, %parallel_loop3A_1444, %parallel_loop3A_2695 : vector<16xf32>
        %parallel_loop3A_2701 = arith.constant 4 : i32
        %parallel_loop3A_2702 = vector.broadcast %parallel_loop3A_2701 : i32 to vector<16xi32>
        %parallel_loop3A_2703 = arith.cmpi ne, %parallel_loop3A_2654, %parallel_loop3A_2702 : vector<16xi32>
        %parallel_loop3A_2704 = arith.andi %parallel_loop3A_2700, %parallel_loop3A_2703 : vector<16xi1>
        %parallel_loop3A_2705 = arith.select %parallel_loop3A_2704, %parallel_loop3A_1444, %parallel_loop3A_2695 : vector<16xi1>, vector<16xf32>
        %parallel_loop3A_2706 = arith.constant 4 : i32
        %parallel_loop3A_2707 = vector.broadcast %parallel_loop3A_2706 : i32 to vector<16xi32>
        %parallel_loop3A_2708 = arith.select %parallel_loop3A_2704, %parallel_loop3A_2707, %parallel_loop3A_2698 : vector<16xi1>, vector<16xi32>
        %parallel_loop3A_2709 = arith.select %parallel_loop3A_2704, %parallel_loop3A_268, %parallel_loop3A_2699 : vector<16xi1>, vector<16xi32>
        %parallel_loop3A_2710 = arith.cmpf ogt, %parallel_loop3A_1673, %parallel_loop3A_2705 : vector<16xf32>
        %parallel_loop3A_2711 = arith.constant 5 : i32
        %parallel_loop3A_2712 = vector.broadcast %parallel_loop3A_2711 : i32 to vector<16xi32>
        %parallel_loop3A_2713 = arith.cmpi ne, %parallel_loop3A_2654, %parallel_loop3A_2712 : vector<16xi32>
        %parallel_loop3A_2714 = arith.andi %parallel_loop3A_2710, %parallel_loop3A_2713 : vector<16xi1>
        %parallel_loop3A_2715 = arith.select %parallel_loop3A_2714, %parallel_loop3A_1673, %parallel_loop3A_2705 : vector<16xi1>, vector<16xf32>
        %parallel_loop3A_2716 = arith.constant 5 : i32
        %parallel_loop3A_2717 = vector.broadcast %parallel_loop3A_2716 : i32 to vector<16xi32>
        %parallel_loop3A_2718 = arith.select %parallel_loop3A_2714, %parallel_loop3A_2717, %parallel_loop3A_2708 : vector<16xi1>, vector<16xi32>
        %parallel_loop3A_2719 = arith.select %parallel_loop3A_2714, %parallel_loop3A_271, %parallel_loop3A_2709 : vector<16xi1>, vector<16xi32>
        %parallel_loop3A_2720 = arith.cmpf ogt, %parallel_loop3A_1902, %parallel_loop3A_2715 : vector<16xf32>
        %parallel_loop3A_2721 = arith.constant 6 : i32
        %parallel_loop3A_2722 = vector.broadcast %parallel_loop3A_2721 : i32 to vector<16xi32>
        %parallel_loop3A_2723 = arith.cmpi ne, %parallel_loop3A_2654, %parallel_loop3A_2722 : vector<16xi32>
        %parallel_loop3A_2724 = arith.andi %parallel_loop3A_2720, %parallel_loop3A_2723 : vector<16xi1>
        %parallel_loop3A_2725 = arith.select %parallel_loop3A_2724, %parallel_loop3A_1902, %parallel_loop3A_2715 : vector<16xi1>, vector<16xf32>
        %parallel_loop3A_2726 = arith.constant 6 : i32
        %parallel_loop3A_2727 = vector.broadcast %parallel_loop3A_2726 : i32 to vector<16xi32>
        %parallel_loop3A_2728 = arith.select %parallel_loop3A_2724, %parallel_loop3A_2727, %parallel_loop3A_2718 : vector<16xi1>, vector<16xi32>
        %parallel_loop3A_2729 = arith.select %parallel_loop3A_2724, %parallel_loop3A_274, %parallel_loop3A_2719 : vector<16xi1>, vector<16xi32>
        %parallel_loop3A_2730 = arith.cmpf ogt, %parallel_loop3A_2131, %parallel_loop3A_2725 : vector<16xf32>
        %parallel_loop3A_2731 = arith.constant 7 : i32
        %parallel_loop3A_2732 = vector.broadcast %parallel_loop3A_2731 : i32 to vector<16xi32>
        %parallel_loop3A_2733 = arith.cmpi ne, %parallel_loop3A_2654, %parallel_loop3A_2732 : vector<16xi32>
        %parallel_loop3A_2734 = arith.andi %parallel_loop3A_2730, %parallel_loop3A_2733 : vector<16xi1>
        %parallel_loop3A_2735 = arith.select %parallel_loop3A_2734, %parallel_loop3A_2131, %parallel_loop3A_2725 : vector<16xi1>, vector<16xf32>
        %parallel_loop3A_2736 = arith.constant 7 : i32
        %parallel_loop3A_2737 = vector.broadcast %parallel_loop3A_2736 : i32 to vector<16xi32>
        %parallel_loop3A_2738 = arith.select %parallel_loop3A_2734, %parallel_loop3A_2737, %parallel_loop3A_2728 : vector<16xi1>, vector<16xi32>
        %parallel_loop3A_2739 = arith.select %parallel_loop3A_2734, %parallel_loop3A_277, %parallel_loop3A_2729 : vector<16xi1>, vector<16xi32>
        %parallel_loop3A_2740 = arith.cmpf ogt, %parallel_loop3A_2360, %parallel_loop3A_2735 : vector<16xf32>
        %parallel_loop3A_2741 = arith.constant 8 : i32
        %parallel_loop3A_2742 = vector.broadcast %parallel_loop3A_2741 : i32 to vector<16xi32>
        %parallel_loop3A_2743 = arith.cmpi ne, %parallel_loop3A_2654, %parallel_loop3A_2742 : vector<16xi32>
        %parallel_loop3A_2744 = arith.andi %parallel_loop3A_2740, %parallel_loop3A_2743 : vector<16xi1>
        %parallel_loop3A_2745 = arith.select %parallel_loop3A_2744, %parallel_loop3A_2360, %parallel_loop3A_2735 : vector<16xi1>, vector<16xf32>
        %parallel_loop3A_2746 = arith.constant 8 : i32
        %parallel_loop3A_2747 = vector.broadcast %parallel_loop3A_2746 : i32 to vector<16xi32>
        %parallel_loop3A_2748 = arith.select %parallel_loop3A_2744, %parallel_loop3A_2747, %parallel_loop3A_2738 : vector<16xi1>, vector<16xi32>
        %parallel_loop3A_2749 = arith.select %parallel_loop3A_2744, %parallel_loop3A_280, %parallel_loop3A_2739 : vector<16xi1>, vector<16xi32>
        %parallel_loop3A_2750 = arith.cmpf ogt, %parallel_loop3A_2589, %parallel_loop3A_2745 : vector<16xf32>
        %parallel_loop3A_2751 = arith.constant 9 : i32
        %parallel_loop3A_2752 = vector.broadcast %parallel_loop3A_2751 : i32 to vector<16xi32>
        %parallel_loop3A_2753 = arith.cmpi ne, %parallel_loop3A_2654, %parallel_loop3A_2752 : vector<16xi32>
        %parallel_loop3A_2754 = arith.andi %parallel_loop3A_2750, %parallel_loop3A_2753 : vector<16xi1>
        %parallel_loop3A_2755 = arith.select %parallel_loop3A_2754, %parallel_loop3A_2589, %parallel_loop3A_2745 : vector<16xi1>, vector<16xf32>
        %parallel_loop3A_2756 = arith.constant 9 : i32
        %parallel_loop3A_2757 = vector.broadcast %parallel_loop3A_2756 : i32 to vector<16xi32>
        %parallel_loop3A_2758 = arith.select %parallel_loop3A_2754, %parallel_loop3A_2757, %parallel_loop3A_2748 : vector<16xi1>, vector<16xi32>
        %parallel_loop3A_2759 = arith.select %parallel_loop3A_2754, %parallel_loop3A_299, %parallel_loop3A_2749 : vector<16xi1>, vector<16xi32>
        %parallel_loop3A_2760 = arith.constant 0 : i32
        %parallel_loop3A_2761 = vector.broadcast %parallel_loop3A_2760 : i32 to vector<16xi32>
        %parallel_loop3A_2762 = arith.constant 0 : i32
        %parallel_loop3A_2763 = vector.broadcast %parallel_loop3A_2762 : i32 to vector<16xi32>
        %parallel_loop3A_2764 = arith.cmpf ogt, %parallel_loop3A_528, %parallel_loop3A_2591 : vector<16xf32>
        %parallel_loop3A_2765 = arith.constant 0 : i32
        %parallel_loop3A_2766 = vector.broadcast %parallel_loop3A_2765 : i32 to vector<16xi32>
        %parallel_loop3A_2767 = arith.cmpi ne, %parallel_loop3A_2654, %parallel_loop3A_2766 : vector<16xi32>
        %parallel_loop3A_2768 = arith.andi %parallel_loop3A_2764, %parallel_loop3A_2767 : vector<16xi1>
        %parallel_loop3A_2769 = arith.constant 0 : i32
        %parallel_loop3A_2770 = vector.broadcast %parallel_loop3A_2769 : i32 to vector<16xi32>
        %parallel_loop3A_2771 = arith.cmpi ne, %parallel_loop3A_2758, %parallel_loop3A_2770 : vector<16xi32>
        %parallel_loop3A_2772 = arith.andi %parallel_loop3A_2768, %parallel_loop3A_2771 : vector<16xi1>
        %parallel_loop3A_2773 = arith.select %parallel_loop3A_2772, %parallel_loop3A_528, %parallel_loop3A_2591 : vector<16xi1>, vector<16xf32>
        %parallel_loop3A_2774 = arith.constant 0 : i32
        %parallel_loop3A_2775 = vector.broadcast %parallel_loop3A_2774 : i32 to vector<16xi32>
        %parallel_loop3A_2776 = arith.select %parallel_loop3A_2772, %parallel_loop3A_2775, %parallel_loop3A_2761 : vector<16xi1>, vector<16xi32>
        %parallel_loop3A_2777 = arith.select %parallel_loop3A_2772, %parallel_loop3A_256, %parallel_loop3A_2763 : vector<16xi1>, vector<16xi32>
        %parallel_loop3A_2778 = arith.cmpf ogt, %parallel_loop3A_757, %parallel_loop3A_2773 : vector<16xf32>
        %parallel_loop3A_2779 = arith.constant 1 : i32
        %parallel_loop3A_2780 = vector.broadcast %parallel_loop3A_2779 : i32 to vector<16xi32>
        %parallel_loop3A_2781 = arith.cmpi ne, %parallel_loop3A_2654, %parallel_loop3A_2780 : vector<16xi32>
        %parallel_loop3A_2782 = arith.andi %parallel_loop3A_2778, %parallel_loop3A_2781 : vector<16xi1>
        %parallel_loop3A_2783 = arith.constant 1 : i32
        %parallel_loop3A_2784 = vector.broadcast %parallel_loop3A_2783 : i32 to vector<16xi32>
        %parallel_loop3A_2785 = arith.cmpi ne, %parallel_loop3A_2758, %parallel_loop3A_2784 : vector<16xi32>
        %parallel_loop3A_2786 = arith.andi %parallel_loop3A_2782, %parallel_loop3A_2785 : vector<16xi1>
        %parallel_loop3A_2787 = arith.select %parallel_loop3A_2786, %parallel_loop3A_757, %parallel_loop3A_2773 : vector<16xi1>, vector<16xf32>
        %parallel_loop3A_2788 = arith.constant 1 : i32
        %parallel_loop3A_2789 = vector.broadcast %parallel_loop3A_2788 : i32 to vector<16xi32>
        %parallel_loop3A_2790 = arith.select %parallel_loop3A_2786, %parallel_loop3A_2789, %parallel_loop3A_2776 : vector<16xi1>, vector<16xi32>
        %parallel_loop3A_2791 = arith.select %parallel_loop3A_2786, %parallel_loop3A_259, %parallel_loop3A_2777 : vector<16xi1>, vector<16xi32>
        %parallel_loop3A_2792 = arith.cmpf ogt, %parallel_loop3A_986, %parallel_loop3A_2787 : vector<16xf32>
        %parallel_loop3A_2793 = arith.constant 2 : i32
        %parallel_loop3A_2794 = vector.broadcast %parallel_loop3A_2793 : i32 to vector<16xi32>
        %parallel_loop3A_2795 = arith.cmpi ne, %parallel_loop3A_2654, %parallel_loop3A_2794 : vector<16xi32>
        %parallel_loop3A_2796 = arith.andi %parallel_loop3A_2792, %parallel_loop3A_2795 : vector<16xi1>
        %parallel_loop3A_2797 = arith.constant 2 : i32
        %parallel_loop3A_2798 = vector.broadcast %parallel_loop3A_2797 : i32 to vector<16xi32>
        %parallel_loop3A_2799 = arith.cmpi ne, %parallel_loop3A_2758, %parallel_loop3A_2798 : vector<16xi32>
        %parallel_loop3A_2800 = arith.andi %parallel_loop3A_2796, %parallel_loop3A_2799 : vector<16xi1>
        %parallel_loop3A_2801 = arith.select %parallel_loop3A_2800, %parallel_loop3A_986, %parallel_loop3A_2787 : vector<16xi1>, vector<16xf32>
        %parallel_loop3A_2802 = arith.constant 2 : i32
        %parallel_loop3A_2803 = vector.broadcast %parallel_loop3A_2802 : i32 to vector<16xi32>
        %parallel_loop3A_2804 = arith.select %parallel_loop3A_2800, %parallel_loop3A_2803, %parallel_loop3A_2790 : vector<16xi1>, vector<16xi32>
        %parallel_loop3A_2805 = arith.select %parallel_loop3A_2800, %parallel_loop3A_262, %parallel_loop3A_2791 : vector<16xi1>, vector<16xi32>
        %parallel_loop3A_2806 = arith.cmpf ogt, %parallel_loop3A_1215, %parallel_loop3A_2801 : vector<16xf32>
        %parallel_loop3A_2807 = arith.constant 3 : i32
        %parallel_loop3A_2808 = vector.broadcast %parallel_loop3A_2807 : i32 to vector<16xi32>
        %parallel_loop3A_2809 = arith.cmpi ne, %parallel_loop3A_2654, %parallel_loop3A_2808 : vector<16xi32>
        %parallel_loop3A_2810 = arith.andi %parallel_loop3A_2806, %parallel_loop3A_2809 : vector<16xi1>
        %parallel_loop3A_2811 = arith.constant 3 : i32
        %parallel_loop3A_2812 = vector.broadcast %parallel_loop3A_2811 : i32 to vector<16xi32>
        %parallel_loop3A_2813 = arith.cmpi ne, %parallel_loop3A_2758, %parallel_loop3A_2812 : vector<16xi32>
        %parallel_loop3A_2814 = arith.andi %parallel_loop3A_2810, %parallel_loop3A_2813 : vector<16xi1>
        %parallel_loop3A_2815 = arith.select %parallel_loop3A_2814, %parallel_loop3A_1215, %parallel_loop3A_2801 : vector<16xi1>, vector<16xf32>
        %parallel_loop3A_2816 = arith.constant 3 : i32
        %parallel_loop3A_2817 = vector.broadcast %parallel_loop3A_2816 : i32 to vector<16xi32>
        %parallel_loop3A_2818 = arith.select %parallel_loop3A_2814, %parallel_loop3A_2817, %parallel_loop3A_2804 : vector<16xi1>, vector<16xi32>
        %parallel_loop3A_2819 = arith.select %parallel_loop3A_2814, %parallel_loop3A_265, %parallel_loop3A_2805 : vector<16xi1>, vector<16xi32>
        %parallel_loop3A_2820 = arith.cmpf ogt, %parallel_loop3A_1444, %parallel_loop3A_2815 : vector<16xf32>
        %parallel_loop3A_2821 = arith.constant 4 : i32
        %parallel_loop3A_2822 = vector.broadcast %parallel_loop3A_2821 : i32 to vector<16xi32>
        %parallel_loop3A_2823 = arith.cmpi ne, %parallel_loop3A_2654, %parallel_loop3A_2822 : vector<16xi32>
        %parallel_loop3A_2824 = arith.andi %parallel_loop3A_2820, %parallel_loop3A_2823 : vector<16xi1>
        %parallel_loop3A_2825 = arith.constant 4 : i32
        %parallel_loop3A_2826 = vector.broadcast %parallel_loop3A_2825 : i32 to vector<16xi32>
        %parallel_loop3A_2827 = arith.cmpi ne, %parallel_loop3A_2758, %parallel_loop3A_2826 : vector<16xi32>
        %parallel_loop3A_2828 = arith.andi %parallel_loop3A_2824, %parallel_loop3A_2827 : vector<16xi1>
        %parallel_loop3A_2829 = arith.select %parallel_loop3A_2828, %parallel_loop3A_1444, %parallel_loop3A_2815 : vector<16xi1>, vector<16xf32>
        %parallel_loop3A_2830 = arith.constant 4 : i32
        %parallel_loop3A_2831 = vector.broadcast %parallel_loop3A_2830 : i32 to vector<16xi32>
        %parallel_loop3A_2832 = arith.select %parallel_loop3A_2828, %parallel_loop3A_2831, %parallel_loop3A_2818 : vector<16xi1>, vector<16xi32>
        %parallel_loop3A_2833 = arith.select %parallel_loop3A_2828, %parallel_loop3A_268, %parallel_loop3A_2819 : vector<16xi1>, vector<16xi32>
        %parallel_loop3A_2834 = arith.cmpf ogt, %parallel_loop3A_1673, %parallel_loop3A_2829 : vector<16xf32>
        %parallel_loop3A_2835 = arith.constant 5 : i32
        %parallel_loop3A_2836 = vector.broadcast %parallel_loop3A_2835 : i32 to vector<16xi32>
        %parallel_loop3A_2837 = arith.cmpi ne, %parallel_loop3A_2654, %parallel_loop3A_2836 : vector<16xi32>
        %parallel_loop3A_2838 = arith.andi %parallel_loop3A_2834, %parallel_loop3A_2837 : vector<16xi1>
        %parallel_loop3A_2839 = arith.constant 5 : i32
        %parallel_loop3A_2840 = vector.broadcast %parallel_loop3A_2839 : i32 to vector<16xi32>
        %parallel_loop3A_2841 = arith.cmpi ne, %parallel_loop3A_2758, %parallel_loop3A_2840 : vector<16xi32>
        %parallel_loop3A_2842 = arith.andi %parallel_loop3A_2838, %parallel_loop3A_2841 : vector<16xi1>
        %parallel_loop3A_2843 = arith.select %parallel_loop3A_2842, %parallel_loop3A_1673, %parallel_loop3A_2829 : vector<16xi1>, vector<16xf32>
        %parallel_loop3A_2844 = arith.constant 5 : i32
        %parallel_loop3A_2845 = vector.broadcast %parallel_loop3A_2844 : i32 to vector<16xi32>
        %parallel_loop3A_2846 = arith.select %parallel_loop3A_2842, %parallel_loop3A_2845, %parallel_loop3A_2832 : vector<16xi1>, vector<16xi32>
        %parallel_loop3A_2847 = arith.select %parallel_loop3A_2842, %parallel_loop3A_271, %parallel_loop3A_2833 : vector<16xi1>, vector<16xi32>
        %parallel_loop3A_2848 = arith.cmpf ogt, %parallel_loop3A_1902, %parallel_loop3A_2843 : vector<16xf32>
        %parallel_loop3A_2849 = arith.constant 6 : i32
        %parallel_loop3A_2850 = vector.broadcast %parallel_loop3A_2849 : i32 to vector<16xi32>
        %parallel_loop3A_2851 = arith.cmpi ne, %parallel_loop3A_2654, %parallel_loop3A_2850 : vector<16xi32>
        %parallel_loop3A_2852 = arith.andi %parallel_loop3A_2848, %parallel_loop3A_2851 : vector<16xi1>
        %parallel_loop3A_2853 = arith.constant 6 : i32
        %parallel_loop3A_2854 = vector.broadcast %parallel_loop3A_2853 : i32 to vector<16xi32>
        %parallel_loop3A_2855 = arith.cmpi ne, %parallel_loop3A_2758, %parallel_loop3A_2854 : vector<16xi32>
        %parallel_loop3A_2856 = arith.andi %parallel_loop3A_2852, %parallel_loop3A_2855 : vector<16xi1>
        %parallel_loop3A_2857 = arith.select %parallel_loop3A_2856, %parallel_loop3A_1902, %parallel_loop3A_2843 : vector<16xi1>, vector<16xf32>
        %parallel_loop3A_2858 = arith.constant 6 : i32
        %parallel_loop3A_2859 = vector.broadcast %parallel_loop3A_2858 : i32 to vector<16xi32>
        %parallel_loop3A_2860 = arith.select %parallel_loop3A_2856, %parallel_loop3A_2859, %parallel_loop3A_2846 : vector<16xi1>, vector<16xi32>
        %parallel_loop3A_2861 = arith.select %parallel_loop3A_2856, %parallel_loop3A_274, %parallel_loop3A_2847 : vector<16xi1>, vector<16xi32>
        %parallel_loop3A_2862 = arith.cmpf ogt, %parallel_loop3A_2131, %parallel_loop3A_2857 : vector<16xf32>
        %parallel_loop3A_2863 = arith.constant 7 : i32
        %parallel_loop3A_2864 = vector.broadcast %parallel_loop3A_2863 : i32 to vector<16xi32>
        %parallel_loop3A_2865 = arith.cmpi ne, %parallel_loop3A_2654, %parallel_loop3A_2864 : vector<16xi32>
        %parallel_loop3A_2866 = arith.andi %parallel_loop3A_2862, %parallel_loop3A_2865 : vector<16xi1>
        %parallel_loop3A_2867 = arith.constant 7 : i32
        %parallel_loop3A_2868 = vector.broadcast %parallel_loop3A_2867 : i32 to vector<16xi32>
        %parallel_loop3A_2869 = arith.cmpi ne, %parallel_loop3A_2758, %parallel_loop3A_2868 : vector<16xi32>
        %parallel_loop3A_2870 = arith.andi %parallel_loop3A_2866, %parallel_loop3A_2869 : vector<16xi1>
        %parallel_loop3A_2871 = arith.select %parallel_loop3A_2870, %parallel_loop3A_2131, %parallel_loop3A_2857 : vector<16xi1>, vector<16xf32>
        %parallel_loop3A_2872 = arith.constant 7 : i32
        %parallel_loop3A_2873 = vector.broadcast %parallel_loop3A_2872 : i32 to vector<16xi32>
        %parallel_loop3A_2874 = arith.select %parallel_loop3A_2870, %parallel_loop3A_2873, %parallel_loop3A_2860 : vector<16xi1>, vector<16xi32>
        %parallel_loop3A_2875 = arith.select %parallel_loop3A_2870, %parallel_loop3A_277, %parallel_loop3A_2861 : vector<16xi1>, vector<16xi32>
        %parallel_loop3A_2876 = arith.cmpf ogt, %parallel_loop3A_2360, %parallel_loop3A_2871 : vector<16xf32>
        %parallel_loop3A_2877 = arith.constant 8 : i32
        %parallel_loop3A_2878 = vector.broadcast %parallel_loop3A_2877 : i32 to vector<16xi32>
        %parallel_loop3A_2879 = arith.cmpi ne, %parallel_loop3A_2654, %parallel_loop3A_2878 : vector<16xi32>
        %parallel_loop3A_2880 = arith.andi %parallel_loop3A_2876, %parallel_loop3A_2879 : vector<16xi1>
        %parallel_loop3A_2881 = arith.constant 8 : i32
        %parallel_loop3A_2882 = vector.broadcast %parallel_loop3A_2881 : i32 to vector<16xi32>
        %parallel_loop3A_2883 = arith.cmpi ne, %parallel_loop3A_2758, %parallel_loop3A_2882 : vector<16xi32>
        %parallel_loop3A_2884 = arith.andi %parallel_loop3A_2880, %parallel_loop3A_2883 : vector<16xi1>
        %parallel_loop3A_2885 = arith.select %parallel_loop3A_2884, %parallel_loop3A_2360, %parallel_loop3A_2871 : vector<16xi1>, vector<16xf32>
        %parallel_loop3A_2886 = arith.constant 8 : i32
        %parallel_loop3A_2887 = vector.broadcast %parallel_loop3A_2886 : i32 to vector<16xi32>
        %parallel_loop3A_2888 = arith.select %parallel_loop3A_2884, %parallel_loop3A_2887, %parallel_loop3A_2874 : vector<16xi1>, vector<16xi32>
        %parallel_loop3A_2889 = arith.select %parallel_loop3A_2884, %parallel_loop3A_280, %parallel_loop3A_2875 : vector<16xi1>, vector<16xi32>
        %parallel_loop3A_2890 = arith.cmpf ogt, %parallel_loop3A_2589, %parallel_loop3A_2885 : vector<16xf32>
        %parallel_loop3A_2891 = arith.constant 9 : i32
        %parallel_loop3A_2892 = vector.broadcast %parallel_loop3A_2891 : i32 to vector<16xi32>
        %parallel_loop3A_2893 = arith.cmpi ne, %parallel_loop3A_2654, %parallel_loop3A_2892 : vector<16xi32>
        %parallel_loop3A_2894 = arith.andi %parallel_loop3A_2890, %parallel_loop3A_2893 : vector<16xi1>
        %parallel_loop3A_2895 = arith.constant 9 : i32
        %parallel_loop3A_2896 = vector.broadcast %parallel_loop3A_2895 : i32 to vector<16xi32>
        %parallel_loop3A_2897 = arith.cmpi ne, %parallel_loop3A_2758, %parallel_loop3A_2896 : vector<16xi32>
        %parallel_loop3A_2898 = arith.andi %parallel_loop3A_2894, %parallel_loop3A_2897 : vector<16xi1>
        %parallel_loop3A_2899 = arith.select %parallel_loop3A_2898, %parallel_loop3A_2589, %parallel_loop3A_2885 : vector<16xi1>, vector<16xf32>
        %parallel_loop3A_2900 = arith.constant 9 : i32
        %parallel_loop3A_2901 = vector.broadcast %parallel_loop3A_2900 : i32 to vector<16xi32>
        %parallel_loop3A_2902 = arith.select %parallel_loop3A_2898, %parallel_loop3A_2901, %parallel_loop3A_2888 : vector<16xi1>, vector<16xi32>
        %parallel_loop3A_2903 = arith.select %parallel_loop3A_2898, %parallel_loop3A_299, %parallel_loop3A_2889 : vector<16xi1>, vector<16xi32>
        %parallel_loop3A_2904 = arith.maximumf %parallel_loop3A_2755, %parallel_loop3A_2899 : vector<16xf32>
        %parallel_loop3A_2905 = arith.maximumf %parallel_loop3A_2651, %parallel_loop3A_2904 : vector<16xf32>
        %parallel_loop3A_2906 = arith.subf %parallel_loop3A_2651, %parallel_loop3A_2905 : vector<16xf32>
        %parallel_loop3A_2907 = math.exp %parallel_loop3A_2906 : vector<16xf32>
        %parallel_loop3A_2908 = arith.subf %parallel_loop3A_2755, %parallel_loop3A_2905 : vector<16xf32>
        %parallel_loop3A_2909 = math.exp %parallel_loop3A_2908 : vector<16xf32>
        %parallel_loop3A_2910 = arith.subf %parallel_loop3A_2899, %parallel_loop3A_2905 : vector<16xf32>
        %parallel_loop3A_2911 = math.exp %parallel_loop3A_2910 : vector<16xf32>
        %parallel_loop3A_2912 = arith.addf %parallel_loop3A_2907, %parallel_loop3A_2909 : vector<16xf32>
        %parallel_loop3A_2913 = arith.addf %parallel_loop3A_2912, %parallel_loop3A_2911 : vector<16xf32>
        %parallel_loop3A_2914 = arith.divf %parallel_loop3A_2907, %parallel_loop3A_2913 : vector<16xf32>
        %parallel_loop3A_2915 = arith.divf %parallel_loop3A_2909, %parallel_loop3A_2913 : vector<16xf32>
        %parallel_loop3A_2916 = arith.divf %parallel_loop3A_2911, %parallel_loop3A_2913 : vector<16xf32>
        %parallel_loop3A_2917 = arith.constant 0 : i32
        %parallel_loop3A_2918 = arith.index_cast %parallel_loop3A_2917 : i32 to index
        %parallel_loop3A_2919 = arith.index_cast %parallel_loop3A_117 : i32 to index
        %parallel_loop3A_2920 = tpu.vector_load %arg26[%parallel_loop3A_2918, %parallel_loop3A_2919] {strides = array<i32>} : memref<3x512xi32, #tpu.memory_space<vmem>>, vector<16xi32>,
        tpu.vector_store %arg26[%parallel_loop3A_2918, %parallel_loop3A_2919], %parallel_loop3A_2655 {strides = array<i32>} : memref<3x512xi32, #tpu.memory_space<vmem>>, vector<16xi32>,
        %parallel_loop3A_2921 = arith.constant 0 : i32
        %parallel_loop3A_2922 = arith.index_cast %parallel_loop3A_2921 : i32 to index
        %parallel_loop3A_2923 = arith.index_cast %parallel_loop3A_117 : i32 to index
        %parallel_loop3A_2924 = tpu.vector_load %arg27[%parallel_loop3A_2922, %parallel_loop3A_2923] {strides = array<i32>} : memref<3x512xf32, #tpu.memory_space<vmem>>, vector<16xf32>,
        tpu.vector_store %arg27[%parallel_loop3A_2922, %parallel_loop3A_2923], %parallel_loop3A_2914 {strides = array<i32>} : memref<3x512xf32, #tpu.memory_space<vmem>>, vector<16xf32>,
        %parallel_loop3A_2925 = arith.constant 1 : i32
        %parallel_loop3A_2926 = arith.index_cast %parallel_loop3A_2925 : i32 to index
        %parallel_loop3A_2927 = arith.index_cast %parallel_loop3A_117 : i32 to index
        %parallel_loop3A_2928 = tpu.vector_load %arg26[%parallel_loop3A_2926, %parallel_loop3A_2927] {strides = array<i32>} : memref<3x512xi32, #tpu.memory_space<vmem>>, vector<16xi32>,
        tpu.vector_store %arg26[%parallel_loop3A_2926, %parallel_loop3A_2927], %parallel_loop3A_2759 {strides = array<i32>} : memref<3x512xi32, #tpu.memory_space<vmem>>, vector<16xi32>,
        %parallel_loop3A_2929 = arith.constant 1 : i32
        %parallel_loop3A_2930 = arith.index_cast %parallel_loop3A_2929 : i32 to index
        %parallel_loop3A_2931 = arith.index_cast %parallel_loop3A_117 : i32 to index
        %parallel_loop3A_2932 = tpu.vector_load %arg27[%parallel_loop3A_2930, %parallel_loop3A_2931] {strides = array<i32>} : memref<3x512xf32, #tpu.memory_space<vmem>>, vector<16xf32>,
        tpu.vector_store %arg27[%parallel_loop3A_2930, %parallel_loop3A_2931], %parallel_loop3A_2915 {strides = array<i32>} : memref<3x512xf32, #tpu.memory_space<vmem>>, vector<16xf32>,
        %parallel_loop3A_2933 = arith.constant 2 : i32
        %parallel_loop3A_2934 = arith.index_cast %parallel_loop3A_2933 : i32 to index
        %parallel_loop3A_2935 = arith.index_cast %parallel_loop3A_117 : i32 to index
        %parallel_loop3A_2936 = tpu.vector_load %arg26[%parallel_loop3A_2934, %parallel_loop3A_2935] {strides = array<i32>} : memref<3x512xi32, #tpu.memory_space<vmem>>, vector<16xi32>,
        tpu.vector_store %arg26[%parallel_loop3A_2934, %parallel_loop3A_2935], %parallel_loop3A_2903 {strides = array<i32>} : memref<3x512xi32, #tpu.memory_space<vmem>>, vector<16xi32>,
        %parallel_loop3A_2937 = arith.constant 2 : i32
        %parallel_loop3A_2938 = arith.index_cast %parallel_loop3A_2937 : i32 to index
        %parallel_loop3A_2939 = arith.index_cast %parallel_loop3A_117 : i32 to index
        %parallel_loop3A_2940 = tpu.vector_load %arg27[%parallel_loop3A_2938, %parallel_loop3A_2939] {strides = array<i32>} : memref<3x512xf32, #tpu.memory_space<vmem>>, vector<16xf32>,
        tpu.vector_store %arg27[%parallel_loop3A_2938, %parallel_loop3A_2939], %parallel_loop3A_2916 {strides = array<i32>} : memref<3x512xf32, #tpu.memory_space<vmem>>, vector<16xf32>,
        %parallel_loop3A_2941 = arith.mulf %parallel_loop3A_2914, %parallel_loop3A_2651 : vector<16xf32>
        %parallel_loop3A_2942 = arith.mulf %parallel_loop3A_2915, %parallel_loop3A_2755 : vector<16xf32>
        %parallel_loop3A_2943 = arith.addf %parallel_loop3A_2941, %parallel_loop3A_2942 : vector<16xf32>
        %parallel_loop3A_2944 = arith.mulf %parallel_loop3A_2916, %parallel_loop3A_2899 : vector<16xf32>
        %parallel_loop3A_2945 = arith.addf %parallel_loop3A_2943, %parallel_loop3A_2944 : vector<16xf32>
        tpu.vector_store_idx %arg20[%parallel_loop3A_2655], %parallel_loop3A_2914 {add = true} : memref<512xf32, #tpu.memory_space<vmem>>[vector<16xi32>], vector<16xf32>,
        tpu.vector_store_idx %arg20[%parallel_loop3A_2759], %parallel_loop3A_2915 {add = true} : memref<512xf32, #tpu.memory_space<vmem>>[vector<16xi32>], vector<16xf32>,
        tpu.vector_store_idx %arg20[%parallel_loop3A_2903], %parallel_loop3A_2916 {add = true} : memref<512xf32, #tpu.memory_space<vmem>>[vector<16xi32>], vector<16xf32>,
        %parallel_loop3A_2946 = arith.constant 33 : i32
        %parallel_loop3A_2947 = vector.broadcast %parallel_loop3A_2946 : i32 to vector<16xi32>
        %parallel_loop3A_2948 = arith.muli %parallel_loop3A_2655, %parallel_loop3A_2947 : vector<16xi32>
        %parallel_loop3A_2949 = arith.constant 0 : i32
        %parallel_loop3A_2950 = vector.broadcast %parallel_loop3A_2949 : i32 to vector<16xi32>
        %parallel_loop3A_2951 = arith.addi %parallel_loop3A_2948, %parallel_loop3A_2950 : vector<16xi32>
        %parallel_loop3A_2952 = arith.mulf %parallel_loop3A_2914, %parallel_loop3A_129 : vector<16xf32>
        tpu.vector_store_idx %arg21[%parallel_loop3A_2951], %parallel_loop3A_2952 {add = true} : memref<16896xf32, #tpu.memory_space<vmem>>[vector<16xi32>], vector<16xf32>,
        %parallel_loop3A_2953 = arith.constant 1 : i32
        %parallel_loop3A_2954 = vector.broadcast %parallel_loop3A_2953 : i32 to vector<16xi32>
        %parallel_loop3A_2955 = arith.addi %parallel_loop3A_2948, %parallel_loop3A_2954 : vector<16xi32>
        %parallel_loop3A_2956 = arith.mulf %parallel_loop3A_2914, %parallel_loop3A_133 : vector<16xf32>
        tpu.vector_store_idx %arg21[%parallel_loop3A_2955], %parallel_loop3A_2956 {add = true} : memref<16896xf32, #tpu.memory_space<vmem>>[vector<16xi32>], vector<16xf32>,
        %parallel_loop3A_2957 = arith.constant 2 : i32
        %parallel_loop3A_2958 = vector.broadcast %parallel_loop3A_2957 : i32 to vector<16xi32>
        %parallel_loop3A_2959 = arith.addi %parallel_loop3A_2948, %parallel_loop3A_2958 : vector<16xi32>
        %parallel_loop3A_2960 = arith.mulf %parallel_loop3A_2914, %parallel_loop3A_137 : vector<16xf32>
        tpu.vector_store_idx %arg21[%parallel_loop3A_2959], %parallel_loop3A_2960 {add = true} : memref<16896xf32, #tpu.memory_space<vmem>>[vector<16xi32>], vector<16xf32>,
        %parallel_loop3A_2961 = arith.constant 3 : i32
        %parallel_loop3A_2962 = vector.broadcast %parallel_loop3A_2961 : i32 to vector<16xi32>
        %parallel_loop3A_2963 = arith.addi %parallel_loop3A_2948, %parallel_loop3A_2962 : vector<16xi32>
        %parallel_loop3A_2964 = arith.mulf %parallel_loop3A_2914, %parallel_loop3A_141 : vector<16xf32>
        tpu.vector_store_idx %arg21[%parallel_loop3A_2963], %parallel_loop3A_2964 {add = true} : memref<16896xf32, #tpu.memory_space<vmem>>[vector<16xi32>], vector<16xf32>,
        %parallel_loop3A_2965 = arith.constant 4 : i32
        %parallel_loop3A_2966 = vector.broadcast %parallel_loop3A_2965 : i32 to vector<16xi32>
        %parallel_loop3A_2967 = arith.addi %parallel_loop3A_2948, %parallel_loop3A_2966 : vector<16xi32>
        %parallel_loop3A_2968 = arith.mulf %parallel_loop3A_2914, %parallel_loop3A_145 : vector<16xf32>
        tpu.vector_store_idx %arg21[%parallel_loop3A_2967], %parallel_loop3A_2968 {add = true} : memref<16896xf32, #tpu.memory_space<vmem>>[vector<16xi32>], vector<16xf32>,
        %parallel_loop3A_2969 = arith.constant 5 : i32
        %parallel_loop3A_2970 = vector.broadcast %parallel_loop3A_2969 : i32 to vector<16xi32>
        %parallel_loop3A_2971 = arith.addi %parallel_loop3A_2948, %parallel_loop3A_2970 : vector<16xi32>
        %parallel_loop3A_2972 = arith.mulf %parallel_loop3A_2914, %parallel_loop3A_149 : vector<16xf32>
        tpu.vector_store_idx %arg21[%parallel_loop3A_2971], %parallel_loop3A_2972 {add = true} : memref<16896xf32, #tpu.memory_space<vmem>>[vector<16xi32>], vector<16xf32>,
        %parallel_loop3A_2973 = arith.constant 6 : i32
        %parallel_loop3A_2974 = vector.broadcast %parallel_loop3A_2973 : i32 to vector<16xi32>
        %parallel_loop3A_2975 = arith.addi %parallel_loop3A_2948, %parallel_loop3A_2974 : vector<16xi32>
        %parallel_loop3A_2976 = arith.mulf %parallel_loop3A_2914, %parallel_loop3A_153 : vector<16xf32>
        tpu.vector_store_idx %arg21[%parallel_loop3A_2975], %parallel_loop3A_2976 {add = true} : memref<16896xf32, #tpu.memory_space<vmem>>[vector<16xi32>], vector<16xf32>,
        %parallel_loop3A_2977 = arith.constant 7 : i32
        %parallel_loop3A_2978 = vector.broadcast %parallel_loop3A_2977 : i32 to vector<16xi32>
        %parallel_loop3A_2979 = arith.addi %parallel_loop3A_2948, %parallel_loop3A_2978 : vector<16xi32>
        %parallel_loop3A_2980 = arith.mulf %parallel_loop3A_2914, %parallel_loop3A_157 : vector<16xf32>
        tpu.vector_store_idx %arg21[%parallel_loop3A_2979], %parallel_loop3A_2980 {add = true} : memref<16896xf32, #tpu.memory_space<vmem>>[vector<16xi32>], vector<16xf32>,
        %parallel_loop3A_2981 = arith.constant 8 : i32
        %parallel_loop3A_2982 = vector.broadcast %parallel_loop3A_2981 : i32 to vector<16xi32>
        %parallel_loop3A_2983 = arith.addi %parallel_loop3A_2948, %parallel_loop3A_2982 : vector<16xi32>
        %parallel_loop3A_2984 = arith.mulf %parallel_loop3A_2914, %parallel_loop3A_161 : vector<16xf32>
        tpu.vector_store_idx %arg21[%parallel_loop3A_2983], %parallel_loop3A_2984 {add = true} : memref<16896xf32, #tpu.memory_space<vmem>>[vector<16xi32>], vector<16xf32>,
        %parallel_loop3A_2985 = arith.constant 9 : i32
        %parallel_loop3A_2986 = vector.broadcast %parallel_loop3A_2985 : i32 to vector<16xi32>
        %parallel_loop3A_2987 = arith.addi %parallel_loop3A_2948, %parallel_loop3A_2986 : vector<16xi32>
        %parallel_loop3A_2988 = arith.mulf %parallel_loop3A_2914, %parallel_loop3A_165 : vector<16xf32>
        tpu.vector_store_idx %arg21[%parallel_loop3A_2987], %parallel_loop3A_2988 {add = true} : memref<16896xf32, #tpu.memory_space<vmem>>[vector<16xi32>], vector<16xf32>,
        %parallel_loop3A_2989 = arith.constant 10 : i32
        %parallel_loop3A_2990 = vector.broadcast %parallel_loop3A_2989 : i32 to vector<16xi32>
        %parallel_loop3A_2991 = arith.addi %parallel_loop3A_2948, %parallel_loop3A_2990 : vector<16xi32>
        %parallel_loop3A_2992 = arith.mulf %parallel_loop3A_2914, %parallel_loop3A_169 : vector<16xf32>
        tpu.vector_store_idx %arg21[%parallel_loop3A_2991], %parallel_loop3A_2992 {add = true} : memref<16896xf32, #tpu.memory_space<vmem>>[vector<16xi32>], vector<16xf32>,
        %parallel_loop3A_2993 = arith.constant 11 : i32
        %parallel_loop3A_2994 = vector.broadcast %parallel_loop3A_2993 : i32 to vector<16xi32>
        %parallel_loop3A_2995 = arith.addi %parallel_loop3A_2948, %parallel_loop3A_2994 : vector<16xi32>
        %parallel_loop3A_2996 = arith.mulf %parallel_loop3A_2914, %parallel_loop3A_173 : vector<16xf32>
        tpu.vector_store_idx %arg21[%parallel_loop3A_2995], %parallel_loop3A_2996 {add = true} : memref<16896xf32, #tpu.memory_space<vmem>>[vector<16xi32>], vector<16xf32>,
        %parallel_loop3A_2997 = arith.constant 12 : i32
        %parallel_loop3A_2998 = vector.broadcast %parallel_loop3A_2997 : i32 to vector<16xi32>
        %parallel_loop3A_2999 = arith.addi %parallel_loop3A_2948, %parallel_loop3A_2998 : vector<16xi32>
        %parallel_loop3A_3000 = arith.mulf %parallel_loop3A_2914, %parallel_loop3A_177 : vector<16xf32>
        tpu.vector_store_idx %arg21[%parallel_loop3A_2999], %parallel_loop3A_3000 {add = true} : memref<16896xf32, #tpu.memory_space<vmem>>[vector<16xi32>], vector<16xf32>,
        %parallel_loop3A_3001 = arith.constant 13 : i32
        %parallel_loop3A_3002 = vector.broadcast %parallel_loop3A_3001 : i32 to vector<16xi32>
        %parallel_loop3A_3003 = arith.addi %parallel_loop3A_2948, %parallel_loop3A_3002 : vector<16xi32>
        %parallel_loop3A_3004 = arith.mulf %parallel_loop3A_2914, %parallel_loop3A_181 : vector<16xf32>
        tpu.vector_store_idx %arg21[%parallel_loop3A_3003], %parallel_loop3A_3004 {add = true} : memref<16896xf32, #tpu.memory_space<vmem>>[vector<16xi32>], vector<16xf32>,
        %parallel_loop3A_3005 = arith.constant 14 : i32
        %parallel_loop3A_3006 = vector.broadcast %parallel_loop3A_3005 : i32 to vector<16xi32>
        %parallel_loop3A_3007 = arith.addi %parallel_loop3A_2948, %parallel_loop3A_3006 : vector<16xi32>
        %parallel_loop3A_3008 = arith.mulf %parallel_loop3A_2914, %parallel_loop3A_185 : vector<16xf32>
        tpu.vector_store_idx %arg21[%parallel_loop3A_3007], %parallel_loop3A_3008 {add = true} : memref<16896xf32, #tpu.memory_space<vmem>>[vector<16xi32>], vector<16xf32>,
        %parallel_loop3A_3009 = arith.constant 15 : i32
        %parallel_loop3A_3010 = vector.broadcast %parallel_loop3A_3009 : i32 to vector<16xi32>
        %parallel_loop3A_3011 = arith.addi %parallel_loop3A_2948, %parallel_loop3A_3010 : vector<16xi32>
        %parallel_loop3A_3012 = arith.mulf %parallel_loop3A_2914, %parallel_loop3A_189 : vector<16xf32>
        tpu.vector_store_idx %arg21[%parallel_loop3A_3011], %parallel_loop3A_3012 {add = true} : memref<16896xf32, #tpu.memory_space<vmem>>[vector<16xi32>], vector<16xf32>,
        %parallel_loop3A_3013 = arith.constant 16 : i32
        %parallel_loop3A_3014 = vector.broadcast %parallel_loop3A_3013 : i32 to vector<16xi32>
        %parallel_loop3A_3015 = arith.addi %parallel_loop3A_2948, %parallel_loop3A_3014 : vector<16xi32>
        %parallel_loop3A_3016 = arith.mulf %parallel_loop3A_2914, %parallel_loop3A_193 : vector<16xf32>
        tpu.vector_store_idx %arg21[%parallel_loop3A_3015], %parallel_loop3A_3016 {add = true} : memref<16896xf32, #tpu.memory_space<vmem>>[vector<16xi32>], vector<16xf32>,
        %parallel_loop3A_3017 = arith.constant 17 : i32
        %parallel_loop3A_3018 = vector.broadcast %parallel_loop3A_3017 : i32 to vector<16xi32>
        %parallel_loop3A_3019 = arith.addi %parallel_loop3A_2948, %parallel_loop3A_3018 : vector<16xi32>
        %parallel_loop3A_3020 = arith.mulf %parallel_loop3A_2914, %parallel_loop3A_197 : vector<16xf32>
        tpu.vector_store_idx %arg21[%parallel_loop3A_3019], %parallel_loop3A_3020 {add = true} : memref<16896xf32, #tpu.memory_space<vmem>>[vector<16xi32>], vector<16xf32>,
        %parallel_loop3A_3021 = arith.constant 18 : i32
        %parallel_loop3A_3022 = vector.broadcast %parallel_loop3A_3021 : i32 to vector<16xi32>
        %parallel_loop3A_3023 = arith.addi %parallel_loop3A_2948, %parallel_loop3A_3022 : vector<16xi32>
        %parallel_loop3A_3024 = arith.mulf %parallel_loop3A_2914, %parallel_loop3A_201 : vector<16xf32>
        tpu.vector_store_idx %arg21[%parallel_loop3A_3023], %parallel_loop3A_3024 {add = true} : memref<16896xf32, #tpu.memory_space<vmem>>[vector<16xi32>], vector<16xf32>,
        %parallel_loop3A_3025 = arith.constant 19 : i32
        %parallel_loop3A_3026 = vector.broadcast %parallel_loop3A_3025 : i32 to vector<16xi32>
        %parallel_loop3A_3027 = arith.addi %parallel_loop3A_2948, %parallel_loop3A_3026 : vector<16xi32>
        %parallel_loop3A_3028 = arith.mulf %parallel_loop3A_2914, %parallel_loop3A_205 : vector<16xf32>
        tpu.vector_store_idx %arg21[%parallel_loop3A_3027], %parallel_loop3A_3028 {add = true} : memref<16896xf32, #tpu.memory_space<vmem>>[vector<16xi32>], vector<16xf32>,
        %parallel_loop3A_3029 = arith.constant 20 : i32
        %parallel_loop3A_3030 = vector.broadcast %parallel_loop3A_3029 : i32 to vector<16xi32>
        %parallel_loop3A_3031 = arith.addi %parallel_loop3A_2948, %parallel_loop3A_3030 : vector<16xi32>
        %parallel_loop3A_3032 = arith.mulf %parallel_loop3A_2914, %parallel_loop3A_209 : vector<16xf32>
        tpu.vector_store_idx %arg21[%parallel_loop3A_3031], %parallel_loop3A_3032 {add = true} : memref<16896xf32, #tpu.memory_space<vmem>>[vector<16xi32>], vector<16xf32>,
        %parallel_loop3A_3033 = arith.constant 21 : i32
        %parallel_loop3A_3034 = vector.broadcast %parallel_loop3A_3033 : i32 to vector<16xi32>
        %parallel_loop3A_3035 = arith.addi %parallel_loop3A_2948, %parallel_loop3A_3034 : vector<16xi32>
        %parallel_loop3A_3036 = arith.mulf %parallel_loop3A_2914, %parallel_loop3A_213 : vector<16xf32>
        tpu.vector_store_idx %arg21[%parallel_loop3A_3035], %parallel_loop3A_3036 {add = true} : memref<16896xf32, #tpu.memory_space<vmem>>[vector<16xi32>], vector<16xf32>,
        %parallel_loop3A_3037 = arith.constant 22 : i32
        %parallel_loop3A_3038 = vector.broadcast %parallel_loop3A_3037 : i32 to vector<16xi32>
        %parallel_loop3A_3039 = arith.addi %parallel_loop3A_2948, %parallel_loop3A_3038 : vector<16xi32>
        %parallel_loop3A_3040 = arith.mulf %parallel_loop3A_2914, %parallel_loop3A_217 : vector<16xf32>
        tpu.vector_store_idx %arg21[%parallel_loop3A_3039], %parallel_loop3A_3040 {add = true} : memref<16896xf32, #tpu.memory_space<vmem>>[vector<16xi32>], vector<16xf32>,
        %parallel_loop3A_3041 = arith.constant 23 : i32
        %parallel_loop3A_3042 = vector.broadcast %parallel_loop3A_3041 : i32 to vector<16xi32>
        %parallel_loop3A_3043 = arith.addi %parallel_loop3A_2948, %parallel_loop3A_3042 : vector<16xi32>
        %parallel_loop3A_3044 = arith.mulf %parallel_loop3A_2914, %parallel_loop3A_221 : vector<16xf32>
        tpu.vector_store_idx %arg21[%parallel_loop3A_3043], %parallel_loop3A_3044 {add = true} : memref<16896xf32, #tpu.memory_space<vmem>>[vector<16xi32>], vector<16xf32>,
        %parallel_loop3A_3045 = arith.constant 24 : i32
        %parallel_loop3A_3046 = vector.broadcast %parallel_loop3A_3045 : i32 to vector<16xi32>
        %parallel_loop3A_3047 = arith.addi %parallel_loop3A_2948, %parallel_loop3A_3046 : vector<16xi32>
        %parallel_loop3A_3048 = arith.mulf %parallel_loop3A_2914, %parallel_loop3A_225 : vector<16xf32>
        tpu.vector_store_idx %arg21[%parallel_loop3A_3047], %parallel_loop3A_3048 {add = true} : memref<16896xf32, #tpu.memory_space<vmem>>[vector<16xi32>], vector<16xf32>,
        %parallel_loop3A_3049 = arith.constant 25 : i32
        %parallel_loop3A_3050 = vector.broadcast %parallel_loop3A_3049 : i32 to vector<16xi32>
        %parallel_loop3A_3051 = arith.addi %parallel_loop3A_2948, %parallel_loop3A_3050 : vector<16xi32>
        %parallel_loop3A_3052 = arith.mulf %parallel_loop3A_2914, %parallel_loop3A_229 : vector<16xf32>
        tpu.vector_store_idx %arg21[%parallel_loop3A_3051], %parallel_loop3A_3052 {add = true} : memref<16896xf32, #tpu.memory_space<vmem>>[vector<16xi32>], vector<16xf32>,
        %parallel_loop3A_3053 = arith.constant 26 : i32
        %parallel_loop3A_3054 = vector.broadcast %parallel_loop3A_3053 : i32 to vector<16xi32>
        %parallel_loop3A_3055 = arith.addi %parallel_loop3A_2948, %parallel_loop3A_3054 : vector<16xi32>
        %parallel_loop3A_3056 = arith.mulf %parallel_loop3A_2914, %parallel_loop3A_233 : vector<16xf32>
        tpu.vector_store_idx %arg21[%parallel_loop3A_3055], %parallel_loop3A_3056 {add = true} : memref<16896xf32, #tpu.memory_space<vmem>>[vector<16xi32>], vector<16xf32>,
        %parallel_loop3A_3057 = arith.constant 27 : i32
        %parallel_loop3A_3058 = vector.broadcast %parallel_loop3A_3057 : i32 to vector<16xi32>
        %parallel_loop3A_3059 = arith.addi %parallel_loop3A_2948, %parallel_loop3A_3058 : vector<16xi32>
        %parallel_loop3A_3060 = arith.mulf %parallel_loop3A_2914, %parallel_loop3A_237 : vector<16xf32>
        tpu.vector_store_idx %arg21[%parallel_loop3A_3059], %parallel_loop3A_3060 {add = true} : memref<16896xf32, #tpu.memory_space<vmem>>[vector<16xi32>], vector<16xf32>,
        %parallel_loop3A_3061 = arith.constant 28 : i32
        %parallel_loop3A_3062 = vector.broadcast %parallel_loop3A_3061 : i32 to vector<16xi32>
        %parallel_loop3A_3063 = arith.addi %parallel_loop3A_2948, %parallel_loop3A_3062 : vector<16xi32>
        %parallel_loop3A_3064 = arith.mulf %parallel_loop3A_2914, %parallel_loop3A_241 : vector<16xf32>
        tpu.vector_store_idx %arg21[%parallel_loop3A_3063], %parallel_loop3A_3064 {add = true} : memref<16896xf32, #tpu.memory_space<vmem>>[vector<16xi32>], vector<16xf32>,
        %parallel_loop3A_3065 = arith.constant 29 : i32
        %parallel_loop3A_3066 = vector.broadcast %parallel_loop3A_3065 : i32 to vector<16xi32>
        %parallel_loop3A_3067 = arith.addi %parallel_loop3A_2948, %parallel_loop3A_3066 : vector<16xi32>
        %parallel_loop3A_3068 = arith.mulf %parallel_loop3A_2914, %parallel_loop3A_245 : vector<16xf32>
        tpu.vector_store_idx %arg21[%parallel_loop3A_3067], %parallel_loop3A_3068 {add = true} : memref<16896xf32, #tpu.memory_space<vmem>>[vector<16xi32>], vector<16xf32>,
        %parallel_loop3A_3069 = arith.constant 30 : i32
        %parallel_loop3A_3070 = vector.broadcast %parallel_loop3A_3069 : i32 to vector<16xi32>
        %parallel_loop3A_3071 = arith.addi %parallel_loop3A_2948, %parallel_loop3A_3070 : vector<16xi32>
        %parallel_loop3A_3072 = arith.mulf %parallel_loop3A_2914, %parallel_loop3A_249 : vector<16xf32>
        tpu.vector_store_idx %arg21[%parallel_loop3A_3071], %parallel_loop3A_3072 {add = true} : memref<16896xf32, #tpu.memory_space<vmem>>[vector<16xi32>], vector<16xf32>,
        %parallel_loop3A_3073 = arith.constant 31 : i32
        %parallel_loop3A_3074 = vector.broadcast %parallel_loop3A_3073 : i32 to vector<16xi32>
        %parallel_loop3A_3075 = arith.addi %parallel_loop3A_2948, %parallel_loop3A_3074 : vector<16xi32>
        %parallel_loop3A_3076 = arith.mulf %parallel_loop3A_2914, %parallel_loop3A_253 : vector<16xf32>
        tpu.vector_store_idx %arg21[%parallel_loop3A_3075], %parallel_loop3A_3076 {add = true} : memref<16896xf32, #tpu.memory_space<vmem>>[vector<16xi32>], vector<16xf32>,
        %parallel_loop3A_3077 = arith.constant 33 : i32
        %parallel_loop3A_3078 = vector.broadcast %parallel_loop3A_3077 : i32 to vector<16xi32>
        %parallel_loop3A_3079 = arith.muli %parallel_loop3A_2759, %parallel_loop3A_3078 : vector<16xi32>
        %parallel_loop3A_3080 = arith.constant 0 : i32
        %parallel_loop3A_3081 = vector.broadcast %parallel_loop3A_3080 : i32 to vector<16xi32>
        %parallel_loop3A_3082 = arith.addi %parallel_loop3A_3079, %parallel_loop3A_3081 : vector<16xi32>
        %parallel_loop3A_3083 = arith.mulf %parallel_loop3A_2915, %parallel_loop3A_129 : vector<16xf32>
        tpu.vector_store_idx %arg21[%parallel_loop3A_3082], %parallel_loop3A_3083 {add = true} : memref<16896xf32, #tpu.memory_space<vmem>>[vector<16xi32>], vector<16xf32>,
        %parallel_loop3A_3084 = arith.constant 1 : i32
        %parallel_loop3A_3085 = vector.broadcast %parallel_loop3A_3084 : i32 to vector<16xi32>
        %parallel_loop3A_3086 = arith.addi %parallel_loop3A_3079, %parallel_loop3A_3085 : vector<16xi32>
        %parallel_loop3A_3087 = arith.mulf %parallel_loop3A_2915, %parallel_loop3A_133 : vector<16xf32>
        tpu.vector_store_idx %arg21[%parallel_loop3A_3086], %parallel_loop3A_3087 {add = true} : memref<16896xf32, #tpu.memory_space<vmem>>[vector<16xi32>], vector<16xf32>,
        %parallel_loop3A_3088 = arith.constant 2 : i32
        %parallel_loop3A_3089 = vector.broadcast %parallel_loop3A_3088 : i32 to vector<16xi32>
        %parallel_loop3A_3090 = arith.addi %parallel_loop3A_3079, %parallel_loop3A_3089 : vector<16xi32>
        %parallel_loop3A_3091 = arith.mulf %parallel_loop3A_2915, %parallel_loop3A_137 : vector<16xf32>
        tpu.vector_store_idx %arg21[%parallel_loop3A_3090], %parallel_loop3A_3091 {add = true} : memref<16896xf32, #tpu.memory_space<vmem>>[vector<16xi32>], vector<16xf32>,
        %parallel_loop3A_3092 = arith.constant 3 : i32
        %parallel_loop3A_3093 = vector.broadcast %parallel_loop3A_3092 : i32 to vector<16xi32>
        %parallel_loop3A_3094 = arith.addi %parallel_loop3A_3079, %parallel_loop3A_3093 : vector<16xi32>
        %parallel_loop3A_3095 = arith.mulf %parallel_loop3A_2915, %parallel_loop3A_141 : vector<16xf32>
        tpu.vector_store_idx %arg21[%parallel_loop3A_3094], %parallel_loop3A_3095 {add = true} : memref<16896xf32, #tpu.memory_space<vmem>>[vector<16xi32>], vector<16xf32>,
        %parallel_loop3A_3096 = arith.constant 4 : i32
        %parallel_loop3A_3097 = vector.broadcast %parallel_loop3A_3096 : i32 to vector<16xi32>
        %parallel_loop3A_3098 = arith.addi %parallel_loop3A_3079, %parallel_loop3A_3097 : vector<16xi32>
        %parallel_loop3A_3099 = arith.mulf %parallel_loop3A_2915, %parallel_loop3A_145 : vector<16xf32>
        tpu.vector_store_idx %arg21[%parallel_loop3A_3098], %parallel_loop3A_3099 {add = true} : memref<16896xf32, #tpu.memory_space<vmem>>[vector<16xi32>], vector<16xf32>,
        %parallel_loop3A_3100 = arith.constant 5 : i32
        %parallel_loop3A_3101 = vector.broadcast %parallel_loop3A_3100 : i32 to vector<16xi32>
        %parallel_loop3A_3102 = arith.addi %parallel_loop3A_3079, %parallel_loop3A_3101 : vector<16xi32>
        %parallel_loop3A_3103 = arith.mulf %parallel_loop3A_2915, %parallel_loop3A_149 : vector<16xf32>
        tpu.vector_store_idx %arg21[%parallel_loop3A_3102], %parallel_loop3A_3103 {add = true} : memref<16896xf32, #tpu.memory_space<vmem>>[vector<16xi32>], vector<16xf32>,
        %parallel_loop3A_3104 = arith.constant 6 : i32
        %parallel_loop3A_3105 = vector.broadcast %parallel_loop3A_3104 : i32 to vector<16xi32>
        %parallel_loop3A_3106 = arith.addi %parallel_loop3A_3079, %parallel_loop3A_3105 : vector<16xi32>
        %parallel_loop3A_3107 = arith.mulf %parallel_loop3A_2915, %parallel_loop3A_153 : vector<16xf32>
        tpu.vector_store_idx %arg21[%parallel_loop3A_3106], %parallel_loop3A_3107 {add = true} : memref<16896xf32, #tpu.memory_space<vmem>>[vector<16xi32>], vector<16xf32>,
        %parallel_loop3A_3108 = arith.constant 7 : i32
        %parallel_loop3A_3109 = vector.broadcast %parallel_loop3A_3108 : i32 to vector<16xi32>
        %parallel_loop3A_3110 = arith.addi %parallel_loop3A_3079, %parallel_loop3A_3109 : vector<16xi32>
        %parallel_loop3A_3111 = arith.mulf %parallel_loop3A_2915, %parallel_loop3A_157 : vector<16xf32>
        tpu.vector_store_idx %arg21[%parallel_loop3A_3110], %parallel_loop3A_3111 {add = true} : memref<16896xf32, #tpu.memory_space<vmem>>[vector<16xi32>], vector<16xf32>,
        %parallel_loop3A_3112 = arith.constant 8 : i32
        %parallel_loop3A_3113 = vector.broadcast %parallel_loop3A_3112 : i32 to vector<16xi32>
        %parallel_loop3A_3114 = arith.addi %parallel_loop3A_3079, %parallel_loop3A_3113 : vector<16xi32>
        %parallel_loop3A_3115 = arith.mulf %parallel_loop3A_2915, %parallel_loop3A_161 : vector<16xf32>
        tpu.vector_store_idx %arg21[%parallel_loop3A_3114], %parallel_loop3A_3115 {add = true} : memref<16896xf32, #tpu.memory_space<vmem>>[vector<16xi32>], vector<16xf32>,
        %parallel_loop3A_3116 = arith.constant 9 : i32
        %parallel_loop3A_3117 = vector.broadcast %parallel_loop3A_3116 : i32 to vector<16xi32>
        %parallel_loop3A_3118 = arith.addi %parallel_loop3A_3079, %parallel_loop3A_3117 : vector<16xi32>
        %parallel_loop3A_3119 = arith.mulf %parallel_loop3A_2915, %parallel_loop3A_165 : vector<16xf32>
        tpu.vector_store_idx %arg21[%parallel_loop3A_3118], %parallel_loop3A_3119 {add = true} : memref<16896xf32, #tpu.memory_space<vmem>>[vector<16xi32>], vector<16xf32>,
        %parallel_loop3A_3120 = arith.constant 10 : i32
        %parallel_loop3A_3121 = vector.broadcast %parallel_loop3A_3120 : i32 to vector<16xi32>
        %parallel_loop3A_3122 = arith.addi %parallel_loop3A_3079, %parallel_loop3A_3121 : vector<16xi32>
        %parallel_loop3A_3123 = arith.mulf %parallel_loop3A_2915, %parallel_loop3A_169 : vector<16xf32>
        tpu.vector_store_idx %arg21[%parallel_loop3A_3122], %parallel_loop3A_3123 {add = true} : memref<16896xf32, #tpu.memory_space<vmem>>[vector<16xi32>], vector<16xf32>,
        %parallel_loop3A_3124 = arith.constant 11 : i32
        %parallel_loop3A_3125 = vector.broadcast %parallel_loop3A_3124 : i32 to vector<16xi32>
        %parallel_loop3A_3126 = arith.addi %parallel_loop3A_3079, %parallel_loop3A_3125 : vector<16xi32>
        %parallel_loop3A_3127 = arith.mulf %parallel_loop3A_2915, %parallel_loop3A_173 : vector<16xf32>
        tpu.vector_store_idx %arg21[%parallel_loop3A_3126], %parallel_loop3A_3127 {add = true} : memref<16896xf32, #tpu.memory_space<vmem>>[vector<16xi32>], vector<16xf32>,
        %parallel_loop3A_3128 = arith.constant 12 : i32
        %parallel_loop3A_3129 = vector.broadcast %parallel_loop3A_3128 : i32 to vector<16xi32>
        %parallel_loop3A_3130 = arith.addi %parallel_loop3A_3079, %parallel_loop3A_3129 : vector<16xi32>
        %parallel_loop3A_3131 = arith.mulf %parallel_loop3A_2915, %parallel_loop3A_177 : vector<16xf32>
        tpu.vector_store_idx %arg21[%parallel_loop3A_3130], %parallel_loop3A_3131 {add = true} : memref<16896xf32, #tpu.memory_space<vmem>>[vector<16xi32>], vector<16xf32>,
        %parallel_loop3A_3132 = arith.constant 13 : i32
        %parallel_loop3A_3133 = vector.broadcast %parallel_loop3A_3132 : i32 to vector<16xi32>
        %parallel_loop3A_3134 = arith.addi %parallel_loop3A_3079, %parallel_loop3A_3133 : vector<16xi32>
        %parallel_loop3A_3135 = arith.mulf %parallel_loop3A_2915, %parallel_loop3A_181 : vector<16xf32>
        tpu.vector_store_idx %arg21[%parallel_loop3A_3134], %parallel_loop3A_3135 {add = true} : memref<16896xf32, #tpu.memory_space<vmem>>[vector<16xi32>], vector<16xf32>,
        %parallel_loop3A_3136 = arith.constant 14 : i32
        %parallel_loop3A_3137 = vector.broadcast %parallel_loop3A_3136 : i32 to vector<16xi32>
        %parallel_loop3A_3138 = arith.addi %parallel_loop3A_3079, %parallel_loop3A_3137 : vector<16xi32>
        %parallel_loop3A_3139 = arith.mulf %parallel_loop3A_2915, %parallel_loop3A_185 : vector<16xf32>
        tpu.vector_store_idx %arg21[%parallel_loop3A_3138], %parallel_loop3A_3139 {add = true} : memref<16896xf32, #tpu.memory_space<vmem>>[vector<16xi32>], vector<16xf32>,
        %parallel_loop3A_3140 = arith.constant 15 : i32
        %parallel_loop3A_3141 = vector.broadcast %parallel_loop3A_3140 : i32 to vector<16xi32>
        %parallel_loop3A_3142 = arith.addi %parallel_loop3A_3079, %parallel_loop3A_3141 : vector<16xi32>
        %parallel_loop3A_3143 = arith.mulf %parallel_loop3A_2915, %parallel_loop3A_189 : vector<16xf32>
        tpu.vector_store_idx %arg21[%parallel_loop3A_3142], %parallel_loop3A_3143 {add = true} : memref<16896xf32, #tpu.memory_space<vmem>>[vector<16xi32>], vector<16xf32>,
        %parallel_loop3A_3144 = arith.constant 16 : i32
        %parallel_loop3A_3145 = vector.broadcast %parallel_loop3A_3144 : i32 to vector<16xi32>
        %parallel_loop3A_3146 = arith.addi %parallel_loop3A_3079, %parallel_loop3A_3145 : vector<16xi32>
        %parallel_loop3A_3147 = arith.mulf %parallel_loop3A_2915, %parallel_loop3A_193 : vector<16xf32>
        tpu.vector_store_idx %arg21[%parallel_loop3A_3146], %parallel_loop3A_3147 {add = true} : memref<16896xf32, #tpu.memory_space<vmem>>[vector<16xi32>], vector<16xf32>,
        %parallel_loop3A_3148 = arith.constant 17 : i32
        %parallel_loop3A_3149 = vector.broadcast %parallel_loop3A_3148 : i32 to vector<16xi32>
        %parallel_loop3A_3150 = arith.addi %parallel_loop3A_3079, %parallel_loop3A_3149 : vector<16xi32>
        %parallel_loop3A_3151 = arith.mulf %parallel_loop3A_2915, %parallel_loop3A_197 : vector<16xf32>
        tpu.vector_store_idx %arg21[%parallel_loop3A_3150], %parallel_loop3A_3151 {add = true} : memref<16896xf32, #tpu.memory_space<vmem>>[vector<16xi32>], vector<16xf32>,
        %parallel_loop3A_3152 = arith.constant 18 : i32
        %parallel_loop3A_3153 = vector.broadcast %parallel_loop3A_3152 : i32 to vector<16xi32>
        %parallel_loop3A_3154 = arith.addi %parallel_loop3A_3079, %parallel_loop3A_3153 : vector<16xi32>
        %parallel_loop3A_3155 = arith.mulf %parallel_loop3A_2915, %parallel_loop3A_201 : vector<16xf32>
        tpu.vector_store_idx %arg21[%parallel_loop3A_3154], %parallel_loop3A_3155 {add = true} : memref<16896xf32, #tpu.memory_space<vmem>>[vector<16xi32>], vector<16xf32>,
        %parallel_loop3A_3156 = arith.constant 19 : i32
        %parallel_loop3A_3157 = vector.broadcast %parallel_loop3A_3156 : i32 to vector<16xi32>
        %parallel_loop3A_3158 = arith.addi %parallel_loop3A_3079, %parallel_loop3A_3157 : vector<16xi32>
        %parallel_loop3A_3159 = arith.mulf %parallel_loop3A_2915, %parallel_loop3A_205 : vector<16xf32>
        tpu.vector_store_idx %arg21[%parallel_loop3A_3158], %parallel_loop3A_3159 {add = true} : memref<16896xf32, #tpu.memory_space<vmem>>[vector<16xi32>], vector<16xf32>,
        %parallel_loop3A_3160 = arith.constant 20 : i32
        %parallel_loop3A_3161 = vector.broadcast %parallel_loop3A_3160 : i32 to vector<16xi32>
        %parallel_loop3A_3162 = arith.addi %parallel_loop3A_3079, %parallel_loop3A_3161 : vector<16xi32>
        %parallel_loop3A_3163 = arith.mulf %parallel_loop3A_2915, %parallel_loop3A_209 : vector<16xf32>
        tpu.vector_store_idx %arg21[%parallel_loop3A_3162], %parallel_loop3A_3163 {add = true} : memref<16896xf32, #tpu.memory_space<vmem>>[vector<16xi32>], vector<16xf32>,
        %parallel_loop3A_3164 = arith.constant 21 : i32
        %parallel_loop3A_3165 = vector.broadcast %parallel_loop3A_3164 : i32 to vector<16xi32>
        %parallel_loop3A_3166 = arith.addi %parallel_loop3A_3079, %parallel_loop3A_3165 : vector<16xi32>
        %parallel_loop3A_3167 = arith.mulf %parallel_loop3A_2915, %parallel_loop3A_213 : vector<16xf32>
        tpu.vector_store_idx %arg21[%parallel_loop3A_3166], %parallel_loop3A_3167 {add = true} : memref<16896xf32, #tpu.memory_space<vmem>>[vector<16xi32>], vector<16xf32>,
        %parallel_loop3A_3168 = arith.constant 22 : i32
        %parallel_loop3A_3169 = vector.broadcast %parallel_loop3A_3168 : i32 to vector<16xi32>
        %parallel_loop3A_3170 = arith.addi %parallel_loop3A_3079, %parallel_loop3A_3169 : vector<16xi32>
        %parallel_loop3A_3171 = arith.mulf %parallel_loop3A_2915, %parallel_loop3A_217 : vector<16xf32>
        tpu.vector_store_idx %arg21[%parallel_loop3A_3170], %parallel_loop3A_3171 {add = true} : memref<16896xf32, #tpu.memory_space<vmem>>[vector<16xi32>], vector<16xf32>,
        %parallel_loop3A_3172 = arith.constant 23 : i32
        %parallel_loop3A_3173 = vector.broadcast %parallel_loop3A_3172 : i32 to vector<16xi32>
        %parallel_loop3A_3174 = arith.addi %parallel_loop3A_3079, %parallel_loop3A_3173 : vector<16xi32>
        %parallel_loop3A_3175 = arith.mulf %parallel_loop3A_2915, %parallel_loop3A_221 : vector<16xf32>
        tpu.vector_store_idx %arg21[%parallel_loop3A_3174], %parallel_loop3A_3175 {add = true} : memref<16896xf32, #tpu.memory_space<vmem>>[vector<16xi32>], vector<16xf32>,
        %parallel_loop3A_3176 = arith.constant 24 : i32
        %parallel_loop3A_3177 = vector.broadcast %parallel_loop3A_3176 : i32 to vector<16xi32>
        %parallel_loop3A_3178 = arith.addi %parallel_loop3A_3079, %parallel_loop3A_3177 : vector<16xi32>
        %parallel_loop3A_3179 = arith.mulf %parallel_loop3A_2915, %parallel_loop3A_225 : vector<16xf32>
        tpu.vector_store_idx %arg21[%parallel_loop3A_3178], %parallel_loop3A_3179 {add = true} : memref<16896xf32, #tpu.memory_space<vmem>>[vector<16xi32>], vector<16xf32>,
        %parallel_loop3A_3180 = arith.constant 25 : i32
        %parallel_loop3A_3181 = vector.broadcast %parallel_loop3A_3180 : i32 to vector<16xi32>
        %parallel_loop3A_3182 = arith.addi %parallel_loop3A_3079, %parallel_loop3A_3181 : vector<16xi32>
        %parallel_loop3A_3183 = arith.mulf %parallel_loop3A_2915, %parallel_loop3A_229 : vector<16xf32>
        tpu.vector_store_idx %arg21[%parallel_loop3A_3182], %parallel_loop3A_3183 {add = true} : memref<16896xf32, #tpu.memory_space<vmem>>[vector<16xi32>], vector<16xf32>,
        %parallel_loop3A_3184 = arith.constant 26 : i32
        %parallel_loop3A_3185 = vector.broadcast %parallel_loop3A_3184 : i32 to vector<16xi32>
        %parallel_loop3A_3186 = arith.addi %parallel_loop3A_3079, %parallel_loop3A_3185 : vector<16xi32>
        %parallel_loop3A_3187 = arith.mulf %parallel_loop3A_2915, %parallel_loop3A_233 : vector<16xf32>
        tpu.vector_store_idx %arg21[%parallel_loop3A_3186], %parallel_loop3A_3187 {add = true} : memref<16896xf32, #tpu.memory_space<vmem>>[vector<16xi32>], vector<16xf32>,
        %parallel_loop3A_3188 = arith.constant 27 : i32
        %parallel_loop3A_3189 = vector.broadcast %parallel_loop3A_3188 : i32 to vector<16xi32>
        %parallel_loop3A_3190 = arith.addi %parallel_loop3A_3079, %parallel_loop3A_3189 : vector<16xi32>
        %parallel_loop3A_3191 = arith.mulf %parallel_loop3A_2915, %parallel_loop3A_237 : vector<16xf32>
        tpu.vector_store_idx %arg21[%parallel_loop3A_3190], %parallel_loop3A_3191 {add = true} : memref<16896xf32, #tpu.memory_space<vmem>>[vector<16xi32>], vector<16xf32>,
        %parallel_loop3A_3192 = arith.constant 28 : i32
        %parallel_loop3A_3193 = vector.broadcast %parallel_loop3A_3192 : i32 to vector<16xi32>
        %parallel_loop3A_3194 = arith.addi %parallel_loop3A_3079, %parallel_loop3A_3193 : vector<16xi32>
        %parallel_loop3A_3195 = arith.mulf %parallel_loop3A_2915, %parallel_loop3A_241 : vector<16xf32>
        tpu.vector_store_idx %arg21[%parallel_loop3A_3194], %parallel_loop3A_3195 {add = true} : memref<16896xf32, #tpu.memory_space<vmem>>[vector<16xi32>], vector<16xf32>,
        %parallel_loop3A_3196 = arith.constant 29 : i32
        %parallel_loop3A_3197 = vector.broadcast %parallel_loop3A_3196 : i32 to vector<16xi32>
        %parallel_loop3A_3198 = arith.addi %parallel_loop3A_3079, %parallel_loop3A_3197 : vector<16xi32>
        %parallel_loop3A_3199 = arith.mulf %parallel_loop3A_2915, %parallel_loop3A_245 : vector<16xf32>
        tpu.vector_store_idx %arg21[%parallel_loop3A_3198], %parallel_loop3A_3199 {add = true} : memref<16896xf32, #tpu.memory_space<vmem>>[vector<16xi32>], vector<16xf32>,
        %parallel_loop3A_3200 = arith.constant 30 : i32
        %parallel_loop3A_3201 = vector.broadcast %parallel_loop3A_3200 : i32 to vector<16xi32>
        %parallel_loop3A_3202 = arith.addi %parallel_loop3A_3079, %parallel_loop3A_3201 : vector<16xi32>
        %parallel_loop3A_3203 = arith.mulf %parallel_loop3A_2915, %parallel_loop3A_249 : vector<16xf32>
        tpu.vector_store_idx %arg21[%parallel_loop3A_3202], %parallel_loop3A_3203 {add = true} : memref<16896xf32, #tpu.memory_space<vmem>>[vector<16xi32>], vector<16xf32>,
        %parallel_loop3A_3204 = arith.constant 31 : i32
        %parallel_loop3A_3205 = vector.broadcast %parallel_loop3A_3204 : i32 to vector<16xi32>
        %parallel_loop3A_3206 = arith.addi %parallel_loop3A_3079, %parallel_loop3A_3205 : vector<16xi32>
        %parallel_loop3A_3207 = arith.mulf %parallel_loop3A_2915, %parallel_loop3A_253 : vector<16xf32>
        tpu.vector_store_idx %arg21[%parallel_loop3A_3206], %parallel_loop3A_3207 {add = true} : memref<16896xf32, #tpu.memory_space<vmem>>[vector<16xi32>], vector<16xf32>,
        %parallel_loop3A_3208 = arith.constant 33 : i32
        %parallel_loop3A_3209 = vector.broadcast %parallel_loop3A_3208 : i32 to vector<16xi32>
        %parallel_loop3A_3210 = arith.muli %parallel_loop3A_2903, %parallel_loop3A_3209 : vector<16xi32>
        %parallel_loop3A_3211 = arith.constant 0 : i32
        %parallel_loop3A_3212 = vector.broadcast %parallel_loop3A_3211 : i32 to vector<16xi32>
        %parallel_loop3A_3213 = arith.addi %parallel_loop3A_3210, %parallel_loop3A_3212 : vector<16xi32>
        %parallel_loop3A_3214 = arith.mulf %parallel_loop3A_2916, %parallel_loop3A_129 : vector<16xf32>
        tpu.vector_store_idx %arg21[%parallel_loop3A_3213], %parallel_loop3A_3214 {add = true} : memref<16896xf32, #tpu.memory_space<vmem>>[vector<16xi32>], vector<16xf32>,
        %parallel_loop3A_3215 = arith.constant 1 : i32
        %parallel_loop3A_3216 = vector.broadcast %parallel_loop3A_3215 : i32 to vector<16xi32>
        %parallel_loop3A_3217 = arith.addi %parallel_loop3A_3210, %parallel_loop3A_3216 : vector<16xi32>
        %parallel_loop3A_3218 = arith.mulf %parallel_loop3A_2916, %parallel_loop3A_133 : vector<16xf32>
        tpu.vector_store_idx %arg21[%parallel_loop3A_3217], %parallel_loop3A_3218 {add = true} : memref<16896xf32, #tpu.memory_space<vmem>>[vector<16xi32>], vector<16xf32>,
        %parallel_loop3A_3219 = arith.constant 2 : i32
        %parallel_loop3A_3220 = vector.broadcast %parallel_loop3A_3219 : i32 to vector<16xi32>
        %parallel_loop3A_3221 = arith.addi %parallel_loop3A_3210, %parallel_loop3A_3220 : vector<16xi32>
        %parallel_loop3A_3222 = arith.mulf %parallel_loop3A_2916, %parallel_loop3A_137 : vector<16xf32>
        tpu.vector_store_idx %arg21[%parallel_loop3A_3221], %parallel_loop3A_3222 {add = true} : memref<16896xf32, #tpu.memory_space<vmem>>[vector<16xi32>], vector<16xf32>,
        %parallel_loop3A_3223 = arith.constant 3 : i32
        %parallel_loop3A_3224 = vector.broadcast %parallel_loop3A_3223 : i32 to vector<16xi32>
        %parallel_loop3A_3225 = arith.addi %parallel_loop3A_3210, %parallel_loop3A_3224 : vector<16xi32>
        %parallel_loop3A_3226 = arith.mulf %parallel_loop3A_2916, %parallel_loop3A_141 : vector<16xf32>
        tpu.vector_store_idx %arg21[%parallel_loop3A_3225], %parallel_loop3A_3226 {add = true} : memref<16896xf32, #tpu.memory_space<vmem>>[vector<16xi32>], vector<16xf32>,
        %parallel_loop3A_3227 = arith.constant 4 : i32
        %parallel_loop3A_3228 = vector.broadcast %parallel_loop3A_3227 : i32 to vector<16xi32>
        %parallel_loop3A_3229 = arith.addi %parallel_loop3A_3210, %parallel_loop3A_3228 : vector<16xi32>
        %parallel_loop3A_3230 = arith.mulf %parallel_loop3A_2916, %parallel_loop3A_145 : vector<16xf32>
        tpu.vector_store_idx %arg21[%parallel_loop3A_3229], %parallel_loop3A_3230 {add = true} : memref<16896xf32, #tpu.memory_space<vmem>>[vector<16xi32>], vector<16xf32>,
        %parallel_loop3A_3231 = arith.constant 5 : i32
        %parallel_loop3A_3232 = vector.broadcast %parallel_loop3A_3231 : i32 to vector<16xi32>
        %parallel_loop3A_3233 = arith.addi %parallel_loop3A_3210, %parallel_loop3A_3232 : vector<16xi32>
        %parallel_loop3A_3234 = arith.mulf %parallel_loop3A_2916, %parallel_loop3A_149 : vector<16xf32>
        tpu.vector_store_idx %arg21[%parallel_loop3A_3233], %parallel_loop3A_3234 {add = true} : memref<16896xf32, #tpu.memory_space<vmem>>[vector<16xi32>], vector<16xf32>,
        %parallel_loop3A_3235 = arith.constant 6 : i32
        %parallel_loop3A_3236 = vector.broadcast %parallel_loop3A_3235 : i32 to vector<16xi32>
        %parallel_loop3A_3237 = arith.addi %parallel_loop3A_3210, %parallel_loop3A_3236 : vector<16xi32>
        %parallel_loop3A_3238 = arith.mulf %parallel_loop3A_2916, %parallel_loop3A_153 : vector<16xf32>
        tpu.vector_store_idx %arg21[%parallel_loop3A_3237], %parallel_loop3A_3238 {add = true} : memref<16896xf32, #tpu.memory_space<vmem>>[vector<16xi32>], vector<16xf32>,
        %parallel_loop3A_3239 = arith.constant 7 : i32
        %parallel_loop3A_3240 = vector.broadcast %parallel_loop3A_3239 : i32 to vector<16xi32>
        %parallel_loop3A_3241 = arith.addi %parallel_loop3A_3210, %parallel_loop3A_3240 : vector<16xi32>
        %parallel_loop3A_3242 = arith.mulf %parallel_loop3A_2916, %parallel_loop3A_157 : vector<16xf32>
        tpu.vector_store_idx %arg21[%parallel_loop3A_3241], %parallel_loop3A_3242 {add = true} : memref<16896xf32, #tpu.memory_space<vmem>>[vector<16xi32>], vector<16xf32>,
        %parallel_loop3A_3243 = arith.constant 8 : i32
        %parallel_loop3A_3244 = vector.broadcast %parallel_loop3A_3243 : i32 to vector<16xi32>
        %parallel_loop3A_3245 = arith.addi %parallel_loop3A_3210, %parallel_loop3A_3244 : vector<16xi32>
        %parallel_loop3A_3246 = arith.mulf %parallel_loop3A_2916, %parallel_loop3A_161 : vector<16xf32>
        tpu.vector_store_idx %arg21[%parallel_loop3A_3245], %parallel_loop3A_3246 {add = true} : memref<16896xf32, #tpu.memory_space<vmem>>[vector<16xi32>], vector<16xf32>,
        %parallel_loop3A_3247 = arith.constant 9 : i32
        %parallel_loop3A_3248 = vector.broadcast %parallel_loop3A_3247 : i32 to vector<16xi32>
        %parallel_loop3A_3249 = arith.addi %parallel_loop3A_3210, %parallel_loop3A_3248 : vector<16xi32>
        %parallel_loop3A_3250 = arith.mulf %parallel_loop3A_2916, %parallel_loop3A_165 : vector<16xf32>
        tpu.vector_store_idx %arg21[%parallel_loop3A_3249], %parallel_loop3A_3250 {add = true} : memref<16896xf32, #tpu.memory_space<vmem>>[vector<16xi32>], vector<16xf32>,
        %parallel_loop3A_3251 = arith.constant 10 : i32
        %parallel_loop3A_3252 = vector.broadcast %parallel_loop3A_3251 : i32 to vector<16xi32>
        %parallel_loop3A_3253 = arith.addi %parallel_loop3A_3210, %parallel_loop3A_3252 : vector<16xi32>
        %parallel_loop3A_3254 = arith.mulf %parallel_loop3A_2916, %parallel_loop3A_169 : vector<16xf32>
        tpu.vector_store_idx %arg21[%parallel_loop3A_3253], %parallel_loop3A_3254 {add = true} : memref<16896xf32, #tpu.memory_space<vmem>>[vector<16xi32>], vector<16xf32>,
        %parallel_loop3A_3255 = arith.constant 11 : i32
        %parallel_loop3A_3256 = vector.broadcast %parallel_loop3A_3255 : i32 to vector<16xi32>
        %parallel_loop3A_3257 = arith.addi %parallel_loop3A_3210, %parallel_loop3A_3256 : vector<16xi32>
        %parallel_loop3A_3258 = arith.mulf %parallel_loop3A_2916, %parallel_loop3A_173 : vector<16xf32>
        tpu.vector_store_idx %arg21[%parallel_loop3A_3257], %parallel_loop3A_3258 {add = true} : memref<16896xf32, #tpu.memory_space<vmem>>[vector<16xi32>], vector<16xf32>,
        %parallel_loop3A_3259 = arith.constant 12 : i32
        %parallel_loop3A_3260 = vector.broadcast %parallel_loop3A_3259 : i32 to vector<16xi32>
        %parallel_loop3A_3261 = arith.addi %parallel_loop3A_3210, %parallel_loop3A_3260 : vector<16xi32>
        %parallel_loop3A_3262 = arith.mulf %parallel_loop3A_2916, %parallel_loop3A_177 : vector<16xf32>
        tpu.vector_store_idx %arg21[%parallel_loop3A_3261], %parallel_loop3A_3262 {add = true} : memref<16896xf32, #tpu.memory_space<vmem>>[vector<16xi32>], vector<16xf32>,
        %parallel_loop3A_3263 = arith.constant 13 : i32
        %parallel_loop3A_3264 = vector.broadcast %parallel_loop3A_3263 : i32 to vector<16xi32>
        %parallel_loop3A_3265 = arith.addi %parallel_loop3A_3210, %parallel_loop3A_3264 : vector<16xi32>
        %parallel_loop3A_3266 = arith.mulf %parallel_loop3A_2916, %parallel_loop3A_181 : vector<16xf32>
        tpu.vector_store_idx %arg21[%parallel_loop3A_3265], %parallel_loop3A_3266 {add = true} : memref<16896xf32, #tpu.memory_space<vmem>>[vector<16xi32>], vector<16xf32>,
        %parallel_loop3A_3267 = arith.constant 14 : i32
        %parallel_loop3A_3268 = vector.broadcast %parallel_loop3A_3267 : i32 to vector<16xi32>
        %parallel_loop3A_3269 = arith.addi %parallel_loop3A_3210, %parallel_loop3A_3268 : vector<16xi32>
        %parallel_loop3A_3270 = arith.mulf %parallel_loop3A_2916, %parallel_loop3A_185 : vector<16xf32>
        tpu.vector_store_idx %arg21[%parallel_loop3A_3269], %parallel_loop3A_3270 {add = true} : memref<16896xf32, #tpu.memory_space<vmem>>[vector<16xi32>], vector<16xf32>,
        %parallel_loop3A_3271 = arith.constant 15 : i32
        %parallel_loop3A_3272 = vector.broadcast %parallel_loop3A_3271 : i32 to vector<16xi32>
        %parallel_loop3A_3273 = arith.addi %parallel_loop3A_3210, %parallel_loop3A_3272 : vector<16xi32>
        %parallel_loop3A_3274 = arith.mulf %parallel_loop3A_2916, %parallel_loop3A_189 : vector<16xf32>
        tpu.vector_store_idx %arg21[%parallel_loop3A_3273], %parallel_loop3A_3274 {add = true} : memref<16896xf32, #tpu.memory_space<vmem>>[vector<16xi32>], vector<16xf32>,
        %parallel_loop3A_3275 = arith.constant 16 : i32
        %parallel_loop3A_3276 = vector.broadcast %parallel_loop3A_3275 : i32 to vector<16xi32>
        %parallel_loop3A_3277 = arith.addi %parallel_loop3A_3210, %parallel_loop3A_3276 : vector<16xi32>
        %parallel_loop3A_3278 = arith.mulf %parallel_loop3A_2916, %parallel_loop3A_193 : vector<16xf32>
        tpu.vector_store_idx %arg21[%parallel_loop3A_3277], %parallel_loop3A_3278 {add = true} : memref<16896xf32, #tpu.memory_space<vmem>>[vector<16xi32>], vector<16xf32>,
        %parallel_loop3A_3279 = arith.constant 17 : i32
        %parallel_loop3A_3280 = vector.broadcast %parallel_loop3A_3279 : i32 to vector<16xi32>
        %parallel_loop3A_3281 = arith.addi %parallel_loop3A_3210, %parallel_loop3A_3280 : vector<16xi32>
        %parallel_loop3A_3282 = arith.mulf %parallel_loop3A_2916, %parallel_loop3A_197 : vector<16xf32>
        tpu.vector_store_idx %arg21[%parallel_loop3A_3281], %parallel_loop3A_3282 {add = true} : memref<16896xf32, #tpu.memory_space<vmem>>[vector<16xi32>], vector<16xf32>,
        %parallel_loop3A_3283 = arith.constant 18 : i32
        %parallel_loop3A_3284 = vector.broadcast %parallel_loop3A_3283 : i32 to vector<16xi32>
        %parallel_loop3A_3285 = arith.addi %parallel_loop3A_3210, %parallel_loop3A_3284 : vector<16xi32>
        %parallel_loop3A_3286 = arith.mulf %parallel_loop3A_2916, %parallel_loop3A_201 : vector<16xf32>
        tpu.vector_store_idx %arg21[%parallel_loop3A_3285], %parallel_loop3A_3286 {add = true} : memref<16896xf32, #tpu.memory_space<vmem>>[vector<16xi32>], vector<16xf32>,
        %parallel_loop3A_3287 = arith.constant 19 : i32
        %parallel_loop3A_3288 = vector.broadcast %parallel_loop3A_3287 : i32 to vector<16xi32>
        %parallel_loop3A_3289 = arith.addi %parallel_loop3A_3210, %parallel_loop3A_3288 : vector<16xi32>
        %parallel_loop3A_3290 = arith.mulf %parallel_loop3A_2916, %parallel_loop3A_205 : vector<16xf32>
        tpu.vector_store_idx %arg21[%parallel_loop3A_3289], %parallel_loop3A_3290 {add = true} : memref<16896xf32, #tpu.memory_space<vmem>>[vector<16xi32>], vector<16xf32>,
        %parallel_loop3A_3291 = arith.constant 20 : i32
        %parallel_loop3A_3292 = vector.broadcast %parallel_loop3A_3291 : i32 to vector<16xi32>
        %parallel_loop3A_3293 = arith.addi %parallel_loop3A_3210, %parallel_loop3A_3292 : vector<16xi32>
        %parallel_loop3A_3294 = arith.mulf %parallel_loop3A_2916, %parallel_loop3A_209 : vector<16xf32>
        tpu.vector_store_idx %arg21[%parallel_loop3A_3293], %parallel_loop3A_3294 {add = true} : memref<16896xf32, #tpu.memory_space<vmem>>[vector<16xi32>], vector<16xf32>,
        %parallel_loop3A_3295 = arith.constant 21 : i32
        %parallel_loop3A_3296 = vector.broadcast %parallel_loop3A_3295 : i32 to vector<16xi32>
        %parallel_loop3A_3297 = arith.addi %parallel_loop3A_3210, %parallel_loop3A_3296 : vector<16xi32>
        %parallel_loop3A_3298 = arith.mulf %parallel_loop3A_2916, %parallel_loop3A_213 : vector<16xf32>
        tpu.vector_store_idx %arg21[%parallel_loop3A_3297], %parallel_loop3A_3298 {add = true} : memref<16896xf32, #tpu.memory_space<vmem>>[vector<16xi32>], vector<16xf32>,
        %parallel_loop3A_3299 = arith.constant 22 : i32
        %parallel_loop3A_3300 = vector.broadcast %parallel_loop3A_3299 : i32 to vector<16xi32>
        %parallel_loop3A_3301 = arith.addi %parallel_loop3A_3210, %parallel_loop3A_3300 : vector<16xi32>
        %parallel_loop3A_3302 = arith.mulf %parallel_loop3A_2916, %parallel_loop3A_217 : vector<16xf32>
        tpu.vector_store_idx %arg21[%parallel_loop3A_3301], %parallel_loop3A_3302 {add = true} : memref<16896xf32, #tpu.memory_space<vmem>>[vector<16xi32>], vector<16xf32>,
        %parallel_loop3A_3303 = arith.constant 23 : i32
        %parallel_loop3A_3304 = vector.broadcast %parallel_loop3A_3303 : i32 to vector<16xi32>
        %parallel_loop3A_3305 = arith.addi %parallel_loop3A_3210, %parallel_loop3A_3304 : vector<16xi32>
        %parallel_loop3A_3306 = arith.mulf %parallel_loop3A_2916, %parallel_loop3A_221 : vector<16xf32>
        tpu.vector_store_idx %arg21[%parallel_loop3A_3305], %parallel_loop3A_3306 {add = true} : memref<16896xf32, #tpu.memory_space<vmem>>[vector<16xi32>], vector<16xf32>,
        %parallel_loop3A_3307 = arith.constant 24 : i32
        %parallel_loop3A_3308 = vector.broadcast %parallel_loop3A_3307 : i32 to vector<16xi32>
        %parallel_loop3A_3309 = arith.addi %parallel_loop3A_3210, %parallel_loop3A_3308 : vector<16xi32>
        %parallel_loop3A_3310 = arith.mulf %parallel_loop3A_2916, %parallel_loop3A_225 : vector<16xf32>
        tpu.vector_store_idx %arg21[%parallel_loop3A_3309], %parallel_loop3A_3310 {add = true} : memref<16896xf32, #tpu.memory_space<vmem>>[vector<16xi32>], vector<16xf32>,
        %parallel_loop3A_3311 = arith.constant 25 : i32
        %parallel_loop3A_3312 = vector.broadcast %parallel_loop3A_3311 : i32 to vector<16xi32>
        %parallel_loop3A_3313 = arith.addi %parallel_loop3A_3210, %parallel_loop3A_3312 : vector<16xi32>
        %parallel_loop3A_3314 = arith.mulf %parallel_loop3A_2916, %parallel_loop3A_229 : vector<16xf32>
        tpu.vector_store_idx %arg21[%parallel_loop3A_3313], %parallel_loop3A_3314 {add = true} : memref<16896xf32, #tpu.memory_space<vmem>>[vector<16xi32>], vector<16xf32>,
        %parallel_loop3A_3315 = arith.constant 26 : i32
        %parallel_loop3A_3316 = vector.broadcast %parallel_loop3A_3315 : i32 to vector<16xi32>
        %parallel_loop3A_3317 = arith.addi %parallel_loop3A_3210, %parallel_loop3A_3316 : vector<16xi32>
        %parallel_loop3A_3318 = arith.mulf %parallel_loop3A_2916, %parallel_loop3A_233 : vector<16xf32>
        tpu.vector_store_idx %arg21[%parallel_loop3A_3317], %parallel_loop3A_3318 {add = true} : memref<16896xf32, #tpu.memory_space<vmem>>[vector<16xi32>], vector<16xf32>,
        %parallel_loop3A_3319 = arith.constant 27 : i32
        %parallel_loop3A_3320 = vector.broadcast %parallel_loop3A_3319 : i32 to vector<16xi32>
        %parallel_loop3A_3321 = arith.addi %parallel_loop3A_3210, %parallel_loop3A_3320 : vector<16xi32>
        %parallel_loop3A_3322 = arith.mulf %parallel_loop3A_2916, %parallel_loop3A_237 : vector<16xf32>
        tpu.vector_store_idx %arg21[%parallel_loop3A_3321], %parallel_loop3A_3322 {add = true} : memref<16896xf32, #tpu.memory_space<vmem>>[vector<16xi32>], vector<16xf32>,
        %parallel_loop3A_3323 = arith.constant 28 : i32
        %parallel_loop3A_3324 = vector.broadcast %parallel_loop3A_3323 : i32 to vector<16xi32>
        %parallel_loop3A_3325 = arith.addi %parallel_loop3A_3210, %parallel_loop3A_3324 : vector<16xi32>
        %parallel_loop3A_3326 = arith.mulf %parallel_loop3A_2916, %parallel_loop3A_241 : vector<16xf32>
        tpu.vector_store_idx %arg21[%parallel_loop3A_3325], %parallel_loop3A_3326 {add = true} : memref<16896xf32, #tpu.memory_space<vmem>>[vector<16xi32>], vector<16xf32>,
        %parallel_loop3A_3327 = arith.constant 29 : i32
        %parallel_loop3A_3328 = vector.broadcast %parallel_loop3A_3327 : i32 to vector<16xi32>
        %parallel_loop3A_3329 = arith.addi %parallel_loop3A_3210, %parallel_loop3A_3328 : vector<16xi32>
        %parallel_loop3A_3330 = arith.mulf %parallel_loop3A_2916, %parallel_loop3A_245 : vector<16xf32>
        tpu.vector_store_idx %arg21[%parallel_loop3A_3329], %parallel_loop3A_3330 {add = true} : memref<16896xf32, #tpu.memory_space<vmem>>[vector<16xi32>], vector<16xf32>,
        %parallel_loop3A_3331 = arith.constant 30 : i32
        %parallel_loop3A_3332 = vector.broadcast %parallel_loop3A_3331 : i32 to vector<16xi32>
        %parallel_loop3A_3333 = arith.addi %parallel_loop3A_3210, %parallel_loop3A_3332 : vector<16xi32>
        %parallel_loop3A_3334 = arith.mulf %parallel_loop3A_2916, %parallel_loop3A_249 : vector<16xf32>
        tpu.vector_store_idx %arg21[%parallel_loop3A_3333], %parallel_loop3A_3334 {add = true} : memref<16896xf32, #tpu.memory_space<vmem>>[vector<16xi32>], vector<16xf32>,
        %parallel_loop3A_3335 = arith.constant 31 : i32
        %parallel_loop3A_3336 = vector.broadcast %parallel_loop3A_3335 : i32 to vector<16xi32>
        %parallel_loop3A_3337 = arith.addi %parallel_loop3A_3210, %parallel_loop3A_3336 : vector<16xi32>
        %parallel_loop3A_3338 = arith.mulf %parallel_loop3A_2916, %parallel_loop3A_253 : vector<16xf32>
        tpu.vector_store_idx %arg21[%parallel_loop3A_3337], %parallel_loop3A_3338 {add = true} : memref<16896xf32, #tpu.memory_space<vmem>>[vector<16xi32>], vector<16xf32>,
        %parallel_loop3A_3339 = arith.constant 1.000000e+00 : f32
        %parallel_loop3A_3340 = vector.broadcast %parallel_loop3A_3339 : f32 to vector<16xf32>
        %parallel_loop3A_3341 = arith.constant 64 : i32
        %parallel_loop3A_3342 = vector.broadcast %parallel_loop3A_3341 : i32 to vector<16xi32>
        %parallel_loop3A_3343 = arith.muli %parallel_loop3A_256, %parallel_loop3A_3342 : vector<16xi32>
        %parallel_loop3A_3344 = arith.addi %parallel_loop3A_3343, %parallel_loop3A_121 : vector<16xi32>
        tpu.vector_store_idx %arg22[%parallel_loop3A_3344], %parallel_loop3A_3340 {add = true} : memref<32768xf32, #tpu.memory_space<vmem>>[vector<16xi32>], vector<16xf32>,
        %parallel_loop3A_3345 = arith.constant 64 : i32
        %parallel_loop3A_3346 = vector.broadcast %parallel_loop3A_3345 : i32 to vector<16xi32>
        %parallel_loop3A_3347 = arith.muli %parallel_loop3A_259, %parallel_loop3A_3346 : vector<16xi32>
        %parallel_loop3A_3348 = arith.addi %parallel_loop3A_3347, %parallel_loop3A_121 : vector<16xi32>
        tpu.vector_store_idx %arg22[%parallel_loop3A_3348], %parallel_loop3A_3340 {add = true} : memref<32768xf32, #tpu.memory_space<vmem>>[vector<16xi32>], vector<16xf32>,
        %parallel_loop3A_3349 = arith.constant 64 : i32
        %parallel_loop3A_3350 = vector.broadcast %parallel_loop3A_3349 : i32 to vector<16xi32>
        %parallel_loop3A_3351 = arith.muli %parallel_loop3A_262, %parallel_loop3A_3350 : vector<16xi32>
        %parallel_loop3A_3352 = arith.addi %parallel_loop3A_3351, %parallel_loop3A_121 : vector<16xi32>
        tpu.vector_store_idx %arg22[%parallel_loop3A_3352], %parallel_loop3A_3340 {add = true} : memref<32768xf32, #tpu.memory_space<vmem>>[vector<16xi32>], vector<16xf32>,
        %parallel_loop3A_3353 = arith.constant 64 : i32
        %parallel_loop3A_3354 = vector.broadcast %parallel_loop3A_3353 : i32 to vector<16xi32>
        %parallel_loop3A_3355 = arith.muli %parallel_loop3A_265, %parallel_loop3A_3354 : vector<16xi32>
        %parallel_loop3A_3356 = arith.addi %parallel_loop3A_3355, %parallel_loop3A_121 : vector<16xi32>
        tpu.vector_store_idx %arg22[%parallel_loop3A_3356], %parallel_loop3A_3340 {add = true} : memref<32768xf32, #tpu.memory_space<vmem>>[vector<16xi32>], vector<16xf32>,
        %parallel_loop3A_3357 = arith.constant 64 : i32
        %parallel_loop3A_3358 = vector.broadcast %parallel_loop3A_3357 : i32 to vector<16xi32>
        %parallel_loop3A_3359 = arith.muli %parallel_loop3A_268, %parallel_loop3A_3358 : vector<16xi32>
        %parallel_loop3A_3360 = arith.addi %parallel_loop3A_3359, %parallel_loop3A_121 : vector<16xi32>
        tpu.vector_store_idx %arg22[%parallel_loop3A_3360], %parallel_loop3A_3340 {add = true} : memref<32768xf32, #tpu.memory_space<vmem>>[vector<16xi32>], vector<16xf32>,
        %parallel_loop3A_3361 = arith.constant 64 : i32
        %parallel_loop3A_3362 = vector.broadcast %parallel_loop3A_3361 : i32 to vector<16xi32>
        %parallel_loop3A_3363 = arith.muli %parallel_loop3A_271, %parallel_loop3A_3362 : vector<16xi32>
        %parallel_loop3A_3364 = arith.addi %parallel_loop3A_3363, %parallel_loop3A_121 : vector<16xi32>
        tpu.vector_store_idx %arg22[%parallel_loop3A_3364], %parallel_loop3A_3340 {add = true} : memref<32768xf32, #tpu.memory_space<vmem>>[vector<16xi32>], vector<16xf32>,
        %parallel_loop3A_3365 = arith.constant 64 : i32
        %parallel_loop3A_3366 = vector.broadcast %parallel_loop3A_3365 : i32 to vector<16xi32>
        %parallel_loop3A_3367 = arith.muli %parallel_loop3A_274, %parallel_loop3A_3366 : vector<16xi32>
        %parallel_loop3A_3368 = arith.addi %parallel_loop3A_3367, %parallel_loop3A_121 : vector<16xi32>
        tpu.vector_store_idx %arg22[%parallel_loop3A_3368], %parallel_loop3A_3340 {add = true} : memref<32768xf32, #tpu.memory_space<vmem>>[vector<16xi32>], vector<16xf32>,
        %parallel_loop3A_3369 = arith.constant 64 : i32
        %parallel_loop3A_3370 = vector.broadcast %parallel_loop3A_3369 : i32 to vector<16xi32>
        %parallel_loop3A_3371 = arith.muli %parallel_loop3A_277, %parallel_loop3A_3370 : vector<16xi32>
        %parallel_loop3A_3372 = arith.addi %parallel_loop3A_3371, %parallel_loop3A_121 : vector<16xi32>
        tpu.vector_store_idx %arg22[%parallel_loop3A_3372], %parallel_loop3A_3340 {add = true} : memref<32768xf32, #tpu.memory_space<vmem>>[vector<16xi32>], vector<16xf32>,
        %parallel_loop3A_3373 = arith.constant 64 : i32
        %parallel_loop3A_3374 = vector.broadcast %parallel_loop3A_3373 : i32 to vector<16xi32>
        %parallel_loop3A_3375 = arith.muli %parallel_loop3A_280, %parallel_loop3A_3374 : vector<16xi32>
        %parallel_loop3A_3376 = arith.addi %parallel_loop3A_3375, %parallel_loop3A_121 : vector<16xi32>
        tpu.vector_store_idx %arg22[%parallel_loop3A_3376], %parallel_loop3A_3340 {add = true} : memref<32768xf32, #tpu.memory_space<vmem>>[vector<16xi32>], vector<16xf32>,
        %parallel_loop3A_3377 = arith.constant 64 : i32
        %parallel_loop3A_3378 = vector.broadcast %parallel_loop3A_3377 : i32 to vector<16xi32>
        %parallel_loop3A_3379 = arith.muli %parallel_loop3A_299, %parallel_loop3A_3378 : vector<16xi32>
        %parallel_loop3A_3380 = arith.addi %parallel_loop3A_3379, %parallel_loop3A_121 : vector<16xi32>
        tpu.vector_store_idx %arg22[%parallel_loop3A_3380], %parallel_loop3A_3340 {add = true} : memref<32768xf32, #tpu.memory_space<vmem>>[vector<16xi32>], vector<16xf32>,
        %parallel_loop3A_3381 = arith.addf %parallel_loop3A_115, %parallel_loop3A_2945 : vector<16xf32>
        scf.yield %parallel_loop3A_3381 : vector<16xf32>
      } {sc.loop_unroll_factor = 1 : i64, sc.parallel_access}
      "tpu.region"() ({
        %run_scoped3A = tpu.sem_alloc : memref<!tpu.dma_semaphore, #tpu.memory_space<semaphore_mem>>
        %dma_start3A = arith.constant 0 : i32
        %dma_start3A_114 = tpu.memref_slice %arg9[%dma_start3A, %add3A_110] : memref<3x131072xi32, #tpu.memory_space<hbm>> -> memref<3x512xi32, #tpu.memory_space<hbm>>
        %dma_start3A_115 = arith.constant 0 : i32
        %dma_start3A_116 = tpu.memref_slice %arg9[%dma_start3A_115, %add3A_110] : memref<3x131072xi32, #tpu.memory_space<hbm>> -> memref<3x512xi32, #tpu.memory_space<hbm>>
        tpu.enqueue_dma source(%arg26 : memref<3x512xi32, #tpu.memory_space<vmem>>) target(%dma_start3A_116 : memref<3x512xi32, #tpu.memory_space<hbm>>) target_semaphore(%run_scoped3A : memref<!tpu.dma_semaphore, #tpu.memory_space<semaphore_mem>>)
        %dma_wait3A = arith.constant 0 : i32
        %dma_wait3A_117 = tpu.memref_slice %arg9[%dma_wait3A, %add3A_110] : memref<3x131072xi32, #tpu.memory_space<hbm>> -> memref<3x512xi32, #tpu.memory_space<hbm>>
        %dma_wait3A_118 = arith.constant 0 : i32
        %dma_wait3A_119 = tpu.memref_slice %arg9[%dma_wait3A_118, %add3A_110] : memref<3x131072xi32, #tpu.memory_space<hbm>> -> memref<3x512xi32, #tpu.memory_space<hbm>>
        tpu.wait_dma2 semaphore(%run_scoped3A : memref<!tpu.dma_semaphore, #tpu.memory_space<semaphore_mem>>) src(%arg26 : memref<3x512xi32, #tpu.memory_space<vmem>>) dst(%dma_wait3A_119 : memref<3x512xi32, #tpu.memory_space<hbm>>)
        tpu.yield
      }) : () -> ()
      "tpu.region"() ({
        %run_scoped3A = tpu.sem_alloc : memref<!tpu.dma_semaphore, #tpu.memory_space<semaphore_mem>>
        %dma_start3A = arith.constant 0 : i32
        %dma_start3A_114 = tpu.memref_slice %arg10[%dma_start3A, %add3A_110] : memref<3x131072xf32, #tpu.memory_space<hbm>> -> memref<3x512xf32, #tpu.memory_space<hbm>>
        %dma_start3A_115 = arith.constant 0 : i32
        %dma_start3A_116 = tpu.memref_slice %arg10[%dma_start3A_115, %add3A_110] : memref<3x131072xf32, #tpu.memory_space<hbm>> -> memref<3x512xf32, #tpu.memory_space<hbm>>
        tpu.enqueue_dma source(%arg27 : memref<3x512xf32, #tpu.memory_space<vmem>>) target(%dma_start3A_116 : memref<3x512xf32, #tpu.memory_space<hbm>>) target_semaphore(%run_scoped3A : memref<!tpu.dma_semaphore, #tpu.memory_space<semaphore_mem>>)
        %dma_wait3A = arith.constant 0 : i32
        %dma_wait3A_117 = tpu.memref_slice %arg10[%dma_wait3A, %add3A_110] : memref<3x131072xf32, #tpu.memory_space<hbm>> -> memref<3x512xf32, #tpu.memory_space<hbm>>
        %dma_wait3A_118 = arith.constant 0 : i32
        %dma_wait3A_119 = tpu.memref_slice %arg10[%dma_wait3A_118, %add3A_110] : memref<3x131072xf32, #tpu.memory_space<hbm>> -> memref<3x512xf32, #tpu.memory_space<hbm>>
        tpu.wait_dma2 semaphore(%run_scoped3A : memref<!tpu.dma_semaphore, #tpu.memory_space<semaphore_mem>>) src(%arg27 : memref<3x512xf32, #tpu.memory_space<vmem>>) dst(%dma_wait3A_119 : memref<3x512xf32, #tpu.memory_space<hbm>>)
        tpu.yield
      }) : () -> ()
      scf.yield %parallel_loop3A_113 : vector<16xf32>
    }
    %scan3A_101 = arith.constant 8 : i32
    %swap3A_102 = arith.constant 0 : index
    %swap3A_103 = tpu.vector_load %arg28[%swap3A_102] {strides = array<i32>} : memref<16xf32, #tpu.memory_space<vmem>>, vector<16xf32>,
    tpu.vector_store %arg28[%swap3A_102], %scan3A_100 {strides = array<i32>} : memref<16xf32, #tpu.memory_space<vmem>>, vector<16xf32>,
    "tpu.region"() ({
      %run_scoped3A = tpu.sem_alloc : memref<!tpu.dma_semaphore, #tpu.memory_space<semaphore_mem>>
      %dma_start3A = arith.constant 0 : i32
      %dma_start3A_104 = tpu.memref_slice %arg11[%add3A, %dma_start3A] : memref<32x512xf32, #tpu.memory_space<hbm>> -> memref<1x512xf32, #tpu.memory_space<hbm>>
      %dma_start3A_105 = tpu.memref_squeeze %dma_start3A_104 : memref<1x512xf32, #tpu.memory_space<hbm>> -> memref<512xf32, #tpu.memory_space<hbm>>
      %dma_start3A_106 = arith.constant 0 : i32
      %dma_start3A_107 = tpu.memref_slice %arg11[%add3A, %dma_start3A_106] : memref<32x512xf32, #tpu.memory_space<hbm>> -> memref<1x512xf32, #tpu.memory_space<hbm>>
      %dma_start3A_108 = tpu.memref_squeeze %dma_start3A_107 : memref<1x512xf32, #tpu.memory_space<hbm>> -> memref<512xf32, #tpu.memory_space<hbm>>
      tpu.enqueue_dma source(%arg20 : memref<512xf32, #tpu.memory_space<vmem>>) target(%dma_start3A_108 : memref<512xf32, #tpu.memory_space<hbm>>) target_semaphore(%run_scoped3A : memref<!tpu.dma_semaphore, #tpu.memory_space<semaphore_mem>>)
      %dma_wait3A = arith.constant 0 : i32
      %dma_wait3A_109 = tpu.memref_slice %arg11[%add3A, %dma_wait3A] : memref<32x512xf32, #tpu.memory_space<hbm>> -> memref<1x512xf32, #tpu.memory_space<hbm>>
      %dma_wait3A_110 = tpu.memref_squeeze %dma_wait3A_109 : memref<1x512xf32, #tpu.memory_space<hbm>> -> memref<512xf32, #tpu.memory_space<hbm>>
      %dma_wait3A_111 = arith.constant 0 : i32
      %dma_wait3A_112 = tpu.memref_slice %arg11[%add3A, %dma_wait3A_111] : memref<32x512xf32, #tpu.memory_space<hbm>> -> memref<1x512xf32, #tpu.memory_space<hbm>>
      %dma_wait3A_113 = tpu.memref_squeeze %dma_wait3A_112 : memref<1x512xf32, #tpu.memory_space<hbm>> -> memref<512xf32, #tpu.memory_space<hbm>>
      tpu.wait_dma2 semaphore(%run_scoped3A : memref<!tpu.dma_semaphore, #tpu.memory_space<semaphore_mem>>) src(%arg20 : memref<512xf32, #tpu.memory_space<vmem>>) dst(%dma_wait3A_113 : memref<512xf32, #tpu.memory_space<hbm>>)
      tpu.yield
    }) : () -> ()
    "tpu.region"() ({
      %run_scoped3A = tpu.sem_alloc : memref<!tpu.dma_semaphore, #tpu.memory_space<semaphore_mem>>
      %dma_start3A = arith.constant 0 : i32
      %dma_start3A_104 = tpu.memref_slice %arg12[%add3A, %dma_start3A] : memref<32x16896xf32, #tpu.memory_space<hbm>> -> memref<1x16896xf32, #tpu.memory_space<hbm>>
      %dma_start3A_105 = tpu.memref_squeeze %dma_start3A_104 : memref<1x16896xf32, #tpu.memory_space<hbm>> -> memref<16896xf32, #tpu.memory_space<hbm>>
      %dma_start3A_106 = arith.constant 0 : i32
      %dma_start3A_107 = tpu.memref_slice %arg12[%add3A, %dma_start3A_106] : memref<32x16896xf32, #tpu.memory_space<hbm>> -> memref<1x16896xf32, #tpu.memory_space<hbm>>
      %dma_start3A_108 = tpu.memref_squeeze %dma_start3A_107 : memref<1x16896xf32, #tpu.memory_space<hbm>> -> memref<16896xf32, #tpu.memory_space<hbm>>
      tpu.enqueue_dma source(%arg21 : memref<16896xf32, #tpu.memory_space<vmem>>) target(%dma_start3A_108 : memref<16896xf32, #tpu.memory_space<hbm>>) target_semaphore(%run_scoped3A : memref<!tpu.dma_semaphore, #tpu.memory_space<semaphore_mem>>)
      %dma_wait3A = arith.constant 0 : i32
      %dma_wait3A_109 = tpu.memref_slice %arg12[%add3A, %dma_wait3A] : memref<32x16896xf32, #tpu.memory_space<hbm>> -> memref<1x16896xf32, #tpu.memory_space<hbm>>
      %dma_wait3A_110 = tpu.memref_squeeze %dma_wait3A_109 : memref<1x16896xf32, #tpu.memory_space<hbm>> -> memref<16896xf32, #tpu.memory_space<hbm>>
      %dma_wait3A_111 = arith.constant 0 : i32
      %dma_wait3A_112 = tpu.memref_slice %arg12[%add3A, %dma_wait3A_111] : memref<32x16896xf32, #tpu.memory_space<hbm>> -> memref<1x16896xf32, #tpu.memory_space<hbm>>
      %dma_wait3A_113 = tpu.memref_squeeze %dma_wait3A_112 : memref<1x16896xf32, #tpu.memory_space<hbm>> -> memref<16896xf32, #tpu.memory_space<hbm>>
      tpu.wait_dma2 semaphore(%run_scoped3A : memref<!tpu.dma_semaphore, #tpu.memory_space<semaphore_mem>>) src(%arg21 : memref<16896xf32, #tpu.memory_space<vmem>>) dst(%dma_wait3A_113 : memref<16896xf32, #tpu.memory_space<hbm>>)
      tpu.yield
    }) : () -> ()
    "tpu.region"() ({
      %run_scoped3A = tpu.sem_alloc : memref<!tpu.dma_semaphore, #tpu.memory_space<semaphore_mem>>
      %dma_start3A = arith.constant 0 : i32
      %dma_start3A_104 = tpu.memref_slice %arg13[%add3A, %dma_start3A] : memref<32x32768xf32, #tpu.memory_space<hbm>> -> memref<1x32768xf32, #tpu.memory_space<hbm>>
      %dma_start3A_105 = tpu.memref_squeeze %dma_start3A_104 : memref<1x32768xf32, #tpu.memory_space<hbm>> -> memref<32768xf32, #tpu.memory_space<hbm>>
      %dma_start3A_106 = arith.constant 0 : i32
      %dma_start3A_107 = tpu.memref_slice %arg13[%add3A, %dma_start3A_106] : memref<32x32768xf32, #tpu.memory_space<hbm>> -> memref<1x32768xf32, #tpu.memory_space<hbm>>
      %dma_start3A_108 = tpu.memref_squeeze %dma_start3A_107 : memref<1x32768xf32, #tpu.memory_space<hbm>> -> memref<32768xf32, #tpu.memory_space<hbm>>
      tpu.enqueue_dma source(%arg22 : memref<32768xf32, #tpu.memory_space<vmem>>) target(%dma_start3A_108 : memref<32768xf32, #tpu.memory_space<hbm>>) target_semaphore(%run_scoped3A : memref<!tpu.dma_semaphore, #tpu.memory_space<semaphore_mem>>)
      %dma_wait3A = arith.constant 0 : i32
      %dma_wait3A_109 = tpu.memref_slice %arg13[%add3A, %dma_wait3A] : memref<32x32768xf32, #tpu.memory_space<hbm>> -> memref<1x32768xf32, #tpu.memory_space<hbm>>
      %dma_wait3A_110 = tpu.memref_squeeze %dma_wait3A_109 : memref<1x32768xf32, #tpu.memory_space<hbm>> -> memref<32768xf32, #tpu.memory_space<hbm>>
      %dma_wait3A_111 = arith.constant 0 : i32
      %dma_wait3A_112 = tpu.memref_slice %arg13[%add3A, %dma_wait3A_111] : memref<32x32768xf32, #tpu.memory_space<hbm>> -> memref<1x32768xf32, #tpu.memory_space<hbm>>
      %dma_wait3A_113 = tpu.memref_squeeze %dma_wait3A_112 : memref<1x32768xf32, #tpu.memory_space<hbm>> -> memref<32768xf32, #tpu.memory_space<hbm>>
      tpu.wait_dma2 semaphore(%run_scoped3A : memref<!tpu.dma_semaphore, #tpu.memory_space<semaphore_mem>>) src(%arg22 : memref<32768xf32, #tpu.memory_space<vmem>>) dst(%dma_wait3A_113 : memref<32768xf32, #tpu.memory_space<hbm>>)
      tpu.yield
    }) : () -> ()
    "tpu.region"() ({
      %run_scoped3A = tpu.sem_alloc : memref<!tpu.dma_semaphore, #tpu.memory_space<semaphore_mem>>
      %dma_start3A = arith.constant 0 : i32
      %dma_start3A_104 = tpu.memref_slice %arg14[%add3A, %dma_start3A] : memref<32x16xf32, #tpu.memory_space<hbm>> -> memref<1x16xf32, #tpu.memory_space<hbm>>
      %dma_start3A_105 = tpu.memref_squeeze %dma_start3A_104 : memref<1x16xf32, #tpu.memory_space<hbm>> -> memref<16xf32, #tpu.memory_space<hbm>>
      %dma_start3A_106 = arith.constant 0 : i32
      %dma_start3A_107 = tpu.memref_slice %arg14[%add3A, %dma_start3A_106] : memref<32x16xf32, #tpu.memory_space<hbm>> -> memref<1x16xf32, #tpu.memory_space<hbm>>
      %dma_start3A_108 = tpu.memref_squeeze %dma_start3A_107 : memref<1x16xf32, #tpu.memory_space<hbm>> -> memref<16xf32, #tpu.memory_space<hbm>>
      tpu.enqueue_dma source(%arg28 : memref<16xf32, #tpu.memory_space<vmem>>) target(%dma_start3A_108 : memref<16xf32, #tpu.memory_space<hbm>>) target_semaphore(%run_scoped3A : memref<!tpu.dma_semaphore, #tpu.memory_space<semaphore_mem>>)
      %dma_wait3A = arith.constant 0 : i32
      %dma_wait3A_109 = tpu.memref_slice %arg14[%add3A, %dma_wait3A] : memref<32x16xf32, #tpu.memory_space<hbm>> -> memref<1x16xf32, #tpu.memory_space<hbm>>
      %dma_wait3A_110 = tpu.memref_squeeze %dma_wait3A_109 : memref<1x16xf32, #tpu.memory_space<hbm>> -> memref<16xf32, #tpu.memory_space<hbm>>
      %dma_wait3A_111 = arith.constant 0 : i32
      %dma_wait3A_112 = tpu.memref_slice %arg14[%add3A, %dma_wait3A_111] : memref<32x16xf32, #tpu.memory_space<hbm>> -> memref<1x16xf32, #tpu.memory_space<hbm>>
      %dma_wait3A_113 = tpu.memref_squeeze %dma_wait3A_112 : memref<1x16xf32, #tpu.memory_space<hbm>> -> memref<16xf32, #tpu.memory_space<hbm>>
      tpu.wait_dma2 semaphore(%run_scoped3A : memref<!tpu.dma_semaphore, #tpu.memory_space<semaphore_mem>>) src(%arg28 : memref<16xf32, #tpu.memory_space<vmem>>) dst(%dma_wait3A_113 : memref<16xf32, #tpu.memory_space<hbm>>)
      tpu.yield
    }) : () -> ()
    return
  }
}

</mosaic_0001>

<sc_bundles>
// kernel: kernel.3.cloned.1.call-start
scs
__scs_entry_jumppad:
0x0: {  	(pc) =	sbr.rel $0x88, $3  }
0x1: {  	(tag) =	ssettag $0x0;
	lr =	simm.s32 $0x1  }
0x2: {  	[smem:$0x3F9A] =	sst lr;
	_ =	strace $0xD0000000  }
0x3: {  	_ = 	snop  }
0x4: {  	_ = 	snop  }
0x5: {  	_ = 	snop  }
0x6: {  	_ = 	snop  }
0x7: {  	_ = 	snop  }
__scs_overlays_trampoline_lowered:
0x8: {  	[smem:$0x3FA9] =	sst s0  }
0x9: {  	[smem:$0x3FAA] =	sst s1  }
0xa: {  	[smem:$0x3FAB] =	sst s2  }
0xb: {  	[smem:$0x3FAC] =	sst s3  }
0xc: {  	[smem:$0x3FAD] =	sst s4  }
0xd: {  	[smem:$0x3FAE] =	sst s5  }
0xe: {  	[smem:$0x3FAF] =	sst s6  }
0xf: {  	[smem:$0x3FB0] =	sst s7  }
0x10: {  	[smem:$0x3FB1] =	sst s8  }
0x11: {  	[smem:$0x3FB2] =	sst s9;
	s0 =	simm.s32 @!p0 $0x0  }
0x12: {  	s1 =	sld [smem:$0x3F98];
	s0 =	simm.s32 @p0 $0x1  }
0x13: {  	[smem:$0x3FB3] =	sst s0;
	s0 =	simm.s32 @!p1 $0x0  }
0x14: {  	s2 =	sld [smem:$0x3F97];
	s0 =	simm.s32 @p1 $0x1  }
0x15: {  	[smem:$0x3FB4] =	sst s0;
	s0 =	simm.s32 @!p2 $0x0  }
0x16: {  	s3 =	sld [smem:$0x3FDB];
	s0 =	simm.s32 @p2 $0x1  }
0x17: {  	s4 =	simm.s32 $0x1BF5;
	[smem:$0x3FB6] =	sst s0  }
0x18: {  	s0 =	sld [smem:$0x3F99];
	_ =	swait.ge [sflag:s4], $0x0  }
0x19: {  	s7 =	sld [smem:$0x3F9A]  }
0x1a: {  	s8 =	sadd.s32 $0xFFFFE003, lr  }
0x1b: {  	s9 =	sadd.s32 $0xFFFFFEF7, lr;
	s5 =	simm.s32 $0xFFFFFFFF;
	p2 =	slt.u32 s8, $0xFFFFF086  }
0x1c: {  	p1 =	slt.u32 s9, $0xF7A;
	s5 =	simm.s32 @!p2 $0x0  }
0x1d: {  	s5 =	simm.s32 @p1 $0x1;
	p0 =	seq.s32 s7, s2  }
0x1e: {  	s7 =	smul.u32 @!p0 $0xF7A, s2;
	p2 =	seq.s32 @!p0 s5, $0x0  }
0x1f: {  	s9 =	smul.u32 $0xF7A, s1;
	s8 =	simm.s32 @!p0 $0x1BF5;
	p2 =	por !p2, p0  }
0x20: {  	[sflag:s8] =	ssyncset.s32 @!p0 $0xFFFFF086;
	s6 =	sadd.s32 @!p0 s3, s7;
	s7 =	simm.s32 @!p0 $0x108  }
0x21: {  	s3 =	sadd.s32 s3, s9;
	s6 =	sadd.s32 @!p0 $0x88, s6;
	s7 =	simm.s32 @p2 $0x1082  }
0x22: {  	[simem:s7], [sflag:s8] =	dma.local @!p0 [hbm:s6], $0xF7A  }
0x23: {  	s9 =	sor.u32 $0xD0000000, s2;
	s6 =	simm.s32 $0x108;
	_ =	swait.ge @!p0 [sflag:s8], $0x0  }
0x24: {  	s3 =	sadd.s32 $0x88, s3;
	s6 =	simm.s32 @!p1 $0x1082;
	[sflag:s4] =	ssyncset.s32 $0xFFFFF086  }
0x25: {  	[simem:s6], [sflag:s4] =	dma.local [hbm:s3], $0xF7A  }
0x26: {  	[smem:$0x3F9A] =	sst s1;
	(tag) =	ssettag s2;
	_ =	strace s9  }
0x27: {  	s1 =	sld [smem:$0x3FAA]  }
0x28: {  	s2 =	sld [smem:$0x3FAB]  }
0x29: {  	s4 =	sld [smem:$0x3FAD]  }
0x2a: {  	p0 =	seq.s32 s5, $0x0;
	s5 =	sld [smem:$0x3FAE]  }
0x2b: {  	s6 =	sld [smem:$0x3FAF]  }
0x2c: {  	s7 =	sld [smem:$0x3FB0]  }
0x2d: {  	s3 =	simm.s32 $0x108;
	s8 =	sld [smem:$0x3FB1]  }
0x2e: {  	s3 =	simm.s32 @!p0 $0x1082;
	s9 =	sld [smem:$0x3FB2]  }
0x2f: {  	lr =	sadd.s32 s0, s3;
	s0 =	sld [smem:$0x3FA9]  }
0x30: {  	s3 =	sld [smem:$0x3FAC]  }
0x31: {  	[smem:$0x3FB5] =	sst s10  }
0x32: {  	s10 =	sld [smem:$0x3FB3];
	_ =	sdelay $0x3  }
0x33: {  	p0 =	seq.s32 s10, $0x1;
	s10 =	sld [smem:$0x3FB5];
	_ =	sdelay $0x3  }
0x34: {  	[smem:$0x3FB5] =	sst s10  }
0x35: {  	s10 =	sld [smem:$0x3FB4];
	_ =	sdelay $0x3  }
0x36: {  	p1 =	seq.s32 s10, $0x1;
	s10 =	sld [smem:$0x3FB5];
	_ =	sdelay $0x3  }
0x37: {  	[smem:$0x3FB5] =	sst s10  }
0x38: {  	s10 =	sld [smem:$0x3FB6]  }
0x39: {  	_ = 	snop;
	(pc) =	sbr.ind lr, $3  }
0x3a: {  	_ = 	snop  }
0x3b: {  	_ = 	snop  }
0x3c: {  	p2 =	seq.s32 s10, $0x1;
	s10 =	sld [smem:$0x3FB5]  }
0x3d: {  	_ =	shalt  }
0x3e: {  	_ =	shalt  }
0x3f: {  	_ =	shalt  }
0x40: {  	_ =	shalt  }
0x41: {  	_ =	shalt  }
0x42: {  	_ =	shalt  }
0x43: {  	_ =	shalt  }
0x44: {  	_ =	shalt  }
0x45: {  	_ =	shalt  }
0x46: {  	_ =	shalt  }
0x47: {  	_ =	shalt  }
0x48: {  	_ =	shalt  }
0x49: {  	_ =	shalt  }
0x4a: {  	_ =	shalt  }
0x4b: {  	_ =	shalt  }
0x4c: {  	_ =	shalt  }
0x4d: {  	_ =	shalt  }
0x4e: {  	_ =	shalt  }
0x4f: {  	_ =	shalt  }
0x50: {  	_ =	shalt  }
0x51: {  	_ =	shalt  }
0x52: {  	_ =	shalt  }
0x53: {  	_ =	shalt  }
0x54: {  	_ =	shalt  }
0x55: {  	_ =	shalt  }
0x56: {  	_ =	shalt  }
0x57: {  	_ =	shalt  }
0x58: {  	_ =	shalt  }
0x59: {  	_ =	shalt  }
0x5a: {  	_ =	shalt  }
0x5b: {  	_ =	shalt  }
0x5c: {  	_ =	shalt  }
0x5d: {  	_ =	shalt  }
0x5e: {  	_ =	shalt  }
0x5f: {  	_ =	shalt  }
0x60: {  	_ =	shalt  }
0x61: {  	_ =	shalt  }
0x62: {  	_ =	shalt  }
0x63: {  	_ =	shalt  }
0x64: {  	_ =	shalt  }
0x65: {  	_ =	shalt  }
0x66: {  	_ =	shalt  }
0x67: {  	_ =	shalt  }
0x68: {  	_ =	shalt  }
0x69: {  	_ =	shalt  }
0x6a: {  	_ =	shalt  }
0x6b: {  	_ =	shalt  }
0x6c: {  	_ =	shalt  }
0x6d: {  	_ =	shalt  }
0x6e: {  	_ =	shalt  }
0x6f: {  	_ =	shalt  }
0x70: {  	_ =	shalt  }
0x71: {  	_ =	shalt  }
0x72: {  	_ =	shalt  }
0x73: {  	_ =	shalt  }
0x74: {  	_ =	shalt  }
0x75: {  	_ =	shalt  }
0x76: {  	_ =	shalt  }
0x77: {  	_ =	shalt  }
0x78: {  	_ =	shalt  }
0x79: {  	_ =	shalt  }
0x7a: {  	_ =	shalt  }
0x7b: {  	_ =	shalt  }
0x7c: {  	_ =	shalt  }
0x7d: {  	_ =	shalt  }
0x7e: {  	_ =	shalt  }
0x7f: {  	_ =	shalt  }
0x80: {  	_ =	shalt  }
0x81: {  	_ =	shalt  }
0x82: {  	_ =	shalt  }
0x83: {  	_ =	shalt  }
0x84: {  	_ =	shalt  }
0x85: {  	_ =	shalt  }
0x86: {  	_ =	shalt  }
0x87: {  	_ =	shalt  }
.Lfunc_end0:
.L_simem_size_0:
called_computation_lowered:
.L_overlay_start_0:
0x88: {  	s2 =	sld [smem:$0x3FD9]  }
0x89: {  	s3 =	sld [smem:$0x3FFE];
	_ =	sdelay $0x1  }
0x8a: {  	s1 =	srdreg.scid  }
0x8b: {  	s0 =	sand.u32 $0x1, s1  }
0x8c: {  	s14 =	sshll.u32 s0, $0xA;
	s2 =	sadd.s32 s3, s2  }
0x8d: {  	s2 =	sadd.s32 s2, s14  }
0x8e: {  	[smem:$0x3FC1] =	sst s2  }
0x8f: {  	_ = 	snop  }
0x90: {  	s2 =	sld [smem:$0x3FD0];
	_ =	sdelay $0x1  }
0x91: {  	s15 =	sld [smem:$0x3FC8]  }
0x92: {  	s5 =	simm.s32 $0xA;
	s6 =	simm.s32 $0x10;
	s4 =	sld [smem:$0x3FC7]  }
0x93: {  	[smem:s6], [sflag:s5] =	dma.local [hbm:s2], $0x1  }
0x94: {  	_ =	swait.eq [sflag:s5], $0x1  }
0x95: {  	s16 =	sld [smem:$0x10]  }
0x96: {  	s17 =	sld [smem:$0x11]  }
0x97: {  	s7 =	sld [smem:$0x12];
	[sflag:s5] =	ssyncset.done $0x0  }
0x98: {  	s8 =	sld [smem:$0x13];
	[sflag:s5] =	ssyncadd.s32 $0xFFFFFFFF  }
0x99: {  	s18 =	sld [smem:$0x14];
	(tm) =	ssettm $0x1  }
0x9a: {  	s9 =	sld [smem:$0x3FFB];
	_ =	sdelay $0x3  }
0x9b: {  	_ =	strace s9  }
0x9c: {  	s9 =	sld [smem:$0x3FFC];
	_ =	sdelay $0x3  }
0x9d: {  	_ =	strace s9  }
0x9e: {  	s9 =	sld [smem:$0x3FFD];
	_ =	sdelay $0x3  }
0x9f: {  	_ =	strace s9  }
0xa0: {  	_ =	strace $0x8FFFFFFF  }
0xa1: {  	s19 =	sld [smem:$0x3FDB];
	_ =	sdelay $0x1  }
0xa2: {  	s10 =	simm.s32 $_scs_section_size  }
0xa3: {  	s11 =	simm.s32 $_size__tile_overlayer_lowered;
	s12 =	simm.s32 $_tile_overlayer_lowered  }
0xa4: {  	s22 =	simm.s32 $0x1BFF;
	s21 =	sshll.u32 s12, $0x1;
	s9 =	sadd.s32 s10, s19  }
0xa5: {  	s13 =	simm.s32 $0x0;
	s20 =	sshll.u32 s11, $0x1;
	s11 =	sadd.s32 s21, s9  }
0xa6: {  	[timem:s13], [sflag:s22] =	dma.local [hbm:s11], s20  }
0xa7: {  	_ =	swait.ge [sflag:s22], s20  }
0xa8: {  	s10 =	ssub.s32 $0x0, s20;
	[sflag:s22] =	ssyncset.done $0x0  }
0xa9: {  	[sflag:s22] =	ssyncadd.s32 s10;
	_ =	sdelay $0x1  }
0xaa: {  	s23 =	simm.s32 $0x1B8B  }
0xab: {  	_ =	swait.ge [sflag:s23], $0x1  }
0xac: {  	[sflag:s23] =	ssyncset.done $0x0  }
0xad: {  	s25 =	simm.s32 $0x1B8E;
	s24 =	sld [smem:$0x3FFE];
	[sflag:s23] =	ssyncadd.s32 $0xFFFFFFFF  }
0xae: {  	s26 =	simm.s32 $execute0_lowered;
	[smem:$0x3FD2] =	sst s25  }
0xaf: {  	s11 =	sshll.u32 s26, $0x1;
	_ =	strace $0x80000046;
	[dreg:$0x1] =	wrdreg $0xFFFFFFFF  }
0xb0: {  	s28 =	simm.s32 $_size_execute0_lowered;
	s9 =	sadd.s32 s9, s11;
	[dreg:$0x0] =	wrdreg $0x0  }
0xb1: {  	s11 =	sshll.u32 s28, $0x1;
	[dreg:$0x2] =	wrdreg s9  }
0xb2: {  	[dreg:$0x3] =	wrdreg s11  }
0xb3: {  	[dreg:$0x4] =	wrdreg $0xC0  }
0xb4: {  	_ =	task [dreg:s13], $0x5FFFF  }
0xb5: {  	[dreg:$0x1] =	wrdreg $0xFFFFFFFF  }
0xb6: {  	[dreg:$0x0] =	wrdreg $0x60  }
0xb7: {  	[dreg:$0x2] =	wrdreg s24  }
0xb8: {  	[dreg:$0x3] =	wrdreg s15  }
0xb9: {  	[dreg:$0x4] =	wrdreg s4  }
0xba: {  	[dreg:$0x5] =	wrdreg s18  }
0xbb: {  	[dreg:$0x6] =	wrdreg s17  }
0xbc: {  	[dreg:$0x7] =	wrdreg s16  }
0xbd: {  	[dreg:$0x8] =	wrdreg s8  }
0xbe: {  	[dreg:$0x9] =	wrdreg s7  }
0xbf: {  	[dreg:$0xa] =	wrdreg $0x9  }
0xc0: {  	_ =	task.clear_ibuf [dreg:s13], $0xBFFFF;
	_ =	strace $0x90000046  }
0xc1: {  	s29 =	simm.s32 $0x9;
	_ =	strace $0x80000048  }
0xc2: {  	_ =	swait.ge [sflag:s29], $0x1  }
0xc3: {  	[sflag:s29] =	ssyncadd.s32 $0xFFFFFFFF  }
0xc4: {  	_ =	strace $0x90000048  }
0xc5: {  	_ =	sfence  }
0xc6: {  	s30 =	sld [smem:$0x0];
	_ =	sdelay $0x2  }
0xc7: {  	s31 =	sshll.u32 s1, $0xD;
	s1 =	sshrl.u32 s1, $0x2  }
0xc8: {  	s3 =	sand.u32 $0x4000, s31;
	s1 =	sadd.s32 s1, s30  }
0xc9: {  	s0 =	sor.u32 s3, s0;
	s1 =	sshll.u32 s1, $0x11  }
0xca: {  	s0 =	sor.u32 s1, s0  }
0xcb: {  	s0 =	sadd.s32 $0x8F2B, s0  }
0xcc: {  	[sflag:s0] =	ssyncadd.remote.s32 $0x1  }
0xcd: {  	_ =	sfence.sel $0xFFFF  }
0xce: {  	[dreg:$0x0] =	wrdreg $0xFFFFFFFF;
	(pc) =	sbr.abs _section_cstart, $3  }
0xcf: {  	[dreg:$0x1] =	wrdreg $0xFFFFFFFF  }
0xd0: {  	_ =	task.clear_ibuf [dreg:s13], $0x2FFFF;
	_ =	strace $0x9FFFFFFF  }
0xd1: {  	(tm) =	ssettm $0x7FFFFFFF  }
tec
execute0_lowered:
.L_overlay_start_1:
0x0: {  	(tag) =	ssettag $0x1  }
0x1: {  	s13 =	rddreg [dreg:$0x0]  }
0x2: {  	s1 =	rddreg [dreg:$0x1]  }
0x3: {  	s3 =	rddreg [dreg:$0x2]  }
0x4: {  	s6 =	rddreg [dreg:$0x5]  }
0x5: {  	s0 =	rddreg [dreg:$0x6]  }
0x6: {  	s2 =	rddreg [dreg:$0x7]  }
0x7: {  	s4 =	srdreg.scid;
	s16 =	stileid.u32  }
0x8: {  	s8 =	simm.s32 $0x0;
	s19 =	simm.s32 $0x1;
	s28 =	simm.s32 $0x1E840  }
0x9: {  	s29 =	simm.s32 $0xE200;
	s30 =	simm.s32 $0xE240;
	s31 =	simm.s32 $0xE440  }
0xa: {  	s4 =	sand.u32 $0x1, s4;
	s5 =	sshll.u32 s16, $0x1;
	[smem:$0x7FF] =	sst s8  }
0xb: {  	s9 =	sadd.s32 $0x400, s13;
	s10 =	sadd.s32 $0x200, s13;
	s11 =	sadd.s32 $0x80400, s13  }
0xc: {  	s25 =	sshll.u32 s16, $0xD;
	s5 =	sor.u32 s4, s5;
	_ =	strace $0x80000047  }
0xd: {  	[dreg:$0x9] =	wrdreg s10;
	s20 =	ssub.s32 $0x2, s4;
	s26 =	sshll.u32 s4, $0xC  }
0xe: {  	s4 =	simm.s32 $0x1F040;
	s7 =	smul.u32 $0x840, s5;
	s12 =	sshll.u32 s5, $0xC  }
0xf: {  	s14 =	sshrl.u32 s20, $0x1;
	s15 =	sshll.u32 s5, $0x6;
	s21 =	sshll.u32 s5, $0x1  }
0x10: {  	s5 =	simm.s32 $0x0;
	s10 =	ssub.s32 s20, s14;
	s0 =	sadd.s32 s0, s15  }
0x11: {  	v0 =	vlaneseq.u32;
	s15 =	sor.u32 s26, s25;
	s20 =	simm.s32 $0x4200;
	s25 =	simm.s32 $0x1A640  }
0x12: {  	v0 =	vmul.u32 $0x200, v0;
	s26 =	simm.s32 $0x1E640;
	s7 =	sadd.s32 s7, s13;
	s13 =	sadd.s32 s12, s13  }
0x13: {  	[dreg:$0xa] =	wrdreg s0;
	s0 =	sadd.s32 s2, s21;
	s24 =	smax.u32 s10, $0x1  }
0x14: {  	v1 =	vor.u32 $0x2000, v0;
	[tilespmem:$0x1FFC0] =	vst v0;
	s21 =	simm.s32 $0x5200;
	s2 =	simm.s32 $0x12640;
	[dreg:$0xd] =	wrdreg s0  }
0x15: {  	v2 =	vor.u32 $0x4000, v0;
	[tilespmem:$0x1FFD0] =	vst v1;
	s22 =	sadd.s32 $0x8C400, s7;
	s23 =	sadd.s32 $0x9CC00, s13;
	[dreg:$0xe] =	wrdreg s24  }
0x16: {  	v3 =	vor.u32 $0x6000, v0;
	[tilespmem:$0x1FFE0] =	vst v2;
	s24 =	simm.s32 $0x20000;
	s7 =	simm.s32 $0x1EA40;
	[dreg:$0xb] =	wrdreg s22  }
0x17: {  	v48 =	vimm.s32 $0x0;
	v4 =	vimm.f32 $0.0e+00;
	[tilespmem:$0x1FFF0] =	vst v3;
	[dreg:$0xc] =	wrdreg s23;
	s22 =	simm.s32 $0x6200;
	s23 =	simm.s32 $0x200  }
.LBB2_1:
0x18: {  	s0 =	rddreg [dreg:$0x4]  }
0x19: {  	[tilespmem:s8], [sflag:$0x1] =	stream.linear.gather [hbm4b:s0+s8], $0x4200, $0x38;
	[tilespmem:$0x1F650] =	vst v63  }
0x1a: {  	_ =	swait.ge [sflag:s19], $0x4200  }
0x1b: {  	[sflag:s19] =	ssyncset.done $0x0  }
0x1c: {  	[sflag:s19] =	ssyncadd.s32 $0xFFFFBE00  }
0x1d: {  	s13 =	rddreg [dreg:$0x0]  }
0x1e: {  	[tilespmem:s20], [sflag:$0x1] =	stream.linear.gather [hbm4b:s13+s8], $0x1000, $0x38;
	[tilespmem:$0x1F650] =	vst v63  }
0x1f: {  	_ =	swait.ge [sflag:s19], $0x1000  }
0x20: {  	[sflag:s19] =	ssyncset.done $0x0  }
0x21: {  	s14 =	rddreg [dreg:$0x9];
	[sflag:s19] =	ssyncadd.s32 $0xFFFFF000  }
0x22: {  	v8 =	vmov s8;
	[tilespmem:s21], [sflag:$0x1] =	stream.linear.gather [hbm4b:s14+s8], $0x1000, $0x38;
	[tilespmem:$0x1F650] =	vst v63  }
0x23: {  	v8 =	vand.u32 $0x1FF, v8;
	_ =	swait.ge [sflag:s19], $0x1000  }
0x24: {  	v8 =	vbroadcast v8, $0x0;
	[sflag:s19] =	ssyncset.done $0x0  }
0x25: {  	[sflag:s19] =	ssyncadd.s32 $0xFFFFF000  }
0x26: {  	s17 =	simm.s32 $0x1;
	v9 =	vor.u32 v3, v8;
	s16 =	rddreg [dreg:$0x3]  }
0x27: {  	v10 =	vor.u32 v0, v8;
	[tilespmem:s22], [sflag:$0x1] =	stream.linear.gather [hbm4b:s16+s8], $0x8000, $0x38;
	[tilespmem:$0x1F650] =	vst v63  }
0x28: {  	v12 =	vmov s17;
	v11 =	vor.u32 v1, v8;
	_ =	swait.ge [sflag:s19], $0x8000  }
0x29: {  	v12 =	vand.u32 $0x1FF, v12;
	[sflag:s19] =	ssyncset.done $0x0  }
0x2a: {  	v12 =	vbroadcast v12, $0x0;
	v8 =	vor.u32 v2, v8;
	[sflag:s19] =	ssyncadd.s32 $0xFFFF8000  }
0x2b: {  	v15 =	vld.idx.msk [tilespmem:v9+s22+$0x0], $0xffff  }
0x2c: {  	v19 =	vor.u32 v3, v12;
	v9 =	vld.idx.msk [tilespmem:v10+s22+$0x0], $0xffff  }
0x2d: {  	s18 =	simm.s32 $0x2;
	v17 =	vimm.s32 $0x0;
	v18 =	vor.u32 v0, v12;
	v16 =	vld.idx.msk [tilespmem:v11+s22+$0x0], $0xffff  }
0x2e: {  	v20 =	vmov s18;
	v14 =	vor.u32 v1, v12;
	v12 =	vor.u32 v2, v12  }
0x2f: {  	s0 =	simm.s32 $0x3;
	v13 =	vld.idx.msk [tilespmem:v8+s22+$0x0], $0xffff;
	v10 =	vimm.s32 $0x0;
	v11 =	vimm.s32 $0x0;
	v8 =	vimm.s32 $0x0  }
.LBB2_2:
0x30: {  	p0 =	sne.s32 s0, $0x1FF;
	v20 =	vand.u32 $0x1FF, v20;
	vm0 =	vlt.s32 v15, $0x200  }
0x31: {  	vm1 =	vlt.s32 v9, $0x200;
	v20 =	vbroadcast v20, $0x0;
	v15 =	vld.idx.msk [tilespmem:v19+s22+$0x0], $0xffff;
	v19 =	vsel vm0, $0x1, v48  }
.Ltmp0:
0x32: {  	v21 =	vsel vm1, $0x1, v48;
	vm0 =	vlt.s32 v16, $0x200;
	v9 =	vld.idx.msk [tilespmem:v18+s22+$0x0], $0xffff;
	v17 =	vadd.s32 v19, v17;
	(pc) =	sbr.rel @p0 .LBB2_2-.Ltmp0, $4  }
0x33: {  	v18 =	vor.u32 v0, v20;
	v19 =	vor.u32 v3, v20;
	v16 =	vld.idx.msk [tilespmem:v14+s22+$0x0], $0xffff;
	v14 =	vor.u32 v1, v20  }
0x34: {  	v22 =	vsel vm0, $0x1, v48;
	vm0 =	vlt.s32 v13, $0x200;
	v13 =	vld.idx.msk [tilespmem:v12+s22+$0x0], $0xffff;
	v12 =	vor.u32 v2, v20  }
0x35: {  	v10 =	vadd.s32 v21, v10;
	v11 =	vadd.s32 v22, v11;
	v21 =	vsel vm0, $0x1, v48  }
0x36: {  	v20 =	vmov s0;
	s0 =	sadd.s32 $0x1, s0;
	v8 =	vadd.s32 v21, v8  }
0x37: {  	_ = 	snop  }
0x38: {  	v20 =	vand.u32 $0x1FF, v20  }
0x39: {  	v20 =	vbroadcast v20, $0x0;
	_ =	sdelay $0x1  }
0x3a: {  	v19 =	vld.idx.msk [tilespmem:v19+s22+$0x0], $0xffff;
	v21 =	vor.u32 v0, v20  }
0x3b: {  	v44 =	vld.idx.msk [tilespmem:v18+s22+$0x0], $0xffff;
	v22 =	vor.u32 v1, v20  }
0x3c: {  	v14 =	vld.idx.msk [tilespmem:v14+s22+$0x0], $0xffff;
	v45 =	vor.u32 v2, v20  }
0x3d: {  	vm0 =	vlt.s32 v15, $0x200;
	vm6 =	vlt.s32 v9, $0x200;
	v46 =	vld.idx.msk [tilespmem:v12+s22+$0x0], $0xffff;
	v20 =	vor.u32 v3, v20  }
0x3e: {  	v23 =	vsel vm0, $0x1, v48;
	vm1 =	vlt.s32 v16, $0x200;
	v47 =	vsel vm6, $0x1, v48  }
0x3f: {  	v17 =	vadd.s32 v23, v17;
	v16 =	vsel vm1, $0x1, v48;
	vm7 =	vlt.s32 v13, $0x200;
	v49 =	vld.idx.msk [tilespmem:v21+s22+$0x0], $0xffff  }
0x40: {  	v10 =	vadd.s32 v47, v10;
	v11 =	vadd.s32 v16, v11;
	v50 =	vsel vm7, $0x1, v48;
	v51 =	vld.idx.msk [tilespmem:v22+s22+$0x0], $0xffff  }
0x41: {  	v8 =	vadd.s32 v50, v8;
	vm8 =	vlt.s32 v19, $0x200;
	vm9 =	vlt.s32 v44, $0x200;
	v52 =	vld.idx.msk [tilespmem:v45+s22+$0x0], $0xffff  }
0x42: {  	vm10 =	vlt.s32 v14, $0x200;
	vm11 =	vlt.s32 v46, $0x200;
	v54 =	vsel vm8, $0x1, v48;
	v53 =	vld.idx.msk [tilespmem:v20+s22+$0x0], $0xffff  }
0x43: {  	v55 =	vsel vm9, $0x1, v48;
	v14 =	vsel vm10, $0x1, v48;
	v58 =	vsel vm11, $0x1, v48  }
0x44: {  	v56 =	vadd.s32 v55, v10;
	v57 =	vadd.s32 v14, v11;
	vm12 =	vlt.s32 v49, $0x200  }
0x45: {  	v8 =	vadd.s32 v58, v8;
	vm13 =	vlt.s32 v51, $0x200;
	v59 =	vsel vm12, $0x1, v48  }
0x46: {  	vm14 =	vlt.s32 v52, $0x200;
	v60 =	vsel vm13, $0x1, v48;
	v9 =	vadd.s32 v59, v56  }
0x47: {  	vm15 =	vlt.s32 v53, $0x200;
	v61 =	vsel vm14, $0x1, v48;
	v10 =	vadd.s32 v60, v57;
	[tilespmem:$0xE200] =	vst v9  }
0x48: {  	v62 =	vadd.s32 v54, v17;
	v63 =	vsel vm15, $0x1, v48;
	v8 =	vadd.s32 v61, v8;
	[tilespmem:$0xE210] =	vst v10  }
0x49: {  	v9 =	vadd.s32 v63, v62;
	[tilespmem:$0xE220] =	vst v8  }
0x4a: {  	s0 =	simm.s32 $0x0;
	s10 =	simm.s32 $0x200;
	[tilespmem:$0xE230] =	vst v9  }
.LBB2_4:
0x4b: {  	p0 =	sne.s32 s10, $0x10600;
	[tilespmem:s0+$0xE4B0] =	vst v4  }
0x4c: {  	[tilespmem:s0+$0xE440] =	vst v4  }
0x4d: {  	[tilespmem:s0+$0xE450] =	vst v4  }
.Ltmp1:
0x4e: {  	[tilespmem:s0+$0xE460] =	vst v4;
	(pc) =	sbr.rel @p0 .LBB2_4-.Ltmp1, $4  }
0x4f: {  	[tilespmem:s0+$0xE470] =	vst v4  }
0x50: {  	[tilespmem:s0+$0xE480] =	vst v4  }
0x51: {  	[tilespmem:s0+$0xE490] =	vst v4  }
0x52: {  	[tilespmem:s0+$0xE4A0] =	vst v4;
	s0 =	sshra.s32 s10, $0x2;
	s10 =	sadd.s32 $0x200, s10  }
0x53: {  	[tilespmem:s0+$0xE4B0] =	vst v4  }
0x54: {  	[tilespmem:s0+$0xE440] =	vst v4  }
0x55: {  	[tilespmem:s0+$0xE450] =	vst v4  }
0x56: {  	[tilespmem:s0+$0xE460] =	vst v4  }
0x57: {  	[tilespmem:s0+$0xE470] =	vst v4  }
0x58: {  	[tilespmem:s0+$0xE480] =	vst v4  }
0x59: {  	[tilespmem:s0+$0xE490] =	vst v4  }
0x5a: {  	[tilespmem:s0+$0xE4A0] =	vst v4;
	s0 =	simm.s32 $0x0;
	s10 =	simm.s32 $0x200  }
.LBB2_6:
0x5b: {  	p0 =	sne.s32 s10, $0x1FE00;
	[tilespmem:s0+$0x126B0] =	vst v4  }
0x5c: {  	[tilespmem:s0+$0x12640] =	vst v4  }
0x5d: {  	[tilespmem:s0+$0x12650] =	vst v4  }
.Ltmp2:
0x5e: {  	[tilespmem:s0+$0x12660] =	vst v4;
	(pc) =	sbr.rel @p0 .LBB2_6-.Ltmp2, $4  }
0x5f: {  	[tilespmem:s0+$0x12670] =	vst v4  }
0x60: {  	[tilespmem:s0+$0x12680] =	vst v4  }
0x61: {  	[tilespmem:s0+$0x12690] =	vst v4  }
0x62: {  	[tilespmem:s0+$0x126A0] =	vst v4;
	s0 =	sshra.s32 s10, $0x2;
	s10 =	sadd.s32 $0x200, s10  }
0x63: {  	[tilespmem:s0+$0x126B0] =	vst v4  }
0x64: {  	[tilespmem:s0+$0x12640] =	vst v4  }
0x65: {  	[tilespmem:s0+$0x12650] =	vst v4  }
0x66: {  	[tilespmem:s0+$0x12660] =	vst v4  }
0x67: {  	[tilespmem:s0+$0x12670] =	vst v4  }
0x68: {  	[tilespmem:s0+$0x12680] =	vst v4  }
0x69: {  	[tilespmem:s0+$0x12690] =	vst v4  }
0x6a: {  	[tilespmem:s0+$0x126A0] =	vst v4;
	v0 =	vimm.f32 $0.0e+00  }
0x6b: {  	[tilespmem:$0xE240] =	vst v0  }
0x6c: {  	[tilespmem:$0xE250] =	vst v0  }
0x6d: {  	[tilespmem:$0xE260] =	vst v0  }
0x6e: {  	[tilespmem:$0xE270] =	vst v0  }
0x6f: {  	[tilespmem:$0xE280] =	vst v0  }
0x70: {  	[tilespmem:$0xE290] =	vst v0  }
0x71: {  	[tilespmem:$0xE2A0] =	vst v0  }
0x72: {  	[tilespmem:$0xE2B0] =	vst v0  }
0x73: {  	[tilespmem:$0xE2C0] =	vst v0  }
0x74: {  	[tilespmem:$0xE2D0] =	vst v0  }
0x75: {  	[tilespmem:$0xE2E0] =	vst v0  }
0x76: {  	[tilespmem:$0xE2F0] =	vst v0  }
0x77: {  	[tilespmem:$0xE300] =	vst v0  }
0x78: {  	[tilespmem:$0xE310] =	vst v0  }
0x79: {  	[tilespmem:$0xE320] =	vst v0  }
0x7a: {  	[tilespmem:$0xE330] =	vst v0  }
0x7b: {  	[tilespmem:$0xE340] =	vst v0  }
0x7c: {  	[tilespmem:$0xE350] =	vst v0  }
0x7d: {  	[tilespmem:$0xE360] =	vst v0  }
0x7e: {  	[tilespmem:$0xE370] =	vst v0  }
0x7f: {  	[tilespmem:$0xE380] =	vst v0  }
0x80: {  	[tilespmem:$0xE390] =	vst v0  }
0x81: {  	[tilespmem:$0xE3A0] =	vst v0  }
0x82: {  	[tilespmem:$0xE3B0] =	vst v0  }
0x83: {  	[tilespmem:$0xE3C0] =	vst v0  }
0x84: {  	[tilespmem:$0xE3D0] =	vst v0  }
0x85: {  	[tilespmem:$0xE3E0] =	vst v0  }
0x86: {  	[tilespmem:$0xE3F0] =	vst v0  }
0x87: {  	[tilespmem:$0xE400] =	vst v0  }
0x88: {  	[tilespmem:$0xE410] =	vst v0  }
0x89: {  	[tilespmem:$0xE420] =	vst v0  }
0x8a: {  	[tilespmem:$0xE430] =	vst v0  }
0x8b: {  	s0 =	simm.s32 $0x0;
	s10 =	smov.u32 s15;
	s13 =	simm.s32 $0x0;
	[tilespmem:$0x1F640] =	vst v0  }
.LBB2_8:
0x8c: {  	s14 =	sshll.u32 s13, $0x9  }
0x8d: {  	s14 =	sadd.s32 s12, s14  }
0x8e: {  	s14 =	sshrl.u32 s14, $0x3  }
0x8f: {  	s16 =	sadd.s32 s9, s14  }
0x90: {  	[tilespmem:s25], [sflag:$0x1] =	stream.strided.gather [hbm4b:s16+s23], $0x4000, s24, s23, $0x38;
	[tilespmem:$0x1F650] =	vst v63  }
0x91: {  	_ =	swait.ge [sflag:s19], $0x4000  }
0x92: {  	[sflag:s19] =	ssyncset.done $0x0  }
0x93: {  	s17 =	sadd.s32 s1, s14;
	[sflag:s19] =	ssyncadd.s32 $0xFFFFC000  }
0x94: {  	[tilespmem:s26], [sflag:$0x1] =	stream.linear.gather [hbm4b:s17+s0], $0x200, $0x38;
	[tilespmem:$0x1F650] =	vst v63  }
0x95: {  	_ =	swait.ge [sflag:s19], $0x200  }
0x96: {  	[sflag:s19] =	ssyncset.done $0x0  }
0x97: {  	s18 =	sadd.s32 s3, s14;
	[sflag:s19] =	ssyncadd.s32 $0xFFFFFE00  }
0x98: {  	[tilespmem:s28], [sflag:$0x1] =	stream.linear.gather [hbm4b:s18+s0], $0x200, $0x38;
	[tilespmem:$0x1F650] =	vst v63  }
0x99: {  	_ =	swait.ge [sflag:s19], $0x200  }
0x9a: {  	[sflag:s19] =	ssyncset.done $0x0  }
0x9b: {  	s16 =	simm.s32 $0x0;
	s18 =	smov.u32 s10;
	[sflag:s19] =	ssyncadd.s32 $0xFFFFFE00  }
.LBB2_9:
0x9c: {  	s17 =	sshra.s32 s16, $0x2  }
0x9d: {  	v9 =	vld [tilespmem:s17+$0x1E640]  }
0x9e: {  	v39 =	vld [tilespmem:s17+$0x1A640]  }
0x9f: {  	v28 =	vld [tilespmem:s17+$0x1A840]  }
0xa0: {  	v33 =	vld [tilespmem:s17+$0x1AA40]  }
0xa1: {  	v31 =	vld [tilespmem:s17+$0x1AC40]  }
0xa2: {  	v14 =	vld [tilespmem:s17+$0x1AE40]  }
0xa3: {  	v26 =	vld [tilespmem:s17+$0x1B040]  }
0xa4: {  	v21 =	vld [tilespmem:s17+$0x1B240]  }
0xa5: {  	v27 =	vld [tilespmem:s17+$0x1B440]  }
0xa6: {  	v24 =	vld [tilespmem:s17+$0x1B640]  }
0xa7: {  	v8 =	vld [tilespmem:s17+$0x1B840]  }
0xa8: {  	v13 =	vld [tilespmem:s17+$0x1BC40];
	v42 =	vshll.u32 v9, $0x3  }
0xa9: {  	v20 =	vld [tilespmem:s17+$0x1BE40]  }
0xaa: {  	v10 =	vld [tilespmem:s17+$0x1C040]  }
0xab: {  	v35 =	vld [tilespmem:s17+$0x1C240]  }
0xac: {  	v36 =	vld [tilespmem:s17+$0x1C640]  }
0xad: {  	[tilespmem:$0x1FFB0] =	vst v0;
	v0 =	vld.idx.msk [tilespmem:v42+s20+$0x0], $0xffff  }
0xae: {  	v34 =	vld [tilespmem:s17+$0x1C840]  }
0xaf: {  	v19 =	vld [tilespmem:s17+$0x1CA40]  }
0xb0: {  	v18 =	vld [tilespmem:s17+$0x1CC40]  }
0xb1: {  	v12 =	vld [tilespmem:s17+$0x1D040]  }
0xb2: {  	v29 =	vld [tilespmem:s17+$0x1D240];
	v44 =	vmul.u32 $0x21, v0  }
0xb3: {  	v41 =	vld [tilespmem:s17+$0x1D640]  }
0xb4: {  	v40 =	vld [tilespmem:s17+$0x1D840];
	v43 =	vadd.s32 $0x1, v44  }
0xb5: {  	v23 =	vld [tilespmem:s17+$0x1DC40];
	v45 =	vadd.s32 $0x2, v44  }
0xb6: {  	v25 =	vld [tilespmem:s17+$0x1DE40];
	v46 =	vadd.s32 $0x3, v44  }
0xb7: {  	v9 =	vld [tilespmem:s17+$0x1CE40];
	v47 =	vadd.s32 $0x4, v44  }
0xb8: {  	v49 =	vadd.s32 $0x5, v44;
	v48 =	vld.idx.msk [tilespmem:v44+s8+$0x0], $0xffff  }
0xb9: {  	v11 =	vadd.s32 $0x6, v44;
	v50 =	vld.idx.msk [tilespmem:v43+s8+$0x0], $0xffff  }
0xba: {  	v51 =	vadd.s32 $0x7, v44;
	v45 =	vld.idx.msk [tilespmem:v45+s8+$0x0], $0xffff  }
0xbb: {  	v52 =	vadd.s32 $0x8, v44;
	v46 =	vld.idx.msk [tilespmem:v46+s8+$0x0], $0xffff  }
0xbc: {  	v53 =	vadd.s32 $0x9, v44;
	v47 =	vld.idx.msk [tilespmem:v47+s8+$0x0], $0xffff  }
0xbd: {  	v54 =	vadd.s32 $0xA, v44;
	v49 =	vld.idx.msk [tilespmem:v49+s8+$0x0], $0xffff  }
0xbe: {  	v56 =	vadd.s32 $0xB, v44;
	v55 =	vld.idx.msk [tilespmem:v11+s8+$0x0], $0xffff  }
0xbf: {  	v57 =	vadd.s32 $0xC, v44;
	v51 =	vld.idx.msk [tilespmem:v51+s8+$0x0], $0xffff  }
0xc0: {  	v58 =	vadd.s32 $0xD, v44;
	v52 =	vld.idx.msk [tilespmem:v52+s8+$0x0], $0xffff  }
0xc1: {  	v60 =	vadd.s32 $0xE, v44;
	v53 =	vld.idx.msk [tilespmem:v53+s8+$0x0], $0xffff  }
0xc2: {  	v61 =	vadd.s32 $0x10, v44;
	v43 =	vld.idx.msk [tilespmem:v54+s8+$0x0], $0xffff  }
0xc3: {  	v62 =	vadd.s32 $0x11, v44;
	v56 =	vld.idx.msk [tilespmem:v56+s8+$0x0], $0xffff  }
0xc4: {  	[tilespmem:$0x1FD50] =	vst v0;
	v0 =	vor.u32 $0x2, v42;
	v63 =	vadd.s32 $0x12, v44;
	v57 =	vld.idx.msk [tilespmem:v57+s8+$0x0], $0xffff  }
0xc5: {  	[tilespmem:$0x1FC00] =	vst v0;
	v0 =	vadd.s32 $0x13, v44;
	v58 =	vld.idx.msk [tilespmem:v58+s8+$0x0], $0xffff  }
0xc6: {  	v1 =	vadd.s32 $0x14, v44;
	v60 =	vld.idx.msk [tilespmem:v60+s8+$0x0], $0xffff  }
0xc7: {  	v59 =	vor.u32 $0x1, v42;
	v3 =	vadd.s32 $0x15, v44;
	v61 =	vld.idx.msk [tilespmem:v61+s8+$0x0], $0xffff  }
0xc8: {  	v4 =	vadd.s32 $0x16, v44;
	v62 =	vld.idx.msk [tilespmem:v62+s8+$0x0], $0xffff;
	v48 =	vsub.f32 v39, v48;
	v50 =	vsub.f32 v28, v50  }
0xc9: {  	v2 =	vadd.s32 $0x18, v44;
	v63 =	vld.idx.msk [tilespmem:v63+s8+$0x0], $0xffff;
	v45 =	vsub.f32 v33, v45;
	v46 =	vsub.f32 v31, v46  }
0xca: {  	v7 =	vadd.s32 $0x19, v44;
	v0 =	vld.idx.msk [tilespmem:v0+s8+$0x0], $0xffff;
	v47 =	vsub.f32 v14, v47;
	v49 =	vsub.f32 v26, v49  }
0xcb: {  	v6 =	vadd.s32 $0x1B, v44;
	v1 =	vld.idx.msk [tilespmem:v1+s8+$0x0], $0xffff;
	v55 =	vsub.f32 v21, v55;
	v51 =	vsub.f32 v27, v51  }
0xcc: {  	v11 =	vadd.s32 $0xF, v44;
	v3 =	vld.idx.msk [tilespmem:v3+s8+$0x0], $0xffff;
	v52 =	vsub.f32 v24, v52;
	v53 =	vsub.f32 v8, v53  }
0xcd: {  	v42 =	vadd.s32 $0x1C, v44;
	v4 =	vld.idx.msk [tilespmem:v4+s8+$0x0], $0xffff;
	v56 =	vsub.f32 v13, v56;
	v57 =	vsub.f32 v20, v57  }
0xce: {  	v2 =	vld.idx.msk [tilespmem:v2+s8+$0x0], $0xffff;
	v58 =	vsub.f32 v10, v58;
	v60 =	vsub.f32 v35, v60  }
0xcf: {  	v7 =	vld.idx.msk [tilespmem:v7+s8+$0x0], $0xffff;
	v61 =	vsub.f32 v36, v61;
	v62 =	vsub.f32 v34, v62  }
0xd0: {  	[tilespmem:$0x1FED0] =	vst v8;
	v5 =	vadd.s32 $0x17, v44;
	v6 =	vld.idx.msk [tilespmem:v6+s8+$0x0], $0xffff;
	v63 =	vsub.f32 v19, v63;
	v0 =	vsub.f32 v18, v0  }
0xd1: {  	v54 =	vld.idx.msk [tilespmem:v11+s8+$0x0], $0xffff;
	v11 =	vmovc v8;
	v8 =	vadd.s32 $0x1A, v44;
	v1 =	vsub.f32 v9, v1;
	v3 =	vsub.f32 v12, v3  }
0xd2: {  	v42 =	vld.idx.msk [tilespmem:v42+s8+$0x0], $0xffff;
	v4 =	vsub.f32 v29, v4;
	v38 =	vmul.f32 v48, v48;
	v50 =	vmul.f32 v50, v50  }
0xd3: {  	v30 =	vld [tilespmem:s17+$0x1C440];
	v2 =	vsub.f32 v41, v2;
	v45 =	vmul.f32 v45, v45;
	v46 =	vmul.f32 v46, v46  }
0xd4: {  	v17 =	vld [tilespmem:s17+$0x1BA40];
	v7 =	vsub.f32 v40, v7;
	v47 =	vmul.f32 v47, v47;
	v49 =	vmul.f32 v49, v49  }
0xd5: {  	v22 =	vld [tilespmem:s17+$0x1D440];
	v55 =	vmul.f32 v55, v55;
	v50 =	vadd.f32 v50, v38;
	v38 =	vadd.s32 $0x1D, v44  }
0xd6: {  	v37 =	vld [tilespmem:s17+$0x1DA40];
	v6 =	vsub.f32 v23, v6;
	v51 =	vmul.f32 v51, v51;
	v52 =	vmul.f32 v52, v52  }
0xd7: {  	v5 =	vld.idx.msk [tilespmem:v5+s8+$0x0], $0xffff;
	v42 =	vsub.f32 v25, v42;
	v53 =	vmul.f32 v53, v53;
	v56 =	vmul.f32 v56, v56  }
0xd8: {  	v15 =	vld [tilespmem:s17+$0x1E240];
	[tilespmem:$0x1FBF0] =	vst v30;
	v57 =	vmul.f32 v57, v57;
	v54 =	vsub.f32 v30, v54;
	v30 =	vadd.s32 $0x1E, v44  }
0xd9: {  	v16 =	vld [tilespmem:s17+$0x1E440];
	[tilespmem:$0x1FBE0] =	vst v35;
	v35 =	vmovc v9;
	v58 =	vmul.f32 v58, v58;
	v60 =	vmul.f32 v60, v60;
	v44 =	vadd.s32 $0x1F, v44  }
0xda: {  	v61 =	vmul.f32 v61, v61;
	v62 =	vmul.f32 v62, v62;
	v45 =	vadd.f32 v46, v45;
	v46 =	vld.idx.msk [tilespmem:v38+s8+$0x0], $0xffff  }
0xdb: {  	v48 =	vsub.f32 v17, v43;
	v63 =	vmul.f32 v63, v63;
	v9 =	vmul.f32 v0, v0;
	v38 =	vld.idx.msk [tilespmem:v59+s20+$0x0], $0xffff  }
0xdc: {  	v1 =	vmul.f32 v1, v1;
	v3 =	vmul.f32 v3, v3;
	v0 =	vsub.f32 v22, v5;
	v8 =	vld.idx.msk [tilespmem:v8+s8+$0x0], $0xffff  }
0xdd: {  	v4 =	vmul.f32 v4, v4;
	v2 =	vmul.f32 v2, v2;
	v47 =	vadd.f32 v49, v47;
	v49 =	vld.idx.msk [tilespmem:v30+s8+$0x0], $0xffff  }
0xde: {  	v7 =	vmul.f32 v7, v7;
	v6 =	vmul.f32 v6, v6;
	v51 =	vadd.f32 v51, v55;
	v44 =	vld.idx.msk [tilespmem:v44+s8+$0x0], $0xffff  }
0xdf: {  	v32 =	vld [tilespmem:s17+$0x1E040];
	v0 =	vmul.f32 v0, v0;
	v52 =	vadd.f32 v53, v52;
	v53 =	vadd.f32 v58, v57  }
0xe0: {  	v57 =	vadd.f32 v62, v61;
	v9 =	vadd.f32 v9, v63;
	v55 =	vmul.u32 $0x21, v38  }
0xe1: {  	v42 =	vmul.f32 v42, v42;
	v1 =	vadd.f32 v3, v1;
	v2 =	vadd.f32 v7, v2  }
0xe2: {  	v0 =	vadd.f32 v0, v4;
	v8 =	vsub.f32 v37, v8;
	[tilespmem:$0x1FD70] =	vst v38;
	v38 =	vadd.s32 $0x1, v55  }
0xe3: {  	v49 =	vsub.f32 v15, v49;
	v44 =	vsub.f32 v16, v44;
	v62 =	vadd.s32 $0x2, v55  }
0xe4: {  	v8 =	vmul.f32 v8, v8;
	v46 =	vsub.f32 v32, v46;
	v3 =	vadd.s32 $0x3, v55  }
0xe5: {  	[tilespmem:$0x1FC20] =	vst v23;
	v4 =	vadd.s32 $0x4, v55;
	v49 =	vmul.f32 v49, v49;
	v44 =	vmul.f32 v44, v44  }
0xe6: {  	v54 =	vmul.f32 v54, v54;
	v30 =	vmovc v23;
	v6 =	vadd.f32 v6, v8;
	v23 =	vadd.s32 $0x5, v55;
	v8 =	vld.idx.msk [tilespmem:v55+s8+$0x0], $0xffff  }
0xe7: {  	v46 =	vmul.f32 v46, v46;
	v61 =	vadd.s32 $0x7, v55;
	v44 =	vadd.f32 v44, v49;
	v49 =	vld.idx.msk [tilespmem:v38+s8+$0x0], $0xffff  }
0xe8: {  	v9 =	vadd.f32 v9, v57;
	v54 =	vadd.f32 v54, v60;
	v57 =	vadd.s32 $0xA, v55;
	v60 =	vld.idx.msk [tilespmem:v62+s8+$0x0], $0xffff  }
0xe9: {  	v48 =	vmul.f32 v48, v48;
	v58 =	vadd.s32 $0xB, v55;
	v7 =	vadd.f32 v46, v42;
	v3 =	vld.idx.msk [tilespmem:v3+s8+$0x0], $0xffff  }
0xea: {  	v0 =	vadd.f32 v0, v1;
	v1 =	vadd.f32 v6, v2;
	v38 =	vadd.s32 $0x6, v55;
	v2 =	vld.idx.msk [tilespmem:v4+s8+$0x0], $0xffff  }
0xeb: {  	v48 =	vadd.f32 v56, v48;
	v63 =	vadd.s32 $0x8, v55;
	v56 =	vadd.f32 v44, v7;
	v7 =	vld.idx.msk [tilespmem:v23+s8+$0x0], $0xffff  }
0xec: {  	v45 =	vadd.f32 v45, v50;
	v62 =	vadd.f32 v54, v53;
	v54 =	vadd.s32 $0x9, v55;
	v23 =	vld.idx.msk [tilespmem:v61+s8+$0x0], $0xffff  }
0xed: {  	v43 =	vadd.f32 v51, v47;
	v59 =	vadd.f32 v48, v52;
	v61 =	vadd.s32 $0xD, v55;
	v42 =	vld.idx.msk [tilespmem:v57+s8+$0x0], $0xffff  }
0xee: {  	v46 =	vadd.f32 v0, v9;
	v9 =	vld.idx.msk [tilespmem:v58+s8+$0x0], $0xffff;
	v57 =	vadd.s32 $0x12, v55  }
0xef: {  	v44 =	vadd.f32 v43, v45;
	v58 =	vadd.s32 $0x13, v55;
	v45 =	vadd.f32 v62, v59;
	v0 =	vld.idx.msk [tilespmem:v38+s8+$0x0], $0xffff  }
0xf0: {  	v47 =	vadd.f32 v56, v1;
	v59 =	vadd.s32 $0xC, v55;
	v48 =	vsub.f32 v33, v60;
	v60 =	vld.idx.msk [tilespmem:v63+s8+$0x0], $0xffff  }
0xf1: {  	v62 =	vadd.s32 $0xE, v55;
	v56 =	vadd.s32 $0x11, v55;
	v1 =	vsub.f32 v39, v8;
	v4 =	vld.idx.msk [tilespmem:v54+s8+$0x0], $0xffff  }
0xf2: {  	v49 =	vsub.f32 v28, v49;
	v3 =	vsub.f32 v31, v3;
	v63 =	vadd.s32 $0xF, v55;
	v51 =	vld.idx.msk [tilespmem:v61+s8+$0x0], $0xffff  }
0xf3: {  	v2 =	vsub.f32 v14, v2;
	v54 =	vadd.s32 $0x10, v55;
	v7 =	vsub.f32 v26, v7;
	v57 =	vld.idx.msk [tilespmem:v57+s8+$0x0], $0xffff  }
0xf4: {  	v38 =	vmovc v33;
	v6 =	vsub.f32 v27, v23;
	v23 =	vadd.s32 $0x14, v55;
	v42 =	vsub.f32 v17, v42;
	v58 =	vld.idx.msk [tilespmem:v58+s8+$0x0], $0xffff  }
0xf5: {  	v33 =	vmovc v24;
	v1 =	vmul.f32 v1, v1;
	v8 =	vld.idx.msk [tilespmem:v59+s8+$0x0], $0xffff;
	v50 =	vsub.f32 v24, v60;
	v24 =	vadd.s32 $0x16, v55  }
0xf6: {  	v9 =	vsub.f32 v13, v9;
	v49 =	vmul.f32 v49, v49;
	v48 =	vmul.f32 v48, v48;
	v52 =	vld.idx.msk [tilespmem:v62+s8+$0x0], $0xffff  }
0xf7: {  	[tilespmem:$0x1FEF0] =	vst v13;
	v13 =	vadd.s32 $0x17, v55;
	v3 =	vmul.f32 v3, v3;
	v2 =	vmul.f32 v2, v2;
	v56 =	vld.idx.msk [tilespmem:v56+s8+$0x0], $0xffff  }
0xf8: {  	v7 =	vmul.f32 v7, v7;
	v6 =	vmul.f32 v6, v6;
	v53 =	vld.idx.msk [tilespmem:v63+s8+$0x0], $0xffff  }
0xf9: {  	v42 =	vmul.f32 v42, v42;
	v9 =	vmul.f32 v9, v9;
	v54 =	vld.idx.msk [tilespmem:v54+s8+$0x0], $0xffff  }
0xfa: {  	v1 =	vadd.f32 v49, v1;
	v3 =	vadd.f32 v3, v48;
	v61 =	vld.idx.msk [tilespmem:v24+s8+$0x0], $0xffff;
	v24 =	vadd.s32 $0x1B, v55  }
0xfb: {  	v2 =	vadd.f32 v7, v2;
	v7 =	vadd.s32 $0x1A, v55;
	v0 =	vsub.f32 v21, v0;
	v59 =	vld.idx.msk [tilespmem:v23+s8+$0x0], $0xffff  }
0xfc: {  	v9 =	vadd.f32 v9, v42;
	v4 =	vsub.f32 v11, v4;
	v60 =	vadd.s32 $0x15, v55;
	v62 =	vld.idx.msk [tilespmem:v13+s8+$0x0], $0xffff  }
0xfd: {  	[tilespmem:$0x1FF00] =	vst v10;
	v63 =	vmovc v17;
	v17 =	vadd.s32 $0x18, v55;
	v51 =	vsub.f32 v10, v51;
	v10 =	vld [tilespmem:$0x1FBE0];
	v0 =	vmul.f32 v0, v0  }
0xfe: {  	v23 =	vadd.s32 $0x19, v55;
	v13 =	vadd.s32 $0x1C, v55;
	v11 =	vld [tilespmem:$0x1FBF0];
	v57 =	vsub.f32 v19, v57  }
0xff: {  	v58 =	vsub.f32 v18, v58;
	v50 =	vmul.f32 v50, v50;
	v0 =	vadd.f32 v6, v0;
	v6 =	vld.idx.msk [tilespmem:v24+s8+$0x0], $0xffff  }
0x100: {  	v4 =	vmul.f32 v4, v4;
	v8 =	vsub.f32 v20, v8;
	v56 =	vsub.f32 v34, v56;
	v24 =	vld [tilespmem:$0x1FC00]  }
0x101: {  	v1 =	vadd.f32 v3, v1;
	v51 =	vmul.f32 v51, v51;
	v57 =	vmul.f32 v57, v57;
	v7 =	vld.idx.msk [tilespmem:v7+s8+$0x0], $0xffff  }
0x102: {  	v8 =	vmul.f32 v8, v8;
	v4 =	vadd.f32 v4, v50;
	v56 =	vmul.f32 v56, v56;
	v60 =	vld.idx.msk [tilespmem:v60+s8+$0x0], $0xffff  }
0x103: {  	v52 =	vsub.f32 v10, v52;
	v49 =	vld.idx.msk [tilespmem:v17+s8+$0x0], $0xffff;
	v17 =	vadd.s32 $0x1D, v55;
	v53 =	vsub.f32 v11, v53  }
0x104: {  	v48 =	vld.idx.msk [tilespmem:v23+s8+$0x0], $0xffff;
	v23 =	vadd.s32 $0x1E, v55;
	v54 =	vsub.f32 v36, v54;
	v59 =	vsub.f32 v35, v59  }
0x105: {  	v55 =	vadd.s32 $0x1F, v55;
	v62 =	vsub.f32 v22, v62;
	v0 =	vadd.f32 v0, v2  }
0x106: {  	v43 =	vmovc v12;
	v8 =	vadd.f32 v51, v8;
	v3 =	vadd.f32 v9, v4;
	v52 =	vmul.f32 v52, v52  }
0x107: {  	v50 =	vld.idx.msk [tilespmem:v13+s8+$0x0], $0xffff;
	v53 =	vmul.f32 v53, v53;
	v54 =	vmul.f32 v54, v54;
	v0 =	vadd.f32 v0, v1  }
0x108: {  	v58 =	vmul.f32 v58, v58;
	v7 =	vsub.f32 v37, v7;
	v60 =	vsub.f32 v12, v60;
	v12 =	vld.idx.msk [tilespmem:v24+s20+$0x0], $0xffff  }
0x109: {  	v59 =	vmul.f32 v59, v59;
	v52 =	vadd.f32 v53, v52;
	v54 =	vadd.f32 v56, v54  }
0x10a: {  	v62 =	vmul.f32 v62, v62;
	v56 =	vadd.f32 v58, v57;
	v42 =	vld.idx.msk [tilespmem:v17+s8+$0x0], $0xffff;
	v61 =	vsub.f32 v29, v61  }
0x10b: {  	v51 =	vld.idx.msk [tilespmem:v23+s8+$0x0], $0xffff;
	v49 =	vsub.f32 v41, v49;
	v48 =	vsub.f32 v40, v48;
	v7 =	vmul.f32 v7, v7  }
0x10c: {  	v55 =	vld.idx.msk [tilespmem:v55+s8+$0x0], $0xffff;
	v50 =	vsub.f32 v25, v50;
	v60 =	vmul.f32 v60, v60;
	v61 =	vmul.f32 v61, v61  }
0x10d: {  	v49 =	vmul.f32 v49, v49;
	v48 =	vmul.f32 v48, v48;
	v53 =	vmul.u32 $0x21, v12  }
0x10e: {  	[tilespmem:$0x1FCC0] =	vst v25;
	v50 =	vmul.f32 v50, v50;
	v57 =	vadd.f32 v60, v59;
	v25 =	vadd.f32 v62, v61  }
0x10f: {  	v17 =	vmovc v29;
	v48 =	vadd.f32 v48, v49;
	v6 =	vsub.f32 v30, v6;
	v29 =	vadd.s32 $0x1, v53  }
0x110: {  	v42 =	vsub.f32 v32, v42;
	v51 =	vsub.f32 v15, v51;
	v30 =	vadd.s32 $0x2, v53  }
0x111: {  	v23 =	vmovc v37;
	v37 =	vmovc v15;
	v55 =	vsub.f32 v16, v55;
	v15 =	vadd.f32 v52, v8;
	v13 =	vadd.s32 $0x3, v53  }
0x112: {  	v6 =	vmul.f32 v6, v6;
	v42 =	vmul.f32 v42, v42;
	v2 =	vadd.s32 $0x4, v53  }
0x113: {  	v51 =	vmul.f32 v51, v51;
	v55 =	vmul.f32 v55, v55;
	v24 =	vmovc v16;
	v16 =	vadd.s32 $0x5, v53;
	v8 =	vld.idx.msk [tilespmem:v53+s8+$0x0], $0xffff  }
0x114: {  	v61 =	vadd.f32 v25, v57;
	v6 =	vadd.f32 v6, v7;
	v25 =	vadd.s32 $0x6, v53;
	v62 =	vld.idx.msk [tilespmem:v29+s8+$0x0], $0xffff  }
0x115: {  	v42 =	vadd.f32 v42, v50;
	[tilespmem:$0x1FD90] =	vst v12;
	v12 =	vadd.f32 v55, v51;
	v7 =	vld.idx.msk [tilespmem:v30+s8+$0x0], $0xffff  }
0x116: {  	v60 =	vadd.f32 v56, v54;
	v1 =	vadd.f32 v15, v3;
	v57 =	vadd.s32 $0x9, v53;
	v3 =	vld.idx.msk [tilespmem:v13+s8+$0x0], $0xffff  }
0x117: {  	v6 =	vadd.f32 v6, v48;
	v42 =	vadd.f32 v12, v42;
	v58 =	vadd.s32 $0xA, v53;
	v2 =	vld.idx.msk [tilespmem:v2+s8+$0x0], $0xffff  }
0x118: {  	v12 =	vadd.s32 $0xB, v53;
	v9 =	vld.idx.msk [tilespmem:v16+s8+$0x0], $0xffff  }
0x119: {  	v56 =	vadd.f32 v61, v60;
	v6 =	vadd.f32 v42, v6;
	v29 =	vadd.s32 $0x7, v53;
	v59 =	vld.idx.msk [tilespmem:v25+s8+$0x0], $0xffff  }
0x11a: {  	[tilespmem:$0x1FC10] =	vst v41;
	v44 =	vadd.f32 v45, v44;
	v46 =	vadd.f32 v47, v46;
	v30 =	vadd.s32 $0x8, v53;
	v13 =	vld [tilespmem:$0x1FD50]  }
0x11b: {  	[tilespmem:$0x1FC30] =	vst v32;
	v0 =	vadd.f32 v1, v0;
	v1 =	vadd.f32 v6, v56;
	v25 =	vadd.s32 $0xC, v53;
	v42 =	vld.idx.msk [tilespmem:v57+s8+$0x0], $0xffff  }
0x11c: {  	[tilespmem:$0x1FCB0] =	vst v35;
	v41 =	vmov v40;
	v15 =	vadd.f32 v46, v44;
	v40 =	vadd.s32 $0xE, v53;
	v50 =	vld.idx.msk [tilespmem:v58+s8+$0x0], $0xffff  }
0x11d: {  	[tilespmem:$0x1FEB0] =	vst v38;
	v60 =	vadd.s32 $0xF, v53;
	v51 =	vld.idx.msk [tilespmem:v12+s8+$0x0], $0xffff;
	v0 =	vadd.f32 v1, v0  }
0x11e: {  	[tilespmem:$0x1FCE0] =	vst v15;
	v61 =	vadd.s32 $0x10, v53;
	v16 =	vld.idx.msk [tilespmem:v29+s8+$0x0], $0xffff  }
0x11f: {  	[tilespmem:$0x1FCF0] =	vst v0;
	v1 =	vld.idx.msk [tilespmem:v30+s8+$0x0], $0xffff  }
0x120: {  	v15 =	vadd.s32 $0x19, v53;
	v0 =	vsub.f32 v39, v8;
	v46 =	vld.idx.msk [tilespmem:v25+s8+$0x0], $0xffff  }
0x121: {  	v29 =	vadd.s32 $0xD, v53;
	v30 =	vsub.f32 v28, v62;
	v7 =	vsub.f32 v38, v7;
	v48 =	vld.idx.msk [tilespmem:v40+s8+$0x0], $0xffff  }
0x122: {  	v45 =	vshll.u32 v13, $0x3;
	v3 =	vsub.f32 v31, v3;
	v2 =	vsub.f32 v14, v2;
	v52 =	vld.idx.msk [tilespmem:v60+s8+$0x0], $0xffff  }
0x123: {  	v62 =	vadd.s32 $0x11, v53;
	v54 =	vld.idx.msk [tilespmem:v61+s8+$0x0], $0xffff;
	v0 =	vmul.f32 v0, v0;
	v8 =	vmul.f32 v30, v30  }
0x124: {  	v9 =	vsub.f32 v26, v9;
	v25 =	vadd.s32 $0x12, v53;
	v13 =	vadd.s32 $0x13, v53;
	v5 =	vld [tilespmem:$0x1FEF0]  }
0x125: {  	v7 =	vmul.f32 v7, v7;
	v3 =	vmul.f32 v3, v3;
	v0 =	vadd.f32 v8, v0;
	v8 =	vld.idx.msk [tilespmem:v15+s8+$0x0], $0xffff  }
0x126: {  	v60 =	vadd.s32 $0x16, v53;
	v2 =	vmul.f32 v2, v2;
	v9 =	vmul.f32 v9, v9;
	v4 =	vld.idx.msk [tilespmem:v29+s8+$0x0], $0xffff  }
0x127: {  	v3 =	vadd.f32 v3, v7;
	v7 =	vadd.s32 $0x1A, v53;
	v44 =	vsub.f32 v27, v16;
	v16 =	vld [tilespmem:$0x1FED0]  }
0x128: {  	v2 =	vadd.f32 v9, v2;
	v9 =	vadd.s32 $0x1B, v53;
	v55 =	vld.idx.msk [tilespmem:v62+s8+$0x0], $0xffff  }
0x129: {  	v15 =	vadd.s32 $0x1E, v53;
	v56 =	vld.idx.msk [tilespmem:v25+s8+$0x0], $0xffff  }
0x12a: {  	v50 =	vsub.f32 v63, v50;
	v30 =	vmovc v27;
	v27 =	vadd.s32 $0x14, v53;
	v51 =	vsub.f32 v5, v51;
	v57 =	vld.idx.msk [tilespmem:v13+s8+$0x0], $0xffff  }
0x12b: {  	v6 =	vsub.f32 v21, v59;
	v29 =	vadd.s32 $0x15, v53;
	v60 =	vld.idx.msk [tilespmem:v60+s8+$0x0], $0xffff  }
0x12c: {  	v50 =	vmul.f32 v50, v50;
	v51 =	vmul.f32 v51, v51;
	v7 =	vld.idx.msk [tilespmem:v7+s8+$0x0], $0xffff  }
0x12d: {  	v6 =	vmul.f32 v6, v6;
	v13 =	vadd.s32 $0x18, v53;
	v9 =	vld.idx.msk [tilespmem:v9+s8+$0x0], $0xffff  }
0x12e: {  	v25 =	vadd.s32 $0x17, v53;
	v44 =	vmul.f32 v44, v44;
	v50 =	vadd.f32 v51, v50;
	v51 =	vld.idx.msk [tilespmem:v15+s8+$0x0], $0xffff  }
0x12f: {  	v1 =	vsub.f32 v33, v1;
	v48 =	vsub.f32 v10, v48;
	v58 =	vld.idx.msk [tilespmem:v27+s8+$0x0], $0xffff  }
0x130: {  	v52 =	vsub.f32 v11, v52;
	v6 =	vadd.f32 v44, v6;
	v44 =	vadd.s32 $0x1C, v53;
	v59 =	vld.idx.msk [tilespmem:v29+s8+$0x0], $0xffff  }
0x131: {  	v12 =	vmovc v14;
	v14 =	vmovc v21;
	v21 =	vmov v63;
	v46 =	vsub.f32 v20, v46;
	v54 =	vsub.f32 v36, v54;
	v29 =	vld [tilespmem:$0x1FF00]  }
0x132: {  	[tilespmem:$0x1FC40] =	vst v23;
	v48 =	vmul.f32 v48, v48;
	v52 =	vmul.f32 v52, v52;
	v62 =	vld.idx.msk [tilespmem:v13+s8+$0x0], $0xffff;
	v13 =	vadd.s32 $0x1D, v53  }
0x133: {  	v0 =	vadd.f32 v3, v0;
	v1 =	vmul.f32 v1, v1;
	v42 =	vsub.f32 v16, v42;
	v61 =	vld.idx.msk [tilespmem:v25+s8+$0x0], $0xffff  }
0x134: {  	v8 =	vsub.f32 v41, v8;
	v48 =	vadd.f32 v52, v48;
	v25 =	vmovc v10;
	v53 =	vadd.s32 $0x1F, v53;
	v10 =	vld.idx.msk [tilespmem:v45+s21+$0x0], $0xffff  }
0x135: {  	v55 =	vsub.f32 v34, v55;
	v56 =	vsub.f32 v19, v56;
	v42 =	vmul.f32 v42, v42;
	v63 =	vld.idx.msk [tilespmem:v44+s8+$0x0], $0xffff  }
0x136: {  	v46 =	vmul.f32 v46, v46;
	v15 =	vmovc v23;
	v57 =	vsub.f32 v18, v57;
	v7 =	vsub.f32 v23, v7;
	v23 =	vld [tilespmem:$0x1FC20]  }
0x137: {  	v54 =	vmul.f32 v54, v54;
	v1 =	vadd.f32 v42, v1;
	v42 =	vld.idx.msk [tilespmem:v13+s8+$0x0], $0xffff;
	v13 =	vsub.f32 v17, v60  }
0x138: {  	v47 =	vmovc v17;
	v8 =	vmul.f32 v8, v8;
	v2 =	vadd.f32 v6, v2;
	v55 =	vmul.f32 v55, v55;
	v17 =	vld [tilespmem:$0x1FC10]  }
0x139: {  	v49 =	vmovc v43;
	v4 =	vsub.f32 v29, v4;
	v43 =	vsub.f32 v43, v59;
	v59 =	vmul.f32 v13, v13;
	v13 =	vld [tilespmem:$0x1FCC0]  }
0x13a: {  	v56 =	vmul.f32 v56, v56;
	v57 =	vmul.f32 v57, v57;
	v0 =	vadd.f32 v2, v0;
	v53 =	vld.idx.msk [tilespmem:v53+s8+$0x0], $0xffff  }
0x13b: {  	v51 =	vsub.f32 v37, v51;
	v35 =	vsub.f32 v35, v58;
	v4 =	vmul.f32 v4, v4  }
0x13c: {  	v61 =	vsub.f32 v22, v61;
	v7 =	vmul.f32 v7, v7;
	v1 =	vadd.f32 v50, v1  }
0x13d: {  	v60 =	vmul.f32 v35, v35;
	v4 =	vadd.f32 v4, v46;
	v46 =	vmul.f32 v43, v43  }
0x13e: {  	v40 =	vmovc v18;
	v35 =	vsub.f32 v17, v62;
	v18 =	vsub.f32 v13, v63;
	v63 =	vmul.u32 $0x21, v10  }
0x13f: {  	[tilespmem:$0x1FF60] =	vst v37;
	v61 =	vmul.f32 v61, v61;
	v9 =	vsub.f32 v23, v9;
	v53 =	vsub.f32 v24, v53  }
0x140: {  	v27 =	vmovc v11;
	v11 =	vmovc v37;
	v46 =	vadd.f32 v46, v60;
	v58 =	vmul.f32 v35, v35;
	v37 =	vadd.s32 $0x1, v63  }
0x141: {  	v35 =	vmul.f32 v53, v53;
	v53 =	vadd.f32 v55, v54;
	v60 =	vadd.s32 $0x2, v63  }
0x142: {  	v54 =	vadd.f32 v57, v56;
	v56 =	vadd.f32 v61, v59;
	v61 =	vadd.s32 $0x3, v63  }
0x143: {  	v44 =	vmovc v41;
	v42 =	vsub.f32 v32, v42;
	v62 =	vmul.f32 v18, v18;
	v18 =	vadd.s32 $0x4, v63  }
0x144: {  	v41 =	vmovc v24;
	v9 =	vmul.f32 v9, v9;
	v4 =	vadd.f32 v48, v4;
	v24 =	vadd.s32 $0x5, v63;
	v3 =	vld.idx.msk [tilespmem:v63+s8+$0x0], $0xffff  }
0x145: {  	v42 =	vmul.f32 v42, v42;
	v8 =	vadd.f32 v8, v58;
	v58 =	vadd.s32 $0x7, v63;
	v32 =	vld.idx.msk [tilespmem:v37+s8+$0x0], $0xffff  }
0x146: {  	v51 =	vmul.f32 v51, v51;
	v7 =	vadd.f32 v9, v7;
	v50 =	vadd.s32 $0xF, v63;
	v57 =	vld.idx.msk [tilespmem:v60+s8+$0x0], $0xffff  }
0x147: {  	v1 =	vadd.f32 v4, v1;
	v42 =	vadd.f32 v42, v62;
	v62 =	vadd.s32 $0xA, v63;
	v9 =	vld.idx.msk [tilespmem:v61+s8+$0x0], $0xffff  }
0x148: {  	v51 =	vadd.f32 v35, v51;
	v35 =	vadd.s32 $0x6, v63;
	v46 =	vadd.f32 v56, v46;
	v2 =	vld.idx.msk [tilespmem:v18+s8+$0x0], $0xffff  }
0x149: {  	v0 =	vadd.f32 v1, v0;
	v7 =	vadd.f32 v7, v8;
	v60 =	vadd.s32 $0x8, v63;
	v6 =	vld.idx.msk [tilespmem:v24+s8+$0x0], $0xffff  }
0x14a: {  	v59 =	vadd.f32 v51, v42;
	v37 =	vadd.f32 v54, v53;
	v61 =	vadd.s32 $0x9, v63;
	v1 =	vld.idx.msk [tilespmem:v58+s8+$0x0], $0xffff  }
0x14b: {  	v18 =	vor.u32 $0x1, v45;
	v45 =	vadd.s32 $0x10, v63;
	v50 =	vld.idx.msk [tilespmem:v50+s8+$0x0], $0xffff  }
0x14c: {  	v48 =	vadd.f32 v59, v7;
	v46 =	vadd.f32 v46, v37;
	v37 =	vadd.s32 $0xB, v63;
	v7 =	vld.idx.msk [tilespmem:v62+s8+$0x0], $0xffff  }
0x14d: {  	v51 =	vmovc v28;
	v62 =	vadd.s32 $0xE, v63;
	v3 =	vsub.f32 v39, v3;
	v24 =	vsub.f32 v28, v32;
	v28 =	vld.idx.msk [tilespmem:v35+s8+$0x0], $0xffff  }
0x14e: {  	[tilespmem:$0x1FC50] =	vst v0;
	v0 =	vsub.f32 v38, v57;
	v42 =	vld.idx.msk [tilespmem:v60+s8+$0x0], $0xffff;
	v60 =	vadd.s32 $0xC, v63;
	v9 =	vsub.f32 v31, v9  }
0x14f: {  	v4 =	vld.idx.msk [tilespmem:v61+s8+$0x0], $0xffff;
	v61 =	vadd.s32 $0xD, v63;
	v2 =	vsub.f32 v12, v2;
	v6 =	vsub.f32 v26, v6  }
0x150: {  	v32 =	vmovc v12;
	v12 =	vld.idx.msk [tilespmem:v18+s21+$0x0], $0xffff;
	v1 =	vsub.f32 v30, v1;
	v18 =	vadd.s32 $0x12, v63;
	v3 =	vmul.f32 v3, v3  }
0x151: {  	v57 =	vld.idx.msk [tilespmem:v45+s8+$0x0], $0xffff;
	v45 =	vadd.s32 $0x15, v63;
	v53 =	vmul.f32 v24, v24;
	v0 =	vmul.f32 v0, v0  }
0x152: {  	[tilespmem:$0x1FDB0] =	vst v10;
	v50 =	vsub.f32 v27, v50;
	v8 =	vmul.f32 v9, v9;
	v2 =	vmul.f32 v2, v2  }
0x153: {  	v43 =	vmovc v26;
	v6 =	vmul.f32 v6, v6;
	v52 =	vld.idx.msk [tilespmem:v37+s8+$0x0], $0xffff;
	v37 =	vadd.s32 $0x11, v63;
	v1 =	vmul.f32 v1, v1  }
0x154: {  	v35 =	vmovc v16;
	v26 =	vmovc v21;
	v7 =	vsub.f32 v21, v7;
	v21 =	vadd.s32 $0x13, v63;
	v10 =	vadd.f32 v53, v3  }
0x155: {  	v56 =	vld.idx.msk [tilespmem:v62+s8+$0x0], $0xffff;
	v50 =	vmul.f32 v50, v50;
	v3 =	vadd.f32 v6, v2;
	v38 =	vsub.f32 v14, v28  }
0x156: {  	v7 =	vmul.f32 v7, v7;
	v54 =	vld.idx.msk [tilespmem:v60+s8+$0x0], $0xffff;
	v42 =	vsub.f32 v33, v42;
	v4 =	vsub.f32 v16, v4  }
0x157: {  	v24 =	vmovc v5;
	v28 =	vmovc v33;
	v33 =	vadd.s32 $0x14, v63;
	v16 =	vadd.s32 $0x16, v63;
	v59 =	vld.idx.msk [tilespmem:v18+s8+$0x0], $0xffff;
	v18 =	vadd.s32 $0x17, v63  }
0x158: {  	v55 =	vld.idx.msk [tilespmem:v61+s8+$0x0], $0xffff;
	v57 =	vsub.f32 v36, v57;
	v9 =	vmul.f32 v38, v38;
	v42 =	vmul.f32 v42, v42  }
0x159: {  	v53 =	vld.idx.msk [tilespmem:v45+s8+$0x0], $0xffff;
	v4 =	vmul.f32 v4, v4;
	v52 =	vsub.f32 v5, v52;
	v5 =	vadd.f32 v8, v0  }
0x15a: {  	v60 =	vld.idx.msk [tilespmem:v21+s8+$0x0], $0xffff;
	v21 =	vadd.s32 $0x19, v63;
	v56 =	vsub.f32 v25, v56;
	v0 =	vadd.s32 $0x1E, v63  }
0x15b: {  	v58 =	vld.idx.msk [tilespmem:v37+s8+$0x0], $0xffff;
	v2 =	vadd.f32 v1, v9;
	v52 =	vmul.f32 v52, v52;
	v4 =	vadd.f32 v4, v42  }
0x15c: {  	v37 =	vmovc v20;
	v1 =	vadd.s32 $0x1B, v63;
	v45 =	vmul.f32 v56, v56;
	v5 =	vadd.f32 v5, v10;
	v61 =	vld.idx.msk [tilespmem:v33+s8+$0x0], $0xffff  }
0x15d: {  	v38 =	vmovc v30;
	v54 =	vsub.f32 v20, v54;
	v55 =	vsub.f32 v29, v55;
	v20 =	vadd.s32 $0x18, v63;
	v8 =	vld.idx.msk [tilespmem:v16+s8+$0x0], $0xffff  }
0x15e: {  	v30 =	vmovc v29;
	v29 =	vadd.s32 $0x1A, v63;
	v6 =	vld.idx.msk [tilespmem:v18+s8+$0x0], $0xffff;
	v59 =	vsub.f32 v19, v59;
	v53 =	vsub.f32 v49, v53  }
0x15f: {  	v33 =	vmovc v27;
	v27 =	vadd.s32 $0x1D, v63;
	v7 =	vadd.f32 v52, v7;
	v50 =	vadd.f32 v50, v45;
	v42 =	vld.idx.msk [tilespmem:v21+s8+$0x0], $0xffff  }
0x160: {  	v18 =	vmovc v36;
	v2 =	vadd.f32 v2, v3;
	v54 =	vmul.f32 v54, v54;
	v55 =	vmul.f32 v55, v55;
	v21 =	vld [tilespmem:$0x1FCB0]  }
0x161: {  	v58 =	vsub.f32 v34, v58;
	v60 =	vsub.f32 v40, v60;
	v36 =	vmul.f32 v59, v59;
	v0 =	vld.idx.msk [tilespmem:v0+s8+$0x0], $0xffff  }
0x162: {  	v59 =	vmul.f32 v53, v53;
	v53 =	vmul.u32 $0x21, v12;
	v4 =	vadd.f32 v7, v4;
	v1 =	vld.idx.msk [tilespmem:v1+s8+$0x0], $0xffff  }
0x163: {  	v2 =	vadd.f32 v2, v5;
	v52 =	vadd.f32 v55, v54;
	v54 =	vadd.s32 $0x1C, v63;
	v9 =	vld.idx.msk [tilespmem:v20+s8+$0x0], $0xffff  }
0x164: {  	v16 =	vmovc v34;
	v63 =	vadd.s32 $0x1F, v63;
	v34 =	vmul.f32 v58, v58;
	v62 =	vld.idx.msk [tilespmem:v29+s8+$0x0], $0xffff;
	v29 =	vmul.f32 v57, v57  }
0x165: {  	v20 =	vmovc v40;
	v40 =	vmul.f32 v60, v60;
	v8 =	vsub.f32 v47, v8;
	v6 =	vsub.f32 v22, v6  }
0x166: {  	[tilespmem:$0x1FDE0] =	vst v12;
	v12 =	vadd.s32 $0x3, v53;
	v45 =	vsub.f32 v21, v61;
	v55 =	vadd.f32 v34, v29  }
0x167: {  	v3 =	vadd.s32 $0x4, v53;
	v56 =	vld.idx.msk [tilespmem:v27+s8+$0x0], $0xffff;
	v57 =	vadd.f32 v40, v36;
	v36 =	vmovc v17;
	v42 =	vsub.f32 v44, v42  }
0x168: {  	v8 =	vmul.f32 v8, v8;
	v6 =	vmul.f32 v6, v6;
	v0 =	vsub.f32 v11, v0;
	v54 =	vld.idx.msk [tilespmem:v54+s8+$0x0], $0xffff  }
0x169: {  	v34 =	vmovc v22;
	v58 =	vmul.f32 v45, v45;
	v1 =	vsub.f32 v23, v1;
	v42 =	vmul.f32 v42, v42;
	v45 =	vld [tilespmem:$0x1FC30]  }
0x16a: {  	v0 =	vmul.f32 v0, v0;
	v6 =	vadd.f32 v6, v8;
	v9 =	vsub.f32 v17, v9;
	v17 =	vld.idx.msk [tilespmem:v63+s8+$0x0], $0xffff  }
0x16b: {  	v22 =	vmovc v44;
	v44 =	vmovc v23;
	v55 =	vadd.f32 v57, v55;
	v23 =	vadd.s32 $0x6, v53;
	v58 =	vadd.f32 v59, v58  }
0x16c: {  	v27 =	vsub.f32 v15, v62;
	v62 =	vadd.s32 $0x1, v53;
	v63 =	vadd.s32 $0x2, v53  }
0x16d: {  	v1 =	vmul.f32 v1, v1;
	v9 =	vmul.f32 v9, v9;
	v6 =	vadd.f32 v6, v58  }
0x16e: {  	v3 =	vld.idx.msk [tilespmem:v3+s8+$0x0], $0xffff;
	v60 =	vmul.f32 v27, v27;
	v54 =	vsub.f32 v13, v54;
	v56 =	vsub.f32 v45, v56  }
0x16f: {  	v15 =	vld.idx.msk [tilespmem:v53+s8+$0x0], $0xffff;
	v13 =	vadd.f32 v50, v52;
	v52 =	vadd.s32 $0x8, v53;
	v29 =	vsub.f32 v41, v17  }
0x170: {  	v57 =	vld.idx.msk [tilespmem:v23+s8+$0x0], $0xffff;
	v6 =	vadd.f32 v6, v55;
	v55 =	vadd.s32 $0x9, v53;
	v54 =	vmul.f32 v54, v54  }
0x171: {  	v27 =	vld.idx.msk [tilespmem:v63+s8+$0x0], $0xffff;
	v63 =	vadd.s32 $0xE, v53;
	v56 =	vmul.f32 v56, v56;
	v61 =	vmul.f32 v29, v29  }
0x172: {  	v40 =	vmovc v47;
	v58 =	vadd.s32 $0xB, v53;
	v9 =	vadd.f32 v42, v9;
	v1 =	vadd.f32 v1, v60;
	v8 =	vld.idx.msk [tilespmem:v62+s8+$0x0], $0xffff  }
0x173: {  	v47 =	vmovc v41;
	v41 =	vld.idx.msk [tilespmem:v12+s8+$0x0], $0xffff;
	v62 =	vadd.s32 $0xD, v53;
	v54 =	vadd.f32 v56, v54;
	v0 =	vadd.f32 v61, v0  }
0x174: {  	v3 =	vsub.f32 v32, v3;
	v17 =	vadd.s32 $0x5, v53;
	v1 =	vadd.f32 v1, v9;
	v7 =	vld.idx.msk [tilespmem:v52+s8+$0x0], $0xffff  }
0x175: {  	v4 =	vadd.f32 v13, v4;
	v60 =	vld.idx.msk [tilespmem:v55+s8+$0x0], $0xffff;
	v0 =	vadd.f32 v0, v54  }
0x176: {  	v23 =	vadd.s32 $0x11, v53;
	v12 =	vadd.s32 $0xF, v53;
	v50 =	vld.idx.msk [tilespmem:v63+s8+$0x0], $0xffff;
	v54 =	vadd.f32 v48, v46  }
0x177: {  	v29 =	vadd.s32 $0x7, v53;
	v48 =	vld.idx.msk [tilespmem:v58+s8+$0x0], $0xffff;
	v0 =	vadd.f32 v0, v1;
	v1 =	vadd.f32 v4, v2  }
0x178: {  	v3 =	vmul.f32 v3, v3;
	v56 =	vsub.f32 v39, v15;
	v10 =	vsub.f32 v14, v57;
	v46 =	vld.idx.msk [tilespmem:v62+s8+$0x0], $0xffff  }
0x179: {  	v61 =	vadd.s32 $0xC, v53;
	v8 =	vsub.f32 v51, v8;
	v5 =	vsub.f32 v31, v41;
	[tilespmem:$0x1FC70] =	vst v1;
	v1 =	vld.idx.msk [tilespmem:v17+s8+$0x0], $0xffff  }
0x17a: {  	v57 =	vadd.s32 $0x10, v53;
	v55 =	vadd.s32 $0x15, v53;
	v10 =	vmul.f32 v10, v10;
	v17 =	vld [tilespmem:$0x1FEB0]  }
0x17b: {  	v58 =	vld.idx.msk [tilespmem:v23+s8+$0x0], $0xffff;
	v62 =	vadd.s32 $0x1B, v53;
	v8 =	vmul.f32 v8, v8;
	v5 =	vmul.f32 v5, v5  }
0x17c: {  	v13 =	vmovc v38;
	v59 =	vld.idx.msk [tilespmem:v29+s8+$0x0], $0xffff;
	v2 =	vadd.s32 $0xA, v53;
	v4 =	vmul.f32 v56, v56;
	v7 =	vsub.f32 v28, v7  }
0x17d: {  	[tilespmem:$0x1FC60] =	vst v54;
	v56 =	vld.idx.msk [tilespmem:v12+s8+$0x0], $0xffff;
	v54 =	vadd.s32 $0x14, v53;
	v0 =	vadd.f32 v0, v6;
	v9 =	vsub.f32 v35, v60  }
0x17e: {  	v29 =	vmovc v24;
	v42 =	vld.idx.msk [tilespmem:v61+s8+$0x0], $0xffff;
	v61 =	vadd.s32 $0x19, v53;
	v12 =	vadd.f32 v8, v4;
	v50 =	vsub.f32 v25, v50  }
0x17f: {  	v48 =	vsub.f32 v24, v48;
	[tilespmem:$0x1FC80] =	vst v0;
	v0 =	vsub.f32 v17, v27;
	v27 =	vmovc v35;
	v35 =	vadd.s32 $0x12, v53  }
0x180: {  	v57 =	vld.idx.msk [tilespmem:v57+s8+$0x0], $0xffff;
	v7 =	vmul.f32 v7, v7;
	v46 =	vsub.f32 v30, v46;
	v58 =	vsub.f32 v16, v58  }
0x181: {  	v24 =	vmovc v25;
	v62 =	vld.idx.msk [tilespmem:v62+s8+$0x0], $0xffff;
	v6 =	vsub.f32 v38, v59;
	v9 =	vmul.f32 v9, v9;
	v38 =	vadd.s32 $0x13, v53  }
0x182: {  	v2 =	vld.idx.msk [tilespmem:v2+s8+$0x0], $0xffff;
	v48 =	vmul.f32 v48, v48;
	v46 =	vmul.f32 v46, v46;
	v25 =	vsub.f32 v33, v56  }
0x183: {  	v8 =	vld.idx.msk [tilespmem:v54+s8+$0x0], $0xffff;
	v56 =	vadd.s32 $0x1A, v53;
	v1 =	vsub.f32 v43, v1;
	v0 =	vmul.f32 v0, v0  }
0x184: {  	v42 =	vsub.f32 v37, v42;
	v7 =	vadd.f32 v9, v7;
	v59 =	vld.idx.msk [tilespmem:v35+s8+$0x0], $0xffff;
	v35 =	vadd.s32 $0x17, v53  }
0x185: {  	v23 =	vmovc v30;
	v9 =	vadd.s32 $0x18, v53;
	v1 =	vmul.f32 v1, v1;
	v11 =	vadd.f32 v5, v0;
	v0 =	vld [tilespmem:$0x1FD70]  }
0x186: {  	v6 =	vmul.f32 v6, v6;
	v30 =	vsub.f32 v18, v57;
	v42 =	vmul.f32 v42, v42;
	v60 =	vld.idx.msk [tilespmem:v38+s8+$0x0], $0xffff  }
0x187: {  	v2 =	vsub.f32 v26, v2;
	v4 =	vadd.f32 v1, v3;
	v3 =	vadd.s32 $0x16, v53;
	v5 =	vld.idx.msk [tilespmem:v55+s8+$0x0], $0xffff  }
0x188: {  	v58 =	vmul.f32 v58, v58;
	v6 =	vadd.f32 v6, v10;
	v42 =	vadd.f32 v46, v42;
	v1 =	vld.idx.msk [tilespmem:v61+s8+$0x0], $0xffff  }
0x189: {  	v46 =	vmul.f32 v50, v50;
	v2 =	vmul.f32 v2, v2;
	v10 =	vld.idx.msk [tilespmem:v35+s8+$0x0], $0xffff;
	v35 =	vadd.s32 $0x1C, v53  }
0x18a: {  	v63 =	vsub.f32 v44, v62;
	v50 =	vmul.f32 v30, v30;
	v9 =	vld.idx.msk [tilespmem:v9+s8+$0x0], $0xffff;
	v61 =	vshll.u32 v0, $0x3  }
0x18b: {  	v56 =	vld.idx.msk [tilespmem:v56+s8+$0x0], $0xffff;
	v2 =	vadd.f32 v48, v2;
	v48 =	vmul.f32 v25, v25;
	v25 =	vadd.s32 $0x1D, v53  }
0x18c: {  	[tilespmem:$0x1FF40] =	vst v40;
	v8 =	vsub.f32 v21, v8;
	v60 =	vsub.f32 v20, v60;
	v3 =	vld.idx.msk [tilespmem:v3+s8+$0x0], $0xffff;
	v0 =	vadd.s32 $0x1E, v53  }
0x18d: {  	v15 =	vmovc v43;
	v48 =	vadd.f32 v48, v46;
	v46 =	vmovc v22;
	v1 =	vsub.f32 v22, v1;
	v22 =	vld [tilespmem:$0x1FC40];
	v53 =	vadd.s32 $0x1F, v53  }
0x18e: {  	v50 =	vadd.f32 v58, v50;
	v8 =	vmul.f32 v8, v8;
	v5 =	vsub.f32 v49, v5;
	v57 =	vld.idx.msk [tilespmem:v35+s8+$0x0], $0xffff  }
0x18f: {  	v4 =	vadd.f32 v6, v4;
	v60 =	vmul.f32 v60, v60;
	v9 =	vsub.f32 v36, v9;
	v35 =	vld.idx.msk [tilespmem:v61+s21+$0x0], $0xffff  }
0x190: {  	v59 =	vsub.f32 v19, v59;
	v5 =	vmul.f32 v5, v5;
	v30 =	vld.idx.msk [tilespmem:v25+s8+$0x0], $0xffff;
	v10 =	vsub.f32 v34, v10  }
0x191: {  	v9 =	vmul.f32 v9, v9;
	v1 =	vmul.f32 v1, v1;
	v25 =	vmovc v40;
	v3 =	vsub.f32 v40, v3;
	v40 =	vld [tilespmem:$0x1FCC0]  }
0x192: {  	v2 =	vadd.f32 v2, v7;
	v59 =	vmul.f32 v59, v59;
	v43 =	vmul.f32 v10, v10;
	v10 =	vld.idx.msk [tilespmem:v53+s8+$0x0], $0xffff  }
0x193: {  	[tilespmem:$0x1FF10] =	vst v18;
	v52 =	vmovc v26;
	v54 =	vmov v36;
	v36 =	vld [tilespmem:$0x1FF60];
	v5 =	vadd.f32 v5, v8;
	v1 =	vadd.f32 v1, v9  }
0x194: {  	v41 =	vmovc v19;
	v58 =	vadd.f32 v60, v59;
	v0 =	vld.idx.msk [tilespmem:v0+s8+$0x0], $0xffff;
	v3 =	vmul.f32 v3, v3;
	v53 =	vmul.u32 $0x21, v35  }
0x195: {  	v38 =	vmovc v18;
	v8 =	vmul.f32 v63, v63;
	v60 =	vsub.f32 v22, v56;
	v30 =	vsub.f32 v45, v30  }
0x196: {  	v19 =	vmovc v21;
	v3 =	vadd.f32 v43, v3;
	v21 =	vsub.f32 v40, v57;
	v43 =	vmovc v44;
	v44 =	vadd.s32 $0x1, v53  }
0x197: {  	v18 =	vmul.f32 v60, v60;
	[tilespmem:$0x1FF80] =	vst v35;
	v35 =	vmovc v47;
	v10 =	vsub.f32 v47, v10;
	v47 =	vadd.s32 $0x2, v53  }
0x198: {  	v26 =	vmovc v37;
	v37 =	vmovc v16;
	v57 =	vmul.f32 v30, v30;
	v56 =	vmul.f32 v21, v21;
	v16 =	vadd.s32 $0x3, v53  }
0x199: {  	v8 =	vadd.f32 v8, v18;
	v0 =	vsub.f32 v36, v0;
	v30 =	vadd.s32 $0x4, v53  }
0x19a: {  	v18 =	vadd.s32 $0x5, v53;
	v9 =	vadd.f32 v57, v56;
	v56 =	vadd.f32 v11, v12;
	v11 =	vld.idx.msk [tilespmem:v53+s8+$0x0], $0xffff  }
0x19b: {  	v0 =	vmul.f32 v0, v0;
	v7 =	vadd.s32 $0x6, v53;
	v10 =	vmul.f32 v10, v10;
	v6 =	vld.idx.msk [tilespmem:v44+s8+$0x0], $0xffff  }
0x19c: {  	v42 =	vadd.f32 v48, v42;
	v62 =	vadd.s32 $0xA, v53;
	v44 =	vld.idx.msk [tilespmem:v47+s8+$0x0], $0xffff  }
0x19d: {  	v3 =	vadd.f32 v3, v5;
	v0 =	vadd.f32 v10, v0;
	v5 =	vld.idx.msk [tilespmem:v16+s8+$0x0], $0xffff;
	v16 =	vadd.s32 $0x8, v53  }
0x19e: {  	v21 =	vadd.f32 v58, v50;
	v56 =	vadd.f32 v4, v56;
	v47 =	vadd.s32 $0x7, v53;
	v4 =	vld.idx.msk [tilespmem:v30+s8+$0x0], $0xffff  }
0x19f: {  	v61 =	vor.u32 $0x1, v61;
	v1 =	vadd.f32 v8, v1;
	v18 =	vld.idx.msk [tilespmem:v18+s8+$0x0], $0xffff;
	v0 =	vadd.f32 v0, v9  }
0x1a0: {  	v50 =	vadd.s32 $0x10, v53;
	v58 =	vadd.f32 v3, v21;
	v30 =	vadd.s32 $0x9, v53;
	v21 =	vld.idx.msk [tilespmem:v7+s8+$0x0], $0xffff  }
0x1a1: {  	v57 =	vadd.f32 v42, v2;
	v7 =	vld.idx.msk [tilespmem:v62+s8+$0x0], $0xffff;
	v62 =	vadd.s32 $0x17, v53;
	v59 =	vadd.f32 v0, v1  }
0x1a2: {  	v2 =	vsub.f32 v39, v11;
	v3 =	vsub.f32 v51, v6;
	v8 =	vld.idx.msk [tilespmem:v16+s8+$0x0], $0xffff;
	v16 =	vadd.s32 $0xC, v53  }
0x1a3: {  	v1 =	vld.idx.msk [tilespmem:v47+s8+$0x0], $0xffff;
	v63 =	vsub.f32 v17, v44;
	v47 =	vmovc v17;
	v5 =	vsub.f32 v31, v5;
	v17 =	vadd.s32 $0xD, v53  }
0x1a4: {  	v4 =	vsub.f32 v32, v4;
	v10 =	vsub.f32 v15, v18;
	v18 =	vadd.s32 $0xF, v53  }
0x1a5: {  	v9 =	vld.idx.msk [tilespmem:v30+s8+$0x0], $0xffff;
	v6 =	vsub.f32 v14, v21;
	v21 =	vadd.s32 $0x11, v53;
	v0 =	vmul.f32 v2, v2  }
0x1a6: {  	v62 =	vld.idx.msk [tilespmem:v62+s8+$0x0], $0xffff;
	v2 =	vadd.s32 $0xB, v53;
	v3 =	vmul.f32 v3, v3;
	v11 =	vmul.f32 v63, v63  }
0x1a7: {  	v5 =	vmul.f32 v5, v5;
	v4 =	vmul.f32 v4, v4;
	v63 =	vadd.s32 $0x13, v53;
	v12 =	vld.idx.msk [tilespmem:v16+s8+$0x0], $0xffff  }
0x1a8: {  	v44 =	vmovc v31;
	v10 =	vmul.f32 v10, v10;
	v31 =	vadd.f32 v3, v0;
	v3 =	vadd.s32 $0xE, v53;
	v42 =	vld.idx.msk [tilespmem:v17+s8+$0x0], $0xffff  }
0x1a9: {  	v6 =	vmul.f32 v6, v6;
	v1 =	vsub.f32 v13, v1;
	v8 =	vsub.f32 v28, v8;
	v48 =	vld.idx.msk [tilespmem:v18+s8+$0x0], $0xffff  }
0x1aa: {  	v0 =	vadd.s32 $0x14, v53;
	v9 =	vsub.f32 v27, v9;
	v18 =	vadd.f32 v10, v4;
	v10 =	vld.idx.msk [tilespmem:v50+s8+$0x0], $0xffff  }
0x1ab: {  	v27 =	vadd.s32 $0x12, v53;
	v17 =	vadd.f32 v5, v11;
	v2 =	vld.idx.msk [tilespmem:v2+s8+$0x0], $0xffff;
	v1 =	vmul.f32 v1, v1  }
0x1ac: {  	[tilespmem:$0x1FC90] =	vst v51;
	v11 =	vadd.s32 $0x15, v53;
	v8 =	vmul.f32 v8, v8;
	v9 =	vmul.f32 v9, v9;
	v60 =	vld.idx.msk [tilespmem:v63+s8+$0x0], $0xffff  }
0x1ad: {  	v30 =	vmovc v13;
	v50 =	vadd.s32 $0x16, v53;
	v62 =	vsub.f32 v34, v62;
	v13 =	vld.idx.msk [tilespmem:v3+s8+$0x0], $0xffff;
	v16 =	vadd.f32 v1, v6  }
0x1ae: {  	v51 =	vmovc v15;
	v63 =	vadd.s32 $0x1A, v53;
	v15 =	vadd.f32 v9, v8;
	v9 =	vld.idx.msk [tilespmem:v21+s8+$0x0], $0xffff;
	v1 =	vsub.f32 v52, v7  }
0x1af: {  	v4 =	vld.idx.msk [tilespmem:v0+s8+$0x0], $0xffff;
	v3 =	vadd.s32 $0x19, v53;
	v12 =	vsub.f32 v26, v12;
	v42 =	vsub.f32 v23, v42  }
0x1b0: {  	v21 =	vmovc v52;
	v52 =	vmovc v26;
	v26 =	vmov v23;
	v23 =	vld [tilespmem:s17+$0x1E840];
	v10 =	vsub.f32 v38, v10;
	v2 =	vsub.f32 v29, v2  }
0x1b1: {  	v7 =	vld.idx.msk [tilespmem:v27+s8+$0x0], $0xffff;
	v27 =	vmul.f32 v1, v1;
	v1 =	vadd.s32 $0x18, v53;
	v12 =	vmul.f32 v12, v12  }
0x1b2: {  	v11 =	vld.idx.msk [tilespmem:v11+s8+$0x0], $0xffff;
	v6 =	vsub.f32 v33, v48;
	v0 =	vmul.f32 v42, v42;
	v10 =	vmul.f32 v10, v10  }
0x1b3: {  	v48 =	vld.idx.msk [tilespmem:v50+s8+$0x0], $0xffff;
	v60 =	vsub.f32 v20, v60;
	v2 =	vmul.f32 v2, v2;
	v13 =	vsub.f32 v24, v13  }
0x1b4: {  	v8 =	vadd.f32 v0, v12;
	v9 =	vsub.f32 v37, v9;
	v42 =	vld.idx.msk [tilespmem:v3+s8+$0x0], $0xffff;
	v3 =	vadd.s32 $0x1D, v53  }
0x1b5: {  	[tilespmem:$0x1FCA0] =	vst v32;
	v32 =	vmovc v14;
	v12 =	vmul.f32 v6, v6;
	v14 =	vadd.f32 v2, v27;
	v27 =	vadd.s32 $0x1B, v53  }
0x1b6: {  	v4 =	vsub.f32 v19, v4;
	v60 =	vmul.f32 v60, v60;
	v38 =	vld.idx.msk [tilespmem:v1+s8+$0x0], $0xffff;
	v1 =	vadd.s32 $0x1E, v53  }
0x1b7: {  	v63 =	vld.idx.msk [tilespmem:v63+s8+$0x0], $0xffff;
	v7 =	vsub.f32 v41, v7;
	v2 =	vadd.s32 $0x1C, v53;
	v11 =	vsub.f32 v49, v11  }
0x1b8: {  	v48 =	vsub.f32 v25, v48;
	v9 =	vmul.f32 v9, v9;
	v4 =	vmul.f32 v4, v4;
	v0 =	vld.idx.msk [tilespmem:v23+s29+$0x0], $0xffff  }
0x1b9: {  	[tilespmem:$0x1FF70] =	vst v23;
	v53 =	vadd.s32 $0x1F, v53;
	v7 =	vmul.f32 v7, v7;
	v11 =	vmul.f32 v11, v11;
	v3 =	vld.idx.msk [tilespmem:v3+s8+$0x0], $0xffff  }
0x1ba: {  	v19 =	vmul.f32 v48, v48;
	v23 =	vmul.f32 v62, v62;
	v9 =	vadd.f32 v9, v10;
	v50 =	vld.idx.msk [tilespmem:v27+s8+$0x0], $0xffff  }
0x1bb: {  	v13 =	vmul.f32 v13, v13;
	v7 =	vadd.f32 v60, v7;
	v5 =	vsub.f32 v46, v42;
	v25 =	vld.idx.msk [tilespmem:v1+s8+$0x0], $0xffff  }
0x1bc: {  	v4 =	vadd.f32 v11, v4;
	v11 =	vadd.f32 v23, v19;
	v1 =	vld.idx.msk [tilespmem:v61+s21+$0x0], $0xffff  }
0x1bd: {  	v12 =	vadd.f32 v12, v13;
	v2 =	vld.idx.msk [tilespmem:v2+s8+$0x0], $0xffff;
	v6 =	vsub.f32 v54, v38;
	v5 =	vmul.f32 v5, v5  }
0x1be: {  	v27 =	vld.idx.msk [tilespmem:v53+s8+$0x0], $0xffff;
	v7 =	vadd.f32 v7, v9;
	v4 =	vadd.f32 v11, v4;
	vm0 =	vgt.s32 v0, $0x1  }
0x1bf: {  	[tilespmem:$0x1FF50] =	vst v34;
	v53 =	vnsel vm0, $0x1, v0;
	v0 =	vsub.f32 v22, v63;
	v3 =	vsub.f32 v45, v3  }
0x1c0: {  	v34 =	vmovc v22;
	v6 =	vmul.f32 v6, v6;
	v63 =	vadd.f32 v17, v31;
	v22 =	vadd.f32 v16, v18  }
0x1c1: {  	v4 =	vadd.f32 v4, v7;
	v42 =	vsub.f32 v43, v50;
	v60 =	vmul.u32 $0x21, v1  }
0x1c2: {  	v2 =	vsub.f32 v40, v2;
	v0 =	vmul.f32 v0, v0;
	v10 =	vsub.f32 v36, v25  }
0x1c3: {  	v13 =	vsub.f32 v35, v27;
	v3 =	vmul.f32 v3, v3;
	v19 =	vadd.s32 $0x1, v60  }
0x1c4: {  	v38 =	vmovc v35;
	[tilespmem:$0x1FF90] =	vst v1;
	v1 =	vlaneseq.u32;
	v35 =	vld [tilespmem:$0x1FC60];
	v48 =	vmul.f32 v42, v42;
	v25 =	vadd.s32 $0x3, v60  }
0x1c5: {  	v55 =	vmovc v20;
	v20 =	vmovc v49;
	v2 =	vmul.f32 v2, v2;
	v61 =	vor.u32 s18, v1;
	v1 =	vld [tilespmem:$0x1FC50];
	v49 =	vadd.s32 $0x4, v60  }
0x1c6: {  	v10 =	vmul.f32 v10, v10;
	v13 =	vmul.f32 v13, v13;
	v62 =	vadd.s32 $0xD, v60;
	v42 =	vmovc v36;
	v36 =	vld [tilespmem:$0x1FC80]  }
0x1c7: {  	v5 =	vadd.f32 v5, v6;
	v23 =	vadd.s32 $0x2, v60;
	v0 =	vadd.f32 v48, v0;
	v27 =	vld.idx.msk [tilespmem:v60+s8+$0x0], $0xffff  }
0x1c8: {  	v50 =	vcvt.s32.f32 v53;
	v2 =	vadd.f32 v3, v2;
	v3 =	vadd.f32 v13, v10;
	v7 =	vld.idx.msk [tilespmem:v19+s8+$0x0], $0xffff  }
0x1c9: {  	v14 =	vadd.f32 v14, v15;
	v48 =	vadd.s32 $0x8, v60;
	v0 =	vadd.f32 v0, v5;
	v9 =	vld.idx.msk [tilespmem:v25+s8+$0x0], $0xffff  }
0x1ca: {  	(erf) = vrcp.f32 v50;
	v2 =	vadd.f32 v3, v2;
	v3 =	vadd.f32 v22, v63;
	v40 =	vld.idx.msk [tilespmem:v49+s8+$0x0], $0xffff  }
0x1cb: {  	v22 =	vadd.f32 v59, v58;
	v1 =	vadd.f32 v35, v1;
	v58 =	vadd.s32 $0xB, v60;
	v15 =	vld.idx.msk [tilespmem:v62+s8+$0x0], $0xffff  }
0x1cc: {  	v59 =	vadd.s32 $0xC, v60;
	v0 =	vadd.f32 v2, v0;
	v2 =	vld.idx.msk [tilespmem:v23+s8+$0x0], $0xffff  }
0x1cd: {  	v19 =	vadd.f32 v57, v56;
	v57 =	vadd.s32 $0xA, v60;
	[tilespmem:$0x1FD00] =	vst v1;
	v1 =	vld [tilespmem:$0x1FC70]  }
0x1ce: {  	v8 =	vadd.f32 v12, v8;
	v25 =	vadd.s32 $0x10, v60;
	v6 =	vld.idx.msk [tilespmem:v48+s8+$0x0], $0xffff  }
0x1cf: {  	v23 =	vadd.s32 $0x7, v60;
	v5 =	vsub.f32 v39, v27;
	v27 =	vld [tilespmem:$0x1FC90]  }
0x1d0: {  	v8 =	vadd.f32 v8, v14;
	v13 =	vld.idx.msk [tilespmem:v58+s8+$0x0], $0xffff  }
0x1d1: {  	v50 =	vadd.s32 $0x5, v60;
	v31 =	vcvt.s32.f32 v61;
	v14 =	vld.idx.msk [tilespmem:v59+s8+$0x0], $0xffff  }
0x1d2: {  	v18 =	vadd.s32 $0x6, v60;
	v3 =	vadd.f32 v8, v3;
	v0 =	vadd.f32 v0, v4;
	v12 =	vld.idx.msk [tilespmem:v57+s8+$0x0], $0xffff  }
0x1d3: {  	v16 =	vld.idx.msk [tilespmem:v25+s8+$0x0], $0xffff  }
0x1d4: {  	v49 =	vpop (erf);
	v58 =	vadd.s32 $0x15, v60;
	v0 =	vadd.f32 v0, v3;
	v56 =	vld.idx.msk [tilespmem:v23+s8+$0x0], $0xffff  }
0x1d5: {  	v8 =	vmul.f32 v31, v49;
	v31 =	vmovc v44;
	v9 =	vsub.f32 v44, v9;
	v44 =	vadd.s32 $0x12, v60;
	v23 =	vld [tilespmem:$0x1FCA0]  }
0x1d6: {  	v3 =	vadd.s32 $0x9, v60;
	v1 =	vadd.f32 v36, v1;
	[tilespmem:$0x1FD30] =	vst v0;
	v0 =	vld.idx.msk [tilespmem:v50+s8+$0x0], $0xffff  }
0x1d7: {  	v63 =	vadd.s32 $0xE, v60;
	v2 =	vsub.f32 v47, v2;
	v5 =	vmul.f32 v5, v5;
	v50 =	vld.idx.msk [tilespmem:v18+s8+$0x0], $0xffff  }
0x1d8: {  	v6 =	vsub.f32 v28, v6;
	v9 =	vmul.f32 v9, v9;
	[tilespmem:$0x1FD10] =	vst v1;
	v1 =	vadd.f32 v22, v19  }
0x1d9: {  	v2 =	vmul.f32 v2, v2;
	v22 =	vadd.s32 $0xF, v60;
	v7 =	vsub.f32 v27, v7;
	v19 =	vld.idx.msk [tilespmem:v58+s8+$0x0], $0xffff  }
0x1da: {  	[tilespmem:$0x1FCD0] =	vst v52;
	v13 =	vsub.f32 v29, v13;
	v14 =	vsub.f32 v52, v14;
	v18 =	vld.idx.msk [tilespmem:v44+s8+$0x0], $0xffff;
	v44 =	vadd.s32 $0x1B, v60  }
0x1db: {  	v35 =	vmovc v30;
	v3 =	vld.idx.msk [tilespmem:v3+s8+$0x0], $0xffff;
	v7 =	vmul.f32 v7, v7;
	v4 =	vsub.f32 v23, v40;
	v40 =	vadd.s32 $0x11, v60  }
0x1dc: {  	v36 =	vmovc v32;
	v11 =	vsub.f32 v30, v56;
	v56 =	vadd.s32 $0x13, v60;
	v10 =	vsub.f32 v32, v50;
	v32 =	vmovc v28;
	v28 =	vld [tilespmem:$0x1FED0]  }
0x1dd: {  	v49 =	vmovc v29;
	v57 =	vadd.s32 $0x14, v60;
	v0 =	vsub.f32 v51, v0;
	v5 =	vadd.f32 v7, v5;
	v7 =	vld.idx.msk [tilespmem:v63+s8+$0x0], $0xffff  }
0x1de: {  	v2 =	vadd.f32 v9, v2;
	v4 =	vmul.f32 v4, v4;
	v11 =	vmul.f32 v11, v11;
	v9 =	vld.idx.msk [tilespmem:v22+s8+$0x0], $0xffff  }
0x1df: {  	v29 =	vmovc v52;
	v30 =	vadd.s32 $0x18, v60;
	v0 =	vmul.f32 v0, v0;
	v10 =	vmul.f32 v10, v10;
	v52 =	vld.idx.msk [tilespmem:v44+s8+$0x0], $0xffff  }
0x1e0: {  	v62 =	vld.idx.msk [tilespmem:v40+s8+$0x0], $0xffff  }
0x1e1: {  	v63 =	vadd.s32 $0x16, v60;
	v0 =	vadd.f32 v0, v4;
	v4 =	vadd.f32 v11, v10;
	v10 =	vld.idx.msk [tilespmem:v56+s8+$0x0], $0xffff  }
0x1e2: {  	v12 =	vsub.f32 v21, v12;
	v11 =	vld.idx.msk [tilespmem:v57+s8+$0x0], $0xffff;
	v40 =	vadd.s32 $0x19, v60  }
0x1e3: {  	v15 =	vsub.f32 v26, v15;
	[tilespmem:$0x1FD20] =	vst v1;
	v56 =	vld [tilespmem:$0x1FF10]  }
0x1e4: {  	v13 =	vmul.f32 v13, v13;
	v1 =	vmovc v51;
	v12 =	vmul.f32 v12, v12;
	v51 =	vadd.s32 $0x1A, v60;
	v50 =	vld.idx.msk [tilespmem:v30+s8+$0x0], $0xffff  }
0x1e5: {  	v59 =	vtrunc.f32 v8;
	v15 =	vmul.f32 v15, v15;
	v18 =	vsub.f32 v41, v18;
	v30 =	vmovc v41;
	v41 =	vld [tilespmem:$0x1FCB0]  }
0x1e6: {  	v6 =	vmul.f32 v6, v6;
	v22 =	vmovc v21;
	v21 =	vadd.s32 $0x17, v60;
	v12 =	vadd.f32 v13, v12;
	v17 =	vld.idx.msk [tilespmem:v63+s8+$0x0], $0xffff  }
0x1e7: {  	v25 =	vmovc v24;
	v3 =	vsub.f32 v28, v3;
	v7 =	vsub.f32 v24, v7;
	v24 =	vadd.s32 $0x1C, v60;
	v13 =	vld.idx.msk [tilespmem:v40+s8+$0x0], $0xffff  }
0x1e8: {  	v14 =	vmul.f32 v14, v14;
	v19 =	vsub.f32 v20, v19;
	v9 =	vsub.f32 v33, v9;
	v40 =	vld [tilespmem:$0x1FD90]  }
0x1e9: {  	v44 =	vmul.f32 v18, v18;
	v63 =	vld.idx.msk [tilespmem:v51+s8+$0x0], $0xffff;
	v51 =	vadd.s32 $0x1E, v60;
	v3 =	vmul.f32 v3, v3  }
0x1ea: {  	v7 =	vmul.f32 v7, v7;
	v9 =	vmul.f32 v9, v9;
	v11 =	vsub.f32 v41, v11  }
0x1eb: {  	v57 =	vmovc v37;
	v48 =	vld.idx.msk [tilespmem:v21+s8+$0x0], $0xffff;
	v16 =	vsub.f32 v56, v16;
	v8 =	vsub.f32 v37, v62;
	v37 =	vadd.s32 $0x1D, v60  }
0x1ec: {  	v14 =	vadd.f32 v15, v14;
	v18 =	vld.idx.msk [tilespmem:v24+s8+$0x0], $0xffff;
	v21 =	vmul.f32 v11, v11;
	v24 =	vmul.f32 v19, v19  }
0x1ed: {  	v16 =	vmul.f32 v16, v16;
	v8 =	vmul.f32 v8, v8;
	v62 =	vshll.u32 v40, $0x3  }
0x1ee: {  	v60 =	vadd.s32 $0x1F, v60;
	v7 =	vadd.f32 v9, v7;
	v9 =	vadd.f32 v24, v21;
	v21 =	vld [tilespmem:$0x1FF40]  }
0x1ef: {  	v3 =	vadd.f32 v3, v6;
	v6 =	vcvt.f32.s32 v59;
	v8 =	vadd.f32 v8, v16;
	v16 =	vld.idx.msk [tilespmem:v51+s8+$0x0], $0xffff  }
0x1f0: {  	[tilespmem:$0x1FF30] =	vst v20;
	v2 =	vadd.f32 v2, v5;
	v0 =	vadd.f32 v4, v0;
	v19 =	vld.idx.msk [tilespmem:v37+s8+$0x0], $0xffff  }
0x1f1: {  	v52 =	vsub.f32 v43, v52;
	v10 =	vsub.f32 v55, v10;
	v40 =	vmovc v20;
	v37 =	vmul.u32 v6, v53;
	v20 =	vld [tilespmem:$0x1FF50]  }
0x1f2: {  	v0 =	vadd.f32 v0, v2;
	v59 =	vsub.f32 v54, v50;
	v6 =	vld.idx.msk [tilespmem:v62+s21+$0x0], $0xffff  }
0x1f3: {  	v10 =	vmul.f32 v10, v10;
	v13 =	vsub.f32 v46, v13;
	v15 =	vsub.s32 v61, v37;
	v61 =	vld.idx.msk [tilespmem:v60+s8+$0x0], $0xffff  }
0x1f4: {  	v52 =	vmul.f32 v52, v52;
	v3 =	vadd.f32 v12, v3;
	v60 =	vsub.f32 v34, v63  }
0x1f5: {  	v10 =	vadd.f32 v10, v44;
	v13 =	vmul.f32 v13, v13;
	v44 =	vsub.f32 v21, v17;
	v37 =	vmovc v43;
	v43 =	vld [tilespmem:$0x1FCC0]  }
0x1f6: {  	v51 =	vmul.f32 v60, v60;
	v16 =	vsub.f32 v42, v16;
	v58 =	vsub.f32 v20, v48  }
0x1f7: {  	v48 =	vmul.f32 v59, v59;
	v19 =	vsub.f32 v45, v19;
	v59 =	vmul.u32 $0x21, v6  }
0x1f8: {  	v11 =	vmul.f32 v44, v44;
	v16 =	vmul.f32 v16, v16;
	v50 =	vsub.f32 v38, v61  }
0x1f9: {  	v24 =	vmovc v34;
	v17 =	vmul.f32 v58, v58;
	v34 =	vmul.f32 v19, v19;
	v61 =	vadd.s32 $0x1, v59  }
0x1fa: {  	v44 =	vmovc v38;
	v18 =	vsub.f32 v43, v18;
	v38 =	vmul.f32 v50, v50;
	v50 =	vadd.s32 $0x2, v59  }
0x1fb: {  	v13 =	vadd.f32 v13, v48;
	v48 =	vadd.f32 v52, v51;
	v51 =	vadd.s32 $0x3, v59  }
0x1fc: {  	v11 =	vadd.f32 v17, v11;
	v63 =	vmul.f32 v18, v18;
	v18 =	vadd.s32 $0x4, v59  }
0x1fd: {  	[tilespmem:$0x1FFA0] =	vst v6;
	v16 =	vadd.f32 v38, v16;
	v38 =	vadd.f32 v10, v8;
	v58 =	vadd.s32 $0x5, v59;
	v19 =	vld.idx.msk [tilespmem:v59+s8+$0x0], $0xffff  }
0x1fe: {  	v6 =	vmovc v42;
	v42 =	vshra.s32 v15, $0x1F;
	v9 =	vadd.f32 v11, v9;
	v17 =	vadd.f32 v34, v63;
	v5 =	vld.idx.msk [tilespmem:v61+s8+$0x0], $0xffff  }
0x1ff: {  	v63 =	vand.u32 v53, v42;
	v34 =	vadd.f32 v7, v14;
	v42 =	vadd.f32 v48, v13;
	v8 =	vld.idx.msk [tilespmem:v50+s8+$0x0], $0xffff  }
0x200: {  	v60 =	vadd.s32 v15, v63;
	v63 =	vadd.f32 v9, v38;
	v38 =	vadd.s32 $0x8, v59;
	v11 =	vld.idx.msk [tilespmem:v51+s8+$0x0], $0xffff  }
0x201: {  	v3 =	vadd.f32 v34, v3;
	v50 =	vadd.s32 $0x6, v59;
	v51 =	vadd.f32 v16, v17;
	v2 =	vld.idx.msk [tilespmem:v18+s8+$0x0], $0xffff  }
0x202: {  	v61 =	vadd.s32 $0x7, v59;
	v34 =	vld.idx.msk [tilespmem:v58+s8+$0x0], $0xffff  }
0x203: {  	v48 =	vadd.s32 $0x9, v59;
	v0 =	vadd.f32 v3, v0;
	v10 =	vadd.f32 v51, v42  }
0x204: {  	v3 =	vadd.s32 $0xA, v59;
	v51 =	vadd.s32 $0xC, v59;
	v12 =	vsub.f32 v39, v19  }
0x205: {  	v9 =	vld.idx.msk [tilespmem:v38+s8+$0x0], $0xffff;
	v38 =	vadd.s32 $0xE, v59;
	v4 =	vadd.f32 v10, v63;
	v5 =	vsub.f32 v27, v5  }
0x206: {  	v13 =	vld.idx.msk [tilespmem:v50+s8+$0x0], $0xffff;
	v50 =	vadd.s32 $0xB, v59;
	v8 =	vsub.f32 v47, v8;
	v11 =	vsub.f32 v31, v11  }
0x207: {  	v52 =	vmovc v31;
	v15 =	vld.idx.msk [tilespmem:v61+s8+$0x0], $0xffff;
	v2 =	vsub.f32 v23, v2;
	v7 =	vsub.f32 v1, v34;
	v61 =	vadd.s32 $0xD, v59  }
0x208: {  	v58 =	vmovc v27;
	v42 =	vmovc v47;
	v27 =	vor.u32 $0x1, v62;
	v47 =	vadd.s32 $0xF, v59;
	v12 =	vmul.f32 v12, v12  }
0x209: {  	v31 =	vmovc v23;
	v23 =	vld.idx.msk [tilespmem:v48+s8+$0x0], $0xffff;
	v62 =	vadd.s32 $0x11, v59;
	v2 =	vmul.f32 v2, v2;
	v7 =	vmul.f32 v7, v7  }
0x20a: {  	v3 =	vld.idx.msk [tilespmem:v3+s8+$0x0], $0xffff;
	v0 =	vadd.f32 v4, v0;
	v5 =	vmul.f32 v5, v5;
	v8 =	vmul.f32 v8, v8  }
0x20b: {  	v63 =	vmul.f32 v11, v11;
	v9 =	vsub.f32 v32, v9;
	v2 =	vadd.f32 v7, v2;
	v7 =	vld.idx.msk [tilespmem:v51+s8+$0x0], $0xffff  }
0x20c: {  	vm0 =	vlt.s32 v60, v53;
	v19 =	vadd.s32 $0x14, v59;
	[tilespmem:$0x1FD40] =	vst v0;
	v0 =	vadd.f32 v5, v12;
	v5 =	vld.idx.msk [tilespmem:v38+s8+$0x0], $0xffff  }
0x20d: {  	v8 =	vadd.f32 v63, v8;
	v63 =	vadd.s32 $0x12, v59;
	v9 =	vmul.f32 v9, v9;
	v4 =	vld.idx.msk [tilespmem:v50+s8+$0x0], $0xffff  }
0x20e: {  	v38 =	vadd.s32 $0x13, v59;
	v48 =	vsub.f32 v36, v13;
	v50 =	vsub.f32 v35, v15;
	v51 =	vld.idx.msk [tilespmem:v61+s8+$0x0], $0xffff  }
0x20f: {  	v61 =	vadd.s32 $0x10, v59;
	v11 =	vsub.f32 v28, v23;
	v3 =	vsub.f32 v22, v3;
	v10 =	vld.idx.msk [tilespmem:v47+s8+$0x0], $0xffff  }
0x210: {  	v17 =	vld.idx.msk [tilespmem:v62+s8+$0x0], $0xffff;
	v62 =	vadd.s32 $0x16, v59;
	v12 =	vmul.f32 v48, v48;
	v13 =	vmul.f32 v50, v50  }
0x211: {  	v0 =	vadd.f32 v8, v0;
	v11 =	vmul.f32 v11, v11;
	v3 =	vmul.f32 v3, v3  }
0x212: {  	v7 =	vsub.f32 v29, v7;
	v16 =	vld.idx.msk [tilespmem:v63+s8+$0x0], $0xffff;
	v63 =	vadd.s32 $0x17, v59;
	v12 =	vadd.f32 v13, v12  }
0x213: {  	v9 =	vadd.f32 v11, v9;
	v11 =	vld.idx.msk [tilespmem:v38+s8+$0x0], $0xffff;
	v38 =	vadd.s32 $0x18, v59;
	v5 =	vsub.f32 v25, v5  }
0x214: {  	v4 =	vsub.f32 v49, v4;
	v14 =	vsub.f32 v26, v51;
	v15 =	vld.idx.msk [tilespmem:v61+s8+$0x0], $0xffff;
	v61 =	vadd.s32 $0x15, v59  }
0x215: {  	v10 =	vsub.f32 v33, v10;
	v17 =	vsub.f32 v57, v17;
	v7 =	vmul.f32 v7, v7  }
0x216: {  	v47 =	vmovc v26;
	v26 =	vmovc v33;
	v33 =	vadd.s32 $0x1B, v59;
	v4 =	vmul.f32 v4, v4;
	v14 =	vmul.f32 v14, v14  }
0x217: {  	v48 =	vld.idx.msk [tilespmem:v62+s8+$0x0], $0xffff;
	v62 =	vadd.s32 $0x1D, v59;
	v5 =	vmul.f32 v5, v5;
	v2 =	vadd.f32 v12, v2  }
0x218: {  	v10 =	vmul.f32 v10, v10;
	v3 =	vadd.f32 v4, v3;
	v4 =	vadd.f32 v14, v7;
	v7 =	vld.idx.msk [tilespmem:v19+s8+$0x0], $0xffff  }
0x219: {  	v17 =	vmul.f32 v17, v17;
	v0 =	vadd.f32 v2, v0;
	v14 =	vadd.s32 $0x19, v59;
	v51 =	vld.idx.msk [tilespmem:v63+s8+$0x0], $0xffff  }
0x21a: {  	v34 =	vmovc v1;
	v19 =	vadd.s32 $0x1A, v59;
	v13 =	vld.idx.msk [tilespmem:v38+s8+$0x0], $0xffff;
	v16 =	vsub.f32 v30, v16;
	v11 =	vsub.f32 v55, v11  }
0x21b: {  	v1 =	vmovc v25;
	v63 =	vadd.s32 $0x1E, v59;
	v5 =	vadd.f32 v10, v5;
	v18 =	vld.idx.msk [tilespmem:v61+s8+$0x0], $0xffff;
	v15 =	vsub.f32 v56, v15  }
0x21c: {  	v23 =	vld.idx.msk [tilespmem:v27+s21+$0x0], $0xffff;
	v25 =	vmovc v30;
	v61 =	vadd.s32 $0x1C, v59;
	v30 =	vmul.f32 v16, v16;
	v11 =	vmul.f32 v11, v11  }
0x21d: {  	v48 =	vsub.f32 v21, v48;
	v16 =	vld.idx.msk [tilespmem:v33+s8+$0x0], $0xffff;
	v3 =	vadd.f32 v3, v9;
	v15 =	vmul.f32 v15, v15  }
0x21e: {  	v29 =	vmovc v56;
	v38 =	vmov v55;
	v4 =	vadd.f32 v5, v4;
	v10 =	vadd.f32 v11, v30;
	v14 =	vld.idx.msk [tilespmem:v14+s8+$0x0], $0xffff  }
0x21f: {  	v56 =	vmovc v41;
	v59 =	vadd.s32 $0x1F, v59;
	v7 =	vsub.f32 v41, v7;
	v19 =	vld.idx.msk [tilespmem:v19+s8+$0x0], $0xffff;
	v15 =	vadd.f32 v17, v15  }
0x220: {  	v48 =	vmul.f32 v48, v48;
	v41 =	vld.idx.msk [tilespmem:v62+s8+$0x0], $0xffff;
	v13 =	vsub.f32 v54, v13;
	v18 =	vsub.f32 v40, v18  }
0x221: {  	v55 =	vmovc v20;
	v30 =	vld.idx.msk [tilespmem:v63+s8+$0x0], $0xffff;
	v40 =	vsub.f32 v20, v51;
	v20 =	vsel vm0, $0x0, v53;
	v7 =	vmul.f32 v7, v7  }
0x222: {  	v11 =	vsub.s32 v60, v20;
	v33 =	vmul.f32 v18, v18;
	v18 =	vld.idx.msk [tilespmem:v61+s8+$0x0], $0xffff;
	v61 =	vmul.u32 $0x21, v23  }
0x223: {  	v13 =	vmul.f32 v13, v13;
	v16 =	vsub.f32 v37, v16;
	v10 =	vadd.f32 v10, v15  }
0x224: {  	v50 =	vmul.f32 v40, v40;
	v7 =	vadd.f32 v33, v7;
	v62 =	vadd.s32 $0x1, v61  }
0x225: {  	v33 =	vld.idx.msk [tilespmem:v59+s8+$0x0], $0xffff;
	v14 =	vsub.f32 v46, v14;
	v19 =	vsub.f32 v24, v19;
	v53 =	vadd.s32 $0x8, v61  }
0x226: {  	v16 =	vmul.f32 v16, v16;
	v48 =	vadd.f32 v50, v48;
	v59 =	vsub.f32 v45, v41  }
0x227: {  	v17 =	vsub.f32 v6, v30;
	v14 =	vmul.f32 v14, v14;
	v18 =	vsub.f32 v43, v18  }
0x228: {  	[tilespmem:$0x1FE80] =	vst v23;
	v41 =	vadd.s32 $0x3, v61;
	v19 =	vmul.f32 v19, v19;
	v23 =	vmul.f32 v59, v59  }
0x229: {  	v7 =	vadd.f32 v48, v7;
	v48 =	vand.u32 $0x7, v11;
	v63 =	vmul.f32 v18, v18;
	v59 =	vld.idx.msk [tilespmem:v62+s8+$0x0], $0xffff  }
0x22a: {  	v40 =	vmovc v44;
	v60 =	vsub.f32 v44, v33;
	v44 =	vadd.s32 $0x4, v61;
	v62 =	vand.u32 $0xFFFFFFF8, v11;
	v11 =	vld.idx.msk [tilespmem:v53+s8+$0x0], $0xffff  }
0x22b: {  	v13 =	vadd.f32 v14, v13;
	v33 =	vadd.s32 $0x2, v61;
	v14 =	vadd.f32 v23, v63;
	v63 =	vld [tilespmem:$0x1FF70]  }
0x22c: {  	v17 =	vmul.f32 v17, v17;
	v20 =	vld.idx.msk [tilespmem:v61+s8+$0x0], $0xffff;
	v30 =	vmul.f32 v60, v60;
	v60 =	vadd.s32 $0x5, v61  }
0x22d: {  	v2 =	vadd.f32 v4, v3;
	v50 =	vadd.s32 $0xA, v61;
	v16 =	vadd.f32 v16, v19  }
0x22e: {  	v7 =	vadd.f32 v7, v10;
	v17 =	vadd.f32 v30, v17;
	v30 =	vld.idx.msk [tilespmem:v41+s8+$0x0], $0xffff;
	v41 =	vadd.s32 $0x6, v61  }
0x22f: {  	v13 =	vadd.f32 v16, v13;
	v3 =	vld.idx.msk [tilespmem:v44+s8+$0x0], $0xffff;
	v44 =	vadd.s32 $0x7, v61;
	v9 =	vsub.f32 v58, v59  }
0x230: {  	v23 =	vld.idx.msk [tilespmem:v33+s8+$0x0], $0xffff;
	v59 =	vadd.f32 v2, v0;
	v11 =	vsub.f32 v32, v11;
	v19 =	vshll.u32 v63, $0x9  }
0x231: {  	v51 =	vld.idx.msk [tilespmem:v60+s8+$0x0], $0xffff;
	v60 =	vsub.f32 v39, v20;
	v5 =	vadd.s32 v19, v62;
	v62 =	vadd.s32 $0x9, v61  }
0x232: {  	v14 =	vadd.f32 v17, v14;
	v2 =	vmul.f32 v9, v9;
	v5 =	vor.u32 v48, v5  }
0x233: {  	v0 =	vmul.f32 v60, v60;
	v9 =	vld.idx.msk [tilespmem:v41+s8+$0x0], $0xffff;
	v20 =	vsub.f32 v52, v30;
	v30 =	vadd.s32 $0xB, v61  }
0x234: {  	v16 =	vadd.s32 $0xC, v61;
	v11 =	vmul.f32 v11, v11;
	v48 =	vadd.f32 v14, v13;
	v4 =	vld.idx.msk [tilespmem:v44+s8+$0x0], $0xffff  }
0x235: {  	v63 =	vsub.f32 v42, v23;
	v44 =	vadd.s32 $0xD, v61;
	v0 =	vadd.f32 v2, v0;
	v2 =	vld.idx.msk [tilespmem:v50+s8+$0x0], $0xffff  }
0x236: {  	v3 =	vsub.f32 v31, v3;
	v14 =	vmul.f32 v20, v20;
	v20 =	vadd.s32 $0xE, v61;
	v17 =	vld.idx.msk [tilespmem:v62+s8+$0x0], $0xffff  }
0x237: {  	[tilespmem:$0x1FEE0] =	vst v22;
	v60 =	vadd.f32 v48, v7;
	v48 =	vadd.s32 $0xF, v61;
	v13 =	vmul.f32 v63, v63;
	v53 =	vld.idx.msk [tilespmem:v5+s22+$0x0], $0xffff  }
0x238: {  	[tilespmem:$0x1FEC0] =	vst v52;
	v10 =	vsub.f32 v34, v51;
	v3 =	vmul.f32 v3, v3;
	v62 =	vadd.s32 $0x13, v61;
	v50 =	vld.idx.msk [tilespmem:v30+s8+$0x0], $0xffff  }
0x239: {  	v33 =	vmovc v42;
	v63 =	vadd.s32 $0x14, v61;
	v59 =	vadd.f32 v60, v59;
	v8 =	vadd.f32 v14, v13;
	v13 =	vld.idx.msk [tilespmem:v16+s8+$0x0], $0xffff  }
0x23a: {  	v41 =	vmovc v36;
	v19 =	vmul.f32 v10, v10;
	v30 =	vadd.s32 $0x10, v61;
	v9 =	vsub.f32 v36, v9;
	v16 =	vld.idx.msk [tilespmem:v44+s8+$0x0], $0xffff  }
0x23b: {  	v42 =	vmovc v34;
	v34 =	vmovc v35;
	v4 =	vsub.f32 v35, v4;
	v35 =	vadd.s32 $0x11, v61;
	v44 =	vadd.s32 $0x12, v61;
	v10 =	vld.idx.msk [tilespmem:v20+s8+$0x0], $0xffff  }
0x23c: {  	v3 =	vadd.f32 v19, v3;
	v9 =	vmul.f32 v9, v9;
	v7 =	vld.idx.msk [tilespmem:v48+s8+$0x0], $0xffff;
	v36 =	vsub.f32 v28, v17  }
0x23d: {  	v23 =	vmovc v52;
	v52 =	vmovc v22;
	v2 =	vsub.f32 v22, v2;
	v22 =	vadd.s32 $0x15, v61;
	v18 =	vld.idx.msk [tilespmem:v62+s8+$0x0], $0xffff;
	v62 =	vadd.s32 $0x1A, v61  }
0x23e: {  	v27 =	vmovc v49;
	v20 =	vadd.s32 $0x19, v61;
	v4 =	vmul.f32 v4, v4;
	v19 =	vld.idx.msk [tilespmem:v63+s8+$0x0], $0xffff;
	v15 =	vmul.f32 v36, v36  }
0x23f: {  	v0 =	vadd.f32 v8, v0;
	v63 =	vadd.s32 $0x1B, v61;
	v5 =	vsub.f32 v27, v50;
	v12 =	vld.idx.msk [tilespmem:v30+s8+$0x0], $0xffff  }
0x240: {  	v2 =	vmul.f32 v2, v2;
	v4 =	vadd.f32 v4, v9;
	v9 =	vadd.f32 v15, v11;
	v11 =	vld.idx.msk [tilespmem:v35+s8+$0x0], $0xffff  }
0x241: {  	v30 =	vadd.s32 $0x16, v61;
	v36 =	vadd.s32 $0x17, v61;
	v16 =	vsub.f32 v47, v16;
	v35 =	vld [tilespmem:$0x1FCD0]  }
0x242: {  	v5 =	vmul.f32 v5, v5;
	v10 =	vsub.f32 v1, v10;
	v7 =	vsub.f32 v26, v7;
	v62 =	vld.idx.msk [tilespmem:v62+s8+$0x0], $0xffff  }
0x243: {  	v3 =	vadd.f32 v4, v3;
	v15 =	vld.idx.msk [tilespmem:v44+s8+$0x0], $0xffff;
	v44 =	vadd.s32 $0x18, v61;
	v19 =	vsub.f32 v56, v19  }
0x244: {  	v48 =	vld.idx.msk [tilespmem:v22+s8+$0x0], $0xffff;
	v10 =	vmul.f32 v10, v10;
	v7 =	vmul.f32 v7, v7;
	v22 =	vsub.f32 v29, v12  }
0x245: {  	v50 =	vld.idx.msk [tilespmem:v20+s8+$0x0], $0xffff;
	v16 =	vmul.f32 v16, v16;
	v2 =	vadd.f32 v5, v2;
	v18 =	vsub.f32 v38, v18  }
0x246: {  	v0 =	vadd.f32 v3, v0;
	v14 =	vld.idx.msk [tilespmem:v30+s8+$0x0], $0xffff;
	v7 =	vadd.f32 v7, v10;
	v10 =	vmul.f32 v22, v22  }
0x247: {  	v22 =	vld [tilespmem:$0x1FF30];
	v13 =	vsub.f32 v35, v13;
	v51 =	vsub.f32 v24, v62;
	v62 =	vmul.u32 $0x21, v53  }
0x248: {  	v20 =	vmovc v56;
	v56 =	vmul.f32 v19, v19;
	v18 =	vmul.f32 v18, v18;
	v12 =	vld.idx.msk [tilespmem:v44+s8+$0x0], $0xffff;
	v44 =	vadd.s32 $0x1E, v61  }
0x249: {  	[tilespmem:$0x1FF20] =	vst v57;
	v2 =	vadd.f32 v2, v9;
	v13 =	vmul.f32 v13, v13;
	v9 =	vadd.s32 $0x5, v62  }
0x24a: {  	v30 =	vmovc v29;
	v29 =	vmovc v57;
	v11 =	vsub.f32 v57, v11;
	v15 =	vsub.f32 v25, v15;
	v3 =	vadd.s32 $0x8, v62  }
0x24b: {  	v57 =	vmovc v38;
	v38 =	vsub.f32 v46, v50;
	v5 =	vadd.f32 v16, v13;
	v13 =	vld.idx.msk [tilespmem:v36+s8+$0x0], $0xffff;
	v16 =	vadd.s32 $0x1C, v61  }
0x24c: {  	v63 =	vld.idx.msk [tilespmem:v63+s8+$0x0], $0xffff;
	v11 =	vmul.f32 v11, v11;
	v15 =	vmul.f32 v15, v15;
	v36 =	vadd.s32 $0x1D, v61  }
0x24d: {  	v14 =	vsub.f32 v21, v14;
	v61 =	vadd.s32 $0x1F, v61;
	v48 =	vsub.f32 v22, v48;
	v19 =	vld.idx.msk [tilespmem:v44+s8+$0x0], $0xffff  }
0x24e: {  	v59 =	vmul.f32 $-5.000000000e-01, v59;
	v10 =	vadd.f32 v11, v10;
	v15 =	vadd.f32 v18, v15;
	v9 =	vld.idx.msk [tilespmem:v9+s8+$0x0], $0xffff  }
0x24f: {  	v14 =	vmul.f32 v14, v14;
	v12 =	vsub.f32 v54, v12;
	v5 =	vadd.f32 v7, v5;
	v3 =	vld.idx.msk [tilespmem:v3+s8+$0x0], $0xffff  }
0x250: {  	v18 =	vmul.f32 v51, v51;
	v51 =	vadd.s32 $0x1, v62;
	v16 =	vld.idx.msk [tilespmem:v16+s8+$0x0], $0xffff;
	v13 =	vsub.f32 v55, v13  }
0x251: {  	v12 =	vmul.f32 v12, v12;
	v2 =	vadd.f32 v5, v2;
	v17 =	vld.idx.msk [tilespmem:v36+s8+$0x0], $0xffff;
	v36 =	vmul.f32 v48, v48  }
0x252: {  	v44 =	vld.idx.msk [tilespmem:v61+s8+$0x0], $0xffff;
	v61 =	vadd.s32 $0x2, v62;
	v19 =	vsub.f32 v6, v19;
	v13 =	vmul.f32 v13, v13  }
0x253: {  	v60 =	vadd.f32 v2, v0;
	v2 =	vadd.s32 $0xC, v62;
	v11 =	vadd.f32 v36, v56  }
0x254: {  	v56 =	vmovc v24;
	v24 =	vsub.f32 v37, v63;
	v63 =	vadd.s32 $0x7, v62;
	v13 =	vadd.f32 v13, v14  }
0x255: {  	v14 =	vmul.f32 v38, v38;
	v9 =	vsub.f32 v42, v9;
	v3 =	vsub.f32 v32, v3  }
0x256: {  	v38 =	vmovc v45;
	v48 =	vmul.f32 v24, v24;
	v16 =	vsub.f32 v43, v16;
	v17 =	vsub.f32 v45, v17  }
0x257: {  	v50 =	vsub.f32 v40, v44;
	v45 =	vmovc v40;
	v44 =	vadd.s32 $0x3, v62;
	v40 =	vld.idx.msk [tilespmem:v51+s8+$0x0], $0xffff;
	v51 =	vadd.f32 v15, v10  }
0x258: {  	v8 =	vld.idx.msk [tilespmem:v61+s8+$0x0], $0xffff;
	v61 =	vadd.s32 $0x6, v62;
	v24 =	vmovc v6;
	v12 =	vadd.f32 v14, v12;
	v6 =	vmul.f32 v19, v19  }
0x259: {  	v18 =	vadd.f32 v48, v18;
	v48 =	vadd.s32 $0x4, v62;
	v2 =	vld.idx.msk [tilespmem:v2+s8+$0x0], $0xffff;
	v16 =	vmul.f32 v16, v16  }
0x25a: {  	v11 =	vadd.f32 v13, v11;
	v17 =	vmul.f32 v17, v17;
	v36 =	vmul.f32 v50, v50;
	v50 =	vld.idx.msk [tilespmem:v62+s8+$0x0], $0xffff  }
0x25b: {  	v9 =	vmul.f32 v9, v9;
	v3 =	vmul.f32 v3, v3;
	v13 =	vld.idx.msk [tilespmem:v63+s8+$0x0], $0xffff;
	v12 =	vadd.f32 v18, v12  }
0x25c: {  	v63 =	vadd.s32 $0xF, v62;
	v16 =	vadd.f32 v17, v16;
	v14 =	vadd.f32 v36, v6  }
0x25d: {  	v6 =	vadd.s32 $0x17, v62;
	v36 =	vld.idx.msk [tilespmem:v44+s8+$0x0], $0xffff;
	v44 =	vadd.f32 v11, v51;
	v51 =	vadd.s32 $0xA, v62  }
0x25e: {  	v8 =	vsub.f32 v33, v8;
	v15 =	vld.idx.msk [tilespmem:v61+s8+$0x0], $0xffff;
	v33 =	vadd.s32 $0xB, v62;
	v14 =	vadd.f32 v14, v16  }
0x25f: {  	v7 =	vld.idx.msk [tilespmem:v48+s8+$0x0], $0xffff;
	v48 =	vadd.s32 $0x9, v62;
	v2 =	vsub.f32 v35, v2;
	v4 =	vsub.f32 v39, v50  }
0x260: {  	v8 =	vmul.f32 v8, v8;
	v13 =	vsub.f32 v34, v13;
	v12 =	vadd.f32 v14, v12  }
0x261: {  	v50 =	vsub.f32 v58, v40;
	v2 =	vmul.f32 v2, v2;
	v4 =	vmul.f32 v4, v4  }
0x262: {  	v13 =	vmul.f32 v13, v13;
	v10 =	vsub.f32 v23, v36;
	v61 =	vadd.f32 v12, v44;
	v44 =	vld.idx.msk [tilespmem:v51+s8+$0x0], $0xffff  }
0x263: {  	v40 =	vmovc v58;
	v36 =	vmul.f32 v50, v50;
	v50 =	vld.idx.msk [tilespmem:v33+s8+$0x0], $0xffff;
	v51 =	vadd.s32 $0xE, v62;
	v58 =	vsub.f32 v41, v15  }
0x264: {  	v33 =	vmovc v41;
	v23 =	vadd.s32 $0x10, v62;
	v41 =	vadd.s32 $0x11, v62;
	v15 =	vld.idx.msk [tilespmem:v63+s8+$0x0], $0xffff;
	v63 =	vadd.s32 $0x16, v62  }
0x265: {  	v0 =	vld.idx.msk [tilespmem:v48+s8+$0x0], $0xffff;
	v48 =	vadd.s32 $0xD, v62;
	v7 =	vsub.f32 v31, v7;
	v10 =	vmul.f32 v10, v10  }
0x266: {  	v4 =	vadd.f32 v36, v4;
	v14 =	vmul.f32 v58, v58;
	v58 =	vadd.s32 $0x15, v62  }
0x267: {  	v60 =	vadd.f32 v61, v60;
	v7 =	vmul.f32 v7, v7;
	v5 =	vadd.f32 v10, v8  }
0x268: {  	v36 =	vmovc v42;
	v42 =	vadd.s32 $0x12, v62;
	v8 =	vsub.f32 v52, v44;
	v11 =	vsub.f32 v49, v50;
	v12 =	vld.idx.msk [tilespmem:v51+s8+$0x0], $0xffff  }
0x269: {  	v44 =	vadd.s32 $0x13, v62;
	v16 =	vld.idx.msk [tilespmem:v23+s8+$0x0], $0xffff;
	v7 =	vadd.f32 v9, v7;
	v9 =	vadd.f32 v13, v14  }
0x26a: {  	v52 =	vadd.s32 $0x14, v62;
	v13 =	vld.idx.msk [tilespmem:v41+s8+$0x0], $0xffff;
	v15 =	vsub.f32 v26, v15;
	v0 =	vsub.f32 v28, v0  }
0x26b: {  	v10 =	vld.idx.msk [tilespmem:v48+s8+$0x0], $0xffff;
	v4 =	vadd.f32 v5, v4;
	v8 =	vmul.f32 v8, v8;
	v7 =	vadd.f32 v9, v7  }
0x26c: {  	v61 =	vimm.s32 $0x0;
	v14 =	vld.idx.msk [tilespmem:v63+s8+$0x0], $0xffff;
	v11 =	vmul.f32 v11, v11;
	v0 =	vmul.f32 v0, v0  }
0x26d: {  	v51 =	vadd.s32 $0x1A, v62;
	v50 =	vld.idx.msk [tilespmem:v58+s8+$0x0], $0xffff;
	v15 =	vmul.f32 v15, v15;
	v4 =	vadd.f32 v7, v4  }
0x26e: {  	v27 =	vmovc v1;
	v58 =	vadd.s32 $0x1B, v62;
	v1 =	vadd.f32 v0, v3;
	v3 =	vadd.f32 v11, v8;
	v8 =	vld.idx.msk [tilespmem:v42+s8+$0x0], $0xffff  }
0x26f: {  	v41 =	vld.idx.msk [tilespmem:v44+s8+$0x0], $0xffff;
	v42 =	vadd.s32 $0x18, v62;
	v12 =	vsub.f32 v27, v12;
	v44 =	vadd.s32 $0x19, v62  }
0x270: {  	v19 =	vld.idx.msk [tilespmem:v52+s8+$0x0], $0xffff;
	v23 =	vsub.f32 v30, v16;
	v30 =	vadd.s32 $0x1C, v62;
	v10 =	vsub.f32 v47, v10  }
0x271: {  	v11 =	vld.idx.msk [tilespmem:v6+s8+$0x0], $0xffff;
	v13 =	vsub.f32 v29, v13;
	v0 =	vadd.s32 $0x1E, v62;
	v14 =	vsub.f32 v21, v14  }
0x272: {  	v51 =	vld.idx.msk [tilespmem:v51+s8+$0x0], $0xffff;
	v47 =	vadd.s32 $0x1D, v62;
	v12 =	vmul.f32 v12, v12;
	v10 =	vmul.f32 v10, v10  }
0x273: {  	v28 =	vmovc v35;
	v6 =	vld [tilespmem:$0x1FCE0];
	v62 =	vadd.s32 $0x1F, v62;
	v50 =	vsub.f32 v22, v50;
	v1 =	vadd.f32 v3, v1  }
0x274: {  	v13 =	vmul.f32 v13, v13;
	v63 =	vld.idx.msk [tilespmem:v58+s8+$0x0], $0xffff;
	v12 =	vadd.f32 v15, v12;
	v2 =	vadd.f32 v10, v2  }
0x275: {  	v14 =	vmul.f32 v14, v14;
	v35 =	vld.idx.msk [tilespmem:v42+s8+$0x0], $0xffff;
	v8 =	vsub.f32 v25, v8;
	v17 =	vsub.f32 v57, v41  }
0x276: {  	v10 =	vmul.f32 v23, v23;
	v48 =	vld.idx.msk [tilespmem:v44+s8+$0x0], $0xffff;
	v19 =	vsub.f32 v20, v19;
	v11 =	vsub.f32 v55, v11  }
0x277: {  	v42 =	vmovc v57;
	v16 =	vld.idx.msk [tilespmem:v30+s8+$0x0], $0xffff;
	v57 =	vmul.f32 v50, v50;
	v21 =	vsub.f32 v56, v51;
	v41 =	vimm.s32 $0x0  }
0x278: {  	v18 =	vld.idx.msk [tilespmem:v47+s8+$0x0], $0xffff;
	v8 =	vmul.f32 v8, v8;
	v17 =	vmul.f32 v17, v17;
	v10 =	vadd.f32 v13, v10  }
0x279: {  	v0 =	vld.idx.msk [tilespmem:v0+s8+$0x0], $0xffff;
	v55 =	vmul.f32 v19, v19;
	v11 =	vmul.f32 v11, v11;
	v22 =	vsub.f32 v37, v63  }
0x27a: {  	v30 =	vld [tilespmem:$0x1FCF0];
	v19 =	vmul.f32 $-5.000000000e-01, v6;
	v2 =	vadd.f32 v12, v2;
	v8 =	vadd.f32 v17, v8  }
0x27b: {  	v58 =	vld.idx.msk [tilespmem:v62+s8+$0x0], $0xffff;
	v13 =	vadd.f32 v57, v55;
	v11 =	vadd.f32 v11, v14;
	v49 =	vmul.f32 v22, v22  }
0x27c: {  	vm11 =	vlt.f32 v19, $-Inf;
	v1 =	vadd.f32 v2, v1;
	v15 =	vsub.f32 v54, v35  }
0x27d: {  	v63 =	vmovc v38;
	v62 =	vsub.f32 v46, v48;
	v48 =	vmul.f32 v21, v21;
	v18 =	vsub.f32 v38, v18;
	v38 =	vld [tilespmem:$0x1FD00]  }
0x27e: {  	vm1 =	vgt.f32 v19, $-Inf;
	v16 =	vsub.f32 v43, v16;
	v0 =	vsub.f32 v24, v0  }
0x27f: {  	v47 =	vmul.f32 $-5.000000000e-01, v30;
	vm1 =	vmor vm1, vm11;
	v29 =	vadd.f32 v49, v48;
	v49 =	vld [tilespmem:$0x1FD10]  }
0x280: {  	v17 =	vsub.f32 v45, v58;
	v35 =	vnsel vm1, $0xFF800000, v19;
	v15 =	vmul.f32 v15, v15  }
0x281: {  	v44 =	vmovc v54;
	v54 =	vld [tilespmem:$0x1FD20];
	v8 =	vadd.f32 v8, v10;
	v14 =	vmul.f32 v62, v62;
	v16 =	vmul.f32 v16, v16  }
0x282: {  	v2 =	vld [tilespmem:$0x1FD30];
	v0 =	vmul.f32 v0, v0;
	vm12 =	vgt.f32 v47, v35;
	v5 =	vmul.f32 $-5.000000000e-01, v38  }
0x283: {  	v23 =	vmovc v25;
	v25 =	vmul.f32 v18, v18;
	v3 =	vsel vm12, v47, v35;
	v9 =	vsel vm12, $0xFFFFFFFF, v41  }
0x284: {  	v17 =	vmul.f32 v17, v17;
	[tilespmem:$0x1FD80] =	vst v9;
	v9 =	vmul.f32 $-5.000000000e-01, v49;
	vm2 =	vgt.f32 v5, v3  }
0x285: {  	v57 =	vld [tilespmem:$0x1FD40];
	v14 =	vadd.f32 v14, v15;
	v15 =	vadd.f32 v25, v16;
	v3 =	vsel vm2, v5, v3  }
0x286: {  	v0 =	vadd.f32 v17, v0;
	v12 =	vmul.f32 $-5.000000000e-01, v54;
	vm3 =	vgt.f32 v9, v3  }
0x287: {  	v50 =	vadd.f32 v11, v13;
	v2 =	vmul.f32 $-5.000000000e-01, v2;
	v3 =	vsel vm3, v9, v3  }
0x288: {  	v52 =	vadd.f32 v29, v14;
	v0 =	vadd.f32 v0, v15;
	vm4 =	vgt.f32 v12, v3  }
0x289: {  	v6 =	vmovc v56;
	v48 =	vimm.s32 $0x0;
	v56 =	vadd.f32 v50, v8;
	v3 =	vsel vm4, v12, v3  }
0x28a: {  	v8 =	vmul.f32 $-5.000000000e-01, v57;
	v0 =	vadd.f32 v0, v52;
	vm5 =	vgt.f32 v2, v3  }
0x28b: {  	v1 =	vadd.f32 v1, v4;
	v13 =	vsel vm12, $0x1, v48;
	v3 =	vsel vm5, v2, v3  }
0x28c: {  	v0 =	vadd.f32 v0, v56;
	v4 =	vsel vm5, $0xFFFFFFFF, v61;
	vm13 =	vgt.f32 v8, v3  }
0x28d: {  	v15 =	vmul.f32 $-5.000000000e-01, v60;
	[tilespmem:$0x1FE10] =	vst v4;
	v4 =	vsel vm2, $0x2, v13;
	v3 =	vsel vm13, v8, v3  }
0x28e: {  	v0 =	vadd.f32 v0, v1;
	v1 =	vsel vm3, $0x3, v4;
	vm14 =	vgt.f32 v59, v3  }
0x28f: {  	v1 =	vsel vm4, $0x4, v1;
	v3 =	vsel vm14, v59, v3  }
0x290: {  	v0 =	vmul.f32 $-5.000000000e-01, v0;
	v1 =	vsel vm5, $0x5, v1;
	vm15 =	vgt.f32 v15, v3  }
0x291: {  	v1 =	vsel vm13, $0x6, v1;
	v3 =	vsel vm15, v15, v3  }
0x292: {  	v1 =	vsel vm14, $0x7, v1;
	vm5 =	vgt.f32 v0, v3  }
0x293: {  	v1 =	vsel vm15, $0x8, v1;
	vm9 =	vmneg vm5  }
0x294: {  	v1 =	vnsel vm9, $0x9, v1  }
0x295: {  	v16 =	vimm.s32 $0x0;
	vm6 =	vne.s32 v1, $0x0  }
0x296: {  	v62 =	vmovc v37;
	v37 =	vimm.s32 $0x0;
	v4 =	vsel vm14, $0xFFFFFFFF, v16;
	vm14 =	vmand vm1, vm6  }
0x297: {  	v17 =	vsel vm1, $0xFFFFFFFF, v37;
	v18 =	vnsel vm14, $0xFF800000, v19  }
0x298: {  	[tilespmem:$0x1FD60] =	vst v17;
	v17 =	vimm.s32 $0x0;
	vm10 =	vne.s32 v1, $0x1;
	vm7 =	vgt.f32 v47, v18  }
0x299: {  	[tilespmem:$0x1FE60] =	vst v4;
	v4 =	vsel vm15, $0xFFFFFFFF, v17;
	vm1 =	vmand vm10, vm7  }
0x29a: {  	[tilespmem:$0x1FE90] =	vst v4;
	v4 =	vsel vm1, v47, v18  }
0x29b: {  	vm6 =	vne.s32 v1, $0x2;
	vm12 =	vgt.f32 v5, v4  }
0x29c: {  	v55 =	vimm.s32 $0x0;
	vm8 =	vmand vm6, vm12  }
0x29d: {  	v14 =	vimm.s32 $0x0;
	v7 =	vsel vm3, $0xFFFFFFFF, v55;
	v4 =	vsel vm8, v5, v4  }
0x29e: {  	[tilespmem:$0x1FDC0] =	vst v7;
	v7 =	vsel vm13, $0xFFFFFFFF, v14;
	vm5 =	vne.s32 v1, $0x3;
	vm13 =	vgt.f32 v9, v4  }
0x29f: {  	vm11 =	vmand vm5, vm13  }
0x2a0: {  	v51 =	vimm.s32 $0x0;
	v4 =	vsel vm11, v9, v4  }
0x2a1: {  	v22 =	vimm.s32 $0x0;
	vm3 =	vne.s32 v1, $0x4;
	vm15 =	vgt.f32 v12, v4  }
0x2a2: {  	v21 =	vimm.s32 $0x0;
	v24 =	vimm.s32 $0x0;
	vm12 =	vmand vm3, vm15  }
0x2a3: {  	v30 =	vimm.s32 $0x0;
	v58 =	vimm.s32 $0x0;
	v4 =	vsel vm12, v12, v4  }
0x2a4: {  	v11 =	vsel vm2, $0xFFFFFFFF, v51;
	vm2 =	vne.s32 v1, $0x5;
	vm7 =	vgt.f32 v2, v4  }
0x2a5: {  	v25 =	vimm.s32 $0x0;
	[tilespmem:$0x1FDA0] =	vst v11;
	v11 =	vsel vm14, $0xFFFFFFFF, v21;
	vm0 =	vmand vm2, vm7  }
0x2a6: {  	v10 =	vsel vm4, $0xFFFFFFFF, v58;
	[tilespmem:$0x1FDD0] =	vst v11;
	v11 =	vsel vm1, $0xFFFFFFFF, v22;
	v4 =	vsel vm0, v2, v4  }
0x2a7: {  	vm4 =	vne.s32 v1, $0x6;
	[tilespmem:$0x1FE00] =	vst v11;
	v11 =	vsel vm8, $0xFFFFFFFF, v24;
	vm7 =	vgt.f32 v8, v4  }
0x2a8: {  	v29 =	vimm.s32 $0x0;
	[tilespmem:$0x1FE20] =	vst v11;
	v11 =	vsel vm11, $0xFFFFFFFF, v25;
	vm15 =	vmand vm4, vm7  }
0x2a9: {  	v35 =	vsel vm1, $0x1, v48;
	[tilespmem:$0x1FE50] =	vst v11;
	v11 =	vsel vm12, $0xFFFFFFFF, v29;
	v4 =	vsel vm15, v8, v4  }
0x2aa: {  	[tilespmem:$0x1FE70] =	vst v11;
	v11 =	vsel vm0, $0xFFFFFFFF, v30;
	vm7 =	vne.s32 v1, $0x7;
	vm13 =	vgt.f32 v59, v4  }
0x2ab: {  	[tilespmem:$0x1FEA0] =	vst v11;
	v11 =	vsel vm8, $0x2, v35;
	vm13 =	vmand vm7, vm13  }
0x2ac: {  	v11 =	vsel vm11, $0x3, v11;
	v4 =	vsel vm13, v59, v4  }
0x2ad: {  	vm1 =	vne.s32 v1, $0x8;
	v11 =	vsel vm12, $0x4, v11;
	vm12 =	vgt.f32 v15, v4  }
0x2ae: {  	v1 =	vsel vm0, $0x5, v11;
	vm11 =	vmand vm1, vm12  }
0x2af: {  	v1 =	vsel vm15, $0x6, v1;
	v4 =	vsel vm11, v15, v4  }
0x2b0: {  	v1 =	vsel vm13, $0x7, v1;
	vm0 =	vgt.f32 v0, v4  }
0x2b1: {  	v1 =	vsel vm11, $0x8, v1;
	vm8 =	vmand vm9, vm0  }
0x2b2: {  	v1 =	vsel vm8, $0x9, v1  }
0x2b3: {  	vm12 =	vne.s32 v1, $0x0  }
0x2b4: {  	v37 =	vimm.s32 $0x0;
	vm12 =	vmand vm14, vm12  }
0x2b5: {  	v11 =	vsel vm12, $0xFFFFFFFF, v37;
	v38 =	vnsel vm12, $0xFF800000, v19;
	vm12 =	vne.s32 v1, $0x1  }
0x2b6: {  	vm10 =	vmand vm12, vm10;
	vm12 =	vgt.f32 v47, v38  }
0x2b7: {  	vm14 =	vmand vm10, vm12  }
0x2b8: {  	[tilespmem:$0x1FE30] =	vst v11;
	vm12 =	vne.s32 v1, $0x2;
	v11 =	vsel vm14, v47, v38  }
0x2b9: {  	vm6 =	vmand vm12, vm6;
	vm12 =	vgt.f32 v5, v11  }
0x2ba: {  	vm12 =	vmand vm6, vm12  }
0x2bb: {  	vm10 =	vne.s32 v1, $0x3;
	v5 =	vsel vm12, v5, v11  }
0x2bc: {  	vm5 =	vmand vm10, vm5;
	vm10 =	vgt.f32 v9, v5  }
0x2bd: {  	vm10 =	vmand vm5, vm10  }
0x2be: {  	vm5 =	vne.s32 v1, $0x4;
	v5 =	vsel vm10, v9, v5  }
0x2bf: {  	vm3 =	vmand vm5, vm3;
	vm5 =	vgt.f32 v12, v5  }
0x2c0: {  	vm6 =	vmand vm3, vm5  }
0x2c1: {  	vm3 =	vne.s32 v1, $0x5;
	v5 =	vsel vm6, v12, v5  }
0x2c2: {  	vm2 =	vmand vm3, vm2;
	vm3 =	vgt.f32 v2, v5  }
0x2c3: {  	vm5 =	vmand vm2, vm3  }
0x2c4: {  	vm2 =	vne.s32 v1, $0x6;
	v2 =	vsel vm5, v2, v5  }
0x2c5: {  	vm2 =	vmand vm2, vm4;
	vm3 =	vgt.f32 v8, v2  }
0x2c6: {  	vm3 =	vmand vm2, vm3  }
0x2c7: {  	vm4 =	vne.s32 v1, $0x7;
	v2 =	vsel vm3, v8, v2  }
0x2c8: {  	vm2 =	vmand vm4, vm7;
	vm4 =	vgt.f32 v59, v2  }
0x2c9: {  	vm2 =	vmand vm2, vm4  }
0x2ca: {  	vm4 =	vne.s32 v1, $0x8;
	v2 =	vsel vm2, v59, v2  }
0x2cb: {  	vm1 =	vmand vm4, vm1;
	vm4 =	vgt.f32 v15, v2  }
0x2cc: {  	vm1 =	vmand vm1, vm4  }
0x2cd: {  	v1 =	vsel vm1, v15, v2  }
0x2ce: {  	vm0 =	vmneg vm0;
	vm4 =	vgt.f32 v0, v1  }
0x2cf: {  	vm0 =	vmand vm4, vm0  }
0x2d0: {  	vm0 =	vmand vm9, vm0  }
0x2d1: {  	v49 =	vsel vm8, v0, v4;
	v47 =	vsel vm0, v0, v1  }
0x2d2: {  	v54 =	vsel vm9, v3, v0;
	v0 =	vmax.f32 v49, v47  }
0x2d3: {  	v0 =	vmax.f32 v54, v0  }
0x2d4: {  	v1 =	vsub.f32 v54, v0  }
0x2d5: {  	v2 =	vsub.f32 v49, v0  }
0x2d6: {  	v1 =	vmul.f32 $1.442695020e+00, v1  }
0x2d7: {  	v0 =	vsub.f32 v47, v0;
	v2 =	vmul.f32 $1.442695020e+00, v2  }
0x2d8: {  	(erf) = vpow2.f32 v1  }
0x2d9: {  	v0 =	vmul.f32 $1.442695020e+00, v0;
	(erf) = vpow2.f32 v2;
	_ =	sdelay $0x1  }
0x2da: {  	(erf) = vpow2.f32 v0;
	_ =	sdelay $0x2  }
0x2db: {  	v41 =	vld [tilespmem:$0x1FD60]  }
0x2dc: {  	v60 =	vld [tilespmem:$0x1FDB0]  }
0x2dd: {  	v51 =	vld [tilespmem:$0x1FD70]  }
0x2de: {  	v50 =	vld [tilespmem:$0x1FDA0];
	v0 =	vpop (erf)  }
0x2df: {  	v52 =	vld [tilespmem:$0x1FDC0];
	v1 =	vpop (erf)  }
0x2e0: {  	v58 =	vld [tilespmem:$0x1FF80];
	v2 =	vadd.f32 v1, v0  }
0x2e1: {  	[tilespmem:$0x1FDF0] =	vst v10;
	v10 =	vld [tilespmem:$0x1FD50];
	v3 =	vpop (erf)  }
0x2e2: {  	v61 =	vld [tilespmem:$0x1FDE0];
	v2 =	vadd.f32 v2, v3  }
0x2e3: {  	v56 =	vld [tilespmem:$0x1FDF0]  }
0x2e4: {  	[tilespmem:$0x1FE40] =	vst v7;
	(erf) = vrcp.f32 v2;
	v2 =	vld [tilespmem:$0x1FD80]  }
0x2e5: {  	v16 =	vld [tilespmem:$0x1FE40]  }
0x2e6: {  	v59 =	vld [tilespmem:$0x1FD90]  }
0x2e7: {  	v55 =	vld [tilespmem:$0x1FDD0]  }
0x2e8: {  	v18 =	vld [tilespmem:$0x1FFA0];
	vm4 =	vnez.u8 v41  }
0x2e9: {  	v57 =	vld [tilespmem:$0x1FE00];
	v4 =	vnsel vm4, $0x0, v10;
	vm4 =	vnez.u8 v2  }
0x2ea: {  	v12 =	vld [tilespmem:$0x1FE10];
	v2 =	vsel vm4, v51, v4;
	vm4 =	vnez.u8 v50  }
0x2eb: {  	v13 =	vld [tilespmem:$0x1FE20];
	v2 =	vsel vm4, v59, v2;
	vm4 =	vnez.u8 v52  }
0x2ec: {  	v14 =	vld [tilespmem:$0x1FE30];
	v2 =	vsel vm4, v60, v2;
	vm4 =	vnez.u8 v55  }
0x2ed: {  	v17 =	vld [tilespmem:$0x1FE50];
	v4 =	vnsel vm4, $0x0, v10;
	vm4 =	vnez.u8 v56  }
0x2ee: {  	v15 =	vld [tilespmem:$0x1FF90];
	v2 =	vsel vm4, v61, v2;
	vm4 =	vnez.u8 v57  }
0x2ef: {  	v19 =	vld [tilespmem:$0x1FE60];
	v4 =	vsel vm4, v51, v4;
	vm4 =	vnez.u8 v12  }
0x2f0: {  	v21 =	vld [tilespmem:$0x1FE70];
	v2 =	vsel vm4, v58, v2;
	vm4 =	vnez.u8 v13  }
0x2f1: {  	v24 =	vld [tilespmem:$0x1FEA0];
	v25 =	vpop (erf);
	v4 =	vsel vm4, v59, v4;
	vm4 =	vnez.u8 v14  }
0x2f2: {  	v55 =	vmul.f32 v25, v0;
	v5 =	vnsel vm4, $0x0, v10;
	vm4 =	vnez.u8 v16  }
0x2f3: {  	v22 =	vld [tilespmem:$0x1FE90];
	v57 =	vmul.f32 v25, v1;
	v2 =	vsel vm4, v15, v2;
	vm4 =	vnez.u8 v17  }
0x2f4: {  	v52 =	vld [tilespmem:$0x1FE80];
	v5 =	vsel vm14, v51, v5;
	vm14 =	vnez.u8 v19;
	v4 =	vsel vm4, v60, v4  }
0x2f5: {  	v2 =	vsel vm14, v18, v2;
	vm14 =	vnez.u8 v21;
	v5 =	vsel vm12, v59, v5  }
0x2f6: {  	v4 =	vsel vm14, v61, v4;
	vm14 =	vnez.u8 v24;
	v5 =	vsel vm10, v60, v5  }
0x2f7: {  	v56 =	vmul.f32 v25, v3;
	v4 =	vsel vm14, v58, v4;
	v5 =	vsel vm6, v61, v5  }
0x2f8: {  	vm12 =	vnez.u8 v22;
	v4 =	vsel vm15, v15, v4;
	v5 =	vsel vm5, v58, v5  }
0x2f9: {  	[tilespmem:s17+$0x1F040] =	vst v55;
	v2 =	vsel vm12, v52, v2;
	v4 =	vsel vm13, v18, v4;
	v29 =	vsel vm3, v15, v5  }
0x2fa: {  	[tilespmem:s17+$0x1F240] =	vst v57;
	v2 =	vsel vm9, v2, v53;
	v0 =	vsel vm11, v52, v4;
	v4 =	vsel vm2, v18, v29  }
0x2fb: {  	[tilespmem:s17+$0x1F440] =	vst v56;
	v0 =	vsel vm8, v53, v0;
	v1 =	vsel vm1, v52, v4  }
0x2fc: {  	[tilespmem:s17+$0x1EA40] =	vst v2;
	v58 =	vsel vm0, v53, v1;
	v1 =	vmul.u32 $0x21, v2  }
0x2fd: {  	v41 =	vmov v39;
	v30 =	vmul.f32 v55, v39;
	v39 =	vld [tilespmem:$0x1FEB0];
	[tilespmem:s17+$0x1EC40] =	vst v0  }
0x2fe: {  	v38 =	vld [tilespmem:$0x1FEC0];
	[tilespmem:s17+$0x1EE40] =	vst v58;
	v3 =	vadd.s32 $0x1, v1  }
0x2ff: {  	[tilespmem:v2+s30+$0x0] =	vst.idx.add.f32.msk $0xffff, v55;
	v2 =	vadd.s32 $0x2, v1  }
0x300: {  	v35 =	vadd.s32 $0x3, v1;
	[tilespmem:v0+s30+$0x0] =	vst.idx.add.f32.msk $0xffff, v57  }
0x301: {  	v50 =	vmul.f32 v55, v40;
	v12 =	vadd.s32 $0x4, v1;
	[tilespmem:v58+s30+$0x0] =	vst.idx.add.f32.msk $0xffff, v56  }
0x302: {  	v13 =	vmul.f32 v55, v39;
	v14 =	vadd.s32 $0x5, v1;
	[tilespmem:v1+s31+$0x0] =	vst.idx.add.f32.msk $0xffff, v30  }
0x303: {  	v15 =	vadd.s32 $0x6, v1;
	[tilespmem:v3+s31+$0x0] =	vst.idx.add.f32.msk $0xffff, v50;
	v3 =	vmul.f32 v55, v38  }
0x304: {  	[tilespmem:v2+s31+$0x0] =	vst.idx.add.f32.msk $0xffff, v13;
	v2 =	vmul.f32 v55, v31  }
0x305: {  	[tilespmem:v35+s31+$0x0] =	vst.idx.add.f32.msk $0xffff, v3;
	v3 =	vmul.f32 v55, v36  }
0x306: {  	[tilespmem:v12+s31+$0x0] =	vst.idx.add.f32.msk $0xffff, v2;
	v2 =	vmul.f32 v55, v33  }
0x307: {  	[tilespmem:v14+s31+$0x0] =	vst.idx.add.f32.msk $0xffff, v3  }
0x308: {  	[tilespmem:v15+s31+$0x0] =	vst.idx.add.f32.msk $0xffff, v2  }
0x309: {  	v16 =	vadd.s32 $0x7, v1;
	v35 =	vmovc v33;
	v33 =	vmov v32;
	v2 =	vmul.f32 v55, v32;
	v32 =	vld [tilespmem:$0x1FED0]  }
0x30a: {  	v37 =	vmov v31;
	v17 =	vadd.s32 $0x8, v1;
	v31 =	vld [tilespmem:$0x1FEE0]  }
0x30b: {  	v18 =	vadd.s32 $0x9, v1  }
0x30c: {  	v19 =	vadd.s32 $0xA, v1;
	v3 =	vmul.f32 v55, v34  }
0x30d: {  	v30 =	vld [tilespmem:$0x1FEF0]  }
0x30e: {  	[tilespmem:v16+s31+$0x0] =	vst.idx.add.f32.msk $0xffff, v3;
	v3 =	vmul.f32 v55, v32  }
0x30f: {  	[tilespmem:v17+s31+$0x0] =	vst.idx.add.f32.msk $0xffff, v2;
	v2 =	vmul.f32 v55, v31  }
0x310: {  	[tilespmem:v18+s31+$0x0] =	vst.idx.add.f32.msk $0xffff, v3  }
0x311: {  	[tilespmem:v19+s31+$0x0] =	vst.idx.add.f32.msk $0xffff, v2  }
0x312: {  	v29 =	vmov v28;
	v21 =	vadd.s32 $0xB, v1;
	v2 =	vmul.f32 v55, v28;
	v28 =	vld [tilespmem:$0x1FF00]  }
0x313: {  	v22 =	vadd.s32 $0xC, v1  }
0x314: {  	v24 =	vadd.s32 $0xD, v1  }
0x315: {  	v25 =	vadd.s32 $0xE, v1;
	v3 =	vmul.f32 v55, v30;
	_ =	sdelay $0x1  }
0x316: {  	[tilespmem:v21+s31+$0x0] =	vst.idx.add.f32.msk $0xffff, v3;
	v3 =	vmul.f32 v55, v28  }
0x317: {  	[tilespmem:v22+s31+$0x0] =	vst.idx.add.f32.msk $0xffff, v2;
	v2 =	vmul.f32 v55, v27  }
0x318: {  	[tilespmem:v24+s31+$0x0] =	vst.idx.add.f32.msk $0xffff, v3  }
0x319: {  	[tilespmem:v25+s31+$0x0] =	vst.idx.add.f32.msk $0xffff, v2  }
0x31a: {  	v25 =	vld [tilespmem:$0x1FF10]  }
0x31b: {  	v50 =	vadd.s32 $0xF, v1;
	v24 =	vld [tilespmem:$0x1FF20]  }
0x31c: {  	v12 =	vadd.s32 $0x10, v1  }
0x31d: {  	v13 =	vadd.s32 $0x11, v1  }
0x31e: {  	v14 =	vadd.s32 $0x12, v1;
	v3 =	vmul.f32 v55, v26  }
0x31f: {  	v2 =	vmul.f32 v55, v25  }
0x320: {  	[tilespmem:v50+s31+$0x0] =	vst.idx.add.f32.msk $0xffff, v3;
	v3 =	vmul.f32 v55, v24  }
0x321: {  	[tilespmem:v12+s31+$0x0] =	vst.idx.add.f32.msk $0xffff, v2;
	v2 =	vmul.f32 v55, v23  }
0x322: {  	[tilespmem:v13+s31+$0x0] =	vst.idx.add.f32.msk $0xffff, v3  }
0x323: {  	[tilespmem:v14+s31+$0x0] =	vst.idx.add.f32.msk $0xffff, v2  }
0x324: {  	v15 =	vadd.s32 $0x13, v1;
	v21 =	vmov v20;
	v2 =	vmul.f32 v55, v20;
	v20 =	vld [tilespmem:$0x1FF30]  }
0x325: {  	v16 =	vadd.s32 $0x14, v1;
	v50 =	vld [tilespmem:$0x1FF40]  }
0x326: {  	v17 =	vadd.s32 $0x15, v1;
	v19 =	vld [tilespmem:$0x1FF50]  }
0x327: {  	v4 =	vadd.s32 $0x16, v1;
	v3 =	vmul.f32 v55, v42  }
0x328: {  	v12 =	vadd.s32 $0x17, v1  }
0x329: {  	[tilespmem:v15+s31+$0x0] =	vst.idx.add.f32.msk $0xffff, v3;
	v3 =	vmul.f32 v55, v20  }
0x32a: {  	v13 =	vadd.s32 $0x18, v1;
	[tilespmem:v16+s31+$0x0] =	vst.idx.add.f32.msk $0xffff, v2;
	v2 =	vmul.f32 v55, v50  }
0x32b: {  	v14 =	vadd.s32 $0x19, v1;
	[tilespmem:v17+s31+$0x0] =	vst.idx.add.f32.msk $0xffff, v3;
	v3 =	vmul.f32 v55, v19  }
0x32c: {  	v15 =	vadd.s32 $0x1A, v1;
	[tilespmem:v4+s31+$0x0] =	vst.idx.add.f32.msk $0xffff, v2  }
0x32d: {  	v17 =	vadd.s32 $0x1B, v1;
	v2 =	vmul.f32 v55, v44;
	[tilespmem:v12+s31+$0x0] =	vst.idx.add.f32.msk $0xffff, v3  }
0x32e: {  	v18 =	vadd.s32 $0x1C, v1;
	v3 =	vmul.f32 v55, v46;
	v12 =	vld [tilespmem:$0x1FF60]  }
0x32f: {  	v22 =	vadd.s32 $0x1D, v1;
	[tilespmem:v13+s31+$0x0] =	vst.idx.add.f32.msk $0xffff, v2;
	v2 =	vmul.f32 v55, v6  }
0x330: {  	v16 =	vadd.s32 $0x1E, v1;
	[tilespmem:v14+s31+$0x0] =	vst.idx.add.f32.msk $0xffff, v3;
	v3 =	vmul.f32 v55, v62  }
0x331: {  	v0 =	vmul.u32 $0x21, v0;
	v1 =	vadd.s32 $0x1F, v1;
	[tilespmem:v15+s31+$0x0] =	vst.idx.add.f32.msk $0xffff, v2;
	v2 =	vmul.f32 v55, v43  }
0x332: {  	[tilespmem:v17+s31+$0x0] =	vst.idx.add.f32.msk $0xffff, v3;
	v3 =	vmul.f32 v55, v63  }
0x333: {  	v17 =	vadd.s32 $0x1, v0;
	[tilespmem:v18+s31+$0x0] =	vst.idx.add.f32.msk $0xffff, v2;
	v2 =	vmul.f32 v55, v12  }
0x334: {  	v18 =	vadd.s32 $0x2, v0;
	[tilespmem:v22+s31+$0x0] =	vst.idx.add.f32.msk $0xffff, v3;
	v3 =	vmul.f32 v55, v45  }
0x335: {  	v22 =	vadd.s32 $0x3, v0;
	[tilespmem:v16+s31+$0x0] =	vst.idx.add.f32.msk $0xffff, v2;
	v2 =	vmul.f32 v57, v41  }
0x336: {  	[tilespmem:v1+s31+$0x0] =	vst.idx.add.f32.msk $0xffff, v3;
	v1 =	vmul.f32 v57, v40;
	v3 =	vadd.s32 $0x4, v0  }
0x337: {  	v13 =	vadd.s32 $0x5, v0;
	[tilespmem:v0+s31+$0x0] =	vst.idx.add.f32.msk $0xffff, v2;
	v2 =	vmul.f32 v57, v39  }
0x338: {  	v14 =	vadd.s32 $0x6, v0;
	[tilespmem:v17+s31+$0x0] =	vst.idx.add.f32.msk $0xffff, v1;
	v1 =	vmul.f32 v57, v38  }
0x339: {  	v15 =	vadd.s32 $0x7, v0;
	[tilespmem:v18+s31+$0x0] =	vst.idx.add.f32.msk $0xffff, v2;
	v2 =	vmul.f32 v57, v37  }
0x33a: {  	v16 =	vadd.s32 $0x8, v0;
	[tilespmem:v22+s31+$0x0] =	vst.idx.add.f32.msk $0xffff, v1;
	v1 =	vmul.f32 v57, v36  }
0x33b: {  	[tilespmem:v3+s31+$0x0] =	vst.idx.add.f32.msk $0xffff, v2;
	v2 =	vmul.f32 v57, v35;
	v3 =	vadd.s32 $0x9, v0  }
0x33c: {  	v17 =	vadd.s32 $0xA, v0;
	[tilespmem:v13+s31+$0x0] =	vst.idx.add.f32.msk $0xffff, v1;
	v1 =	vmul.f32 v57, v34  }
0x33d: {  	v18 =	vadd.s32 $0xB, v0;
	[tilespmem:v14+s31+$0x0] =	vst.idx.add.f32.msk $0xffff, v2;
	v2 =	vmul.f32 v57, v33  }
0x33e: {  	v22 =	vadd.s32 $0xC, v0;
	[tilespmem:v15+s31+$0x0] =	vst.idx.add.f32.msk $0xffff, v1;
	v1 =	vmul.f32 v57, v32  }
0x33f: {  	v13 =	vadd.s32 $0xD, v0;
	[tilespmem:v16+s31+$0x0] =	vst.idx.add.f32.msk $0xffff, v2;
	v2 =	vmul.f32 v57, v31  }
0x340: {  	[tilespmem:v3+s31+$0x0] =	vst.idx.add.f32.msk $0xffff, v1;
	v1 =	vmul.f32 v57, v30;
	v3 =	vadd.s32 $0xE, v0  }
0x341: {  	v14 =	vadd.s32 $0xF, v0;
	[tilespmem:v17+s31+$0x0] =	vst.idx.add.f32.msk $0xffff, v2;
	v2 =	vmul.f32 v57, v29  }
0x342: {  	v15 =	vadd.s32 $0x10, v0;
	[tilespmem:v18+s31+$0x0] =	vst.idx.add.f32.msk $0xffff, v1;
	v1 =	vmul.f32 v57, v28  }
0x343: {  	v16 =	vadd.s32 $0x11, v0;
	[tilespmem:v22+s31+$0x0] =	vst.idx.add.f32.msk $0xffff, v2;
	v2 =	vmul.f32 v57, v27  }
0x344: {  	v17 =	vadd.s32 $0x12, v0;
	[tilespmem:v13+s31+$0x0] =	vst.idx.add.f32.msk $0xffff, v1;
	v1 =	vmul.f32 v57, v26  }
0x345: {  	[tilespmem:v3+s31+$0x0] =	vst.idx.add.f32.msk $0xffff, v2;
	v2 =	vmul.f32 v57, v25;
	v3 =	vadd.s32 $0x13, v0  }
0x346: {  	v18 =	vadd.s32 $0x14, v0;
	[tilespmem:v14+s31+$0x0] =	vst.idx.add.f32.msk $0xffff, v1;
	v1 =	vmul.f32 v57, v24  }
0x347: {  	v22 =	vadd.s32 $0x15, v0;
	[tilespmem:v15+s31+$0x0] =	vst.idx.add.f32.msk $0xffff, v2;
	v2 =	vmul.f32 v57, v23  }
0x348: {  	v13 =	vadd.s32 $0x16, v0;
	[tilespmem:v16+s31+$0x0] =	vst.idx.add.f32.msk $0xffff, v1;
	v1 =	vmul.f32 v57, v42  }
0x349: {  	v14 =	vadd.s32 $0x17, v0;
	[tilespmem:v17+s31+$0x0] =	vst.idx.add.f32.msk $0xffff, v2;
	v2 =	vmul.f32 v57, v21  }
0x34a: {  	[tilespmem:v3+s31+$0x0] =	vst.idx.add.f32.msk $0xffff, v1;
	v1 =	vmul.f32 v57, v20;
	v3 =	vadd.s32 $0x18, v0  }
0x34b: {  	v15 =	vadd.s32 $0x19, v0;
	[tilespmem:v18+s31+$0x0] =	vst.idx.add.f32.msk $0xffff, v2;
	v2 =	vmul.f32 v57, v50  }
0x34c: {  	v16 =	vadd.s32 $0x1A, v0;
	[tilespmem:v22+s31+$0x0] =	vst.idx.add.f32.msk $0xffff, v1;
	v1 =	vmul.f32 v57, v19  }
0x34d: {  	v17 =	vadd.s32 $0x1B, v0;
	[tilespmem:v13+s31+$0x0] =	vst.idx.add.f32.msk $0xffff, v2;
	v2 =	vmul.f32 v57, v44  }
0x34e: {  	v18 =	vadd.s32 $0x1C, v0;
	[tilespmem:v14+s31+$0x0] =	vst.idx.add.f32.msk $0xffff, v1;
	v1 =	vmul.f32 v57, v46  }
0x34f: {  	[tilespmem:v3+s31+$0x0] =	vst.idx.add.f32.msk $0xffff, v2;
	v2 =	vmul.f32 v57, v6;
	v3 =	vadd.s32 $0x1D, v0  }
0x350: {  	v22 =	vadd.s32 $0x1E, v0;
	[tilespmem:v15+s31+$0x0] =	vst.idx.add.f32.msk $0xffff, v1;
	v1 =	vmul.f32 v57, v62  }
0x351: {  	[tilespmem:v16+s31+$0x0] =	vst.idx.add.f32.msk $0xffff, v2;
	v2 =	vmul.f32 v57, v43  }
0x352: {  	v4 =	vmul.u32 $0x21, v58;
	v0 =	vadd.s32 $0x1F, v0;
	[tilespmem:v17+s31+$0x0] =	vst.idx.add.f32.msk $0xffff, v1;
	v1 =	vmul.f32 v57, v63  }
0x353: {  	[tilespmem:v18+s31+$0x0] =	vst.idx.add.f32.msk $0xffff, v2;
	v2 =	vmul.f32 v57, v12  }
0x354: {  	v58 =	vadd.s32 $0x1, v4;
	[tilespmem:v3+s31+$0x0] =	vst.idx.add.f32.msk $0xffff, v1  }
0x355: {  	v1 =	vmul.f32 v57, v45;
	v3 =	vadd.s32 $0x2, v4;
	[tilespmem:v22+s31+$0x0] =	vst.idx.add.f32.msk $0xffff, v2  }
0x356: {  	v13 =	vadd.s32 $0x3, v4;
	v2 =	vmul.f32 v56, v41;
	v41 =	vld [tilespmem:$0x1FF70]  }
0x357: {  	[tilespmem:v0+s31+$0x0] =	vst.idx.add.f32.msk $0xffff, v1;
	v0 =	vmul.f32 v56, v40;
	v1 =	vadd.s32 $0x4, v4  }
0x358: {  	v14 =	vadd.s32 $0x5, v4;
	[tilespmem:v4+s31+$0x0] =	vst.idx.add.f32.msk $0xffff, v2;
	v2 =	vmul.f32 v56, v39  }
0x359: {  	v15 =	vadd.s32 $0x6, v4;
	[tilespmem:v58+s31+$0x0] =	vst.idx.add.f32.msk $0xffff, v0;
	v0 =	vmul.f32 v56, v38  }
0x35a: {  	[tilespmem:v3+s31+$0x0] =	vst.idx.add.f32.msk $0xffff, v2;
	v2 =	vmul.f32 v56, v37;
	v3 =	vadd.s32 $0x7, v4  }
0x35b: {  	v16 =	vadd.s32 $0x8, v4;
	[tilespmem:v13+s31+$0x0] =	vst.idx.add.f32.msk $0xffff, v0;
	v0 =	vmul.f32 v56, v36  }
0x35c: {  	[tilespmem:v1+s31+$0x0] =	vst.idx.add.f32.msk $0xffff, v2;
	v1 =	vmul.f32 v56, v35;
	v2 =	vadd.s32 $0x9, v4  }
0x35d: {  	v17 =	vadd.s32 $0xA, v4;
	[tilespmem:v14+s31+$0x0] =	vst.idx.add.f32.msk $0xffff, v0;
	v0 =	vmul.f32 v56, v34  }
0x35e: {  	v18 =	vadd.s32 $0xB, v4;
	[tilespmem:v15+s31+$0x0] =	vst.idx.add.f32.msk $0xffff, v1;
	v1 =	vmul.f32 v56, v33  }
0x35f: {  	[tilespmem:v3+s31+$0x0] =	vst.idx.add.f32.msk $0xffff, v0;
	v0 =	vmul.f32 v56, v32;
	v3 =	vadd.s32 $0xC, v4  }
0x360: {  	v22 =	vadd.s32 $0xD, v4;
	[tilespmem:v16+s31+$0x0] =	vst.idx.add.f32.msk $0xffff, v1;
	v1 =	vmul.f32 v56, v31  }
0x361: {  	[tilespmem:v2+s31+$0x0] =	vst.idx.add.f32.msk $0xffff, v0;
	v0 =	vmul.f32 v56, v30;
	v2 =	vadd.s32 $0xE, v4  }
0x362: {  	[tilespmem:v17+s31+$0x0] =	vst.idx.add.f32.msk $0xffff, v1;
	v1 =	vmul.f32 v56, v29;
	v29 =	vadd.s32 $0xF, v4  }
0x363: {  	v30 =	vadd.s32 $0x10, v4;
	[tilespmem:v18+s31+$0x0] =	vst.idx.add.f32.msk $0xffff, v0;
	v0 =	vmul.f32 v56, v28  }
0x364: {  	[tilespmem:v3+s31+$0x0] =	vst.idx.add.f32.msk $0xffff, v1;
	v1 =	vmul.f32 v56, v27;
	v3 =	vadd.s32 $0x11, v4  }
0x365: {  	[tilespmem:v22+s31+$0x0] =	vst.idx.add.f32.msk $0xffff, v0;
	v0 =	vmul.f32 v56, v26  }
0x366: {  	v31 =	vadd.s32 $0x12, v4;
	[tilespmem:v2+s31+$0x0] =	vst.idx.add.f32.msk $0xffff, v1;
	v1 =	vmul.f32 v56, v25  }
0x367: {  	v2 =	vadd.s32 $0x13, v4;
	[tilespmem:v29+s31+$0x0] =	vst.idx.add.f32.msk $0xffff, v0;
	v0 =	vmul.f32 v56, v24  }
0x368: {  	v33 =	vadd.s32 $0x14, v4;
	[tilespmem:v30+s31+$0x0] =	vst.idx.add.f32.msk $0xffff, v1  }
0x369: {  	v1 =	vmul.f32 v56, v23;
	[tilespmem:v3+s31+$0x0] =	vst.idx.add.f32.msk $0xffff, v0  }
0x36a: {  	v34 =	vadd.s32 $0x15, v4;
	v0 =	vmul.f32 v56, v42;
	v42 =	vshll.u32 v51, $0x6;
	v51 =	vld [tilespmem:$0x1FFA0]  }
0x36b: {  	v3 =	vadd.s32 $0x16, v4;
	[tilespmem:v31+s31+$0x0] =	vst.idx.add.f32.msk $0xffff, v1;
	v1 =	vmul.f32 v56, v21  }
0x36c: {  	v35 =	vadd.s32 $0x17, v4;
	[tilespmem:v2+s31+$0x0] =	vst.idx.add.f32.msk $0xffff, v0  }
0x36d: {  	v0 =	vmul.f32 v56, v20;
	[tilespmem:v33+s31+$0x0] =	vst.idx.add.f32.msk $0xffff, v1  }
0x36e: {  	v2 =	vadd.s32 $0x18, v4;
	v1 =	vmul.f32 v56, v50;
	v50 =	vld [tilespmem:$0x1FF90]  }
0x36f: {  	v36 =	vadd.s32 $0x19, v4;
	[tilespmem:v34+s31+$0x0] =	vst.idx.add.f32.msk $0xffff, v0;
	v0 =	vmul.f32 v56, v19  }
0x370: {  	v37 =	vadd.s32 $0x1A, v4;
	[tilespmem:v3+s31+$0x0] =	vst.idx.add.f32.msk $0xffff, v1  }
0x371: {  	v1 =	vmul.f32 v56, v44;
	v3 =	vadd.s32 $0x1B, v4;
	[tilespmem:v35+s31+$0x0] =	vst.idx.add.f32.msk $0xffff, v0  }
0x372: {  	v38 =	vadd.s32 $0x1C, v4;
	v0 =	vmul.f32 v56, v46;
	v46 =	vld [tilespmem:$0x1FF80]  }
0x373: {  	[tilespmem:v2+s31+$0x0] =	vst.idx.add.f32.msk $0xffff, v1;
	v1 =	vmul.f32 v56, v6;
	v2 =	vadd.s32 $0x1D, v4  }
0x374: {  	v39 =	vadd.s32 $0x1E, v4;
	[tilespmem:v36+s31+$0x0] =	vst.idx.add.f32.msk $0xffff, v0;
	v0 =	vmul.f32 v56, v62  }
0x375: {  	v40 =	vshll.u32 v10, $0x6;
	v4 =	vadd.s32 $0x1F, v4;
	[tilespmem:v37+s31+$0x0] =	vst.idx.add.f32.msk $0xffff, v1;
	v1 =	vmul.f32 v56, v43  }
0x376: {  	[tilespmem:v3+s31+$0x0] =	vst.idx.add.f32.msk $0xffff, v0;
	v0 =	vmul.f32 v56, v63;
	v3 =	vadd.s32 v41, v40  }
0x377: {  	v5 =	vadd.s32 v41, v42;
	v43 =	vshll.u32 v59, $0x6;
	[tilespmem:v38+s31+$0x0] =	vst.idx.add.f32.msk $0xffff, v1;
	v1 =	vmul.f32 v56, v12  }
0x378: {  	v44 =	vshll.u32 v60, $0x6;
	[tilespmem:v2+s31+$0x0] =	vst.idx.add.f32.msk $0xffff, v0;
	v0 =	vmul.f32 v56, v45;
	v2 =	vadd.s32 v41, v43  }
0x379: {  	v45 =	vshll.u32 v61, $0x6;
	[tilespmem:v39+s31+$0x0] =	vst.idx.add.f32.msk $0xffff, v1;
	v1 =	vadd.s32 v41, v44  }
0x37a: {  	v32 =	vimm.f32 $1.000000000e+00;
	[tilespmem:v4+s31+$0x0] =	vst.idx.add.f32.msk $0xffff, v0;
	v0 =	vadd.s32 v41, v45;
	v4 =	vshll.u32 v46, $0x6  }
0x37b: {  	[tilespmem:v3+s2+$0x0] =	vst.idx.add.f32.msk $0xffff, v32;
	v3 =	vadd.s32 v41, v4;
	v4 =	vshll.u32 v50, $0x6  }
0x37c: {  	[tilespmem:v5+s2+$0x0] =	vst.idx.add.f32.msk $0xffff, v32;
	v4 =	vadd.s32 v41, v4;
	v5 =	vshll.u32 v51, $0x6  }
0x37d: {  	v59 =	vshll.u32 v52, $0x6;
	[tilespmem:v2+s2+$0x0] =	vst.idx.add.f32.msk $0xffff, v32;
	v2 =	vadd.s32 v41, v5  }
0x37e: {  	v61 =	vshll.u32 v53, $0x6;
	[tilespmem:v1+s2+$0x0] =	vst.idx.add.f32.msk $0xffff, v32;
	v1 =	vadd.s32 v41, v59  }
0x37f: {  	[tilespmem:v0+s2+$0x0] =	vst.idx.add.f32.msk $0xffff, v32;
	v0 =	vadd.s32 v41, v61  }
0x380: {  	[tilespmem:v3+s2+$0x0] =	vst.idx.add.f32.msk $0xffff, v32  }
0x381: {  	[tilespmem:v4+s2+$0x0] =	vst.idx.add.f32.msk $0xffff, v32  }
0x382: {  	[tilespmem:v2+s2+$0x0] =	vst.idx.add.f32.msk $0xffff, v32  }
0x383: {  	[tilespmem:v1+s2+$0x0] =	vst.idx.add.f32.msk $0xffff, v32  }
0x384: {  	v58 =	vmul.f32 v55, v54;
	v60 =	vmul.f32 v57, v49;
	[tilespmem:v0+s2+$0x0] =	vst.idx.add.f32.msk $0xffff, v32  }
0x385: {  	p0 =	sne.s32 s16, $0x7C0;
	v0 =	vld [tilespmem:$0x1FFB0]  }
.Ltmp3:
0x386: {  	v62 =	vadd.f32 v60, v58;
	v63 =	vmul.f32 v56, v47;
	(pc) =	sbr.rel @p0 .LBB2_9-.Ltmp3, $3  }
0x387: {  	_ = 	snop  }
0x388: {  	v3 =	vadd.f32 v62, v63;
	_ =	sdelay $0x1  }
0x389: {  	s16 =	sadd.s32 $0x40, s16;
	s18 =	sadd.s32 $0x10, s18;
	v0 =	vadd.f32 v3, v0  }
0x38a: {  	s16 =	sadd.s32 s6, s14  }
0x38b: {  	[hbm4b:s16+s23] =	stream.strided.scatter [tilespmem:s7], [sflag:$0x1], $0x600, s24, s23, $0x38;
	[tilespmem:$0x1F650] =	vst v63  }
0x38c: {  	s13 =	sadd.s32 $0x1, s13;
	_ =	swait.ge [sflag:s19], $0x600  }
0x38d: {  	p0 =	sne.s32 s13, $0x8;
	[sflag:s19] =	ssyncset.done $0x0  }
.Ltmp4:
0x38e: {  	s18 =	sadd.s32 s11, s14;
	[sflag:s19] =	ssyncadd.s32 $0xFFFFFA00;
	(pc) =	sbr.rel @p0 .LBB2_8-.Ltmp4, $4  }
0x38f: {  	[hbm4b:s18+s23] =	stream.strided.scatter [tilespmem:s4], [sflag:$0x1], $0x600, s24, s23, $0x38;
	[tilespmem:$0x1F650] =	vst v63  }
0x390: {  	_ =	swait.ge [sflag:s19], $0x600  }
0x391: {  	[sflag:s19] =	ssyncset.done $0x0  }
0x392: {  	s10 =	sadd.s32 $0x200, s10;
	[sflag:s19] =	ssyncadd.s32 $0xFFFFFA00  }
0x393: {  	[tilespmem:$0x1F640] =	vst v0;
	s0 =	rddreg [dreg:$0xa]  }
0x394: {  	[hbm4b:s0+s8] =	stream.linear.scatter [tilespmem:s30], [sflag:$0x1], $0x200, $0x38;
	[tilespmem:$0x1F650] =	vst v63  }
0x395: {  	_ =	swait.ge [sflag:s19], $0x200  }
0x396: {  	[sflag:s19] =	ssyncset.done $0x0  }
0x397: {  	s14 =	rddreg [dreg:$0xb];
	[sflag:s19] =	ssyncadd.s32 $0xFFFFFE00  }
0x398: {  	[hbm4b:s14+s8] =	stream.linear.scatter [tilespmem:s31], [sflag:$0x1], $0x4200, $0x38;
	[tilespmem:$0x1F650] =	vst v63  }
0x399: {  	_ =	swait.ge [sflag:s19], $0x4200  }
0x39a: {  	[sflag:s19] =	ssyncset.done $0x0  }
0x39b: {  	s16 =	rddreg [dreg:$0xc];
	[sflag:s19] =	ssyncadd.s32 $0xFFFFBE00  }
0x39c: {  	[hbm4b:s16+s8] =	stream.linear.scatter [tilespmem:s2], [sflag:$0x1], $0x8000, $0x38;
	[tilespmem:$0x1F650] =	vst v63  }
0x39d: {  	_ =	swait.ge [sflag:s19], $0x8000  }
0x39e: {  	[sflag:s19] =	ssyncset.done $0x0  }
0x39f: {  	s10 =	simm.s32 $0x1F640;
	s17 =	rddreg [dreg:$0xd];
	[sflag:s19] =	ssyncadd.s32 $0xFFFF8000  }
0x3a0: {  	[hbm4b:s17+s8] =	stream.linear.scatter [tilespmem:s10], [sflag:$0x1], $0x10, $0x38;
	[tilespmem:$0x1F650] =	vst v63  }
0x3a1: {  	_ =	swait.ge [sflag:s19], $0x10  }
0x3a2: {  	s5 =	sadd.s32 $0x1, s5;
	s18 =	rddreg [dreg:$0xe]  }
0x3a3: {  	p0 =	sne.s32 s5, s18  }
.Ltmp5:
0x3a4: {  	_ = 	snop;
	(pc) =	sbr.rel @p0 .LBB2_1-.Ltmp5, $4  }
0x3a5: {  	v0 =	vld [tilespmem:$0x1FFC0]  }
0x3a6: {  	v1 =	vld [tilespmem:$0x1FFD0]  }
0x3a7: {  	[sflag:s19] =	ssyncset.done $0x0;
	v3 =	vld [tilespmem:$0x1FFF0]  }
0x3a8: {  	v4 =	vimm.f32 $0.0e+00;
	v2 =	vld [tilespmem:$0x1FFE0];
	[sflag:s19] =	ssyncadd.s32 $0xFFFFFFF0  }
0x3a9: {  	_ =	sfence.sel $0x180000  }
0x3aa: {  	[bflag:$0x0] =	sbarrier.arrive $0xFFFF  }
0x3ab: {  	_ =	strace $0x90000047  }
0x3ac: {  	s0 =	stileid.u32;
	[bflag:$0x2] =	sbarrier.arrive $0xFFFF  }
0x3ad: {  	p0 =	sne.s32 s0, $0x0;
	s0 =	rddreg [dreg:$0x8]  }
0x3ae: {  	s0 =	sadd.s32 @!p0 $0x100000, s0  }
0x3af: {  	[sflag:s0] =	ssyncadd.tile.s32 @!p0 $0x1;
	_ =	shalt  }
.Lfunc_end2:
_tile_overlayer_lowered:
.L_overlay_start_2:
0x3b0: {  	(tag) =	ssettag $0x2  }
0x3b1: {  	s0 =	rddreg [dreg:$0x0];
	s2 =	stileid.u32  }
0x3b2: {  	s1 =	rddreg [dreg:$0x1];
	p0 =	sne.s32 s2, $0x0  }
0x3b3: {  	s3 =	rddreg [dreg:$0x2];
	[bflag:$0x3] =	sbarrier.arrive $0xFFFF;
	s2 =	simm.s32 @!p0 $0x1C01  }
0x3b4: {  	[timem:s3], [sflag:s2] =	dma.local @!p0 [hbm:s0], s1  }
0x3b5: {  	s0 =	simm.s32 @!p0 $0x1  }
0x3b6: {  	_ =	swait.ge @!p0 [sflag:s0], s1  }
0x3b7: {  	s1 =	ssub.s32 @!p0 $0x0, s1;
	[sflag:s0] =	ssyncset.done @!p0 $0x0  }
0x3b8: {  	[sflag:s0] =	ssyncadd.s32 @!p0 s1  }
0x3b9: {  	[bflag:$0x3] =	sbarrier.arrive $0xFFFF  }
0x3ba: {  	_ =	shalt  }

</sc_bundles>
